<compile_context>
chip_gen: v7x
topology: tpu7x:2x2x1
jax: 0.10.2.dev20260603
libtpu: 0.0.44.dev20260713+nightly
codegen_flags: <defaults>
</compile_context>

<pallas_src>
import functools

import jax
import jax.numpy as jnp
from jax import lax
from jax.experimental import pallas as pl
from jax.experimental.pallas import tpu as pltpu
from jax.experimental.pallas import tpu_sc as plsc

N_NODES = 10000
NP = 10240
E = 320000
EP = 327680
EPT = EP // 32
ECH = 64
NCH = EPT // ECH
RBUF = 5
EBUF = 10
NCH0 = 300
NCH1 = 2 * NCH - NCH0
GB = 64
D0 = 128
D1 = 256
RPT = NP // 32
SROWS = NP // 16

def _pass1_body(table_h, ids_h, edges_h, x_h, deg_h,
                gidx_v, grows_v, cidx0, cidx1, ones_v, zeros_v, deg_sh,
                sem, isem0, isem1, dsem0, dsem1):
    c = lax.axis_index("c")
    s = lax.axis_index("s")
    wid = c * 16 + s

    def zfill(i, _):
        zeros_v[pl.ds(i * 16, 16)] = jnp.zeros((16,), jnp.float32)
        return 0
    lax.fori_loop(0, SROWS // 16, zfill, 0)
    for i in range(ECH // 16):
        ones_v[pl.ds(i * 16, 16)] = jnp.ones((16,), jnp.float32)

    pltpu.sync_copy(zeros_v, deg_sh.at[pl.ds(s * SROWS, SROWS)])
    plsc.subcore_barrier()

    nb = wid * RPT

    def gbody(i, _):
        off = nb + i * 80
        pltpu.sync_copy(ids_h.at[pl.ds(off, 80)], gidx_v)
        pltpu.async_copy(table_h.at[gidx_v], grows_v, sem).wait()
        pltpu.sync_copy(grows_v, x_h.at[pl.ds(off, 80)])
        return 0
    lax.fori_loop(0, RPT // 80, gbody, 0)

    cb = wid * NCH
    cidx = (cidx0, cidx1)
    isem = (isem0, isem1)
    dsem = (dsem0, dsem1)
    pltpu.async_copy(edges_h.at[cb, 1], cidx0, isem0)

    @pl.loop(0, NCH, step=2)
    def _(j):
        for b in range(2):
            cur = j + b
            nxt = 1 - b

            @pl.when(cur >= 1)
            def _():
                pltpu.make_async_copy(ones_v, deg_sh.at[cidx[nxt]],
                                      dsem[nxt]).wait()

            @pl.when(cur + 1 < NCH)
            def _():
                pltpu.async_copy(edges_h.at[cb + cur + 1, 1], cidx[nxt],
                                 isem[nxt])

            pltpu.make_async_copy(edges_h.at[cb + cur, 1], cidx[b],
                                  isem[b]).wait()
            pltpu.async_copy(ones_v, deg_sh.at[cidx[b]], dsem[b], add=True)

    pltpu.make_async_copy(ones_v, deg_sh.at[cidx[1]], dsem[1]).wait()
    plsc.subcore_barrier()
    pltpu.sync_copy(deg_sh.at[pl.ds(s * SROWS, SROWS)],
                    deg_h.at[pl.ds(c * NP + s * SROWS, SROWS)])


def _prop_body(y_h, edges_h, z_h, eidx, rows, z_sh, isem, gsem, ssem):
    c = lax.axis_index("c")
    s = lax.axis_index("s")

    def zb(i, _):
        for jj in range(D0 // 16):
            rows[0][i, pl.ds(jj * 16, 16)] = jnp.zeros((16,), jnp.float32)
        return 0
    lax.fori_loop(0, ECH, zb, 0)

    def zs(k, _):
        pltpu.sync_copy(rows[0], z_sh.at[pl.ds(s * SROWS + k * ECH, ECH)])
        return 0
    lax.fori_loop(0, SROWS // ECH, zs, 0)
    plsc.subcore_barrier()

    nch = jnp.where(c == 0, NCH0, NCH1)
    cb = jnp.where(c == 0, s * NCH0, 16 * NCH0 + s * NCH1)

    def drain_scatter(rb, ib):
        pltpu.make_async_copy(rows[rb], z_sh.at[eidx[ib].at[1]],
                              ssem[rb]).wait()

    for k in range(4):
        pltpu.async_copy(edges_h.at[cb + k], eidx[k], isem[k])
    for k in range(3):
        pltpu.make_async_copy(edges_h.at[cb + k], eidx[k], isem[k]).wait()
        pltpu.async_copy(y_h.at[eidx[k].at[0]], rows[k], gsem[k])

    def blk(i, _):
        j = i * EBUF
        for b in range(EBUF):
            cur = j + b

            @pl.when(cur >= 2)
            def _():
                drain_scatter((b - 2) % RBUF, (b - 2) % EBUF)

            @pl.when(cur + 4 < nch)
            def _():
                pltpu.async_copy(edges_h.at[cb + cur + 4],
                                 eidx[(b + 4) % EBUF], isem[(b + 4) % EBUF])

            @pl.when(cur + 3 < nch)
            def _():
                pltpu.make_async_copy(edges_h.at[cb + cur + 3],
                                      eidx[(b + 3) % EBUF],
                                      isem[(b + 3) % EBUF]).wait()
                pltpu.async_copy(y_h.at[eidx[(b + 3) % EBUF].at[0]],
                                 rows[(b + 3) % RBUF], gsem[(b + 3) % RBUF])

            pltpu.make_async_copy(y_h.at[eidx[b % EBUF].at[0]],
                                  rows[b % RBUF], gsem[b % RBUF]).wait()
            pltpu.async_copy(rows[b % RBUF], z_sh.at[eidx[b % EBUF].at[1]],
                             ssem[b % RBUF], add=True)
        return 0
    lax.fori_loop(0, nch // EBUF, blk, 0)

    drain_scatter((NCH0 - 2) % RBUF, (NCH0 - 2) % EBUF)
    drain_scatter((NCH0 - 1) % RBUF, (NCH0 - 1) % EBUF)
    plsc.subcore_barrier()

    def wb(k, _):
        pltpu.sync_copy(z_sh.at[pl.ds(s * SROWS + k * ECH, ECH)],
                        z_h.at[pl.ds(c * NP + s * SROWS + k * ECH, ECH)])
        return 0
    lax.fori_loop(0, SROWS // ECH, wb, 0)


@functools.cache
def _sc_pass1():
    mesh = plsc.VectorSubcoreMesh(core_axis_name="c", subcore_axis_name="s")
    return pl.kernel(
        _pass1_body,
        out_type=[jax.ShapeDtypeStruct((NP, D0), jnp.float32),
                  jax.ShapeDtypeStruct((2 * NP,), jnp.float32)],
        mesh=mesh,
        scratch_types=[
            pltpu.VMEM((80,), jnp.int32),
            pltpu.VMEM((80, D0), jnp.float32),
            pltpu.VMEM((ECH,), jnp.int32),
            pltpu.VMEM((ECH,), jnp.int32),
            pltpu.VMEM((ECH,), jnp.float32),
            pltpu.VMEM((SROWS,), jnp.float32),
            pltpu.VMEM_SHARED((NP,), jnp.float32),
            pltpu.SemaphoreType.DMA,
            pltpu.SemaphoreType.DMA,
            pltpu.SemaphoreType.DMA,
            pltpu.SemaphoreType.DMA,
            pltpu.SemaphoreType.DMA,
        ],
    )


@functools.cache
def _sc_prop():
    mesh = plsc.VectorSubcoreMesh(core_axis_name="c", subcore_axis_name="s")
    return pl.kernel(
        _prop_body,
        out_type=jax.ShapeDtypeStruct((2 * NP, D0), jnp.float32),
        mesh=mesh,
        scratch_types=[
            tuple(pltpu.VMEM((2, ECH), jnp.int32) for _ in range(EBUF)),
            tuple(pltpu.VMEM((ECH, D0), jnp.float32) for _ in range(RBUF)),
            pltpu.VMEM_SHARED((NP, D0), jnp.float32),
            tuple(pltpu.SemaphoreType.DMA for _ in range(EBUF)),
            tuple(pltpu.SemaphoreType.DMA for _ in range(RBUF)),
            tuple(pltpu.SemaphoreType.DMA for _ in range(RBUF)),
        ],
    )


ROWS_BLK = 1024
GRID = NP // ROWS_BLK


def _t1_body(x_ref, degr_ref, y1_ref, d_ref):
    deg = jnp.sum(degr_ref[...], axis=1, keepdims=True) + 1.0
    d = lax.rsqrt(deg)
    d_ref[...] = d
    y1_ref[...] = x_ref[...] * d


def _t2_body(za, zb, y1, d, wi, bi, wo, y2):
    p = (za[...] + zb[...] + y1[...]) * d[...]
    h = jnp.dot(p, wi[...], preferred_element_type=jnp.float32) + bi[...]
    h = jnp.maximum(h, 0.0)
    t = jnp.dot(h, wo[...], preferred_element_type=jnp.float32)
    y2[...] = t * d[...]


def _t3_body(za, zb, y2, d, bo, batch, out_ref, sums, counts):
    i = pl.program_id(0)
    node = (za[...] + zb[...] + y2[...]) * d[...] + bo[...]
    oh = (batch[...] == lax.broadcasted_iota(jnp.int32, (ROWS_BLK, GB), 1))
    oh = oh.astype(jnp.float32)
    dn = (((0,), (0,)), ((), ()))
    ps = lax.dot_general(oh, node, dn, preferred_element_type=jnp.float32)
    pc = lax.dot_general(oh, jnp.ones((ROWS_BLK, D0), jnp.float32), dn,
                         preferred_element_type=jnp.float32)

    @pl.when(i == 0)
    def _():
        sums[...] = jnp.zeros_like(sums)
        counts[...] = jnp.zeros_like(counts)

    sums[...] += ps
    counts[...] += pc

    @pl.when(i == GRID - 1)
    def _():
        out_ref[...] = sums[...] / jnp.maximum(counts[...], 1.0)


def _row_spec(cols):
    return pl.BlockSpec((ROWS_BLK, cols), lambda i: (i, 0))


def _full_spec(r, c):
    return pl.BlockSpec((r, c), lambda i: (0, 0))


_t1 = pl.pallas_call(
    _t1_body,
    grid=(GRID,),
    in_specs=[_row_spec(D0), _row_spec(2)],
    out_specs=[_row_spec(D0), _row_spec(1)],
    out_shape=[jax.ShapeDtypeStruct((NP, D0), jnp.float32),
               jax.ShapeDtypeStruct((NP, 1), jnp.float32)],
)

_t2 = pl.pallas_call(
    _t2_body,
    grid=(GRID,),
    in_specs=[_row_spec(D0), _row_spec(D0), _row_spec(D0), _row_spec(1),
              _full_spec(D0, D1), _full_spec(1, D1), _full_spec(D1, D0)],
    out_specs=_row_spec(D0),
    out_shape=jax.ShapeDtypeStruct((NP, D0), jnp.float32),
)

_t3 = pl.pallas_call(
    _t3_body,
    grid=(GRID,),
    in_specs=[_row_spec(D0), _row_spec(D0), _row_spec(D0), _row_spec(1),
              _full_spec(1, D0), _row_spec(1)],
    out_specs=_full_spec(GB, D0),
    out_shape=jax.ShapeDtypeStruct((GB, D0), jnp.float32),
    scratch_shapes=[pltpu.VMEM((GB, D0), jnp.float32),
                    pltpu.VMEM((GB, D0), jnp.float32)],
)


@jax.jit
def kernel(node_ids, edge_index, batch, embed_table, W_in, b_in, W_out, b_out):
    ids_p = jnp.pad(node_ids, (0, NP - N_NODES))
    row_p = jnp.pad(edge_index[0], (0, EP - E))
    pad_cols = N_NODES + (jnp.arange(EP - E, dtype=jnp.int32) % (NP - N_NODES))
    col_p = jnp.concatenate([edge_index[1], pad_cols])
    batch_p = jnp.pad(batch, (0, NP - N_NODES), constant_values=GB)
    edges_c = (jnp.stack([row_p, col_p])
               .reshape(2, EP // ECH, ECH).transpose(1, 0, 2))

    x, deg_flat = _sc_pass1()(embed_table, ids_p, edges_c)
    deg_r = deg_flat.reshape(2, NP).T

    y1, d = _t1(x, deg_r)
    z1 = _sc_prop()(y1, edges_c)
    y2 = _t2(z1[:NP], z1[NP:], y1, d, W_in, b_in.reshape(1, D1), W_out)
    z2 = _sc_prop()(y2, edges_c)
    out = _t3(z2[:NP], z2[NP:], y2, d, b_out.reshape(1, D0),
              batch_p.reshape(NP, 1))
    return out

# --- scband reference (transcript-rebuilt; emitter-appended) ---
"""Pipeline reference for scband-gcnnet-20083267076737 (READ-ONLY COPY).

The authoritative reference and input builder live on the scoring server;
editing this copy changes nothing except your own understanding.
"""

import jax, jax.numpy as jnp
import numpy as np

N_NODES = 10000
NUM_GRAPHS = 64

def gcn_conv(x, edge_index, W, b, num_nodes):
    # PyG-style GCNConv: add self-loops, symmetric deg^{-1/2} normalization, sum aggregation
    row = edge_index[0]
    col = edge_index[1]
    loop = jnp.arange(num_nodes, dtype=row.dtype)
    row = jnp.concatenate([row, loop])
    col = jnp.concatenate([col, loop])
    deg = jnp.zeros((num_nodes,), dtype=x.dtype).at[col].add(1.0)
    deg_inv_sqrt = jnp.where(deg > 0, jax.lax.rsqrt(jnp.maximum(deg, 1e-12)), 0.0)
    norm = deg_inv_sqrt[row] * deg_inv_sqrt[col]
    xw = x @ W
    msg = xw[row] * norm[:, None]
    out = jnp.zeros((num_nodes, xw.shape[1]), dtype=x.dtype).at[col].add(msg)
    return out + b

def setup_inputs(seed: int = 0) -> dict:
    key = jax.random.key(seed)
    k1, k2, k3, k4, k5, k6, k7, k8 = jax.random.split(key, 8)
    node_ids = jax.random.randint(k1, (N_NODES,), 0, 100000, dtype=jnp.int64) if jax.config.jax_enable_x64 else jax.random.randint(k1, (N_NODES,), 0, 100000, dtype=jnp.int32)
    edge_index = jax.random.randint(k2, (2, 320000), 0, N_NODES, dtype=jnp.int32)
    batch = jnp.sort(jax.random.randint(k3, (N_NODES,), 0, NUM_GRAPHS, dtype=jnp.int32))
    embed_table = jax.random.normal(k4, (100000, 128), dtype=jnp.float32)
    W_in = jax.random.normal(k5, (128, 256), dtype=jnp.float32) * (1.0 / np.sqrt(128))
    b_in = jnp.zeros((256,), dtype=jnp.float32)
    W_out = jax.random.normal(k6, (256, 128), dtype=jnp.float32) * (1.0 / np.sqrt(256))
    b_out = jnp.zeros((128,), dtype=jnp.float32)
    return {"node_ids": node_ids, "edge_index": edge_index, "batch": batch,
            "embed_table": embed_table, "W_in": W_in, "b_in": b_in,
            "W_out": W_out, "b_out": b_out}

def reference(node_ids, edge_index, batch, embed_table, W_in, b_in, W_out, b_out):
    # embedding lookup
    x = jnp.take(embed_table, node_ids, axis=0)
    # in_layer GCNConv + ReLU (dropout is identity in eval)
    x = gcn_conv(x, edge_index, W_in, b_in, N_NODES)
    x = jax.nn.relu(x)
    # num_layers=2 -> no hidden residual layers
    # out_layer GCNConv
    x = gcn_conv(x, edge_index, W_out, b_out, N_NODES)
    # scatter_mean over batch (graph readout)
    sums = jax.ops.segment_sum(x, batch, num_segments=NUM_GRAPHS)
    counts = jax.ops.segment_sum(jnp.ones((N_NODES,), dtype=x.dtype), batch, num_segments=NUM_GRAPHS)
    out = sums / jnp.maximum(counts, 1.0)[:, None]
    return out

if __name__ == "__main__":
    import jax
    _d = setup_inputs()
    print(jax.jit(kernel)(*tuple(_d.values())))

</pallas_src>

<mosaic_0001>
#map = affine_map<(d0, d1) -> (0, 0)>
#map1 = affine_map<(d0, d1) -> (0)>
#map2 = affine_map<(d0, d1) -> (0, 0, 0)>
module attributes {stable_mosaic.version = 14 : i64} {
  func.func @_pass1_body(%arg0: i32, %arg1: i32, %arg2: memref<100000x128xf32, #tpu.memory_space<hbm>>, %arg3: memref<10240xi32, #tpu.memory_space<hbm>>, %arg4: memref<5120x2x64xi32, #tpu.memory_space<hbm>>, %arg5: memref<10240x128xf32, #tpu.memory_space<hbm>>, %arg6: memref<20480xf32, #tpu.memory_space<hbm>>, %arg7: memref<80xi32, #tpu.memory_space<vmem>>, %arg8: memref<80x128xf32, #tpu.memory_space<vmem>>, %arg9: memref<64xi32, #tpu.memory_space<vmem>>, %arg10: memref<64xi32, #tpu.memory_space<vmem>>, %arg11: memref<64xf32, #tpu.memory_space<vmem>>, %arg12: memref<640xf32, #tpu.memory_space<vmem>>, %arg13: memref<10240xf32, #tpu.memory_space<vmem_shared>>, %arg14: memref<!tpu.dma_semaphore, #tpu.memory_space<semaphore_mem>>, %arg15: memref<!tpu.dma_semaphore, #tpu.memory_space<semaphore_mem>>, %arg16: memref<!tpu.dma_semaphore, #tpu.memory_space<semaphore_mem>>, %arg17: memref<!tpu.dma_semaphore, #tpu.memory_space<semaphore_mem>>, %arg18: memref<!tpu.dma_semaphore, #tpu.memory_space<semaphore_mem>>) attributes {dimension_semantics = [#tpu.dimension_semantics<core_parallel>, #tpu.dimension_semantics<subcore_parallel>], iteration_bounds = array<i64: 2, 16>, scalar_prefetch = 0 : i64, scratch_operands = 12 : i64, tpu.core_type = #tpu.core_type<sc_vector_subcore>, window_params = [{transform_indices = #map}, {transform_indices = #map1}, {transform_indices = #map2}, {transform_indices = #map}, {transform_indices = #map1}]} {
    %mul3A = arith.constant 16 : i32
    %mul3A_0 = arith.muli %arg0, %mul3A : i32
    %add3A = arith.addi %mul3A_0, %arg1 : i32
    %scan3A = arith.constant 0 : i32
    %scan3A_1 = arith.constant 0 : i32
    %scan3A_2 = arith.constant 40 : i32
    %scan3A_3 = arith.addi %scan3A_1, %scan3A_2 : i32
    %scan3A_4 = arith.constant 1 : i32
    %scan3A_5 = scf.for %scan3A_62 = %scan3A_1 to %scan3A_3 step %scan3A_4 iter_args(%scan3A_63 = %scan3A) -> (i32)  : i32 {
      %broadcast_in_dim3A_64 = arith.constant 0.000000e+00 : f32
      %broadcast_in_dim3A_65 = vector.broadcast %broadcast_in_dim3A_64 : f32 to vector<16xf32>
      %mul3A_66 = arith.constant 16 : i32
      %mul3A_67 = arith.muli %scan3A_62, %mul3A_66 : i32
      %swap3A_68 = arith.index_cast %mul3A_67 : i32 to index
      %swap3A_69 = tpu.vector_load %arg12[%swap3A_68] {strides = array<i32>} : memref<640xf32, #tpu.memory_space<vmem>>, vector<16xf32>,
      %swap3A_70 = vector.shape_cast %swap3A_69 : vector<16xf32> to vector<16xf32>
      %swap3A_71 = vector.shape_cast %broadcast_in_dim3A_65 : vector<16xf32> to vector<16xf32>
      tpu.vector_store %arg12[%swap3A_68], %swap3A_71 {strides = array<i32>} : memref<640xf32, #tpu.memory_space<vmem>>, vector<16xf32>,
      %scan3A_72 = arith.constant 0 : i32
      scf.yield %scan3A_72 : i32
    }
    %scan3A_6 = arith.constant 40 : i32
    %broadcast_in_dim3A = arith.constant 1.000000e+00 : f32
    %broadcast_in_dim3A_7 = vector.broadcast %broadcast_in_dim3A : f32 to vector<16xf32>
    %swap3A = arith.constant 0 : index
    %swap3A_8 = tpu.vector_load %arg11[%swap3A] {strides = array<i32>} : memref<64xf32, #tpu.memory_space<vmem>>, vector<16xf32>,
    %swap3A_9 = vector.shape_cast %swap3A_8 : vector<16xf32> to vector<16xf32>
    %swap3A_10 = vector.shape_cast %broadcast_in_dim3A_7 : vector<16xf32> to vector<16xf32>
    tpu.vector_store %arg11[%swap3A], %swap3A_10 {strides = array<i32>} : memref<64xf32, #tpu.memory_space<vmem>>, vector<16xf32>,
    %broadcast_in_dim3A_11 = arith.constant 1.000000e+00 : f32
    %broadcast_in_dim3A_12 = vector.broadcast %broadcast_in_dim3A_11 : f32 to vector<16xf32>
    %swap3A_13 = arith.constant 16 : index
    %swap3A_14 = tpu.vector_load %arg11[%swap3A_13] {strides = array<i32>} : memref<64xf32, #tpu.memory_space<vmem>>, vector<16xf32>,
    %swap3A_15 = vector.shape_cast %swap3A_14 : vector<16xf32> to vector<16xf32>
    %swap3A_16 = vector.shape_cast %broadcast_in_dim3A_12 : vector<16xf32> to vector<16xf32>
    tpu.vector_store %arg11[%swap3A_13], %swap3A_16 {strides = array<i32>} : memref<64xf32, #tpu.memory_space<vmem>>, vector<16xf32>,
    %broadcast_in_dim3A_17 = arith.constant 1.000000e+00 : f32
    %broadcast_in_dim3A_18 = vector.broadcast %broadcast_in_dim3A_17 : f32 to vector<16xf32>
    %swap3A_19 = arith.constant 32 : index
    %swap3A_20 = tpu.vector_load %arg11[%swap3A_19] {strides = array<i32>} : memref<64xf32, #tpu.memory_space<vmem>>, vector<16xf32>,
    %swap3A_21 = vector.shape_cast %swap3A_20 : vector<16xf32> to vector<16xf32>
    %swap3A_22 = vector.shape_cast %broadcast_in_dim3A_18 : vector<16xf32> to vector<16xf32>
    tpu.vector_store %arg11[%swap3A_19], %swap3A_22 {strides = array<i32>} : memref<64xf32, #tpu.memory_space<vmem>>, vector<16xf32>,
    %broadcast_in_dim3A_23 = arith.constant 1.000000e+00 : f32
    %broadcast_in_dim3A_24 = vector.broadcast %broadcast_in_dim3A_23 : f32 to vector<16xf32>
    %swap3A_25 = arith.constant 48 : index
    %swap3A_26 = tpu.vector_load %arg11[%swap3A_25] {strides = array<i32>} : memref<64xf32, #tpu.memory_space<vmem>>, vector<16xf32>,
    %swap3A_27 = vector.shape_cast %swap3A_26 : vector<16xf32> to vector<16xf32>
    %swap3A_28 = vector.shape_cast %broadcast_in_dim3A_24 : vector<16xf32> to vector<16xf32>
    tpu.vector_store %arg11[%swap3A_25], %swap3A_28 {strides = array<i32>} : memref<64xf32, #tpu.memory_space<vmem>>, vector<16xf32>,
    %mul3A_29 = arith.constant 640 : i32
    %mul3A_30 = arith.muli %arg1, %mul3A_29 : i32
    "tpu.region"() ({
      %run_scoped3A = tpu.sem_alloc : memref<!tpu.dma_semaphore, #tpu.memory_space<semaphore_mem>>
      %dma_start3A_62 = tpu.memref_slice %arg13[%mul3A_30] : memref<10240xf32, #tpu.memory_space<vmem_shared>> -> memref<640xf32, #tpu.memory_space<vmem_shared>>
      %dma_start3A_63 = tpu.memref_slice %arg13[%mul3A_30] : memref<10240xf32, #tpu.memory_space<vmem_shared>> -> memref<640xf32, #tpu.memory_space<vmem_shared>>
      tpu.enqueue_dma source(%arg12 : memref<640xf32, #tpu.memory_space<vmem>>) target(%dma_start3A_63 : memref<640xf32, #tpu.memory_space<vmem_shared>>) target_semaphore(%run_scoped3A : memref<!tpu.dma_semaphore, #tpu.memory_space<semaphore_mem>>)
      %dma_wait3A_64 = tpu.memref_slice %arg13[%mul3A_30] : memref<10240xf32, #tpu.memory_space<vmem_shared>> -> memref<640xf32, #tpu.memory_space<vmem_shared>>
      %dma_wait3A_65 = tpu.memref_slice %arg13[%mul3A_30] : memref<10240xf32, #tpu.memory_space<vmem_shared>> -> memref<640xf32, #tpu.memory_space<vmem_shared>>
      tpu.wait_dma2 semaphore(%run_scoped3A : memref<!tpu.dma_semaphore, #tpu.memory_space<semaphore_mem>>) src(%arg12 : memref<640xf32, #tpu.memory_space<vmem>>) dst(%dma_wait3A_65 : memref<640xf32, #tpu.memory_space<vmem_shared>>)
      tpu.yield
    }) : () -> ()
    %barrier3A = arith.constant 0 : index
    tpu.barrier barrier_id(%barrier3A)
    %mul3A_31 = arith.constant 320 : i32
    %mul3A_32 = arith.muli %add3A, %mul3A_31 : i32
    %scan3A_33 = arith.constant 0 : i32
    %scan3A_34 = arith.constant 0 : i32
    %scan3A_35 = arith.constant 4 : i32
    %scan3A_36 = arith.addi %scan3A_34, %scan3A_35 : i32
    %scan3A_37 = arith.constant 1 : i32
    %scan3A_38 = scf.for %scan3A_62 = %scan3A_34 to %scan3A_36 step %scan3A_37 iter_args(%scan3A_63 = %scan3A_33) -> (i32)  : i32 {
      %mul3A_64 = arith.constant 80 : i32
      %mul3A_65 = arith.muli %scan3A_62, %mul3A_64 : i32
      %add3A_66 = arith.addi %mul3A_32, %mul3A_65 : i32
      "tpu.region"() ({
        %run_scoped3A = tpu.sem_alloc : memref<!tpu.dma_semaphore, #tpu.memory_space<semaphore_mem>>
        %dma_start3A_74 = tpu.memref_slice %arg3[%add3A_66] : memref<10240xi32, #tpu.memory_space<hbm>> -> memref<80xi32, #tpu.memory_space<hbm>>
        %dma_start3A_75 = tpu.memref_slice %arg3[%add3A_66] : memref<10240xi32, #tpu.memory_space<hbm>> -> memref<80xi32, #tpu.memory_space<hbm>>
        tpu.enqueue_dma source(%dma_start3A_75 : memref<80xi32, #tpu.memory_space<hbm>>) target(%arg7 : memref<80xi32, #tpu.memory_space<vmem>>) target_semaphore(%run_scoped3A : memref<!tpu.dma_semaphore, #tpu.memory_space<semaphore_mem>>)
        %dma_wait3A_76 = tpu.memref_slice %arg3[%add3A_66] : memref<10240xi32, #tpu.memory_space<hbm>> -> memref<80xi32, #tpu.memory_space<hbm>>
        %dma_wait3A_77 = tpu.memref_slice %arg3[%add3A_66] : memref<10240xi32, #tpu.memory_space<hbm>> -> memref<80xi32, #tpu.memory_space<hbm>>
        tpu.wait_dma2 semaphore(%run_scoped3A : memref<!tpu.dma_semaphore, #tpu.memory_space<semaphore_mem>>) src(%dma_wait3A_77 : memref<80xi32, #tpu.memory_space<hbm>>) dst(%arg7 : memref<80xi32, #tpu.memory_space<vmem>>)
        tpu.yield
      }) : () -> ()
      %dma_start3A_67 = arith.constant 0 : i32
      %dma_start3A_68 = arith.constant 0 : i32
      %dma_start3A_69 = tpu.memref_slice %arg2[%dma_start3A_67, %dma_start3A_68] : memref<100000x128xf32, #tpu.memory_space<hbm>> -> memref<100000x128xf32, #tpu.memory_space<hbm>>
      tpu.enqueue_indirect_dma source(%dma_start3A_69 : memref<100000x128xf32, #tpu.memory_space<hbm>>) target(%arg8 : memref<80x128xf32, #tpu.memory_space<vmem>>) offsets(%arg7 : memref<80xi32, #tpu.memory_space<vmem>>) semaphore(%arg14 : memref<!tpu.dma_semaphore, #tpu.memory_space<semaphore_mem>>)
      %dma_wait3A_70 = arith.constant 0 : i32
      %dma_wait3A_71 = arith.constant 0 : i32
      %dma_wait3A_72 = tpu.memref_slice %arg2[%dma_wait3A_70, %dma_wait3A_71] : memref<100000x128xf32, #tpu.memory_space<hbm>> -> memref<100000x128xf32, #tpu.memory_space<hbm>>
      tpu.wait_indirect_dma semaphore(%arg14 : memref<!tpu.dma_semaphore, #tpu.memory_space<semaphore_mem>>) src(%dma_wait3A_72 : memref<100000x128xf32, #tpu.memory_space<hbm>>) dst(%arg8 : memref<80x128xf32, #tpu.memory_space<vmem>>)
      "tpu.region"() ({
        %run_scoped3A = tpu.sem_alloc : memref<!tpu.dma_semaphore, #tpu.memory_space<semaphore_mem>>
        %dma_start3A_74 = arith.constant 0 : i32
        %dma_start3A_75 = tpu.memref_slice %arg5[%add3A_66, %dma_start3A_74] : memref<10240x128xf32, #tpu.memory_space<hbm>> -> memref<80x128xf32, #tpu.memory_space<hbm>>
        %dma_start3A_76 = arith.constant 0 : i32
        %dma_start3A_77 = tpu.memref_slice %arg5[%add3A_66, %dma_start3A_76] : memref<10240x128xf32, #tpu.memory_space<hbm>> -> memref<80x128xf32, #tpu.memory_space<hbm>>
        tpu.enqueue_dma source(%arg8 : memref<80x128xf32, #tpu.memory_space<vmem>>) target(%dma_start3A_77 : memref<80x128xf32, #tpu.memory_space<hbm>>) target_semaphore(%run_scoped3A : memref<!tpu.dma_semaphore, #tpu.memory_space<semaphore_mem>>)
        %dma_wait3A_78 = arith.constant 0 : i32
        %dma_wait3A_79 = tpu.memref_slice %arg5[%add3A_66, %dma_wait3A_78] : memref<10240x128xf32, #tpu.memory_space<hbm>> -> memref<80x128xf32, #tpu.memory_space<hbm>>
        %dma_wait3A_80 = arith.constant 0 : i32
        %dma_wait3A_81 = tpu.memref_slice %arg5[%add3A_66, %dma_wait3A_80] : memref<10240x128xf32, #tpu.memory_space<hbm>> -> memref<80x128xf32, #tpu.memory_space<hbm>>
        tpu.wait_dma2 semaphore(%run_scoped3A : memref<!tpu.dma_semaphore, #tpu.memory_space<semaphore_mem>>) src(%arg8 : memref<80x128xf32, #tpu.memory_space<vmem>>) dst(%dma_wait3A_81 : memref<80x128xf32, #tpu.memory_space<hbm>>)
        tpu.yield
      }) : () -> ()
      %scan3A_73 = arith.constant 0 : i32
      scf.yield %scan3A_73 : i32
    }
    %scan3A_39 = arith.constant 4 : i32
    %mul3A_40 = arith.constant 160 : i32
    %mul3A_41 = arith.muli %add3A, %mul3A_40 : i32
    %dma_start3A = arith.constant 1 : i32
    %dma_start3A_42 = arith.constant 0 : i32
    %dma_start3A_43 = tpu.memref_slice %arg4[%mul3A_41, %dma_start3A, %dma_start3A_42] : memref<5120x2x64xi32, #tpu.memory_space<hbm>> -> memref<1x1x64xi32, #tpu.memory_space<hbm>>
    %dma_start3A_44 = tpu.memref_squeeze %dma_start3A_43 : memref<1x1x64xi32, #tpu.memory_space<hbm>> -> memref<64xi32, #tpu.memory_space<hbm>>
    %dma_start3A_45 = arith.constant 0 : i32
    %dma_start3A_46 = tpu.memref_slice %arg4[%mul3A_41, %dma_start3A, %dma_start3A_45] : memref<5120x2x64xi32, #tpu.memory_space<hbm>> -> memref<1x1x64xi32, #tpu.memory_space<hbm>>
    %dma_start3A_47 = tpu.memref_squeeze %dma_start3A_46 : memref<1x1x64xi32, #tpu.memory_space<hbm>> -> memref<64xi32, #tpu.memory_space<hbm>>
    tpu.enqueue_dma source(%dma_start3A_47 : memref<64xi32, #tpu.memory_space<hbm>>) target(%arg9 : memref<64xi32, #tpu.memory_space<vmem>>) target_semaphore(%arg15 : memref<!tpu.dma_semaphore, #tpu.memory_space<semaphore_mem>>)
    %scan3A_48 = arith.constant 0 : i32
    %scan3A_49 = arith.constant 80 : i32
    %scan3A_50 = arith.addi %scan3A_48, %scan3A_49 : i32
    %scan3A_51 = arith.constant 1 : i32
    scf.for %scan3A_62 = %scan3A_48 to %scan3A_50 step %scan3A_51  : i32 {
      %mul3A_63 = arith.constant 2 : i32
      %mul3A_64 = arith.muli %scan3A_62, %mul3A_63 : i32
      %add3A_65 = arith.constant 0 : i32
      %add3A_66 = arith.addi %add3A_65, %mul3A_64 : i32
      %add3A_67 = arith.constant 0 : i32
      %add3A_68 = arith.addi %add3A_66, %add3A_67 : i32
      %ge3A = arith.constant 1 : i32
      %ge3A_69 = arith.cmpi sge, %add3A_68, %ge3A : i32
      %convert_element_type3A = arith.extui %ge3A_69 : i1 to i32
      %cond3A = arith.constant 0 : i32
      %cond3A_70 = arith.cmpi ne, %convert_element_type3A, %cond3A : i32
      scf.if %cond3A_70 {
        %dma_wait3A_111 = arith.constant 0 : i32
        %dma_wait3A_112 = tpu.memref_slice %arg13[%dma_wait3A_111] : memref<10240xf32, #tpu.memory_space<vmem_shared>> -> memref<10240xf32, #tpu.memory_space<vmem_shared>>
        tpu.wait_indirect_dma semaphore(%arg18 : memref<!tpu.dma_semaphore, #tpu.memory_space<semaphore_mem>>) src(%arg11 : memref<64xf32, #tpu.memory_space<vmem>>) dst(%dma_wait3A_112 : memref<10240xf32, #tpu.memory_space<vmem_shared>>)
      } else {
      }
      %add3A_71 = arith.constant 1 : i32
      %add3A_72 = arith.addi %add3A_68, %add3A_71 : i32
      %lt3A = arith.constant 160 : i32
      %lt3A_73 = arith.cmpi slt, %add3A_72, %lt3A : i32
      %convert_element_type3A_74 = arith.extui %lt3A_73 : i1 to i32
      %cond3A_75 = arith.constant 0 : i32
      %cond3A_76 = arith.cmpi ne, %convert_element_type3A_74, %cond3A_75 : i32
      scf.if %cond3A_76 {
        %add3A_111 = arith.addi %mul3A_41, %add3A_68 : i32
        %add3A_112 = arith.constant 1 : i32
        %add3A_113 = arith.addi %add3A_111, %add3A_112 : i32
        %dma_start3A_114 = arith.constant 1 : i32
        %dma_start3A_115 = arith.constant 0 : i32
        %dma_start3A_116 = tpu.memref_slice %arg4[%add3A_113, %dma_start3A_114, %dma_start3A_115] : memref<5120x2x64xi32, #tpu.memory_space<hbm>> -> memref<1x1x64xi32, #tpu.memory_space<hbm>>
        %dma_start3A_117 = tpu.memref_squeeze %dma_start3A_116 : memref<1x1x64xi32, #tpu.memory_space<hbm>> -> memref<64xi32, #tpu.memory_space<hbm>>
        %dma_start3A_118 = arith.constant 0 : i32
        %dma_start3A_119 = tpu.memref_slice %arg4[%add3A_113, %dma_start3A_114, %dma_start3A_118] : memref<5120x2x64xi32, #tpu.memory_space<hbm>> -> memref<1x1x64xi32, #tpu.memory_space<hbm>>
        %dma_start3A_120 = tpu.memref_squeeze %dma_start3A_119 : memref<1x1x64xi32, #tpu.memory_space<hbm>> -> memref<64xi32, #tpu.memory_space<hbm>>
        tpu.enqueue_dma source(%dma_start3A_120 : memref<64xi32, #tpu.memory_space<hbm>>) target(%arg10 : memref<64xi32, #tpu.memory_space<vmem>>) target_semaphore(%arg16 : memref<!tpu.dma_semaphore, #tpu.memory_space<semaphore_mem>>)
      } else {
      }
      %add3A_77 = arith.addi %mul3A_41, %add3A_68 : i32
      %dma_wait3A_78 = arith.constant 1 : i32
      %dma_wait3A_79 = arith.constant 0 : i32
      %dma_wait3A_80 = tpu.memref_slice %arg4[%add3A_77, %dma_wait3A_78, %dma_wait3A_79] : memref<5120x2x64xi32, #tpu.memory_space<hbm>> -> memref<1x1x64xi32, #tpu.memory_space<hbm>>
      %dma_wait3A_81 = tpu.memref_squeeze %dma_wait3A_80 : memref<1x1x64xi32, #tpu.memory_space<hbm>> -> memref<64xi32, #tpu.memory_space<hbm>>
      %dma_wait3A_82 = arith.constant 0 : i32
      %dma_wait3A_83 = tpu.memref_slice %arg4[%add3A_77, %dma_wait3A_78, %dma_wait3A_82] : memref<5120x2x64xi32, #tpu.memory_space<hbm>> -> memref<1x1x64xi32, #tpu.memory_space<hbm>>
      %dma_wait3A_84 = tpu.memref_squeeze %dma_wait3A_83 : memref<1x1x64xi32, #tpu.memory_space<hbm>> -> memref<64xi32, #tpu.memory_space<hbm>>
      tpu.wait_dma2 semaphore(%arg15 : memref<!tpu.dma_semaphore, #tpu.memory_space<semaphore_mem>>) src(%dma_wait3A_84 : memref<64xi32, #tpu.memory_space<hbm>>) dst(%arg9 : memref<64xi32, #tpu.memory_space<vmem>>)
      %dma_start3A_85 = arith.constant 0 : i32
      %dma_start3A_86 = tpu.memref_slice %arg13[%dma_start3A_85] : memref<10240xf32, #tpu.memory_space<vmem_shared>> -> memref<10240xf32, #tpu.memory_space<vmem_shared>>
      tpu.enqueue_indirect_dma source(%arg11 : memref<64xf32, #tpu.memory_space<vmem>>) target(%dma_start3A_86 : memref<10240xf32, #tpu.memory_space<vmem_shared>>) offsets(%arg9 : memref<64xi32, #tpu.memory_space<vmem>>) semaphore(%arg17 : memref<!tpu.dma_semaphore, #tpu.memory_space<semaphore_mem>>) {add = true}
      %add3A_87 = arith.constant 1 : i32
      %add3A_88 = arith.addi %add3A_66, %add3A_87 : i32
      %ge3A_89 = arith.constant 1 : i32
      %ge3A_90 = arith.cmpi sge, %add3A_88, %ge3A_89 : i32
      %convert_element_type3A_91 = arith.extui %ge3A_90 : i1 to i32
      %cond3A_92 = arith.constant 0 : i32
      %cond3A_93 = arith.cmpi ne, %convert_element_type3A_91, %cond3A_92 : i32
      scf.if %cond3A_93 {
        %dma_wait3A_111 = arith.constant 0 : i32
        %dma_wait3A_112 = tpu.memref_slice %arg13[%dma_wait3A_111] : memref<10240xf32, #tpu.memory_space<vmem_shared>> -> memref<10240xf32, #tpu.memory_space<vmem_shared>>
        tpu.wait_indirect_dma semaphore(%arg17 : memref<!tpu.dma_semaphore, #tpu.memory_space<semaphore_mem>>) src(%arg11 : memref<64xf32, #tpu.memory_space<vmem>>) dst(%dma_wait3A_112 : memref<10240xf32, #tpu.memory_space<vmem_shared>>)
      } else {
      }
      %add3A_94 = arith.constant 1 : i32
      %add3A_95 = arith.addi %add3A_88, %add3A_94 : i32
      %lt3A_96 = arith.constant 160 : i32
      %lt3A_97 = arith.cmpi slt, %add3A_95, %lt3A_96 : i32
      %convert_element_type3A_98 = arith.extui %lt3A_97 : i1 to i32
      %cond3A_99 = arith.constant 0 : i32
      %cond3A_100 = arith.cmpi ne, %convert_element_type3A_98, %cond3A_99 : i32
      scf.if %cond3A_100 {
        %add3A_111 = arith.addi %mul3A_41, %add3A_88 : i32
        %add3A_112 = arith.constant 1 : i32
        %add3A_113 = arith.addi %add3A_111, %add3A_112 : i32
        %dma_start3A_114 = arith.constant 1 : i32
        %dma_start3A_115 = arith.constant 0 : i32
        %dma_start3A_116 = tpu.memref_slice %arg4[%add3A_113, %dma_start3A_114, %dma_start3A_115] : memref<5120x2x64xi32, #tpu.memory_space<hbm>> -> memref<1x1x64xi32, #tpu.memory_space<hbm>>
        %dma_start3A_117 = tpu.memref_squeeze %dma_start3A_116 : memref<1x1x64xi32, #tpu.memory_space<hbm>> -> memref<64xi32, #tpu.memory_space<hbm>>
        %dma_start3A_118 = arith.constant 0 : i32
        %dma_start3A_119 = tpu.memref_slice %arg4[%add3A_113, %dma_start3A_114, %dma_start3A_118] : memref<5120x2x64xi32, #tpu.memory_space<hbm>> -> memref<1x1x64xi32, #tpu.memory_space<hbm>>
        %dma_start3A_120 = tpu.memref_squeeze %dma_start3A_119 : memref<1x1x64xi32, #tpu.memory_space<hbm>> -> memref<64xi32, #tpu.memory_space<hbm>>
        tpu.enqueue_dma source(%dma_start3A_120 : memref<64xi32, #tpu.memory_space<hbm>>) target(%arg9 : memref<64xi32, #tpu.memory_space<vmem>>) target_semaphore(%arg15 : memref<!tpu.dma_semaphore, #tpu.memory_space<semaphore_mem>>)
      } else {
      }
      %add3A_101 = arith.addi %mul3A_41, %add3A_88 : i32
      %dma_wait3A_102 = arith.constant 1 : i32
      %dma_wait3A_103 = arith.constant 0 : i32
      %dma_wait3A_104 = tpu.memref_slice %arg4[%add3A_101, %dma_wait3A_102, %dma_wait3A_103] : memref<5120x2x64xi32, #tpu.memory_space<hbm>> -> memref<1x1x64xi32, #tpu.memory_space<hbm>>
      %dma_wait3A_105 = tpu.memref_squeeze %dma_wait3A_104 : memref<1x1x64xi32, #tpu.memory_space<hbm>> -> memref<64xi32, #tpu.memory_space<hbm>>
      %dma_wait3A_106 = arith.constant 0 : i32
      %dma_wait3A_107 = tpu.memref_slice %arg4[%add3A_101, %dma_wait3A_102, %dma_wait3A_106] : memref<5120x2x64xi32, #tpu.memory_space<hbm>> -> memref<1x1x64xi32, #tpu.memory_space<hbm>>
      %dma_wait3A_108 = tpu.memref_squeeze %dma_wait3A_107 : memref<1x1x64xi32, #tpu.memory_space<hbm>> -> memref<64xi32, #tpu.memory_space<hbm>>
      tpu.wait_dma2 semaphore(%arg16 : memref<!tpu.dma_semaphore, #tpu.memory_space<semaphore_mem>>) src(%dma_wait3A_108 : memref<64xi32, #tpu.memory_space<hbm>>) dst(%arg10 : memref<64xi32, #tpu.memory_space<vmem>>)
      %dma_start3A_109 = arith.constant 0 : i32
      %dma_start3A_110 = tpu.memref_slice %arg13[%dma_start3A_109] : memref<10240xf32, #tpu.memory_space<vmem_shared>> -> memref<10240xf32, #tpu.memory_space<vmem_shared>>
      tpu.enqueue_indirect_dma source(%arg11 : memref<64xf32, #tpu.memory_space<vmem>>) target(%dma_start3A_110 : memref<10240xf32, #tpu.memory_space<vmem_shared>>) offsets(%arg10 : memref<64xi32, #tpu.memory_space<vmem>>) semaphore(%arg18 : memref<!tpu.dma_semaphore, #tpu.memory_space<semaphore_mem>>) {add = true}
    }
    %scan3A_52 = arith.constant 80 : i32
    %dma_wait3A = arith.constant 0 : i32
    %dma_wait3A_53 = tpu.memref_slice %arg13[%dma_wait3A] : memref<10240xf32, #tpu.memory_space<vmem_shared>> -> memref<10240xf32, #tpu.memory_space<vmem_shared>>
    tpu.wait_indirect_dma semaphore(%arg18 : memref<!tpu.dma_semaphore, #tpu.memory_space<semaphore_mem>>) src(%arg11 : memref<64xf32, #tpu.memory_space<vmem>>) dst(%dma_wait3A_53 : memref<10240xf32, #tpu.memory_space<vmem_shared>>)
    %barrier3A_54 = arith.constant 0 : index
    tpu.barrier barrier_id(%barrier3A_54)
    %mul3A_55 = arith.constant 640 : i32
    %mul3A_56 = arith.muli %arg1, %mul3A_55 : i32
    %mul3A_57 = arith.constant 10240 : i32
    %mul3A_58 = arith.muli %arg0, %mul3A_57 : i32
    %mul3A_59 = arith.constant 640 : i32
    %mul3A_60 = arith.muli %arg1, %mul3A_59 : i32
    %add3A_61 = arith.addi %mul3A_58, %mul3A_60 : i32
    "tpu.region"() ({
      %run_scoped3A = tpu.sem_alloc : memref<!tpu.dma_semaphore, #tpu.memory_space<semaphore_mem>>
      %dma_start3A_62 = tpu.memref_slice %arg6[%add3A_61] : memref<20480xf32, #tpu.memory_space<hbm>> -> memref<640xf32, #tpu.memory_space<hbm>>
      %dma_start3A_63 = tpu.memref_slice %arg13[%mul3A_56] : memref<10240xf32, #tpu.memory_space<vmem_shared>> -> memref<640xf32, #tpu.memory_space<vmem_shared>>
      tpu.enqueue_dma source(%dma_start3A_63 : memref<640xf32, #tpu.memory_space<vmem_shared>>) target(%dma_start3A_62 : memref<640xf32, #tpu.memory_space<hbm>>) target_semaphore(%run_scoped3A : memref<!tpu.dma_semaphore, #tpu.memory_space<semaphore_mem>>)
      %dma_wait3A_64 = tpu.memref_slice %arg6[%add3A_61] : memref<20480xf32, #tpu.memory_space<hbm>> -> memref<640xf32, #tpu.memory_space<hbm>>
      %dma_wait3A_65 = tpu.memref_slice %arg13[%mul3A_56] : memref<10240xf32, #tpu.memory_space<vmem_shared>> -> memref<640xf32, #tpu.memory_space<vmem_shared>>
      tpu.wait_dma2 semaphore(%run_scoped3A : memref<!tpu.dma_semaphore, #tpu.memory_space<semaphore_mem>>) src(%dma_wait3A_65 : memref<640xf32, #tpu.memory_space<vmem_shared>>) dst(%dma_wait3A_64 : memref<640xf32, #tpu.memory_space<hbm>>)
      tpu.yield
    }) : () -> ()
    return
  }
}

#map = affine_map<(d0, d1) -> (0, 0)>
#map1 = affine_map<(d0, d1) -> (0, 0, 0)>
module attributes {stable_mosaic.version = 14 : i64} {
  func.func @_prop_body(%arg0: i32, %arg1: i32, %arg2: memref<10240x128xf32, #tpu.memory_space<hbm>>, %arg3: memref<5120x2x64xi32, #tpu.memory_space<hbm>>, %arg4: memref<20480x128xf32, #tpu.memory_space<hbm>>, %arg5: memref<2x64xi32, #tpu.memory_space<vmem>>, %arg6: memref<2x64xi32, #tpu.memory_space<vmem>>, %arg7: memref<2x64xi32, #tpu.memory_space<vmem>>, %arg8: memref<2x64xi32, #tpu.memory_space<vmem>>, %arg9: memref<2x64xi32, #tpu.memory_space<vmem>>, %arg10: memref<2x64xi32, #tpu.memory_space<vmem>>, %arg11: memref<2x64xi32, #tpu.memory_space<vmem>>, %arg12: memref<2x64xi32, #tpu.memory_space<vmem>>, %arg13: memref<2x64xi32, #tpu.memory_space<vmem>>, %arg14: memref<2x64xi32, #tpu.memory_space<vmem>>, %arg15: memref<64x128xf32, #tpu.memory_space<vmem>>, %arg16: memref<64x128xf32, #tpu.memory_space<vmem>>, %arg17: memref<64x128xf32, #tpu.memory_space<vmem>>, %arg18: memref<64x128xf32, #tpu.memory_space<vmem>>, %arg19: memref<64x128xf32, #tpu.memory_space<vmem>>, %arg20: memref<10240x128xf32, #tpu.memory_space<vmem_shared>>, %arg21: memref<!tpu.dma_semaphore, #tpu.memory_space<semaphore_mem>>, %arg22: memref<!tpu.dma_semaphore, #tpu.memory_space<semaphore_mem>>, %arg23: memref<!tpu.dma_semaphore, #tpu.memory_space<semaphore_mem>>, %arg24: memref<!tpu.dma_semaphore, #tpu.memory_space<semaphore_mem>>, %arg25: memref<!tpu.dma_semaphore, #tpu.memory_space<semaphore_mem>>, %arg26: memref<!tpu.dma_semaphore, #tpu.memory_space<semaphore_mem>>, %arg27: memref<!tpu.dma_semaphore, #tpu.memory_space<semaphore_mem>>, %arg28: memref<!tpu.dma_semaphore, #tpu.memory_space<semaphore_mem>>, %arg29: memref<!tpu.dma_semaphore, #tpu.memory_space<semaphore_mem>>, %arg30: memref<!tpu.dma_semaphore, #tpu.memory_space<semaphore_mem>>, %arg31: memref<!tpu.dma_semaphore, #tpu.memory_space<semaphore_mem>>, %arg32: memref<!tpu.dma_semaphore, #tpu.memory_space<semaphore_mem>>, %arg33: memref<!tpu.dma_semaphore, #tpu.memory_space<semaphore_mem>>, %arg34: memref<!tpu.dma_semaphore, #tpu.memory_space<semaphore_mem>>, %arg35: memref<!tpu.dma_semaphore, #tpu.memory_space<semaphore_mem>>, %arg36: memref<!tpu.dma_semaphore, #tpu.memory_space<semaphore_mem>>, %arg37: memref<!tpu.dma_semaphore, #tpu.memory_space<semaphore_mem>>, %arg38: memref<!tpu.dma_semaphore, #tpu.memory_space<semaphore_mem>>, %arg39: memref<!tpu.dma_semaphore, #tpu.memory_space<semaphore_mem>>, %arg40: memref<!tpu.dma_semaphore, #tpu.memory_space<semaphore_mem>>) attributes {dimension_semantics = [#tpu.dimension_semantics<core_parallel>, #tpu.dimension_semantics<subcore_parallel>], iteration_bounds = array<i64: 2, 16>, scalar_prefetch = 0 : i64, scratch_operands = 36 : i64, tpu.core_type = #tpu.core_type<sc_vector_subcore>, window_params = [{transform_indices = #map}, {transform_indices = #map1}, {transform_indices = #map}]} {
    %scan3A = arith.constant 0 : i32
    %scan3A_0 = arith.constant 0 : i32
    %scan3A_1 = arith.constant 64 : i32
    %scan3A_2 = arith.addi %scan3A_0, %scan3A_1 : i32
    %scan3A_3 = arith.constant 1 : i32
    %scan3A_4 = scf.for %scan3A_162 = %scan3A_0 to %scan3A_2 step %scan3A_3 iter_args(%scan3A_163 = %scan3A) -> (i32)  : i32 {
      %broadcast_in_dim3A = arith.constant 0.000000e+00 : f32
      %broadcast_in_dim3A_164 = vector.broadcast %broadcast_in_dim3A : f32 to vector<16xf32>
      %swap3A = arith.index_cast %scan3A_162 : i32 to index
      %swap3A_165 = arith.constant 0 : index
      %swap3A_166 = tpu.vector_load %arg15[%swap3A, %swap3A_165] {strides = array<i32>} : memref<64x128xf32, #tpu.memory_space<vmem>>, vector<1x16xf32>,
      %swap3A_167 = vector.shape_cast %swap3A_166 : vector<1x16xf32> to vector<16xf32>
      %swap3A_168 = vector.shape_cast %broadcast_in_dim3A_164 : vector<16xf32> to vector<1x16xf32>
      tpu.vector_store %arg15[%swap3A, %swap3A_165], %swap3A_168 {strides = array<i32>} : memref<64x128xf32, #tpu.memory_space<vmem>>, vector<1x16xf32>,
      %broadcast_in_dim3A_169 = arith.constant 0.000000e+00 : f32
      %broadcast_in_dim3A_170 = vector.broadcast %broadcast_in_dim3A_169 : f32 to vector<16xf32>
      %swap3A_171 = arith.index_cast %scan3A_162 : i32 to index
      %swap3A_172 = arith.constant 16 : index
      %swap3A_173 = tpu.vector_load %arg15[%swap3A_171, %swap3A_172] {strides = array<i32>} : memref<64x128xf32, #tpu.memory_space<vmem>>, vector<1x16xf32>,
      %swap3A_174 = vector.shape_cast %swap3A_173 : vector<1x16xf32> to vector<16xf32>
      %swap3A_175 = vector.shape_cast %broadcast_in_dim3A_170 : vector<16xf32> to vector<1x16xf32>
      tpu.vector_store %arg15[%swap3A_171, %swap3A_172], %swap3A_175 {strides = array<i32>} : memref<64x128xf32, #tpu.memory_space<vmem>>, vector<1x16xf32>,
      %broadcast_in_dim3A_176 = arith.constant 0.000000e+00 : f32
      %broadcast_in_dim3A_177 = vector.broadcast %broadcast_in_dim3A_176 : f32 to vector<16xf32>
      %swap3A_178 = arith.index_cast %scan3A_162 : i32 to index
      %swap3A_179 = arith.constant 32 : index
      %swap3A_180 = tpu.vector_load %arg15[%swap3A_178, %swap3A_179] {strides = array<i32>} : memref<64x128xf32, #tpu.memory_space<vmem>>, vector<1x16xf32>,
      %swap3A_181 = vector.shape_cast %swap3A_180 : vector<1x16xf32> to vector<16xf32>
      %swap3A_182 = vector.shape_cast %broadcast_in_dim3A_177 : vector<16xf32> to vector<1x16xf32>
      tpu.vector_store %arg15[%swap3A_178, %swap3A_179], %swap3A_182 {strides = array<i32>} : memref<64x128xf32, #tpu.memory_space<vmem>>, vector<1x16xf32>,
      %broadcast_in_dim3A_183 = arith.constant 0.000000e+00 : f32
      %broadcast_in_dim3A_184 = vector.broadcast %broadcast_in_dim3A_183 : f32 to vector<16xf32>
      %swap3A_185 = arith.index_cast %scan3A_162 : i32 to index
      %swap3A_186 = arith.constant 48 : index
      %swap3A_187 = tpu.vector_load %arg15[%swap3A_185, %swap3A_186] {strides = array<i32>} : memref<64x128xf32, #tpu.memory_space<vmem>>, vector<1x16xf32>,
      %swap3A_188 = vector.shape_cast %swap3A_187 : vector<1x16xf32> to vector<16xf32>
      %swap3A_189 = vector.shape_cast %broadcast_in_dim3A_184 : vector<16xf32> to vector<1x16xf32>
      tpu.vector_store %arg15[%swap3A_185, %swap3A_186], %swap3A_189 {strides = array<i32>} : memref<64x128xf32, #tpu.memory_space<vmem>>, vector<1x16xf32>,
      %broadcast_in_dim3A_190 = arith.constant 0.000000e+00 : f32
      %broadcast_in_dim3A_191 = vector.broadcast %broadcast_in_dim3A_190 : f32 to vector<16xf32>
      %swap3A_192 = arith.index_cast %scan3A_162 : i32 to index
      %swap3A_193 = arith.constant 64 : index
      %swap3A_194 = tpu.vector_load %arg15[%swap3A_192, %swap3A_193] {strides = array<i32>} : memref<64x128xf32, #tpu.memory_space<vmem>>, vector<1x16xf32>,
      %swap3A_195 = vector.shape_cast %swap3A_194 : vector<1x16xf32> to vector<16xf32>
      %swap3A_196 = vector.shape_cast %broadcast_in_dim3A_191 : vector<16xf32> to vector<1x16xf32>
      tpu.vector_store %arg15[%swap3A_192, %swap3A_193], %swap3A_196 {strides = array<i32>} : memref<64x128xf32, #tpu.memory_space<vmem>>, vector<1x16xf32>,
      %broadcast_in_dim3A_197 = arith.constant 0.000000e+00 : f32
      %broadcast_in_dim3A_198 = vector.broadcast %broadcast_in_dim3A_197 : f32 to vector<16xf32>
      %swap3A_199 = arith.index_cast %scan3A_162 : i32 to index
      %swap3A_200 = arith.constant 80 : index
      %swap3A_201 = tpu.vector_load %arg15[%swap3A_199, %swap3A_200] {strides = array<i32>} : memref<64x128xf32, #tpu.memory_space<vmem>>, vector<1x16xf32>,
      %swap3A_202 = vector.shape_cast %swap3A_201 : vector<1x16xf32> to vector<16xf32>
      %swap3A_203 = vector.shape_cast %broadcast_in_dim3A_198 : vector<16xf32> to vector<1x16xf32>
      tpu.vector_store %arg15[%swap3A_199, %swap3A_200], %swap3A_203 {strides = array<i32>} : memref<64x128xf32, #tpu.memory_space<vmem>>, vector<1x16xf32>,
      %broadcast_in_dim3A_204 = arith.constant 0.000000e+00 : f32
      %broadcast_in_dim3A_205 = vector.broadcast %broadcast_in_dim3A_204 : f32 to vector<16xf32>
      %swap3A_206 = arith.index_cast %scan3A_162 : i32 to index
      %swap3A_207 = arith.constant 96 : index
      %swap3A_208 = tpu.vector_load %arg15[%swap3A_206, %swap3A_207] {strides = array<i32>} : memref<64x128xf32, #tpu.memory_space<vmem>>, vector<1x16xf32>,
      %swap3A_209 = vector.shape_cast %swap3A_208 : vector<1x16xf32> to vector<16xf32>
      %swap3A_210 = vector.shape_cast %broadcast_in_dim3A_205 : vector<16xf32> to vector<1x16xf32>
      tpu.vector_store %arg15[%swap3A_206, %swap3A_207], %swap3A_210 {strides = array<i32>} : memref<64x128xf32, #tpu.memory_space<vmem>>, vector<1x16xf32>,
      %broadcast_in_dim3A_211 = arith.constant 0.000000e+00 : f32
      %broadcast_in_dim3A_212 = vector.broadcast %broadcast_in_dim3A_211 : f32 to vector<16xf32>
      %swap3A_213 = arith.index_cast %scan3A_162 : i32 to index
      %swap3A_214 = arith.constant 112 : index
      %swap3A_215 = tpu.vector_load %arg15[%swap3A_213, %swap3A_214] {strides = array<i32>} : memref<64x128xf32, #tpu.memory_space<vmem>>, vector<1x16xf32>,
      %swap3A_216 = vector.shape_cast %swap3A_215 : vector<1x16xf32> to vector<16xf32>
      %swap3A_217 = vector.shape_cast %broadcast_in_dim3A_212 : vector<16xf32> to vector<1x16xf32>
      tpu.vector_store %arg15[%swap3A_213, %swap3A_214], %swap3A_217 {strides = array<i32>} : memref<64x128xf32, #tpu.memory_space<vmem>>, vector<1x16xf32>,
      %scan3A_218 = arith.constant 0 : i32
      scf.yield %scan3A_218 : i32
    }
    %scan3A_5 = arith.constant 64 : i32
    %scan3A_6 = arith.constant 0 : i32
    %scan3A_7 = arith.constant 0 : i32
    %scan3A_8 = arith.constant 10 : i32
    %scan3A_9 = arith.addi %scan3A_7, %scan3A_8 : i32
    %scan3A_10 = arith.constant 1 : i32
    %scan3A_11 = scf.for %scan3A_162 = %scan3A_7 to %scan3A_9 step %scan3A_10 iter_args(%scan3A_163 = %scan3A_6) -> (i32)  : i32 {
      %mul3A_164 = arith.constant 640 : i32
      %mul3A_165 = arith.muli %arg1, %mul3A_164 : i32
      %mul3A_166 = arith.constant 64 : i32
      %mul3A_167 = arith.muli %scan3A_162, %mul3A_166 : i32
      %add3A_168 = arith.addi %mul3A_165, %mul3A_167 : i32
      "tpu.region"() ({
        %run_scoped3A = tpu.sem_alloc : memref<!tpu.dma_semaphore, #tpu.memory_space<semaphore_mem>>
        %dma_start3A_170 = arith.constant 0 : i32
        %dma_start3A_171 = tpu.memref_slice %arg20[%add3A_168, %dma_start3A_170] : memref<10240x128xf32, #tpu.memory_space<vmem_shared>> -> memref<64x128xf32, #tpu.memory_space<vmem_shared>>
        %dma_start3A_172 = arith.constant 0 : i32
        %dma_start3A_173 = tpu.memref_slice %arg20[%add3A_168, %dma_start3A_172] : memref<10240x128xf32, #tpu.memory_space<vmem_shared>> -> memref<64x128xf32, #tpu.memory_space<vmem_shared>>
        tpu.enqueue_dma source(%arg15 : memref<64x128xf32, #tpu.memory_space<vmem>>) target(%dma_start3A_173 : memref<64x128xf32, #tpu.memory_space<vmem_shared>>) target_semaphore(%run_scoped3A : memref<!tpu.dma_semaphore, #tpu.memory_space<semaphore_mem>>)
        %dma_wait3A_174 = arith.constant 0 : i32
        %dma_wait3A_175 = tpu.memref_slice %arg20[%add3A_168, %dma_wait3A_174] : memref<10240x128xf32, #tpu.memory_space<vmem_shared>> -> memref<64x128xf32, #tpu.memory_space<vmem_shared>>
        %dma_wait3A_176 = arith.constant 0 : i32
        %dma_wait3A_177 = tpu.memref_slice %arg20[%add3A_168, %dma_wait3A_176] : memref<10240x128xf32, #tpu.memory_space<vmem_shared>> -> memref<64x128xf32, #tpu.memory_space<vmem_shared>>
        tpu.wait_dma2 semaphore(%run_scoped3A : memref<!tpu.dma_semaphore, #tpu.memory_space<semaphore_mem>>) src(%arg15 : memref<64x128xf32, #tpu.memory_space<vmem>>) dst(%dma_wait3A_177 : memref<64x128xf32, #tpu.memory_space<vmem_shared>>)
        tpu.yield
      }) : () -> ()
      %scan3A_169 = arith.constant 0 : i32
      scf.yield %scan3A_169 : i32
    }
    %scan3A_12 = arith.constant 10 : i32
    %barrier3A = arith.constant 0 : index
    tpu.barrier barrier_id(%barrier3A)
    %eq3A = arith.constant 0 : i32
    %eq3A_13 = arith.cmpi eq, %arg0, %eq3A : i32
    %jit3A = arith.constant 300 : i32
    %jit3A_14 = arith.constant 20 : i32
    %select_n3A = arith.select %eq3A_13, %jit3A, %jit3A_14 : i32
    %eq3A_15 = arith.constant 0 : i32
    %eq3A_16 = arith.cmpi eq, %arg0, %eq3A_15 : i32
    %mul3A = arith.constant 300 : i32
    %mul3A_17 = arith.muli %arg1, %mul3A : i32
    %mul3A_18 = arith.constant 20 : i32
    %mul3A_19 = arith.muli %arg1, %mul3A_18 : i32
    %add3A = arith.constant 4800 : i32
    %add3A_20 = arith.addi %add3A, %mul3A_19 : i32
    %select_n3A_21 = arith.select %eq3A_16, %mul3A_17, %add3A_20 : i32
    %add3A_22 = arith.constant 0 : i32
    %add3A_23 = arith.addi %select_n3A_21, %add3A_22 : i32
    %dma_start3A = arith.constant 0 : i32
    %dma_start3A_24 = arith.constant 0 : i32
    %dma_start3A_25 = tpu.memref_slice %arg3[%add3A_23, %dma_start3A, %dma_start3A_24] : memref<5120x2x64xi32, #tpu.memory_space<hbm>> -> memref<1x2x64xi32, #tpu.memory_space<hbm>>
    %dma_start3A_26 = tpu.memref_squeeze %dma_start3A_25 : memref<1x2x64xi32, #tpu.memory_space<hbm>> -> memref<2x64xi32, #tpu.memory_space<hbm>>
    %dma_start3A_27 = arith.constant 0 : i32
    %dma_start3A_28 = arith.constant 0 : i32
    %dma_start3A_29 = tpu.memref_slice %arg3[%add3A_23, %dma_start3A_27, %dma_start3A_28] : memref<5120x2x64xi32, #tpu.memory_space<hbm>> -> memref<1x2x64xi32, #tpu.memory_space<hbm>>
    %dma_start3A_30 = tpu.memref_squeeze %dma_start3A_29 : memref<1x2x64xi32, #tpu.memory_space<hbm>> -> memref<2x64xi32, #tpu.memory_space<hbm>>
    tpu.enqueue_dma source(%dma_start3A_30 : memref<2x64xi32, #tpu.memory_space<hbm>>) target(%arg5 : memref<2x64xi32, #tpu.memory_space<vmem>>) target_semaphore(%arg21 : memref<!tpu.dma_semaphore, #tpu.memory_space<semaphore_mem>>)
    %add3A_31 = arith.constant 1 : i32
    %add3A_32 = arith.addi %select_n3A_21, %add3A_31 : i32
    %dma_start3A_33 = arith.constant 0 : i32
    %dma_start3A_34 = arith.constant 0 : i32
    %dma_start3A_35 = tpu.memref_slice %arg3[%add3A_32, %dma_start3A_33, %dma_start3A_34] : memref<5120x2x64xi32, #tpu.memory_space<hbm>> -> memref<1x2x64xi32, #tpu.memory_space<hbm>>
    %dma_start3A_36 = tpu.memref_squeeze %dma_start3A_35 : memref<1x2x64xi32, #tpu.memory_space<hbm>> -> memref<2x64xi32, #tpu.memory_space<hbm>>
    %dma_start3A_37 = arith.constant 0 : i32
    %dma_start3A_38 = arith.constant 0 : i32
    %dma_start3A_39 = tpu.memref_slice %arg3[%add3A_32, %dma_start3A_37, %dma_start3A_38] : memref<5120x2x64xi32, #tpu.memory_space<hbm>> -> memref<1x2x64xi32, #tpu.memory_space<hbm>>
    %dma_start3A_40 = tpu.memref_squeeze %dma_start3A_39 : memref<1x2x64xi32, #tpu.memory_space<hbm>> -> memref<2x64xi32, #tpu.memory_space<hbm>>
    tpu.enqueue_dma source(%dma_start3A_40 : memref<2x64xi32, #tpu.memory_space<hbm>>) target(%arg6 : memref<2x64xi32, #tpu.memory_space<vmem>>) target_semaphore(%arg22 : memref<!tpu.dma_semaphore, #tpu.memory_space<semaphore_mem>>)
    %add3A_41 = arith.constant 2 : i32
    %add3A_42 = arith.addi %select_n3A_21, %add3A_41 : i32
    %dma_start3A_43 = arith.constant 0 : i32
    %dma_start3A_44 = arith.constant 0 : i32
    %dma_start3A_45 = tpu.memref_slice %arg3[%add3A_42, %dma_start3A_43, %dma_start3A_44] : memref<5120x2x64xi32, #tpu.memory_space<hbm>> -> memref<1x2x64xi32, #tpu.memory_space<hbm>>
    %dma_start3A_46 = tpu.memref_squeeze %dma_start3A_45 : memref<1x2x64xi32, #tpu.memory_space<hbm>> -> memref<2x64xi32, #tpu.memory_space<hbm>>
    %dma_start3A_47 = arith.constant 0 : i32
    %dma_start3A_48 = arith.constant 0 : i32
    %dma_start3A_49 = tpu.memref_slice %arg3[%add3A_42, %dma_start3A_47, %dma_start3A_48] : memref<5120x2x64xi32, #tpu.memory_space<hbm>> -> memref<1x2x64xi32, #tpu.memory_space<hbm>>
    %dma_start3A_50 = tpu.memref_squeeze %dma_start3A_49 : memref<1x2x64xi32, #tpu.memory_space<hbm>> -> memref<2x64xi32, #tpu.memory_space<hbm>>
    tpu.enqueue_dma source(%dma_start3A_50 : memref<2x64xi32, #tpu.memory_space<hbm>>) target(%arg7 : memref<2x64xi32, #tpu.memory_space<vmem>>) target_semaphore(%arg23 : memref<!tpu.dma_semaphore, #tpu.memory_space<semaphore_mem>>)
    %add3A_51 = arith.constant 3 : i32
    %add3A_52 = arith.addi %select_n3A_21, %add3A_51 : i32
    %dma_start3A_53 = arith.constant 0 : i32
    %dma_start3A_54 = arith.constant 0 : i32
    %dma_start3A_55 = tpu.memref_slice %arg3[%add3A_52, %dma_start3A_53, %dma_start3A_54] : memref<5120x2x64xi32, #tpu.memory_space<hbm>> -> memref<1x2x64xi32, #tpu.memory_space<hbm>>
    %dma_start3A_56 = tpu.memref_squeeze %dma_start3A_55 : memref<1x2x64xi32, #tpu.memory_space<hbm>> -> memref<2x64xi32, #tpu.memory_space<hbm>>
    %dma_start3A_57 = arith.constant 0 : i32
    %dma_start3A_58 = arith.constant 0 : i32
    %dma_start3A_59 = tpu.memref_slice %arg3[%add3A_52, %dma_start3A_57, %dma_start3A_58] : memref<5120x2x64xi32, #tpu.memory_space<hbm>> -> memref<1x2x64xi32, #tpu.memory_space<hbm>>
    %dma_start3A_60 = tpu.memref_squeeze %dma_start3A_59 : memref<1x2x64xi32, #tpu.memory_space<hbm>> -> memref<2x64xi32, #tpu.memory_space<hbm>>
    tpu.enqueue_dma source(%dma_start3A_60 : memref<2x64xi32, #tpu.memory_space<hbm>>) target(%arg8 : memref<2x64xi32, #tpu.memory_space<vmem>>) target_semaphore(%arg24 : memref<!tpu.dma_semaphore, #tpu.memory_space<semaphore_mem>>)
    %add3A_61 = arith.constant 0 : i32
    %add3A_62 = arith.addi %select_n3A_21, %add3A_61 : i32
    %dma_wait3A = arith.constant 0 : i32
    %dma_wait3A_63 = arith.constant 0 : i32
    %dma_wait3A_64 = tpu.memref_slice %arg3[%add3A_62, %dma_wait3A, %dma_wait3A_63] : memref<5120x2x64xi32, #tpu.memory_space<hbm>> -> memref<1x2x64xi32, #tpu.memory_space<hbm>>
    %dma_wait3A_65 = tpu.memref_squeeze %dma_wait3A_64 : memref<1x2x64xi32, #tpu.memory_space<hbm>> -> memref<2x64xi32, #tpu.memory_space<hbm>>
    %dma_wait3A_66 = arith.constant 0 : i32
    %dma_wait3A_67 = arith.constant 0 : i32
    %dma_wait3A_68 = tpu.memref_slice %arg3[%add3A_62, %dma_wait3A_66, %dma_wait3A_67] : memref<5120x2x64xi32, #tpu.memory_space<hbm>> -> memref<1x2x64xi32, #tpu.memory_space<hbm>>
    %dma_wait3A_69 = tpu.memref_squeeze %dma_wait3A_68 : memref<1x2x64xi32, #tpu.memory_space<hbm>> -> memref<2x64xi32, #tpu.memory_space<hbm>>
    tpu.wait_dma2 semaphore(%arg21 : memref<!tpu.dma_semaphore, #tpu.memory_space<semaphore_mem>>) src(%dma_wait3A_69 : memref<2x64xi32, #tpu.memory_space<hbm>>) dst(%arg5 : memref<2x64xi32, #tpu.memory_space<vmem>>)
    %dma_start3A_70 = arith.constant 0 : i32
    %dma_start3A_71 = arith.constant 0 : i32
    %dma_start3A_72 = tpu.memref_slice %arg5[%dma_start3A_70, %dma_start3A_71] : memref<2x64xi32, #tpu.memory_space<vmem>> -> memref<1x64xi32, #tpu.memory_space<vmem>>
    %dma_start3A_73 = tpu.memref_squeeze %dma_start3A_72 : memref<1x64xi32, #tpu.memory_space<vmem>> -> memref<64xi32, #tpu.memory_space<vmem>>
    %dma_start3A_74 = arith.constant 0 : i32
    %dma_start3A_75 = arith.constant 0 : i32
    %dma_start3A_76 = tpu.memref_slice %arg2[%dma_start3A_74, %dma_start3A_75] : memref<10240x128xf32, #tpu.memory_space<hbm>> -> memref<10240x128xf32, #tpu.memory_space<hbm>>
    tpu.enqueue_indirect_dma source(%dma_start3A_76 : memref<10240x128xf32, #tpu.memory_space<hbm>>) target(%arg15 : memref<64x128xf32, #tpu.memory_space<vmem>>) offsets(%dma_start3A_73 : memref<64xi32, #tpu.memory_space<vmem>>) semaphore(%arg31 : memref<!tpu.dma_semaphore, #tpu.memory_space<semaphore_mem>>)
    %add3A_77 = arith.constant 1 : i32
    %add3A_78 = arith.addi %select_n3A_21, %add3A_77 : i32
    %dma_wait3A_79 = arith.constant 0 : i32
    %dma_wait3A_80 = arith.constant 0 : i32
    %dma_wait3A_81 = tpu.memref_slice %arg3[%add3A_78, %dma_wait3A_79, %dma_wait3A_80] : memref<5120x2x64xi32, #tpu.memory_space<hbm>> -> memref<1x2x64xi32, #tpu.memory_space<hbm>>
    %dma_wait3A_82 = tpu.memref_squeeze %dma_wait3A_81 : memref<1x2x64xi32, #tpu.memory_space<hbm>> -> memref<2x64xi32, #tpu.memory_space<hbm>>
    %dma_wait3A_83 = arith.constant 0 : i32
    %dma_wait3A_84 = arith.constant 0 : i32
    %dma_wait3A_85 = tpu.memref_slice %arg3[%add3A_78, %dma_wait3A_83, %dma_wait3A_84] : memref<5120x2x64xi32, #tpu.memory_space<hbm>> -> memref<1x2x64xi32, #tpu.memory_space<hbm>>
    %dma_wait3A_86 = tpu.memref_squeeze %dma_wait3A_85 : memref<1x2x64xi32, #tpu.memory_space<hbm>> -> memref<2x64xi32, #tpu.memory_space<hbm>>
    tpu.wait_dma2 semaphore(%arg22 : memref<!tpu.dma_semaphore, #tpu.memory_space<semaphore_mem>>) src(%dma_wait3A_86 : memref<2x64xi32, #tpu.memory_space<hbm>>) dst(%arg6 : memref<2x64xi32, #tpu.memory_space<vmem>>)
    %dma_start3A_87 = arith.constant 0 : i32
    %dma_start3A_88 = arith.constant 0 : i32
    %dma_start3A_89 = tpu.memref_slice %arg6[%dma_start3A_87, %dma_start3A_88] : memref<2x64xi32, #tpu.memory_space<vmem>> -> memref<1x64xi32, #tpu.memory_space<vmem>>
    %dma_start3A_90 = tpu.memref_squeeze %dma_start3A_89 : memref<1x64xi32, #tpu.memory_space<vmem>> -> memref<64xi32, #tpu.memory_space<vmem>>
    %dma_start3A_91 = arith.constant 0 : i32
    %dma_start3A_92 = arith.constant 0 : i32
    %dma_start3A_93 = tpu.memref_slice %arg2[%dma_start3A_91, %dma_start3A_92] : memref<10240x128xf32, #tpu.memory_space<hbm>> -> memref<10240x128xf32, #tpu.memory_space<hbm>>
    tpu.enqueue_indirect_dma source(%dma_start3A_93 : memref<10240x128xf32, #tpu.memory_space<hbm>>) target(%arg16 : memref<64x128xf32, #tpu.memory_space<vmem>>) offsets(%dma_start3A_90 : memref<64xi32, #tpu.memory_space<vmem>>) semaphore(%arg32 : memref<!tpu.dma_semaphore, #tpu.memory_space<semaphore_mem>>)
    %add3A_94 = arith.constant 2 : i32
    %add3A_95 = arith.addi %select_n3A_21, %add3A_94 : i32
    %dma_wait3A_96 = arith.constant 0 : i32
    %dma_wait3A_97 = arith.constant 0 : i32
    %dma_wait3A_98 = tpu.memref_slice %arg3[%add3A_95, %dma_wait3A_96, %dma_wait3A_97] : memref<5120x2x64xi32, #tpu.memory_space<hbm>> -> memref<1x2x64xi32, #tpu.memory_space<hbm>>
    %dma_wait3A_99 = tpu.memref_squeeze %dma_wait3A_98 : memref<1x2x64xi32, #tpu.memory_space<hbm>> -> memref<2x64xi32, #tpu.memory_space<hbm>>
    %dma_wait3A_100 = arith.constant 0 : i32
    %dma_wait3A_101 = arith.constant 0 : i32
    %dma_wait3A_102 = tpu.memref_slice %arg3[%add3A_95, %dma_wait3A_100, %dma_wait3A_101] : memref<5120x2x64xi32, #tpu.memory_space<hbm>> -> memref<1x2x64xi32, #tpu.memory_space<hbm>>
    %dma_wait3A_103 = tpu.memref_squeeze %dma_wait3A_102 : memref<1x2x64xi32, #tpu.memory_space<hbm>> -> memref<2x64xi32, #tpu.memory_space<hbm>>
    tpu.wait_dma2 semaphore(%arg23 : memref<!tpu.dma_semaphore, #tpu.memory_space<semaphore_mem>>) src(%dma_wait3A_103 : memref<2x64xi32, #tpu.memory_space<hbm>>) dst(%arg7 : memref<2x64xi32, #tpu.memory_space<vmem>>)
    %dma_start3A_104 = arith.constant 0 : i32
    %dma_start3A_105 = arith.constant 0 : i32
    %dma_start3A_106 = tpu.memref_slice %arg7[%dma_start3A_104, %dma_start3A_105] : memref<2x64xi32, #tpu.memory_space<vmem>> -> memref<1x64xi32, #tpu.memory_space<vmem>>
    %dma_start3A_107 = tpu.memref_squeeze %dma_start3A_106 : memref<1x64xi32, #tpu.memory_space<vmem>> -> memref<64xi32, #tpu.memory_space<vmem>>
    %dma_start3A_108 = arith.constant 0 : i32
    %dma_start3A_109 = arith.constant 0 : i32
    %dma_start3A_110 = tpu.memref_slice %arg2[%dma_start3A_108, %dma_start3A_109] : memref<10240x128xf32, #tpu.memory_space<hbm>> -> memref<10240x128xf32, #tpu.memory_space<hbm>>
    tpu.enqueue_indirect_dma source(%dma_start3A_110 : memref<10240x128xf32, #tpu.memory_space<hbm>>) target(%arg17 : memref<64x128xf32, #tpu.memory_space<vmem>>) offsets(%dma_start3A_107 : memref<64xi32, #tpu.memory_space<vmem>>) semaphore(%arg33 : memref<!tpu.dma_semaphore, #tpu.memory_space<semaphore_mem>>)
    %jit3A_111 = arith.constant 10 : i32
    %div3A = arith.divsi %select_n3A, %jit3A_111 : i32
    %sign3A = arith.constant 0 : i32
    %sign3A_112 = arith.cmpi sgt, %select_n3A, %sign3A : i32
    %sign3A_113 = arith.extui %sign3A_112 : i1 to i32
    %sign3A_114 = arith.constant 0 : i32
    %sign3A_115 = arith.cmpi slt, %select_n3A, %sign3A_114 : i32
    %sign3A_116 = arith.extui %sign3A_115 : i1 to i32
    %sign3A_117 = arith.subi %sign3A_113, %sign3A_116 : i32
    %sign3A_118 = arith.constant 0 : i32
    %sign3A_119 = arith.cmpi sgt, %jit3A_111, %sign3A_118 : i32
    %sign3A_120 = arith.extui %sign3A_119 : i1 to i32
    %sign3A_121 = arith.constant 0 : i32
    %sign3A_122 = arith.cmpi slt, %jit3A_111, %sign3A_121 : i32
    %sign3A_123 = arith.extui %sign3A_122 : i1 to i32
    %sign3A_124 = arith.subi %sign3A_120, %sign3A_123 : i32
    %ne3A = arith.cmpi ne, %sign3A_117, %sign3A_124 : i32
    %rem3A = arith.remsi %select_n3A, %jit3A_111 : i32
    %ne3A_125 = arith.constant 0 : i32
    %ne3A_126 = arith.cmpi ne, %rem3A, %ne3A_125 : i32
    %and3A = arith.andi %ne3A, %ne3A_126 : i1
    %sub3A = arith.constant 1 : i32
    %sub3A_127 = arith.subi %div3A, %sub3A : i32
    %select_n3A_128 = arith.select %and3A, %sub3A_127, %div3A : i32
    %while3A = arith.constant 0 : i32
    %while3A_129 = arith.constant 0 : i32
    %while3A_130 = arith.subi %select_n3A_128, %while3A : i32
    %while3A_131 = arith.addi %while3A, %while3A_130 : i32
    %while3A_132 = arith.constant 1 : i32
    %while3A_133 = arith.divsi %while3A_130, %while3A_132 : i32
    %while3A_134 = arith.muli %while3A_133, %while3A_132 : i32
    %while3A_135 = arith.addi %while3A, %while3A_134 : i32
    %while3A_136 = arith.constant 1 : i32
    %while3A_137 = scf.for %while3A_162 = %while3A to %while3A_135 step %while3A_136 iter_args(%while3A_163 = %while3A_129) -> (i32)  : i32 {
      %mul3A_164 = arith.constant 10 : i32
      %mul3A_165 = arith.muli %while3A_162, %mul3A_164 : i32
      %add3A_166 = arith.constant 0 : i32
      %add3A_167 = arith.addi %mul3A_165, %add3A_166 : i32
      %ge3A = arith.constant 2 : i32
      %ge3A_168 = arith.cmpi sge, %add3A_167, %ge3A : i32
      %convert_element_type3A = arith.extui %ge3A_168 : i1 to i32
      %cond3A = arith.constant 0 : i32
      %cond3A_169 = arith.cmpi ne, %convert_element_type3A, %cond3A : i32
      scf.if %cond3A_169 {
        %dma_wait3A_493 = arith.constant 1 : i32
        %dma_wait3A_494 = arith.constant 0 : i32
        %dma_wait3A_495 = tpu.memref_slice %arg13[%dma_wait3A_493, %dma_wait3A_494] : memref<2x64xi32, #tpu.memory_space<vmem>> -> memref<1x64xi32, #tpu.memory_space<vmem>>
        %dma_wait3A_496 = tpu.memref_squeeze %dma_wait3A_495 : memref<1x64xi32, #tpu.memory_space<vmem>> -> memref<64xi32, #tpu.memory_space<vmem>>
        %dma_wait3A_497 = arith.constant 0 : i32
        %dma_wait3A_498 = arith.constant 0 : i32
        %dma_wait3A_499 = tpu.memref_slice %arg20[%dma_wait3A_497, %dma_wait3A_498] : memref<10240x128xf32, #tpu.memory_space<vmem_shared>> -> memref<10240x128xf32, #tpu.memory_space<vmem_shared>>
        tpu.wait_indirect_dma semaphore(%arg39 : memref<!tpu.dma_semaphore, #tpu.memory_space<semaphore_mem>>) src(%arg18 : memref<64x128xf32, #tpu.memory_space<vmem>>) dst(%dma_wait3A_499 : memref<10240x128xf32, #tpu.memory_space<vmem_shared>>)
      } else {
      }
      %add3A_170 = arith.constant 4 : i32
      %add3A_171 = arith.addi %add3A_167, %add3A_170 : i32
      %lt3A = arith.cmpi slt, %add3A_171, %select_n3A : i32
      %convert_element_type3A_172 = arith.extui %lt3A : i1 to i32
      %cond3A_173 = arith.constant 0 : i32
      %cond3A_174 = arith.cmpi ne, %convert_element_type3A_172, %cond3A_173 : i32
      scf.if %cond3A_174 {
        %add3A_493 = arith.addi %select_n3A_21, %add3A_167 : i32
        %add3A_494 = arith.constant 4 : i32
        %add3A_495 = arith.addi %add3A_493, %add3A_494 : i32
        %dma_start3A_496 = arith.constant 0 : i32
        %dma_start3A_497 = arith.constant 0 : i32
        %dma_start3A_498 = tpu.memref_slice %arg3[%add3A_495, %dma_start3A_496, %dma_start3A_497] : memref<5120x2x64xi32, #tpu.memory_space<hbm>> -> memref<1x2x64xi32, #tpu.memory_space<hbm>>
        %dma_start3A_499 = tpu.memref_squeeze %dma_start3A_498 : memref<1x2x64xi32, #tpu.memory_space<hbm>> -> memref<2x64xi32, #tpu.memory_space<hbm>>
        %dma_start3A_500 = arith.constant 0 : i32
        %dma_start3A_501 = arith.constant 0 : i32
        %dma_start3A_502 = tpu.memref_slice %arg3[%add3A_495, %dma_start3A_500, %dma_start3A_501] : memref<5120x2x64xi32, #tpu.memory_space<hbm>> -> memref<1x2x64xi32, #tpu.memory_space<hbm>>
        %dma_start3A_503 = tpu.memref_squeeze %dma_start3A_502 : memref<1x2x64xi32, #tpu.memory_space<hbm>> -> memref<2x64xi32, #tpu.memory_space<hbm>>
        tpu.enqueue_dma source(%dma_start3A_503 : memref<2x64xi32, #tpu.memory_space<hbm>>) target(%arg9 : memref<2x64xi32, #tpu.memory_space<vmem>>) target_semaphore(%arg25 : memref<!tpu.dma_semaphore, #tpu.memory_space<semaphore_mem>>)
      } else {
      }
      %add3A_175 = arith.constant 3 : i32
      %add3A_176 = arith.addi %add3A_167, %add3A_175 : i32
      %lt3A_177 = arith.cmpi slt, %add3A_176, %select_n3A : i32
      %convert_element_type3A_178 = arith.extui %lt3A_177 : i1 to i32
      %cond3A_179 = arith.constant 0 : i32
      %cond3A_180 = arith.cmpi ne, %convert_element_type3A_178, %cond3A_179 : i32
      scf.if %cond3A_180 {
        %add3A_493 = arith.addi %select_n3A_21, %add3A_167 : i32
        %add3A_494 = arith.constant 3 : i32
        %add3A_495 = arith.addi %add3A_493, %add3A_494 : i32
        %dma_wait3A_496 = arith.constant 0 : i32
        %dma_wait3A_497 = arith.constant 0 : i32
        %dma_wait3A_498 = tpu.memref_slice %arg3[%add3A_495, %dma_wait3A_496, %dma_wait3A_497] : memref<5120x2x64xi32, #tpu.memory_space<hbm>> -> memref<1x2x64xi32, #tpu.memory_space<hbm>>
        %dma_wait3A_499 = tpu.memref_squeeze %dma_wait3A_498 : memref<1x2x64xi32, #tpu.memory_space<hbm>> -> memref<2x64xi32, #tpu.memory_space<hbm>>
        %dma_wait3A_500 = arith.constant 0 : i32
        %dma_wait3A_501 = arith.constant 0 : i32
        %dma_wait3A_502 = tpu.memref_slice %arg3[%add3A_495, %dma_wait3A_500, %dma_wait3A_501] : memref<5120x2x64xi32, #tpu.memory_space<hbm>> -> memref<1x2x64xi32, #tpu.memory_space<hbm>>
        %dma_wait3A_503 = tpu.memref_squeeze %dma_wait3A_502 : memref<1x2x64xi32, #tpu.memory_space<hbm>> -> memref<2x64xi32, #tpu.memory_space<hbm>>
        tpu.wait_dma2 semaphore(%arg24 : memref<!tpu.dma_semaphore, #tpu.memory_space<semaphore_mem>>) src(%dma_wait3A_503 : memref<2x64xi32, #tpu.memory_space<hbm>>) dst(%arg8 : memref<2x64xi32, #tpu.memory_space<vmem>>)
        %dma_start3A_504 = arith.constant 0 : i32
        %dma_start3A_505 = arith.constant 0 : i32
        %dma_start3A_506 = tpu.memref_slice %arg8[%dma_start3A_504, %dma_start3A_505] : memref<2x64xi32, #tpu.memory_space<vmem>> -> memref<1x64xi32, #tpu.memory_space<vmem>>
        %dma_start3A_507 = tpu.memref_squeeze %dma_start3A_506 : memref<1x64xi32, #tpu.memory_space<vmem>> -> memref<64xi32, #tpu.memory_space<vmem>>
        %dma_start3A_508 = arith.constant 0 : i32
        %dma_start3A_509 = arith.constant 0 : i32
        %dma_start3A_510 = tpu.memref_slice %arg2[%dma_start3A_508, %dma_start3A_509] : memref<10240x128xf32, #tpu.memory_space<hbm>> -> memref<10240x128xf32, #tpu.memory_space<hbm>>
        tpu.enqueue_indirect_dma source(%dma_start3A_510 : memref<10240x128xf32, #tpu.memory_space<hbm>>) target(%arg18 : memref<64x128xf32, #tpu.memory_space<vmem>>) offsets(%dma_start3A_507 : memref<64xi32, #tpu.memory_space<vmem>>) semaphore(%arg34 : memref<!tpu.dma_semaphore, #tpu.memory_space<semaphore_mem>>)
      } else {
      }
      %dma_wait3A_181 = arith.constant 0 : i32
      %dma_wait3A_182 = arith.constant 0 : i32
      %dma_wait3A_183 = tpu.memref_slice %arg5[%dma_wait3A_181, %dma_wait3A_182] : memref<2x64xi32, #tpu.memory_space<vmem>> -> memref<1x64xi32, #tpu.memory_space<vmem>>
      %dma_wait3A_184 = tpu.memref_squeeze %dma_wait3A_183 : memref<1x64xi32, #tpu.memory_space<vmem>> -> memref<64xi32, #tpu.memory_space<vmem>>
      %dma_wait3A_185 = arith.constant 0 : i32
      %dma_wait3A_186 = arith.constant 0 : i32
      %dma_wait3A_187 = tpu.memref_slice %arg2[%dma_wait3A_185, %dma_wait3A_186] : memref<10240x128xf32, #tpu.memory_space<hbm>> -> memref<10240x128xf32, #tpu.memory_space<hbm>>
      tpu.wait_indirect_dma semaphore(%arg31 : memref<!tpu.dma_semaphore, #tpu.memory_space<semaphore_mem>>) src(%dma_wait3A_187 : memref<10240x128xf32, #tpu.memory_space<hbm>>) dst(%arg15 : memref<64x128xf32, #tpu.memory_space<vmem>>)
      %dma_start3A_188 = arith.constant 1 : i32
      %dma_start3A_189 = arith.constant 0 : i32
      %dma_start3A_190 = tpu.memref_slice %arg5[%dma_start3A_188, %dma_start3A_189] : memref<2x64xi32, #tpu.memory_space<vmem>> -> memref<1x64xi32, #tpu.memory_space<vmem>>
      %dma_start3A_191 = tpu.memref_squeeze %dma_start3A_190 : memref<1x64xi32, #tpu.memory_space<vmem>> -> memref<64xi32, #tpu.memory_space<vmem>>
      %dma_start3A_192 = arith.constant 0 : i32
      %dma_start3A_193 = arith.constant 0 : i32
      %dma_start3A_194 = tpu.memref_slice %arg20[%dma_start3A_192, %dma_start3A_193] : memref<10240x128xf32, #tpu.memory_space<vmem_shared>> -> memref<10240x128xf32, #tpu.memory_space<vmem_shared>>
      tpu.enqueue_indirect_dma source(%arg15 : memref<64x128xf32, #tpu.memory_space<vmem>>) target(%dma_start3A_194 : memref<10240x128xf32, #tpu.memory_space<vmem_shared>>) offsets(%dma_start3A_191 : memref<64xi32, #tpu.memory_space<vmem>>) semaphore(%arg36 : memref<!tpu.dma_semaphore, #tpu.memory_space<semaphore_mem>>) {add = true}
      %add3A_195 = arith.constant 1 : i32
      %add3A_196 = arith.addi %mul3A_165, %add3A_195 : i32
      %ge3A_197 = arith.constant 2 : i32
      %ge3A_198 = arith.cmpi sge, %add3A_196, %ge3A_197 : i32
      %convert_element_type3A_199 = arith.extui %ge3A_198 : i1 to i32
      %cond3A_200 = arith.constant 0 : i32
      %cond3A_201 = arith.cmpi ne, %convert_element_type3A_199, %cond3A_200 : i32
      scf.if %cond3A_201 {
        %dma_wait3A_493 = arith.constant 1 : i32
        %dma_wait3A_494 = arith.constant 0 : i32
        %dma_wait3A_495 = tpu.memref_slice %arg14[%dma_wait3A_493, %dma_wait3A_494] : memref<2x64xi32, #tpu.memory_space<vmem>> -> memref<1x64xi32, #tpu.memory_space<vmem>>
        %dma_wait3A_496 = tpu.memref_squeeze %dma_wait3A_495 : memref<1x64xi32, #tpu.memory_space<vmem>> -> memref<64xi32, #tpu.memory_space<vmem>>
        %dma_wait3A_497 = arith.constant 0 : i32
        %dma_wait3A_498 = arith.constant 0 : i32
        %dma_wait3A_499 = tpu.memref_slice %arg20[%dma_wait3A_497, %dma_wait3A_498] : memref<10240x128xf32, #tpu.memory_space<vmem_shared>> -> memref<10240x128xf32, #tpu.memory_space<vmem_shared>>
        tpu.wait_indirect_dma semaphore(%arg40 : memref<!tpu.dma_semaphore, #tpu.memory_space<semaphore_mem>>) src(%arg19 : memref<64x128xf32, #tpu.memory_space<vmem>>) dst(%dma_wait3A_499 : memref<10240x128xf32, #tpu.memory_space<vmem_shared>>)
      } else {
      }
      %add3A_202 = arith.constant 4 : i32
      %add3A_203 = arith.addi %add3A_196, %add3A_202 : i32
      %lt3A_204 = arith.cmpi slt, %add3A_203, %select_n3A : i32
      %convert_element_type3A_205 = arith.extui %lt3A_204 : i1 to i32
      %cond3A_206 = arith.constant 0 : i32
      %cond3A_207 = arith.cmpi ne, %convert_element_type3A_205, %cond3A_206 : i32
      scf.if %cond3A_207 {
        %add3A_493 = arith.addi %select_n3A_21, %add3A_196 : i32
        %add3A_494 = arith.constant 4 : i32
        %add3A_495 = arith.addi %add3A_493, %add3A_494 : i32
        %dma_start3A_496 = arith.constant 0 : i32
        %dma_start3A_497 = arith.constant 0 : i32
        %dma_start3A_498 = tpu.memref_slice %arg3[%add3A_495, %dma_start3A_496, %dma_start3A_497] : memref<5120x2x64xi32, #tpu.memory_space<hbm>> -> memref<1x2x64xi32, #tpu.memory_space<hbm>>
        %dma_start3A_499 = tpu.memref_squeeze %dma_start3A_498 : memref<1x2x64xi32, #tpu.memory_space<hbm>> -> memref<2x64xi32, #tpu.memory_space<hbm>>
        %dma_start3A_500 = arith.constant 0 : i32
        %dma_start3A_501 = arith.constant 0 : i32
        %dma_start3A_502 = tpu.memref_slice %arg3[%add3A_495, %dma_start3A_500, %dma_start3A_501] : memref<5120x2x64xi32, #tpu.memory_space<hbm>> -> memref<1x2x64xi32, #tpu.memory_space<hbm>>
        %dma_start3A_503 = tpu.memref_squeeze %dma_start3A_502 : memref<1x2x64xi32, #tpu.memory_space<hbm>> -> memref<2x64xi32, #tpu.memory_space<hbm>>
        tpu.enqueue_dma source(%dma_start3A_503 : memref<2x64xi32, #tpu.memory_space<hbm>>) target(%arg10 : memref<2x64xi32, #tpu.memory_space<vmem>>) target_semaphore(%arg26 : memref<!tpu.dma_semaphore, #tpu.memory_space<semaphore_mem>>)
      } else {
      }
      %add3A_208 = arith.constant 3 : i32
      %add3A_209 = arith.addi %add3A_196, %add3A_208 : i32
      %lt3A_210 = arith.cmpi slt, %add3A_209, %select_n3A : i32
      %convert_element_type3A_211 = arith.extui %lt3A_210 : i1 to i32
      %cond3A_212 = arith.constant 0 : i32
      %cond3A_213 = arith.cmpi ne, %convert_element_type3A_211, %cond3A_212 : i32
      scf.if %cond3A_213 {
        %add3A_493 = arith.addi %select_n3A_21, %add3A_196 : i32
        %add3A_494 = arith.constant 3 : i32
        %add3A_495 = arith.addi %add3A_493, %add3A_494 : i32
        %dma_wait3A_496 = arith.constant 0 : i32
        %dma_wait3A_497 = arith.constant 0 : i32
        %dma_wait3A_498 = tpu.memref_slice %arg3[%add3A_495, %dma_wait3A_496, %dma_wait3A_497] : memref<5120x2x64xi32, #tpu.memory_space<hbm>> -> memref<1x2x64xi32, #tpu.memory_space<hbm>>
        %dma_wait3A_499 = tpu.memref_squeeze %dma_wait3A_498 : memref<1x2x64xi32, #tpu.memory_space<hbm>> -> memref<2x64xi32, #tpu.memory_space<hbm>>
        %dma_wait3A_500 = arith.constant 0 : i32
        %dma_wait3A_501 = arith.constant 0 : i32
        %dma_wait3A_502 = tpu.memref_slice %arg3[%add3A_495, %dma_wait3A_500, %dma_wait3A_501] : memref<5120x2x64xi32, #tpu.memory_space<hbm>> -> memref<1x2x64xi32, #tpu.memory_space<hbm>>
        %dma_wait3A_503 = tpu.memref_squeeze %dma_wait3A_502 : memref<1x2x64xi32, #tpu.memory_space<hbm>> -> memref<2x64xi32, #tpu.memory_space<hbm>>
        tpu.wait_dma2 semaphore(%arg25 : memref<!tpu.dma_semaphore, #tpu.memory_space<semaphore_mem>>) src(%dma_wait3A_503 : memref<2x64xi32, #tpu.memory_space<hbm>>) dst(%arg9 : memref<2x64xi32, #tpu.memory_space<vmem>>)
        %dma_start3A_504 = arith.constant 0 : i32
        %dma_start3A_505 = arith.constant 0 : i32
        %dma_start3A_506 = tpu.memref_slice %arg9[%dma_start3A_504, %dma_start3A_505] : memref<2x64xi32, #tpu.memory_space<vmem>> -> memref<1x64xi32, #tpu.memory_space<vmem>>
        %dma_start3A_507 = tpu.memref_squeeze %dma_start3A_506 : memref<1x64xi32, #tpu.memory_space<vmem>> -> memref<64xi32, #tpu.memory_space<vmem>>
        %dma_start3A_508 = arith.constant 0 : i32
        %dma_start3A_509 = arith.constant 0 : i32
        %dma_start3A_510 = tpu.memref_slice %arg2[%dma_start3A_508, %dma_start3A_509] : memref<10240x128xf32, #tpu.memory_space<hbm>> -> memref<10240x128xf32, #tpu.memory_space<hbm>>
        tpu.enqueue_indirect_dma source(%dma_start3A_510 : memref<10240x128xf32, #tpu.memory_space<hbm>>) target(%arg19 : memref<64x128xf32, #tpu.memory_space<vmem>>) offsets(%dma_start3A_507 : memref<64xi32, #tpu.memory_space<vmem>>) semaphore(%arg35 : memref<!tpu.dma_semaphore, #tpu.memory_space<semaphore_mem>>)
      } else {
      }
      %dma_wait3A_214 = arith.constant 0 : i32
      %dma_wait3A_215 = arith.constant 0 : i32
      %dma_wait3A_216 = tpu.memref_slice %arg6[%dma_wait3A_214, %dma_wait3A_215] : memref<2x64xi32, #tpu.memory_space<vmem>> -> memref<1x64xi32, #tpu.memory_space<vmem>>
      %dma_wait3A_217 = tpu.memref_squeeze %dma_wait3A_216 : memref<1x64xi32, #tpu.memory_space<vmem>> -> memref<64xi32, #tpu.memory_space<vmem>>
      %dma_wait3A_218 = arith.constant 0 : i32
      %dma_wait3A_219 = arith.constant 0 : i32
      %dma_wait3A_220 = tpu.memref_slice %arg2[%dma_wait3A_218, %dma_wait3A_219] : memref<10240x128xf32, #tpu.memory_space<hbm>> -> memref<10240x128xf32, #tpu.memory_space<hbm>>
      tpu.wait_indirect_dma semaphore(%arg32 : memref<!tpu.dma_semaphore, #tpu.memory_space<semaphore_mem>>) src(%dma_wait3A_220 : memref<10240x128xf32, #tpu.memory_space<hbm>>) dst(%arg16 : memref<64x128xf32, #tpu.memory_space<vmem>>)
      %dma_start3A_221 = arith.constant 1 : i32
      %dma_start3A_222 = arith.constant 0 : i32
      %dma_start3A_223 = tpu.memref_slice %arg6[%dma_start3A_221, %dma_start3A_222] : memref<2x64xi32, #tpu.memory_space<vmem>> -> memref<1x64xi32, #tpu.memory_space<vmem>>
      %dma_start3A_224 = tpu.memref_squeeze %dma_start3A_223 : memref<1x64xi32, #tpu.memory_space<vmem>> -> memref<64xi32, #tpu.memory_space<vmem>>
      %dma_start3A_225 = arith.constant 0 : i32
      %dma_start3A_226 = arith.constant 0 : i32
      %dma_start3A_227 = tpu.memref_slice %arg20[%dma_start3A_225, %dma_start3A_226] : memref<10240x128xf32, #tpu.memory_space<vmem_shared>> -> memref<10240x128xf32, #tpu.memory_space<vmem_shared>>
      tpu.enqueue_indirect_dma source(%arg16 : memref<64x128xf32, #tpu.memory_space<vmem>>) target(%dma_start3A_227 : memref<10240x128xf32, #tpu.memory_space<vmem_shared>>) offsets(%dma_start3A_224 : memref<64xi32, #tpu.memory_space<vmem>>) semaphore(%arg37 : memref<!tpu.dma_semaphore, #tpu.memory_space<semaphore_mem>>) {add = true}
      %add3A_228 = arith.constant 2 : i32
      %add3A_229 = arith.addi %mul3A_165, %add3A_228 : i32
      %ge3A_230 = arith.constant 2 : i32
      %ge3A_231 = arith.cmpi sge, %add3A_229, %ge3A_230 : i32
      %convert_element_type3A_232 = arith.extui %ge3A_231 : i1 to i32
      %cond3A_233 = arith.constant 0 : i32
      %cond3A_234 = arith.cmpi ne, %convert_element_type3A_232, %cond3A_233 : i32
      scf.if %cond3A_234 {
        %dma_wait3A_493 = arith.constant 1 : i32
        %dma_wait3A_494 = arith.constant 0 : i32
        %dma_wait3A_495 = tpu.memref_slice %arg5[%dma_wait3A_493, %dma_wait3A_494] : memref<2x64xi32, #tpu.memory_space<vmem>> -> memref<1x64xi32, #tpu.memory_space<vmem>>
        %dma_wait3A_496 = tpu.memref_squeeze %dma_wait3A_495 : memref<1x64xi32, #tpu.memory_space<vmem>> -> memref<64xi32, #tpu.memory_space<vmem>>
        %dma_wait3A_497 = arith.constant 0 : i32
        %dma_wait3A_498 = arith.constant 0 : i32
        %dma_wait3A_499 = tpu.memref_slice %arg20[%dma_wait3A_497, %dma_wait3A_498] : memref<10240x128xf32, #tpu.memory_space<vmem_shared>> -> memref<10240x128xf32, #tpu.memory_space<vmem_shared>>
        tpu.wait_indirect_dma semaphore(%arg36 : memref<!tpu.dma_semaphore, #tpu.memory_space<semaphore_mem>>) src(%arg15 : memref<64x128xf32, #tpu.memory_space<vmem>>) dst(%dma_wait3A_499 : memref<10240x128xf32, #tpu.memory_space<vmem_shared>>)
      } else {
      }
      %add3A_235 = arith.constant 4 : i32
      %add3A_236 = arith.addi %add3A_229, %add3A_235 : i32
      %lt3A_237 = arith.cmpi slt, %add3A_236, %select_n3A : i32
      %convert_element_type3A_238 = arith.extui %lt3A_237 : i1 to i32
      %cond3A_239 = arith.constant 0 : i32
      %cond3A_240 = arith.cmpi ne, %convert_element_type3A_238, %cond3A_239 : i32
      scf.if %cond3A_240 {
        %add3A_493 = arith.addi %select_n3A_21, %add3A_229 : i32
        %add3A_494 = arith.constant 4 : i32
        %add3A_495 = arith.addi %add3A_493, %add3A_494 : i32
        %dma_start3A_496 = arith.constant 0 : i32
        %dma_start3A_497 = arith.constant 0 : i32
        %dma_start3A_498 = tpu.memref_slice %arg3[%add3A_495, %dma_start3A_496, %dma_start3A_497] : memref<5120x2x64xi32, #tpu.memory_space<hbm>> -> memref<1x2x64xi32, #tpu.memory_space<hbm>>
        %dma_start3A_499 = tpu.memref_squeeze %dma_start3A_498 : memref<1x2x64xi32, #tpu.memory_space<hbm>> -> memref<2x64xi32, #tpu.memory_space<hbm>>
        %dma_start3A_500 = arith.constant 0 : i32
        %dma_start3A_501 = arith.constant 0 : i32
        %dma_start3A_502 = tpu.memref_slice %arg3[%add3A_495, %dma_start3A_500, %dma_start3A_501] : memref<5120x2x64xi32, #tpu.memory_space<hbm>> -> memref<1x2x64xi32, #tpu.memory_space<hbm>>
        %dma_start3A_503 = tpu.memref_squeeze %dma_start3A_502 : memref<1x2x64xi32, #tpu.memory_space<hbm>> -> memref<2x64xi32, #tpu.memory_space<hbm>>
        tpu.enqueue_dma source(%dma_start3A_503 : memref<2x64xi32, #tpu.memory_space<hbm>>) target(%arg11 : memref<2x64xi32, #tpu.memory_space<vmem>>) target_semaphore(%arg27 : memref<!tpu.dma_semaphore, #tpu.memory_space<semaphore_mem>>)
      } else {
      }
      %add3A_241 = arith.constant 3 : i32
      %add3A_242 = arith.addi %add3A_229, %add3A_241 : i32
      %lt3A_243 = arith.cmpi slt, %add3A_242, %select_n3A : i32
      %convert_element_type3A_244 = arith.extui %lt3A_243 : i1 to i32
      %cond3A_245 = arith.constant 0 : i32
      %cond3A_246 = arith.cmpi ne, %convert_element_type3A_244, %cond3A_245 : i32
      scf.if %cond3A_246 {
        %add3A_493 = arith.addi %select_n3A_21, %add3A_229 : i32
        %add3A_494 = arith.constant 3 : i32
        %add3A_495 = arith.addi %add3A_493, %add3A_494 : i32
        %dma_wait3A_496 = arith.constant 0 : i32
        %dma_wait3A_497 = arith.constant 0 : i32
        %dma_wait3A_498 = tpu.memref_slice %arg3[%add3A_495, %dma_wait3A_496, %dma_wait3A_497] : memref<5120x2x64xi32, #tpu.memory_space<hbm>> -> memref<1x2x64xi32, #tpu.memory_space<hbm>>
        %dma_wait3A_499 = tpu.memref_squeeze %dma_wait3A_498 : memref<1x2x64xi32, #tpu.memory_space<hbm>> -> memref<2x64xi32, #tpu.memory_space<hbm>>
        %dma_wait3A_500 = arith.constant 0 : i32
        %dma_wait3A_501 = arith.constant 0 : i32
        %dma_wait3A_502 = tpu.memref_slice %arg3[%add3A_495, %dma_wait3A_500, %dma_wait3A_501] : memref<5120x2x64xi32, #tpu.memory_space<hbm>> -> memref<1x2x64xi32, #tpu.memory_space<hbm>>
        %dma_wait3A_503 = tpu.memref_squeeze %dma_wait3A_502 : memref<1x2x64xi32, #tpu.memory_space<hbm>> -> memref<2x64xi32, #tpu.memory_space<hbm>>
        tpu.wait_dma2 semaphore(%arg26 : memref<!tpu.dma_semaphore, #tpu.memory_space<semaphore_mem>>) src(%dma_wait3A_503 : memref<2x64xi32, #tpu.memory_space<hbm>>) dst(%arg10 : memref<2x64xi32, #tpu.memory_space<vmem>>)
        %dma_start3A_504 = arith.constant 0 : i32
        %dma_start3A_505 = arith.constant 0 : i32
        %dma_start3A_506 = tpu.memref_slice %arg10[%dma_start3A_504, %dma_start3A_505] : memref<2x64xi32, #tpu.memory_space<vmem>> -> memref<1x64xi32, #tpu.memory_space<vmem>>
        %dma_start3A_507 = tpu.memref_squeeze %dma_start3A_506 : memref<1x64xi32, #tpu.memory_space<vmem>> -> memref<64xi32, #tpu.memory_space<vmem>>
        %dma_start3A_508 = arith.constant 0 : i32
        %dma_start3A_509 = arith.constant 0 : i32
        %dma_start3A_510 = tpu.memref_slice %arg2[%dma_start3A_508, %dma_start3A_509] : memref<10240x128xf32, #tpu.memory_space<hbm>> -> memref<10240x128xf32, #tpu.memory_space<hbm>>
        tpu.enqueue_indirect_dma source(%dma_start3A_510 : memref<10240x128xf32, #tpu.memory_space<hbm>>) target(%arg15 : memref<64x128xf32, #tpu.memory_space<vmem>>) offsets(%dma_start3A_507 : memref<64xi32, #tpu.memory_space<vmem>>) semaphore(%arg31 : memref<!tpu.dma_semaphore, #tpu.memory_space<semaphore_mem>>)
      } else {
      }
      %dma_wait3A_247 = arith.constant 0 : i32
      %dma_wait3A_248 = arith.constant 0 : i32
      %dma_wait3A_249 = tpu.memref_slice %arg7[%dma_wait3A_247, %dma_wait3A_248] : memref<2x64xi32, #tpu.memory_space<vmem>> -> memref<1x64xi32, #tpu.memory_space<vmem>>
      %dma_wait3A_250 = tpu.memref_squeeze %dma_wait3A_249 : memref<1x64xi32, #tpu.memory_space<vmem>> -> memref<64xi32, #tpu.memory_space<vmem>>
      %dma_wait3A_251 = arith.constant 0 : i32
      %dma_wait3A_252 = arith.constant 0 : i32
      %dma_wait3A_253 = tpu.memref_slice %arg2[%dma_wait3A_251, %dma_wait3A_252] : memref<10240x128xf32, #tpu.memory_space<hbm>> -> memref<10240x128xf32, #tpu.memory_space<hbm>>
      tpu.wait_indirect_dma semaphore(%arg33 : memref<!tpu.dma_semaphore, #tpu.memory_space<semaphore_mem>>) src(%dma_wait3A_253 : memref<10240x128xf32, #tpu.memory_space<hbm>>) dst(%arg17 : memref<64x128xf32, #tpu.memory_space<vmem>>)
      %dma_start3A_254 = arith.constant 1 : i32
      %dma_start3A_255 = arith.constant 0 : i32
      %dma_start3A_256 = tpu.memref_slice %arg7[%dma_start3A_254, %dma_start3A_255] : memref<2x64xi32, #tpu.memory_space<vmem>> -> memref<1x64xi32, #tpu.memory_space<vmem>>
      %dma_start3A_257 = tpu.memref_squeeze %dma_start3A_256 : memref<1x64xi32, #tpu.memory_space<vmem>> -> memref<64xi32, #tpu.memory_space<vmem>>
      %dma_start3A_258 = arith.constant 0 : i32
      %dma_start3A_259 = arith.constant 0 : i32
      %dma_start3A_260 = tpu.memref_slice %arg20[%dma_start3A_258, %dma_start3A_259] : memref<10240x128xf32, #tpu.memory_space<vmem_shared>> -> memref<10240x128xf32, #tpu.memory_space<vmem_shared>>
      tpu.enqueue_indirect_dma source(%arg17 : memref<64x128xf32, #tpu.memory_space<vmem>>) target(%dma_start3A_260 : memref<10240x128xf32, #tpu.memory_space<vmem_shared>>) offsets(%dma_start3A_257 : memref<64xi32, #tpu.memory_space<vmem>>) semaphore(%arg38 : memref<!tpu.dma_semaphore, #tpu.memory_space<semaphore_mem>>) {add = true}
      %add3A_261 = arith.constant 3 : i32
      %add3A_262 = arith.addi %mul3A_165, %add3A_261 : i32
      %ge3A_263 = arith.constant 2 : i32
      %ge3A_264 = arith.cmpi sge, %add3A_262, %ge3A_263 : i32
      %convert_element_type3A_265 = arith.extui %ge3A_264 : i1 to i32
      %cond3A_266 = arith.constant 0 : i32
      %cond3A_267 = arith.cmpi ne, %convert_element_type3A_265, %cond3A_266 : i32
      scf.if %cond3A_267 {
        %dma_wait3A_493 = arith.constant 1 : i32
        %dma_wait3A_494 = arith.constant 0 : i32
        %dma_wait3A_495 = tpu.memref_slice %arg6[%dma_wait3A_493, %dma_wait3A_494] : memref<2x64xi32, #tpu.memory_space<vmem>> -> memref<1x64xi32, #tpu.memory_space<vmem>>
        %dma_wait3A_496 = tpu.memref_squeeze %dma_wait3A_495 : memref<1x64xi32, #tpu.memory_space<vmem>> -> memref<64xi32, #tpu.memory_space<vmem>>
        %dma_wait3A_497 = arith.constant 0 : i32
        %dma_wait3A_498 = arith.constant 0 : i32
        %dma_wait3A_499 = tpu.memref_slice %arg20[%dma_wait3A_497, %dma_wait3A_498] : memref<10240x128xf32, #tpu.memory_space<vmem_shared>> -> memref<10240x128xf32, #tpu.memory_space<vmem_shared>>
        tpu.wait_indirect_dma semaphore(%arg37 : memref<!tpu.dma_semaphore, #tpu.memory_space<semaphore_mem>>) src(%arg16 : memref<64x128xf32, #tpu.memory_space<vmem>>) dst(%dma_wait3A_499 : memref<10240x128xf32, #tpu.memory_space<vmem_shared>>)
      } else {
      }
      %add3A_268 = arith.constant 4 : i32
      %add3A_269 = arith.addi %add3A_262, %add3A_268 : i32
      %lt3A_270 = arith.cmpi slt, %add3A_269, %select_n3A : i32
      %convert_element_type3A_271 = arith.extui %lt3A_270 : i1 to i32
      %cond3A_272 = arith.constant 0 : i32
      %cond3A_273 = arith.cmpi ne, %convert_element_type3A_271, %cond3A_272 : i32
      scf.if %cond3A_273 {
        %add3A_493 = arith.addi %select_n3A_21, %add3A_262 : i32
        %add3A_494 = arith.constant 4 : i32
        %add3A_495 = arith.addi %add3A_493, %add3A_494 : i32
        %dma_start3A_496 = arith.constant 0 : i32
        %dma_start3A_497 = arith.constant 0 : i32
        %dma_start3A_498 = tpu.memref_slice %arg3[%add3A_495, %dma_start3A_496, %dma_start3A_497] : memref<5120x2x64xi32, #tpu.memory_space<hbm>> -> memref<1x2x64xi32, #tpu.memory_space<hbm>>
        %dma_start3A_499 = tpu.memref_squeeze %dma_start3A_498 : memref<1x2x64xi32, #tpu.memory_space<hbm>> -> memref<2x64xi32, #tpu.memory_space<hbm>>
        %dma_start3A_500 = arith.constant 0 : i32
        %dma_start3A_501 = arith.constant 0 : i32
        %dma_start3A_502 = tpu.memref_slice %arg3[%add3A_495, %dma_start3A_500, %dma_start3A_501] : memref<5120x2x64xi32, #tpu.memory_space<hbm>> -> memref<1x2x64xi32, #tpu.memory_space<hbm>>
        %dma_start3A_503 = tpu.memref_squeeze %dma_start3A_502 : memref<1x2x64xi32, #tpu.memory_space<hbm>> -> memref<2x64xi32, #tpu.memory_space<hbm>>
        tpu.enqueue_dma source(%dma_start3A_503 : memref<2x64xi32, #tpu.memory_space<hbm>>) target(%arg12 : memref<2x64xi32, #tpu.memory_space<vmem>>) target_semaphore(%arg28 : memref<!tpu.dma_semaphore, #tpu.memory_space<semaphore_mem>>)
      } else {
      }
      %add3A_274 = arith.constant 3 : i32
      %add3A_275 = arith.addi %add3A_262, %add3A_274 : i32
      %lt3A_276 = arith.cmpi slt, %add3A_275, %select_n3A : i32
      %convert_element_type3A_277 = arith.extui %lt3A_276 : i1 to i32
      %cond3A_278 = arith.constant 0 : i32
      %cond3A_279 = arith.cmpi ne, %convert_element_type3A_277, %cond3A_278 : i32
      scf.if %cond3A_279 {
        %add3A_493 = arith.addi %select_n3A_21, %add3A_262 : i32
        %add3A_494 = arith.constant 3 : i32
        %add3A_495 = arith.addi %add3A_493, %add3A_494 : i32
        %dma_wait3A_496 = arith.constant 0 : i32
        %dma_wait3A_497 = arith.constant 0 : i32
        %dma_wait3A_498 = tpu.memref_slice %arg3[%add3A_495, %dma_wait3A_496, %dma_wait3A_497] : memref<5120x2x64xi32, #tpu.memory_space<hbm>> -> memref<1x2x64xi32, #tpu.memory_space<hbm>>
        %dma_wait3A_499 = tpu.memref_squeeze %dma_wait3A_498 : memref<1x2x64xi32, #tpu.memory_space<hbm>> -> memref<2x64xi32, #tpu.memory_space<hbm>>
        %dma_wait3A_500 = arith.constant 0 : i32
        %dma_wait3A_501 = arith.constant 0 : i32
        %dma_wait3A_502 = tpu.memref_slice %arg3[%add3A_495, %dma_wait3A_500, %dma_wait3A_501] : memref<5120x2x64xi32, #tpu.memory_space<hbm>> -> memref<1x2x64xi32, #tpu.memory_space<hbm>>
        %dma_wait3A_503 = tpu.memref_squeeze %dma_wait3A_502 : memref<1x2x64xi32, #tpu.memory_space<hbm>> -> memref<2x64xi32, #tpu.memory_space<hbm>>
        tpu.wait_dma2 semaphore(%arg27 : memref<!tpu.dma_semaphore, #tpu.memory_space<semaphore_mem>>) src(%dma_wait3A_503 : memref<2x64xi32, #tpu.memory_space<hbm>>) dst(%arg11 : memref<2x64xi32, #tpu.memory_space<vmem>>)
        %dma_start3A_504 = arith.constant 0 : i32
        %dma_start3A_505 = arith.constant 0 : i32
        %dma_start3A_506 = tpu.memref_slice %arg11[%dma_start3A_504, %dma_start3A_505] : memref<2x64xi32, #tpu.memory_space<vmem>> -> memref<1x64xi32, #tpu.memory_space<vmem>>
        %dma_start3A_507 = tpu.memref_squeeze %dma_start3A_506 : memref<1x64xi32, #tpu.memory_space<vmem>> -> memref<64xi32, #tpu.memory_space<vmem>>
        %dma_start3A_508 = arith.constant 0 : i32
        %dma_start3A_509 = arith.constant 0 : i32
        %dma_start3A_510 = tpu.memref_slice %arg2[%dma_start3A_508, %dma_start3A_509] : memref<10240x128xf32, #tpu.memory_space<hbm>> -> memref<10240x128xf32, #tpu.memory_space<hbm>>
        tpu.enqueue_indirect_dma source(%dma_start3A_510 : memref<10240x128xf32, #tpu.memory_space<hbm>>) target(%arg16 : memref<64x128xf32, #tpu.memory_space<vmem>>) offsets(%dma_start3A_507 : memref<64xi32, #tpu.memory_space<vmem>>) semaphore(%arg32 : memref<!tpu.dma_semaphore, #tpu.memory_space<semaphore_mem>>)
      } else {
      }
      %dma_wait3A_280 = arith.constant 0 : i32
      %dma_wait3A_281 = arith.constant 0 : i32
      %dma_wait3A_282 = tpu.memref_slice %arg8[%dma_wait3A_280, %dma_wait3A_281] : memref<2x64xi32, #tpu.memory_space<vmem>> -> memref<1x64xi32, #tpu.memory_space<vmem>>
      %dma_wait3A_283 = tpu.memref_squeeze %dma_wait3A_282 : memref<1x64xi32, #tpu.memory_space<vmem>> -> memref<64xi32, #tpu.memory_space<vmem>>
      %dma_wait3A_284 = arith.constant 0 : i32
      %dma_wait3A_285 = arith.constant 0 : i32
      %dma_wait3A_286 = tpu.memref_slice %arg2[%dma_wait3A_284, %dma_wait3A_285] : memref<10240x128xf32, #tpu.memory_space<hbm>> -> memref<10240x128xf32, #tpu.memory_space<hbm>>
      tpu.wait_indirect_dma semaphore(%arg34 : memref<!tpu.dma_semaphore, #tpu.memory_space<semaphore_mem>>) src(%dma_wait3A_286 : memref<10240x128xf32, #tpu.memory_space<hbm>>) dst(%arg18 : memref<64x128xf32, #tpu.memory_space<vmem>>)
      %dma_start3A_287 = arith.constant 1 : i32
      %dma_start3A_288 = arith.constant 0 : i32
      %dma_start3A_289 = tpu.memref_slice %arg8[%dma_start3A_287, %dma_start3A_288] : memref<2x64xi32, #tpu.memory_space<vmem>> -> memref<1x64xi32, #tpu.memory_space<vmem>>
      %dma_start3A_290 = tpu.memref_squeeze %dma_start3A_289 : memref<1x64xi32, #tpu.memory_space<vmem>> -> memref<64xi32, #tpu.memory_space<vmem>>
      %dma_start3A_291 = arith.constant 0 : i32
      %dma_start3A_292 = arith.constant 0 : i32
      %dma_start3A_293 = tpu.memref_slice %arg20[%dma_start3A_291, %dma_start3A_292] : memref<10240x128xf32, #tpu.memory_space<vmem_shared>> -> memref<10240x128xf32, #tpu.memory_space<vmem_shared>>
      tpu.enqueue_indirect_dma source(%arg18 : memref<64x128xf32, #tpu.memory_space<vmem>>) target(%dma_start3A_293 : memref<10240x128xf32, #tpu.memory_space<vmem_shared>>) offsets(%dma_start3A_290 : memref<64xi32, #tpu.memory_space<vmem>>) semaphore(%arg39 : memref<!tpu.dma_semaphore, #tpu.memory_space<semaphore_mem>>) {add = true}
      %add3A_294 = arith.constant 4 : i32
      %add3A_295 = arith.addi %mul3A_165, %add3A_294 : i32
      %ge3A_296 = arith.constant 2 : i32
      %ge3A_297 = arith.cmpi sge, %add3A_295, %ge3A_296 : i32
      %convert_element_type3A_298 = arith.extui %ge3A_297 : i1 to i32
      %cond3A_299 = arith.constant 0 : i32
      %cond3A_300 = arith.cmpi ne, %convert_element_type3A_298, %cond3A_299 : i32
      scf.if %cond3A_300 {
        %dma_wait3A_493 = arith.constant 1 : i32
        %dma_wait3A_494 = arith.constant 0 : i32
        %dma_wait3A_495 = tpu.memref_slice %arg7[%dma_wait3A_493, %dma_wait3A_494] : memref<2x64xi32, #tpu.memory_space<vmem>> -> memref<1x64xi32, #tpu.memory_space<vmem>>
        %dma_wait3A_496 = tpu.memref_squeeze %dma_wait3A_495 : memref<1x64xi32, #tpu.memory_space<vmem>> -> memref<64xi32, #tpu.memory_space<vmem>>
        %dma_wait3A_497 = arith.constant 0 : i32
        %dma_wait3A_498 = arith.constant 0 : i32
        %dma_wait3A_499 = tpu.memref_slice %arg20[%dma_wait3A_497, %dma_wait3A_498] : memref<10240x128xf32, #tpu.memory_space<vmem_shared>> -> memref<10240x128xf32, #tpu.memory_space<vmem_shared>>
        tpu.wait_indirect_dma semaphore(%arg38 : memref<!tpu.dma_semaphore, #tpu.memory_space<semaphore_mem>>) src(%arg17 : memref<64x128xf32, #tpu.memory_space<vmem>>) dst(%dma_wait3A_499 : memref<10240x128xf32, #tpu.memory_space<vmem_shared>>)
      } else {
      }
      %add3A_301 = arith.constant 4 : i32
      %add3A_302 = arith.addi %add3A_295, %add3A_301 : i32
      %lt3A_303 = arith.cmpi slt, %add3A_302, %select_n3A : i32
      %convert_element_type3A_304 = arith.extui %lt3A_303 : i1 to i32
      %cond3A_305 = arith.constant 0 : i32
      %cond3A_306 = arith.cmpi ne, %convert_element_type3A_304, %cond3A_305 : i32
      scf.if %cond3A_306 {
        %add3A_493 = arith.addi %select_n3A_21, %add3A_295 : i32
        %add3A_494 = arith.constant 4 : i32
        %add3A_495 = arith.addi %add3A_493, %add3A_494 : i32
        %dma_start3A_496 = arith.constant 0 : i32
        %dma_start3A_497 = arith.constant 0 : i32
        %dma_start3A_498 = tpu.memref_slice %arg3[%add3A_495, %dma_start3A_496, %dma_start3A_497] : memref<5120x2x64xi32, #tpu.memory_space<hbm>> -> memref<1x2x64xi32, #tpu.memory_space<hbm>>
        %dma_start3A_499 = tpu.memref_squeeze %dma_start3A_498 : memref<1x2x64xi32, #tpu.memory_space<hbm>> -> memref<2x64xi32, #tpu.memory_space<hbm>>
        %dma_start3A_500 = arith.constant 0 : i32
        %dma_start3A_501 = arith.constant 0 : i32
        %dma_start3A_502 = tpu.memref_slice %arg3[%add3A_495, %dma_start3A_500, %dma_start3A_501] : memref<5120x2x64xi32, #tpu.memory_space<hbm>> -> memref<1x2x64xi32, #tpu.memory_space<hbm>>
        %dma_start3A_503 = tpu.memref_squeeze %dma_start3A_502 : memref<1x2x64xi32, #tpu.memory_space<hbm>> -> memref<2x64xi32, #tpu.memory_space<hbm>>
        tpu.enqueue_dma source(%dma_start3A_503 : memref<2x64xi32, #tpu.memory_space<hbm>>) target(%arg13 : memref<2x64xi32, #tpu.memory_space<vmem>>) target_semaphore(%arg29 : memref<!tpu.dma_semaphore, #tpu.memory_space<semaphore_mem>>)
      } else {
      }
      %add3A_307 = arith.constant 3 : i32
      %add3A_308 = arith.addi %add3A_295, %add3A_307 : i32
      %lt3A_309 = arith.cmpi slt, %add3A_308, %select_n3A : i32
      %convert_element_type3A_310 = arith.extui %lt3A_309 : i1 to i32
      %cond3A_311 = arith.constant 0 : i32
      %cond3A_312 = arith.cmpi ne, %convert_element_type3A_310, %cond3A_311 : i32
      scf.if %cond3A_312 {
        %add3A_493 = arith.addi %select_n3A_21, %add3A_295 : i32
        %add3A_494 = arith.constant 3 : i32
        %add3A_495 = arith.addi %add3A_493, %add3A_494 : i32
        %dma_wait3A_496 = arith.constant 0 : i32
        %dma_wait3A_497 = arith.constant 0 : i32
        %dma_wait3A_498 = tpu.memref_slice %arg3[%add3A_495, %dma_wait3A_496, %dma_wait3A_497] : memref<5120x2x64xi32, #tpu.memory_space<hbm>> -> memref<1x2x64xi32, #tpu.memory_space<hbm>>
        %dma_wait3A_499 = tpu.memref_squeeze %dma_wait3A_498 : memref<1x2x64xi32, #tpu.memory_space<hbm>> -> memref<2x64xi32, #tpu.memory_space<hbm>>
        %dma_wait3A_500 = arith.constant 0 : i32
        %dma_wait3A_501 = arith.constant 0 : i32
        %dma_wait3A_502 = tpu.memref_slice %arg3[%add3A_495, %dma_wait3A_500, %dma_wait3A_501] : memref<5120x2x64xi32, #tpu.memory_space<hbm>> -> memref<1x2x64xi32, #tpu.memory_space<hbm>>
        %dma_wait3A_503 = tpu.memref_squeeze %dma_wait3A_502 : memref<1x2x64xi32, #tpu.memory_space<hbm>> -> memref<2x64xi32, #tpu.memory_space<hbm>>
        tpu.wait_dma2 semaphore(%arg28 : memref<!tpu.dma_semaphore, #tpu.memory_space<semaphore_mem>>) src(%dma_wait3A_503 : memref<2x64xi32, #tpu.memory_space<hbm>>) dst(%arg12 : memref<2x64xi32, #tpu.memory_space<vmem>>)
        %dma_start3A_504 = arith.constant 0 : i32
        %dma_start3A_505 = arith.constant 0 : i32
        %dma_start3A_506 = tpu.memref_slice %arg12[%dma_start3A_504, %dma_start3A_505] : memref<2x64xi32, #tpu.memory_space<vmem>> -> memref<1x64xi32, #tpu.memory_space<vmem>>
        %dma_start3A_507 = tpu.memref_squeeze %dma_start3A_506 : memref<1x64xi32, #tpu.memory_space<vmem>> -> memref<64xi32, #tpu.memory_space<vmem>>
        %dma_start3A_508 = arith.constant 0 : i32
        %dma_start3A_509 = arith.constant 0 : i32
        %dma_start3A_510 = tpu.memref_slice %arg2[%dma_start3A_508, %dma_start3A_509] : memref<10240x128xf32, #tpu.memory_space<hbm>> -> memref<10240x128xf32, #tpu.memory_space<hbm>>
        tpu.enqueue_indirect_dma source(%dma_start3A_510 : memref<10240x128xf32, #tpu.memory_space<hbm>>) target(%arg17 : memref<64x128xf32, #tpu.memory_space<vmem>>) offsets(%dma_start3A_507 : memref<64xi32, #tpu.memory_space<vmem>>) semaphore(%arg33 : memref<!tpu.dma_semaphore, #tpu.memory_space<semaphore_mem>>)
      } else {
      }
      %dma_wait3A_313 = arith.constant 0 : i32
      %dma_wait3A_314 = arith.constant 0 : i32
      %dma_wait3A_315 = tpu.memref_slice %arg9[%dma_wait3A_313, %dma_wait3A_314] : memref<2x64xi32, #tpu.memory_space<vmem>> -> memref<1x64xi32, #tpu.memory_space<vmem>>
      %dma_wait3A_316 = tpu.memref_squeeze %dma_wait3A_315 : memref<1x64xi32, #tpu.memory_space<vmem>> -> memref<64xi32, #tpu.memory_space<vmem>>
      %dma_wait3A_317 = arith.constant 0 : i32
      %dma_wait3A_318 = arith.constant 0 : i32
      %dma_wait3A_319 = tpu.memref_slice %arg2[%dma_wait3A_317, %dma_wait3A_318] : memref<10240x128xf32, #tpu.memory_space<hbm>> -> memref<10240x128xf32, #tpu.memory_space<hbm>>
      tpu.wait_indirect_dma semaphore(%arg35 : memref<!tpu.dma_semaphore, #tpu.memory_space<semaphore_mem>>) src(%dma_wait3A_319 : memref<10240x128xf32, #tpu.memory_space<hbm>>) dst(%arg19 : memref<64x128xf32, #tpu.memory_space<vmem>>)
      %dma_start3A_320 = arith.constant 1 : i32
      %dma_start3A_321 = arith.constant 0 : i32
      %dma_start3A_322 = tpu.memref_slice %arg9[%dma_start3A_320, %dma_start3A_321] : memref<2x64xi32, #tpu.memory_space<vmem>> -> memref<1x64xi32, #tpu.memory_space<vmem>>
      %dma_start3A_323 = tpu.memref_squeeze %dma_start3A_322 : memref<1x64xi32, #tpu.memory_space<vmem>> -> memref<64xi32, #tpu.memory_space<vmem>>
      %dma_start3A_324 = arith.constant 0 : i32
      %dma_start3A_325 = arith.constant 0 : i32
      %dma_start3A_326 = tpu.memref_slice %arg20[%dma_start3A_324, %dma_start3A_325] : memref<10240x128xf32, #tpu.memory_space<vmem_shared>> -> memref<10240x128xf32, #tpu.memory_space<vmem_shared>>
      tpu.enqueue_indirect_dma source(%arg19 : memref<64x128xf32, #tpu.memory_space<vmem>>) target(%dma_start3A_326 : memref<10240x128xf32, #tpu.memory_space<vmem_shared>>) offsets(%dma_start3A_323 : memref<64xi32, #tpu.memory_space<vmem>>) semaphore(%arg40 : memref<!tpu.dma_semaphore, #tpu.memory_space<semaphore_mem>>) {add = true}
      %add3A_327 = arith.constant 5 : i32
      %add3A_328 = arith.addi %mul3A_165, %add3A_327 : i32
      %ge3A_329 = arith.constant 2 : i32
      %ge3A_330 = arith.cmpi sge, %add3A_328, %ge3A_329 : i32
      %convert_element_type3A_331 = arith.extui %ge3A_330 : i1 to i32
      %cond3A_332 = arith.constant 0 : i32
      %cond3A_333 = arith.cmpi ne, %convert_element_type3A_331, %cond3A_332 : i32
      scf.if %cond3A_333 {
        %dma_wait3A_493 = arith.constant 1 : i32
        %dma_wait3A_494 = arith.constant 0 : i32
        %dma_wait3A_495 = tpu.memref_slice %arg8[%dma_wait3A_493, %dma_wait3A_494] : memref<2x64xi32, #tpu.memory_space<vmem>> -> memref<1x64xi32, #tpu.memory_space<vmem>>
        %dma_wait3A_496 = tpu.memref_squeeze %dma_wait3A_495 : memref<1x64xi32, #tpu.memory_space<vmem>> -> memref<64xi32, #tpu.memory_space<vmem>>
        %dma_wait3A_497 = arith.constant 0 : i32
        %dma_wait3A_498 = arith.constant 0 : i32
        %dma_wait3A_499 = tpu.memref_slice %arg20[%dma_wait3A_497, %dma_wait3A_498] : memref<10240x128xf32, #tpu.memory_space<vmem_shared>> -> memref<10240x128xf32, #tpu.memory_space<vmem_shared>>
        tpu.wait_indirect_dma semaphore(%arg39 : memref<!tpu.dma_semaphore, #tpu.memory_space<semaphore_mem>>) src(%arg18 : memref<64x128xf32, #tpu.memory_space<vmem>>) dst(%dma_wait3A_499 : memref<10240x128xf32, #tpu.memory_space<vmem_shared>>)
      } else {
      }
      %add3A_334 = arith.constant 4 : i32
      %add3A_335 = arith.addi %add3A_328, %add3A_334 : i32
      %lt3A_336 = arith.cmpi slt, %add3A_335, %select_n3A : i32
      %convert_element_type3A_337 = arith.extui %lt3A_336 : i1 to i32
      %cond3A_338 = arith.constant 0 : i32
      %cond3A_339 = arith.cmpi ne, %convert_element_type3A_337, %cond3A_338 : i32
      scf.if %cond3A_339 {
        %add3A_493 = arith.addi %select_n3A_21, %add3A_328 : i32
        %add3A_494 = arith.constant 4 : i32
        %add3A_495 = arith.addi %add3A_493, %add3A_494 : i32
        %dma_start3A_496 = arith.constant 0 : i32
        %dma_start3A_497 = arith.constant 0 : i32
        %dma_start3A_498 = tpu.memref_slice %arg3[%add3A_495, %dma_start3A_496, %dma_start3A_497] : memref<5120x2x64xi32, #tpu.memory_space<hbm>> -> memref<1x2x64xi32, #tpu.memory_space<hbm>>
        %dma_start3A_499 = tpu.memref_squeeze %dma_start3A_498 : memref<1x2x64xi32, #tpu.memory_space<hbm>> -> memref<2x64xi32, #tpu.memory_space<hbm>>
        %dma_start3A_500 = arith.constant 0 : i32
        %dma_start3A_501 = arith.constant 0 : i32
        %dma_start3A_502 = tpu.memref_slice %arg3[%add3A_495, %dma_start3A_500, %dma_start3A_501] : memref<5120x2x64xi32, #tpu.memory_space<hbm>> -> memref<1x2x64xi32, #tpu.memory_space<hbm>>
        %dma_start3A_503 = tpu.memref_squeeze %dma_start3A_502 : memref<1x2x64xi32, #tpu.memory_space<hbm>> -> memref<2x64xi32, #tpu.memory_space<hbm>>
        tpu.enqueue_dma source(%dma_start3A_503 : memref<2x64xi32, #tpu.memory_space<hbm>>) target(%arg14 : memref<2x64xi32, #tpu.memory_space<vmem>>) target_semaphore(%arg30 : memref<!tpu.dma_semaphore, #tpu.memory_space<semaphore_mem>>)
      } else {
      }
      %add3A_340 = arith.constant 3 : i32
      %add3A_341 = arith.addi %add3A_328, %add3A_340 : i32
      %lt3A_342 = arith.cmpi slt, %add3A_341, %select_n3A : i32
      %convert_element_type3A_343 = arith.extui %lt3A_342 : i1 to i32
      %cond3A_344 = arith.constant 0 : i32
      %cond3A_345 = arith.cmpi ne, %convert_element_type3A_343, %cond3A_344 : i32
      scf.if %cond3A_345 {
        %add3A_493 = arith.addi %select_n3A_21, %add3A_328 : i32
        %add3A_494 = arith.constant 3 : i32
        %add3A_495 = arith.addi %add3A_493, %add3A_494 : i32
        %dma_wait3A_496 = arith.constant 0 : i32
        %dma_wait3A_497 = arith.constant 0 : i32
        %dma_wait3A_498 = tpu.memref_slice %arg3[%add3A_495, %dma_wait3A_496, %dma_wait3A_497] : memref<5120x2x64xi32, #tpu.memory_space<hbm>> -> memref<1x2x64xi32, #tpu.memory_space<hbm>>
        %dma_wait3A_499 = tpu.memref_squeeze %dma_wait3A_498 : memref<1x2x64xi32, #tpu.memory_space<hbm>> -> memref<2x64xi32, #tpu.memory_space<hbm>>
        %dma_wait3A_500 = arith.constant 0 : i32
        %dma_wait3A_501 = arith.constant 0 : i32
        %dma_wait3A_502 = tpu.memref_slice %arg3[%add3A_495, %dma_wait3A_500, %dma_wait3A_501] : memref<5120x2x64xi32, #tpu.memory_space<hbm>> -> memref<1x2x64xi32, #tpu.memory_space<hbm>>
        %dma_wait3A_503 = tpu.memref_squeeze %dma_wait3A_502 : memref<1x2x64xi32, #tpu.memory_space<hbm>> -> memref<2x64xi32, #tpu.memory_space<hbm>>
        tpu.wait_dma2 semaphore(%arg29 : memref<!tpu.dma_semaphore, #tpu.memory_space<semaphore_mem>>) src(%dma_wait3A_503 : memref<2x64xi32, #tpu.memory_space<hbm>>) dst(%arg13 : memref<2x64xi32, #tpu.memory_space<vmem>>)
        %dma_start3A_504 = arith.constant 0 : i32
        %dma_start3A_505 = arith.constant 0 : i32
        %dma_start3A_506 = tpu.memref_slice %arg13[%dma_start3A_504, %dma_start3A_505] : memref<2x64xi32, #tpu.memory_space<vmem>> -> memref<1x64xi32, #tpu.memory_space<vmem>>
        %dma_start3A_507 = tpu.memref_squeeze %dma_start3A_506 : memref<1x64xi32, #tpu.memory_space<vmem>> -> memref<64xi32, #tpu.memory_space<vmem>>
        %dma_start3A_508 = arith.constant 0 : i32
        %dma_start3A_509 = arith.constant 0 : i32
        %dma_start3A_510 = tpu.memref_slice %arg2[%dma_start3A_508, %dma_start3A_509] : memref<10240x128xf32, #tpu.memory_space<hbm>> -> memref<10240x128xf32, #tpu.memory_space<hbm>>
        tpu.enqueue_indirect_dma source(%dma_start3A_510 : memref<10240x128xf32, #tpu.memory_space<hbm>>) target(%arg18 : memref<64x128xf32, #tpu.memory_space<vmem>>) offsets(%dma_start3A_507 : memref<64xi32, #tpu.memory_space<vmem>>) semaphore(%arg34 : memref<!tpu.dma_semaphore, #tpu.memory_space<semaphore_mem>>)
      } else {
      }
      %dma_wait3A_346 = arith.constant 0 : i32
      %dma_wait3A_347 = arith.constant 0 : i32
      %dma_wait3A_348 = tpu.memref_slice %arg10[%dma_wait3A_346, %dma_wait3A_347] : memref<2x64xi32, #tpu.memory_space<vmem>> -> memref<1x64xi32, #tpu.memory_space<vmem>>
      %dma_wait3A_349 = tpu.memref_squeeze %dma_wait3A_348 : memref<1x64xi32, #tpu.memory_space<vmem>> -> memref<64xi32, #tpu.memory_space<vmem>>
      %dma_wait3A_350 = arith.constant 0 : i32
      %dma_wait3A_351 = arith.constant 0 : i32
      %dma_wait3A_352 = tpu.memref_slice %arg2[%dma_wait3A_350, %dma_wait3A_351] : memref<10240x128xf32, #tpu.memory_space<hbm>> -> memref<10240x128xf32, #tpu.memory_space<hbm>>
      tpu.wait_indirect_dma semaphore(%arg31 : memref<!tpu.dma_semaphore, #tpu.memory_space<semaphore_mem>>) src(%dma_wait3A_352 : memref<10240x128xf32, #tpu.memory_space<hbm>>) dst(%arg15 : memref<64x128xf32, #tpu.memory_space<vmem>>)
      %dma_start3A_353 = arith.constant 1 : i32
      %dma_start3A_354 = arith.constant 0 : i32
      %dma_start3A_355 = tpu.memref_slice %arg10[%dma_start3A_353, %dma_start3A_354] : memref<2x64xi32, #tpu.memory_space<vmem>> -> memref<1x64xi32, #tpu.memory_space<vmem>>
      %dma_start3A_356 = tpu.memref_squeeze %dma_start3A_355 : memref<1x64xi32, #tpu.memory_space<vmem>> -> memref<64xi32, #tpu.memory_space<vmem>>
      %dma_start3A_357 = arith.constant 0 : i32
      %dma_start3A_358 = arith.constant 0 : i32
      %dma_start3A_359 = tpu.memref_slice %arg20[%dma_start3A_357, %dma_start3A_358] : memref<10240x128xf32, #tpu.memory_space<vmem_shared>> -> memref<10240x128xf32, #tpu.memory_space<vmem_shared>>
      tpu.enqueue_indirect_dma source(%arg15 : memref<64x128xf32, #tpu.memory_space<vmem>>) target(%dma_start3A_359 : memref<10240x128xf32, #tpu.memory_space<vmem_shared>>) offsets(%dma_start3A_356 : memref<64xi32, #tpu.memory_space<vmem>>) semaphore(%arg36 : memref<!tpu.dma_semaphore, #tpu.memory_space<semaphore_mem>>) {add = true}
      %add3A_360 = arith.constant 6 : i32
      %add3A_361 = arith.addi %mul3A_165, %add3A_360 : i32
      %ge3A_362 = arith.constant 2 : i32
      %ge3A_363 = arith.cmpi sge, %add3A_361, %ge3A_362 : i32
      %convert_element_type3A_364 = arith.extui %ge3A_363 : i1 to i32
      %cond3A_365 = arith.constant 0 : i32
      %cond3A_366 = arith.cmpi ne, %convert_element_type3A_364, %cond3A_365 : i32
      scf.if %cond3A_366 {
        %dma_wait3A_493 = arith.constant 1 : i32
        %dma_wait3A_494 = arith.constant 0 : i32
        %dma_wait3A_495 = tpu.memref_slice %arg9[%dma_wait3A_493, %dma_wait3A_494] : memref<2x64xi32, #tpu.memory_space<vmem>> -> memref<1x64xi32, #tpu.memory_space<vmem>>
        %dma_wait3A_496 = tpu.memref_squeeze %dma_wait3A_495 : memref<1x64xi32, #tpu.memory_space<vmem>> -> memref<64xi32, #tpu.memory_space<vmem>>
        %dma_wait3A_497 = arith.constant 0 : i32
        %dma_wait3A_498 = arith.constant 0 : i32
        %dma_wait3A_499 = tpu.memref_slice %arg20[%dma_wait3A_497, %dma_wait3A_498] : memref<10240x128xf32, #tpu.memory_space<vmem_shared>> -> memref<10240x128xf32, #tpu.memory_space<vmem_shared>>
        tpu.wait_indirect_dma semaphore(%arg40 : memref<!tpu.dma_semaphore, #tpu.memory_space<semaphore_mem>>) src(%arg19 : memref<64x128xf32, #tpu.memory_space<vmem>>) dst(%dma_wait3A_499 : memref<10240x128xf32, #tpu.memory_space<vmem_shared>>)
      } else {
      }
      %add3A_367 = arith.constant 4 : i32
      %add3A_368 = arith.addi %add3A_361, %add3A_367 : i32
      %lt3A_369 = arith.cmpi slt, %add3A_368, %select_n3A : i32
      %convert_element_type3A_370 = arith.extui %lt3A_369 : i1 to i32
      %cond3A_371 = arith.constant 0 : i32
      %cond3A_372 = arith.cmpi ne, %convert_element_type3A_370, %cond3A_371 : i32
      scf.if %cond3A_372 {
        %add3A_493 = arith.addi %select_n3A_21, %add3A_361 : i32
        %add3A_494 = arith.constant 4 : i32
        %add3A_495 = arith.addi %add3A_493, %add3A_494 : i32
        %dma_start3A_496 = arith.constant 0 : i32
        %dma_start3A_497 = arith.constant 0 : i32
        %dma_start3A_498 = tpu.memref_slice %arg3[%add3A_495, %dma_start3A_496, %dma_start3A_497] : memref<5120x2x64xi32, #tpu.memory_space<hbm>> -> memref<1x2x64xi32, #tpu.memory_space<hbm>>
        %dma_start3A_499 = tpu.memref_squeeze %dma_start3A_498 : memref<1x2x64xi32, #tpu.memory_space<hbm>> -> memref<2x64xi32, #tpu.memory_space<hbm>>
        %dma_start3A_500 = arith.constant 0 : i32
        %dma_start3A_501 = arith.constant 0 : i32
        %dma_start3A_502 = tpu.memref_slice %arg3[%add3A_495, %dma_start3A_500, %dma_start3A_501] : memref<5120x2x64xi32, #tpu.memory_space<hbm>> -> memref<1x2x64xi32, #tpu.memory_space<hbm>>
        %dma_start3A_503 = tpu.memref_squeeze %dma_start3A_502 : memref<1x2x64xi32, #tpu.memory_space<hbm>> -> memref<2x64xi32, #tpu.memory_space<hbm>>
        tpu.enqueue_dma source(%dma_start3A_503 : memref<2x64xi32, #tpu.memory_space<hbm>>) target(%arg5 : memref<2x64xi32, #tpu.memory_space<vmem>>) target_semaphore(%arg21 : memref<!tpu.dma_semaphore, #tpu.memory_space<semaphore_mem>>)
      } else {
      }
      %add3A_373 = arith.constant 3 : i32
      %add3A_374 = arith.addi %add3A_361, %add3A_373 : i32
      %lt3A_375 = arith.cmpi slt, %add3A_374, %select_n3A : i32
      %convert_element_type3A_376 = arith.extui %lt3A_375 : i1 to i32
      %cond3A_377 = arith.constant 0 : i32
      %cond3A_378 = arith.cmpi ne, %convert_element_type3A_376, %cond3A_377 : i32
      scf.if %cond3A_378 {
        %add3A_493 = arith.addi %select_n3A_21, %add3A_361 : i32
        %add3A_494 = arith.constant 3 : i32
        %add3A_495 = arith.addi %add3A_493, %add3A_494 : i32
        %dma_wait3A_496 = arith.constant 0 : i32
        %dma_wait3A_497 = arith.constant 0 : i32
        %dma_wait3A_498 = tpu.memref_slice %arg3[%add3A_495, %dma_wait3A_496, %dma_wait3A_497] : memref<5120x2x64xi32, #tpu.memory_space<hbm>> -> memref<1x2x64xi32, #tpu.memory_space<hbm>>
        %dma_wait3A_499 = tpu.memref_squeeze %dma_wait3A_498 : memref<1x2x64xi32, #tpu.memory_space<hbm>> -> memref<2x64xi32, #tpu.memory_space<hbm>>
        %dma_wait3A_500 = arith.constant 0 : i32
        %dma_wait3A_501 = arith.constant 0 : i32
        %dma_wait3A_502 = tpu.memref_slice %arg3[%add3A_495, %dma_wait3A_500, %dma_wait3A_501] : memref<5120x2x64xi32, #tpu.memory_space<hbm>> -> memref<1x2x64xi32, #tpu.memory_space<hbm>>
        %dma_wait3A_503 = tpu.memref_squeeze %dma_wait3A_502 : memref<1x2x64xi32, #tpu.memory_space<hbm>> -> memref<2x64xi32, #tpu.memory_space<hbm>>
        tpu.wait_dma2 semaphore(%arg30 : memref<!tpu.dma_semaphore, #tpu.memory_space<semaphore_mem>>) src(%dma_wait3A_503 : memref<2x64xi32, #tpu.memory_space<hbm>>) dst(%arg14 : memref<2x64xi32, #tpu.memory_space<vmem>>)
        %dma_start3A_504 = arith.constant 0 : i32
        %dma_start3A_505 = arith.constant 0 : i32
        %dma_start3A_506 = tpu.memref_slice %arg14[%dma_start3A_504, %dma_start3A_505] : memref<2x64xi32, #tpu.memory_space<vmem>> -> memref<1x64xi32, #tpu.memory_space<vmem>>
        %dma_start3A_507 = tpu.memref_squeeze %dma_start3A_506 : memref<1x64xi32, #tpu.memory_space<vmem>> -> memref<64xi32, #tpu.memory_space<vmem>>
        %dma_start3A_508 = arith.constant 0 : i32
        %dma_start3A_509 = arith.constant 0 : i32
        %dma_start3A_510 = tpu.memref_slice %arg2[%dma_start3A_508, %dma_start3A_509] : memref<10240x128xf32, #tpu.memory_space<hbm>> -> memref<10240x128xf32, #tpu.memory_space<hbm>>
        tpu.enqueue_indirect_dma source(%dma_start3A_510 : memref<10240x128xf32, #tpu.memory_space<hbm>>) target(%arg19 : memref<64x128xf32, #tpu.memory_space<vmem>>) offsets(%dma_start3A_507 : memref<64xi32, #tpu.memory_space<vmem>>) semaphore(%arg35 : memref<!tpu.dma_semaphore, #tpu.memory_space<semaphore_mem>>)
      } else {
      }
      %dma_wait3A_379 = arith.constant 0 : i32
      %dma_wait3A_380 = arith.constant 0 : i32
      %dma_wait3A_381 = tpu.memref_slice %arg11[%dma_wait3A_379, %dma_wait3A_380] : memref<2x64xi32, #tpu.memory_space<vmem>> -> memref<1x64xi32, #tpu.memory_space<vmem>>
      %dma_wait3A_382 = tpu.memref_squeeze %dma_wait3A_381 : memref<1x64xi32, #tpu.memory_space<vmem>> -> memref<64xi32, #tpu.memory_space<vmem>>
      %dma_wait3A_383 = arith.constant 0 : i32
      %dma_wait3A_384 = arith.constant 0 : i32
      %dma_wait3A_385 = tpu.memref_slice %arg2[%dma_wait3A_383, %dma_wait3A_384] : memref<10240x128xf32, #tpu.memory_space<hbm>> -> memref<10240x128xf32, #tpu.memory_space<hbm>>
      tpu.wait_indirect_dma semaphore(%arg32 : memref<!tpu.dma_semaphore, #tpu.memory_space<semaphore_mem>>) src(%dma_wait3A_385 : memref<10240x128xf32, #tpu.memory_space<hbm>>) dst(%arg16 : memref<64x128xf32, #tpu.memory_space<vmem>>)
      %dma_start3A_386 = arith.constant 1 : i32
      %dma_start3A_387 = arith.constant 0 : i32
      %dma_start3A_388 = tpu.memref_slice %arg11[%dma_start3A_386, %dma_start3A_387] : memref<2x64xi32, #tpu.memory_space<vmem>> -> memref<1x64xi32, #tpu.memory_space<vmem>>
      %dma_start3A_389 = tpu.memref_squeeze %dma_start3A_388 : memref<1x64xi32, #tpu.memory_space<vmem>> -> memref<64xi32, #tpu.memory_space<vmem>>
      %dma_start3A_390 = arith.constant 0 : i32
      %dma_start3A_391 = arith.constant 0 : i32
      %dma_start3A_392 = tpu.memref_slice %arg20[%dma_start3A_390, %dma_start3A_391] : memref<10240x128xf32, #tpu.memory_space<vmem_shared>> -> memref<10240x128xf32, #tpu.memory_space<vmem_shared>>
      tpu.enqueue_indirect_dma source(%arg16 : memref<64x128xf32, #tpu.memory_space<vmem>>) target(%dma_start3A_392 : memref<10240x128xf32, #tpu.memory_space<vmem_shared>>) offsets(%dma_start3A_389 : memref<64xi32, #tpu.memory_space<vmem>>) semaphore(%arg37 : memref<!tpu.dma_semaphore, #tpu.memory_space<semaphore_mem>>) {add = true}
      %add3A_393 = arith.constant 7 : i32
      %add3A_394 = arith.addi %mul3A_165, %add3A_393 : i32
      %ge3A_395 = arith.constant 2 : i32
      %ge3A_396 = arith.cmpi sge, %add3A_394, %ge3A_395 : i32
      %convert_element_type3A_397 = arith.extui %ge3A_396 : i1 to i32
      %cond3A_398 = arith.constant 0 : i32
      %cond3A_399 = arith.cmpi ne, %convert_element_type3A_397, %cond3A_398 : i32
      scf.if %cond3A_399 {
        %dma_wait3A_493 = arith.constant 1 : i32
        %dma_wait3A_494 = arith.constant 0 : i32
        %dma_wait3A_495 = tpu.memref_slice %arg10[%dma_wait3A_493, %dma_wait3A_494] : memref<2x64xi32, #tpu.memory_space<vmem>> -> memref<1x64xi32, #tpu.memory_space<vmem>>
        %dma_wait3A_496 = tpu.memref_squeeze %dma_wait3A_495 : memref<1x64xi32, #tpu.memory_space<vmem>> -> memref<64xi32, #tpu.memory_space<vmem>>
        %dma_wait3A_497 = arith.constant 0 : i32
        %dma_wait3A_498 = arith.constant 0 : i32
        %dma_wait3A_499 = tpu.memref_slice %arg20[%dma_wait3A_497, %dma_wait3A_498] : memref<10240x128xf32, #tpu.memory_space<vmem_shared>> -> memref<10240x128xf32, #tpu.memory_space<vmem_shared>>
        tpu.wait_indirect_dma semaphore(%arg36 : memref<!tpu.dma_semaphore, #tpu.memory_space<semaphore_mem>>) src(%arg15 : memref<64x128xf32, #tpu.memory_space<vmem>>) dst(%dma_wait3A_499 : memref<10240x128xf32, #tpu.memory_space<vmem_shared>>)
      } else {
      }
      %add3A_400 = arith.constant 4 : i32
      %add3A_401 = arith.addi %add3A_394, %add3A_400 : i32
      %lt3A_402 = arith.cmpi slt, %add3A_401, %select_n3A : i32
      %convert_element_type3A_403 = arith.extui %lt3A_402 : i1 to i32
      %cond3A_404 = arith.constant 0 : i32
      %cond3A_405 = arith.cmpi ne, %convert_element_type3A_403, %cond3A_404 : i32
      scf.if %cond3A_405 {
        %add3A_493 = arith.addi %select_n3A_21, %add3A_394 : i32
        %add3A_494 = arith.constant 4 : i32
        %add3A_495 = arith.addi %add3A_493, %add3A_494 : i32
        %dma_start3A_496 = arith.constant 0 : i32
        %dma_start3A_497 = arith.constant 0 : i32
        %dma_start3A_498 = tpu.memref_slice %arg3[%add3A_495, %dma_start3A_496, %dma_start3A_497] : memref<5120x2x64xi32, #tpu.memory_space<hbm>> -> memref<1x2x64xi32, #tpu.memory_space<hbm>>
        %dma_start3A_499 = tpu.memref_squeeze %dma_start3A_498 : memref<1x2x64xi32, #tpu.memory_space<hbm>> -> memref<2x64xi32, #tpu.memory_space<hbm>>
        %dma_start3A_500 = arith.constant 0 : i32
        %dma_start3A_501 = arith.constant 0 : i32
        %dma_start3A_502 = tpu.memref_slice %arg3[%add3A_495, %dma_start3A_500, %dma_start3A_501] : memref<5120x2x64xi32, #tpu.memory_space<hbm>> -> memref<1x2x64xi32, #tpu.memory_space<hbm>>
        %dma_start3A_503 = tpu.memref_squeeze %dma_start3A_502 : memref<1x2x64xi32, #tpu.memory_space<hbm>> -> memref<2x64xi32, #tpu.memory_space<hbm>>
        tpu.enqueue_dma source(%dma_start3A_503 : memref<2x64xi32, #tpu.memory_space<hbm>>) target(%arg6 : memref<2x64xi32, #tpu.memory_space<vmem>>) target_semaphore(%arg22 : memref<!tpu.dma_semaphore, #tpu.memory_space<semaphore_mem>>)
      } else {
      }
      %add3A_406 = arith.constant 3 : i32
      %add3A_407 = arith.addi %add3A_394, %add3A_406 : i32
      %lt3A_408 = arith.cmpi slt, %add3A_407, %select_n3A : i32
      %convert_element_type3A_409 = arith.extui %lt3A_408 : i1 to i32
      %cond3A_410 = arith.constant 0 : i32
      %cond3A_411 = arith.cmpi ne, %convert_element_type3A_409, %cond3A_410 : i32
      scf.if %cond3A_411 {
        %add3A_493 = arith.addi %select_n3A_21, %add3A_394 : i32
        %add3A_494 = arith.constant 3 : i32
        %add3A_495 = arith.addi %add3A_493, %add3A_494 : i32
        %dma_wait3A_496 = arith.constant 0 : i32
        %dma_wait3A_497 = arith.constant 0 : i32
        %dma_wait3A_498 = tpu.memref_slice %arg3[%add3A_495, %dma_wait3A_496, %dma_wait3A_497] : memref<5120x2x64xi32, #tpu.memory_space<hbm>> -> memref<1x2x64xi32, #tpu.memory_space<hbm>>
        %dma_wait3A_499 = tpu.memref_squeeze %dma_wait3A_498 : memref<1x2x64xi32, #tpu.memory_space<hbm>> -> memref<2x64xi32, #tpu.memory_space<hbm>>
        %dma_wait3A_500 = arith.constant 0 : i32
        %dma_wait3A_501 = arith.constant 0 : i32
        %dma_wait3A_502 = tpu.memref_slice %arg3[%add3A_495, %dma_wait3A_500, %dma_wait3A_501] : memref<5120x2x64xi32, #tpu.memory_space<hbm>> -> memref<1x2x64xi32, #tpu.memory_space<hbm>>
        %dma_wait3A_503 = tpu.memref_squeeze %dma_wait3A_502 : memref<1x2x64xi32, #tpu.memory_space<hbm>> -> memref<2x64xi32, #tpu.memory_space<hbm>>
        tpu.wait_dma2 semaphore(%arg21 : memref<!tpu.dma_semaphore, #tpu.memory_space<semaphore_mem>>) src(%dma_wait3A_503 : memref<2x64xi32, #tpu.memory_space<hbm>>) dst(%arg5 : memref<2x64xi32, #tpu.memory_space<vmem>>)
        %dma_start3A_504 = arith.constant 0 : i32
        %dma_start3A_505 = arith.constant 0 : i32
        %dma_start3A_506 = tpu.memref_slice %arg5[%dma_start3A_504, %dma_start3A_505] : memref<2x64xi32, #tpu.memory_space<vmem>> -> memref<1x64xi32, #tpu.memory_space<vmem>>
        %dma_start3A_507 = tpu.memref_squeeze %dma_start3A_506 : memref<1x64xi32, #tpu.memory_space<vmem>> -> memref<64xi32, #tpu.memory_space<vmem>>
        %dma_start3A_508 = arith.constant 0 : i32
        %dma_start3A_509 = arith.constant 0 : i32
        %dma_start3A_510 = tpu.memref_slice %arg2[%dma_start3A_508, %dma_start3A_509] : memref<10240x128xf32, #tpu.memory_space<hbm>> -> memref<10240x128xf32, #tpu.memory_space<hbm>>
        tpu.enqueue_indirect_dma source(%dma_start3A_510 : memref<10240x128xf32, #tpu.memory_space<hbm>>) target(%arg15 : memref<64x128xf32, #tpu.memory_space<vmem>>) offsets(%dma_start3A_507 : memref<64xi32, #tpu.memory_space<vmem>>) semaphore(%arg31 : memref<!tpu.dma_semaphore, #tpu.memory_space<semaphore_mem>>)
      } else {
      }
      %dma_wait3A_412 = arith.constant 0 : i32
      %dma_wait3A_413 = arith.constant 0 : i32
      %dma_wait3A_414 = tpu.memref_slice %arg12[%dma_wait3A_412, %dma_wait3A_413] : memref<2x64xi32, #tpu.memory_space<vmem>> -> memref<1x64xi32, #tpu.memory_space<vmem>>
      %dma_wait3A_415 = tpu.memref_squeeze %dma_wait3A_414 : memref<1x64xi32, #tpu.memory_space<vmem>> -> memref<64xi32, #tpu.memory_space<vmem>>
      %dma_wait3A_416 = arith.constant 0 : i32
      %dma_wait3A_417 = arith.constant 0 : i32
      %dma_wait3A_418 = tpu.memref_slice %arg2[%dma_wait3A_416, %dma_wait3A_417] : memref<10240x128xf32, #tpu.memory_space<hbm>> -> memref<10240x128xf32, #tpu.memory_space<hbm>>
      tpu.wait_indirect_dma semaphore(%arg33 : memref<!tpu.dma_semaphore, #tpu.memory_space<semaphore_mem>>) src(%dma_wait3A_418 : memref<10240x128xf32, #tpu.memory_space<hbm>>) dst(%arg17 : memref<64x128xf32, #tpu.memory_space<vmem>>)
      %dma_start3A_419 = arith.constant 1 : i32
      %dma_start3A_420 = arith.constant 0 : i32
      %dma_start3A_421 = tpu.memref_slice %arg12[%dma_start3A_419, %dma_start3A_420] : memref<2x64xi32, #tpu.memory_space<vmem>> -> memref<1x64xi32, #tpu.memory_space<vmem>>
      %dma_start3A_422 = tpu.memref_squeeze %dma_start3A_421 : memref<1x64xi32, #tpu.memory_space<vmem>> -> memref<64xi32, #tpu.memory_space<vmem>>
      %dma_start3A_423 = arith.constant 0 : i32
      %dma_start3A_424 = arith.constant 0 : i32
      %dma_start3A_425 = tpu.memref_slice %arg20[%dma_start3A_423, %dma_start3A_424] : memref<10240x128xf32, #tpu.memory_space<vmem_shared>> -> memref<10240x128xf32, #tpu.memory_space<vmem_shared>>
      tpu.enqueue_indirect_dma source(%arg17 : memref<64x128xf32, #tpu.memory_space<vmem>>) target(%dma_start3A_425 : memref<10240x128xf32, #tpu.memory_space<vmem_shared>>) offsets(%dma_start3A_422 : memref<64xi32, #tpu.memory_space<vmem>>) semaphore(%arg38 : memref<!tpu.dma_semaphore, #tpu.memory_space<semaphore_mem>>) {add = true}
      %add3A_426 = arith.constant 8 : i32
      %add3A_427 = arith.addi %mul3A_165, %add3A_426 : i32
      %ge3A_428 = arith.constant 2 : i32
      %ge3A_429 = arith.cmpi sge, %add3A_427, %ge3A_428 : i32
      %convert_element_type3A_430 = arith.extui %ge3A_429 : i1 to i32
      %cond3A_431 = arith.constant 0 : i32
      %cond3A_432 = arith.cmpi ne, %convert_element_type3A_430, %cond3A_431 : i32
      scf.if %cond3A_432 {
        %dma_wait3A_493 = arith.constant 1 : i32
        %dma_wait3A_494 = arith.constant 0 : i32
        %dma_wait3A_495 = tpu.memref_slice %arg11[%dma_wait3A_493, %dma_wait3A_494] : memref<2x64xi32, #tpu.memory_space<vmem>> -> memref<1x64xi32, #tpu.memory_space<vmem>>
        %dma_wait3A_496 = tpu.memref_squeeze %dma_wait3A_495 : memref<1x64xi32, #tpu.memory_space<vmem>> -> memref<64xi32, #tpu.memory_space<vmem>>
        %dma_wait3A_497 = arith.constant 0 : i32
        %dma_wait3A_498 = arith.constant 0 : i32
        %dma_wait3A_499 = tpu.memref_slice %arg20[%dma_wait3A_497, %dma_wait3A_498] : memref<10240x128xf32, #tpu.memory_space<vmem_shared>> -> memref<10240x128xf32, #tpu.memory_space<vmem_shared>>
        tpu.wait_indirect_dma semaphore(%arg37 : memref<!tpu.dma_semaphore, #tpu.memory_space<semaphore_mem>>) src(%arg16 : memref<64x128xf32, #tpu.memory_space<vmem>>) dst(%dma_wait3A_499 : memref<10240x128xf32, #tpu.memory_space<vmem_shared>>)
      } else {
      }
      %add3A_433 = arith.constant 4 : i32
      %add3A_434 = arith.addi %add3A_427, %add3A_433 : i32
      %lt3A_435 = arith.cmpi slt, %add3A_434, %select_n3A : i32
      %convert_element_type3A_436 = arith.extui %lt3A_435 : i1 to i32
      %cond3A_437 = arith.constant 0 : i32
      %cond3A_438 = arith.cmpi ne, %convert_element_type3A_436, %cond3A_437 : i32
      scf.if %cond3A_438 {
        %add3A_493 = arith.addi %select_n3A_21, %add3A_427 : i32
        %add3A_494 = arith.constant 4 : i32
        %add3A_495 = arith.addi %add3A_493, %add3A_494 : i32
        %dma_start3A_496 = arith.constant 0 : i32
        %dma_start3A_497 = arith.constant 0 : i32
        %dma_start3A_498 = tpu.memref_slice %arg3[%add3A_495, %dma_start3A_496, %dma_start3A_497] : memref<5120x2x64xi32, #tpu.memory_space<hbm>> -> memref<1x2x64xi32, #tpu.memory_space<hbm>>
        %dma_start3A_499 = tpu.memref_squeeze %dma_start3A_498 : memref<1x2x64xi32, #tpu.memory_space<hbm>> -> memref<2x64xi32, #tpu.memory_space<hbm>>
        %dma_start3A_500 = arith.constant 0 : i32
        %dma_start3A_501 = arith.constant 0 : i32
        %dma_start3A_502 = tpu.memref_slice %arg3[%add3A_495, %dma_start3A_500, %dma_start3A_501] : memref<5120x2x64xi32, #tpu.memory_space<hbm>> -> memref<1x2x64xi32, #tpu.memory_space<hbm>>
        %dma_start3A_503 = tpu.memref_squeeze %dma_start3A_502 : memref<1x2x64xi32, #tpu.memory_space<hbm>> -> memref<2x64xi32, #tpu.memory_space<hbm>>
        tpu.enqueue_dma source(%dma_start3A_503 : memref<2x64xi32, #tpu.memory_space<hbm>>) target(%arg7 : memref<2x64xi32, #tpu.memory_space<vmem>>) target_semaphore(%arg23 : memref<!tpu.dma_semaphore, #tpu.memory_space<semaphore_mem>>)
      } else {
      }
      %add3A_439 = arith.constant 3 : i32
      %add3A_440 = arith.addi %add3A_427, %add3A_439 : i32
      %lt3A_441 = arith.cmpi slt, %add3A_440, %select_n3A : i32
      %convert_element_type3A_442 = arith.extui %lt3A_441 : i1 to i32
      %cond3A_443 = arith.constant 0 : i32
      %cond3A_444 = arith.cmpi ne, %convert_element_type3A_442, %cond3A_443 : i32
      scf.if %cond3A_444 {
        %add3A_493 = arith.addi %select_n3A_21, %add3A_427 : i32
        %add3A_494 = arith.constant 3 : i32
        %add3A_495 = arith.addi %add3A_493, %add3A_494 : i32
        %dma_wait3A_496 = arith.constant 0 : i32
        %dma_wait3A_497 = arith.constant 0 : i32
        %dma_wait3A_498 = tpu.memref_slice %arg3[%add3A_495, %dma_wait3A_496, %dma_wait3A_497] : memref<5120x2x64xi32, #tpu.memory_space<hbm>> -> memref<1x2x64xi32, #tpu.memory_space<hbm>>
        %dma_wait3A_499 = tpu.memref_squeeze %dma_wait3A_498 : memref<1x2x64xi32, #tpu.memory_space<hbm>> -> memref<2x64xi32, #tpu.memory_space<hbm>>
        %dma_wait3A_500 = arith.constant 0 : i32
        %dma_wait3A_501 = arith.constant 0 : i32
        %dma_wait3A_502 = tpu.memref_slice %arg3[%add3A_495, %dma_wait3A_500, %dma_wait3A_501] : memref<5120x2x64xi32, #tpu.memory_space<hbm>> -> memref<1x2x64xi32, #tpu.memory_space<hbm>>
        %dma_wait3A_503 = tpu.memref_squeeze %dma_wait3A_502 : memref<1x2x64xi32, #tpu.memory_space<hbm>> -> memref<2x64xi32, #tpu.memory_space<hbm>>
        tpu.wait_dma2 semaphore(%arg22 : memref<!tpu.dma_semaphore, #tpu.memory_space<semaphore_mem>>) src(%dma_wait3A_503 : memref<2x64xi32, #tpu.memory_space<hbm>>) dst(%arg6 : memref<2x64xi32, #tpu.memory_space<vmem>>)
        %dma_start3A_504 = arith.constant 0 : i32
        %dma_start3A_505 = arith.constant 0 : i32
        %dma_start3A_506 = tpu.memref_slice %arg6[%dma_start3A_504, %dma_start3A_505] : memref<2x64xi32, #tpu.memory_space<vmem>> -> memref<1x64xi32, #tpu.memory_space<vmem>>
        %dma_start3A_507 = tpu.memref_squeeze %dma_start3A_506 : memref<1x64xi32, #tpu.memory_space<vmem>> -> memref<64xi32, #tpu.memory_space<vmem>>
        %dma_start3A_508 = arith.constant 0 : i32
        %dma_start3A_509 = arith.constant 0 : i32
        %dma_start3A_510 = tpu.memref_slice %arg2[%dma_start3A_508, %dma_start3A_509] : memref<10240x128xf32, #tpu.memory_space<hbm>> -> memref<10240x128xf32, #tpu.memory_space<hbm>>
        tpu.enqueue_indirect_dma source(%dma_start3A_510 : memref<10240x128xf32, #tpu.memory_space<hbm>>) target(%arg16 : memref<64x128xf32, #tpu.memory_space<vmem>>) offsets(%dma_start3A_507 : memref<64xi32, #tpu.memory_space<vmem>>) semaphore(%arg32 : memref<!tpu.dma_semaphore, #tpu.memory_space<semaphore_mem>>)
      } else {
      }
      %dma_wait3A_445 = arith.constant 0 : i32
      %dma_wait3A_446 = arith.constant 0 : i32
      %dma_wait3A_447 = tpu.memref_slice %arg13[%dma_wait3A_445, %dma_wait3A_446] : memref<2x64xi32, #tpu.memory_space<vmem>> -> memref<1x64xi32, #tpu.memory_space<vmem>>
      %dma_wait3A_448 = tpu.memref_squeeze %dma_wait3A_447 : memref<1x64xi32, #tpu.memory_space<vmem>> -> memref<64xi32, #tpu.memory_space<vmem>>
      %dma_wait3A_449 = arith.constant 0 : i32
      %dma_wait3A_450 = arith.constant 0 : i32
      %dma_wait3A_451 = tpu.memref_slice %arg2[%dma_wait3A_449, %dma_wait3A_450] : memref<10240x128xf32, #tpu.memory_space<hbm>> -> memref<10240x128xf32, #tpu.memory_space<hbm>>
      tpu.wait_indirect_dma semaphore(%arg34 : memref<!tpu.dma_semaphore, #tpu.memory_space<semaphore_mem>>) src(%dma_wait3A_451 : memref<10240x128xf32, #tpu.memory_space<hbm>>) dst(%arg18 : memref<64x128xf32, #tpu.memory_space<vmem>>)
      %dma_start3A_452 = arith.constant 1 : i32
      %dma_start3A_453 = arith.constant 0 : i32
      %dma_start3A_454 = tpu.memref_slice %arg13[%dma_start3A_452, %dma_start3A_453] : memref<2x64xi32, #tpu.memory_space<vmem>> -> memref<1x64xi32, #tpu.memory_space<vmem>>
      %dma_start3A_455 = tpu.memref_squeeze %dma_start3A_454 : memref<1x64xi32, #tpu.memory_space<vmem>> -> memref<64xi32, #tpu.memory_space<vmem>>
      %dma_start3A_456 = arith.constant 0 : i32
      %dma_start3A_457 = arith.constant 0 : i32
      %dma_start3A_458 = tpu.memref_slice %arg20[%dma_start3A_456, %dma_start3A_457] : memref<10240x128xf32, #tpu.memory_space<vmem_shared>> -> memref<10240x128xf32, #tpu.memory_space<vmem_shared>>
      tpu.enqueue_indirect_dma source(%arg18 : memref<64x128xf32, #tpu.memory_space<vmem>>) target(%dma_start3A_458 : memref<10240x128xf32, #tpu.memory_space<vmem_shared>>) offsets(%dma_start3A_455 : memref<64xi32, #tpu.memory_space<vmem>>) semaphore(%arg39 : memref<!tpu.dma_semaphore, #tpu.memory_space<semaphore_mem>>) {add = true}
      %add3A_459 = arith.constant 9 : i32
      %add3A_460 = arith.addi %mul3A_165, %add3A_459 : i32
      %ge3A_461 = arith.constant 2 : i32
      %ge3A_462 = arith.cmpi sge, %add3A_460, %ge3A_461 : i32
      %convert_element_type3A_463 = arith.extui %ge3A_462 : i1 to i32
      %cond3A_464 = arith.constant 0 : i32
      %cond3A_465 = arith.cmpi ne, %convert_element_type3A_463, %cond3A_464 : i32
      scf.if %cond3A_465 {
        %dma_wait3A_493 = arith.constant 1 : i32
        %dma_wait3A_494 = arith.constant 0 : i32
        %dma_wait3A_495 = tpu.memref_slice %arg12[%dma_wait3A_493, %dma_wait3A_494] : memref<2x64xi32, #tpu.memory_space<vmem>> -> memref<1x64xi32, #tpu.memory_space<vmem>>
        %dma_wait3A_496 = tpu.memref_squeeze %dma_wait3A_495 : memref<1x64xi32, #tpu.memory_space<vmem>> -> memref<64xi32, #tpu.memory_space<vmem>>
        %dma_wait3A_497 = arith.constant 0 : i32
        %dma_wait3A_498 = arith.constant 0 : i32
        %dma_wait3A_499 = tpu.memref_slice %arg20[%dma_wait3A_497, %dma_wait3A_498] : memref<10240x128xf32, #tpu.memory_space<vmem_shared>> -> memref<10240x128xf32, #tpu.memory_space<vmem_shared>>
        tpu.wait_indirect_dma semaphore(%arg38 : memref<!tpu.dma_semaphore, #tpu.memory_space<semaphore_mem>>) src(%arg17 : memref<64x128xf32, #tpu.memory_space<vmem>>) dst(%dma_wait3A_499 : memref<10240x128xf32, #tpu.memory_space<vmem_shared>>)
      } else {
      }
      %add3A_466 = arith.constant 4 : i32
      %add3A_467 = arith.addi %add3A_460, %add3A_466 : i32
      %lt3A_468 = arith.cmpi slt, %add3A_467, %select_n3A : i32
      %convert_element_type3A_469 = arith.extui %lt3A_468 : i1 to i32
      %cond3A_470 = arith.constant 0 : i32
      %cond3A_471 = arith.cmpi ne, %convert_element_type3A_469, %cond3A_470 : i32
      scf.if %cond3A_471 {
        %add3A_493 = arith.addi %select_n3A_21, %add3A_460 : i32
        %add3A_494 = arith.constant 4 : i32
        %add3A_495 = arith.addi %add3A_493, %add3A_494 : i32
        %dma_start3A_496 = arith.constant 0 : i32
        %dma_start3A_497 = arith.constant 0 : i32
        %dma_start3A_498 = tpu.memref_slice %arg3[%add3A_495, %dma_start3A_496, %dma_start3A_497] : memref<5120x2x64xi32, #tpu.memory_space<hbm>> -> memref<1x2x64xi32, #tpu.memory_space<hbm>>
        %dma_start3A_499 = tpu.memref_squeeze %dma_start3A_498 : memref<1x2x64xi32, #tpu.memory_space<hbm>> -> memref<2x64xi32, #tpu.memory_space<hbm>>
        %dma_start3A_500 = arith.constant 0 : i32
        %dma_start3A_501 = arith.constant 0 : i32
        %dma_start3A_502 = tpu.memref_slice %arg3[%add3A_495, %dma_start3A_500, %dma_start3A_501] : memref<5120x2x64xi32, #tpu.memory_space<hbm>> -> memref<1x2x64xi32, #tpu.memory_space<hbm>>
        %dma_start3A_503 = tpu.memref_squeeze %dma_start3A_502 : memref<1x2x64xi32, #tpu.memory_space<hbm>> -> memref<2x64xi32, #tpu.memory_space<hbm>>
        tpu.enqueue_dma source(%dma_start3A_503 : memref<2x64xi32, #tpu.memory_space<hbm>>) target(%arg8 : memref<2x64xi32, #tpu.memory_space<vmem>>) target_semaphore(%arg24 : memref<!tpu.dma_semaphore, #tpu.memory_space<semaphore_mem>>)
      } else {
      }
      %add3A_472 = arith.constant 3 : i32
      %add3A_473 = arith.addi %add3A_460, %add3A_472 : i32
      %lt3A_474 = arith.cmpi slt, %add3A_473, %select_n3A : i32
      %convert_element_type3A_475 = arith.extui %lt3A_474 : i1 to i32
      %cond3A_476 = arith.constant 0 : i32
      %cond3A_477 = arith.cmpi ne, %convert_element_type3A_475, %cond3A_476 : i32
      scf.if %cond3A_477 {
        %add3A_493 = arith.addi %select_n3A_21, %add3A_460 : i32
        %add3A_494 = arith.constant 3 : i32
        %add3A_495 = arith.addi %add3A_493, %add3A_494 : i32
        %dma_wait3A_496 = arith.constant 0 : i32
        %dma_wait3A_497 = arith.constant 0 : i32
        %dma_wait3A_498 = tpu.memref_slice %arg3[%add3A_495, %dma_wait3A_496, %dma_wait3A_497] : memref<5120x2x64xi32, #tpu.memory_space<hbm>> -> memref<1x2x64xi32, #tpu.memory_space<hbm>>
        %dma_wait3A_499 = tpu.memref_squeeze %dma_wait3A_498 : memref<1x2x64xi32, #tpu.memory_space<hbm>> -> memref<2x64xi32, #tpu.memory_space<hbm>>
        %dma_wait3A_500 = arith.constant 0 : i32
        %dma_wait3A_501 = arith.constant 0 : i32
        %dma_wait3A_502 = tpu.memref_slice %arg3[%add3A_495, %dma_wait3A_500, %dma_wait3A_501] : memref<5120x2x64xi32, #tpu.memory_space<hbm>> -> memref<1x2x64xi32, #tpu.memory_space<hbm>>
        %dma_wait3A_503 = tpu.memref_squeeze %dma_wait3A_502 : memref<1x2x64xi32, #tpu.memory_space<hbm>> -> memref<2x64xi32, #tpu.memory_space<hbm>>
        tpu.wait_dma2 semaphore(%arg23 : memref<!tpu.dma_semaphore, #tpu.memory_space<semaphore_mem>>) src(%dma_wait3A_503 : memref<2x64xi32, #tpu.memory_space<hbm>>) dst(%arg7 : memref<2x64xi32, #tpu.memory_space<vmem>>)
        %dma_start3A_504 = arith.constant 0 : i32
        %dma_start3A_505 = arith.constant 0 : i32
        %dma_start3A_506 = tpu.memref_slice %arg7[%dma_start3A_504, %dma_start3A_505] : memref<2x64xi32, #tpu.memory_space<vmem>> -> memref<1x64xi32, #tpu.memory_space<vmem>>
        %dma_start3A_507 = tpu.memref_squeeze %dma_start3A_506 : memref<1x64xi32, #tpu.memory_space<vmem>> -> memref<64xi32, #tpu.memory_space<vmem>>
        %dma_start3A_508 = arith.constant 0 : i32
        %dma_start3A_509 = arith.constant 0 : i32
        %dma_start3A_510 = tpu.memref_slice %arg2[%dma_start3A_508, %dma_start3A_509] : memref<10240x128xf32, #tpu.memory_space<hbm>> -> memref<10240x128xf32, #tpu.memory_space<hbm>>
        tpu.enqueue_indirect_dma source(%dma_start3A_510 : memref<10240x128xf32, #tpu.memory_space<hbm>>) target(%arg17 : memref<64x128xf32, #tpu.memory_space<vmem>>) offsets(%dma_start3A_507 : memref<64xi32, #tpu.memory_space<vmem>>) semaphore(%arg33 : memref<!tpu.dma_semaphore, #tpu.memory_space<semaphore_mem>>)
      } else {
      }
      %dma_wait3A_478 = arith.constant 0 : i32
      %dma_wait3A_479 = arith.constant 0 : i32
      %dma_wait3A_480 = tpu.memref_slice %arg14[%dma_wait3A_478, %dma_wait3A_479] : memref<2x64xi32, #tpu.memory_space<vmem>> -> memref<1x64xi32, #tpu.memory_space<vmem>>
      %dma_wait3A_481 = tpu.memref_squeeze %dma_wait3A_480 : memref<1x64xi32, #tpu.memory_space<vmem>> -> memref<64xi32, #tpu.memory_space<vmem>>
      %dma_wait3A_482 = arith.constant 0 : i32
      %dma_wait3A_483 = arith.constant 0 : i32
      %dma_wait3A_484 = tpu.memref_slice %arg2[%dma_wait3A_482, %dma_wait3A_483] : memref<10240x128xf32, #tpu.memory_space<hbm>> -> memref<10240x128xf32, #tpu.memory_space<hbm>>
      tpu.wait_indirect_dma semaphore(%arg35 : memref<!tpu.dma_semaphore, #tpu.memory_space<semaphore_mem>>) src(%dma_wait3A_484 : memref<10240x128xf32, #tpu.memory_space<hbm>>) dst(%arg19 : memref<64x128xf32, #tpu.memory_space<vmem>>)
      %dma_start3A_485 = arith.constant 1 : i32
      %dma_start3A_486 = arith.constant 0 : i32
      %dma_start3A_487 = tpu.memref_slice %arg14[%dma_start3A_485, %dma_start3A_486] : memref<2x64xi32, #tpu.memory_space<vmem>> -> memref<1x64xi32, #tpu.memory_space<vmem>>
      %dma_start3A_488 = tpu.memref_squeeze %dma_start3A_487 : memref<1x64xi32, #tpu.memory_space<vmem>> -> memref<64xi32, #tpu.memory_space<vmem>>
      %dma_start3A_489 = arith.constant 0 : i32
      %dma_start3A_490 = arith.constant 0 : i32
      %dma_start3A_491 = tpu.memref_slice %arg20[%dma_start3A_489, %dma_start3A_490] : memref<10240x128xf32, #tpu.memory_space<vmem_shared>> -> memref<10240x128xf32, #tpu.memory_space<vmem_shared>>
      tpu.enqueue_indirect_dma source(%arg19 : memref<64x128xf32, #tpu.memory_space<vmem>>) target(%dma_start3A_491 : memref<10240x128xf32, #tpu.memory_space<vmem_shared>>) offsets(%dma_start3A_488 : memref<64xi32, #tpu.memory_space<vmem>>) semaphore(%arg40 : memref<!tpu.dma_semaphore, #tpu.memory_space<semaphore_mem>>) {add = true}
      %while3A_492 = arith.constant 0 : i32
      scf.yield %while3A_492 : i32
    }
    %while3A_138 = arith.constant 1 : i32
    %while3A_139 = scf.for %while3A_162 = %while3A_135 to %while3A_131 step %while3A_138 iter_args(%while3A_163 = %while3A_137) -> (i32)  : i32 {
      %mul3A_164 = arith.constant 10 : i32
      %mul3A_165 = arith.muli %while3A_162, %mul3A_164 : i32
      %add3A_166 = arith.constant 0 : i32
      %add3A_167 = arith.addi %mul3A_165, %add3A_166 : i32
      %ge3A = arith.constant 2 : i32
      %ge3A_168 = arith.cmpi sge, %add3A_167, %ge3A : i32
      %convert_element_type3A = arith.extui %ge3A_168 : i1 to i32
      %cond3A = arith.constant 0 : i32
      %cond3A_169 = arith.cmpi ne, %convert_element_type3A, %cond3A : i32
      scf.if %cond3A_169 {
        %dma_wait3A_493 = arith.constant 1 : i32
        %dma_wait3A_494 = arith.constant 0 : i32
        %dma_wait3A_495 = tpu.memref_slice %arg13[%dma_wait3A_493, %dma_wait3A_494] : memref<2x64xi32, #tpu.memory_space<vmem>> -> memref<1x64xi32, #tpu.memory_space<vmem>>
        %dma_wait3A_496 = tpu.memref_squeeze %dma_wait3A_495 : memref<1x64xi32, #tpu.memory_space<vmem>> -> memref<64xi32, #tpu.memory_space<vmem>>
        %dma_wait3A_497 = arith.constant 0 : i32
        %dma_wait3A_498 = arith.constant 0 : i32
        %dma_wait3A_499 = tpu.memref_slice %arg20[%dma_wait3A_497, %dma_wait3A_498] : memref<10240x128xf32, #tpu.memory_space<vmem_shared>> -> memref<10240x128xf32, #tpu.memory_space<vmem_shared>>
        tpu.wait_indirect_dma semaphore(%arg39 : memref<!tpu.dma_semaphore, #tpu.memory_space<semaphore_mem>>) src(%arg18 : memref<64x128xf32, #tpu.memory_space<vmem>>) dst(%dma_wait3A_499 : memref<10240x128xf32, #tpu.memory_space<vmem_shared>>)
      } else {
      }
      %add3A_170 = arith.constant 4 : i32
      %add3A_171 = arith.addi %add3A_167, %add3A_170 : i32
      %lt3A = arith.cmpi slt, %add3A_171, %select_n3A : i32
      %convert_element_type3A_172 = arith.extui %lt3A : i1 to i32
      %cond3A_173 = arith.constant 0 : i32
      %cond3A_174 = arith.cmpi ne, %convert_element_type3A_172, %cond3A_173 : i32
      scf.if %cond3A_174 {
        %add3A_493 = arith.addi %select_n3A_21, %add3A_167 : i32
        %add3A_494 = arith.constant 4 : i32
        %add3A_495 = arith.addi %add3A_493, %add3A_494 : i32
        %dma_start3A_496 = arith.constant 0 : i32
        %dma_start3A_497 = arith.constant 0 : i32
        %dma_start3A_498 = tpu.memref_slice %arg3[%add3A_495, %dma_start3A_496, %dma_start3A_497] : memref<5120x2x64xi32, #tpu.memory_space<hbm>> -> memref<1x2x64xi32, #tpu.memory_space<hbm>>
        %dma_start3A_499 = tpu.memref_squeeze %dma_start3A_498 : memref<1x2x64xi32, #tpu.memory_space<hbm>> -> memref<2x64xi32, #tpu.memory_space<hbm>>
        %dma_start3A_500 = arith.constant 0 : i32
        %dma_start3A_501 = arith.constant 0 : i32
        %dma_start3A_502 = tpu.memref_slice %arg3[%add3A_495, %dma_start3A_500, %dma_start3A_501] : memref<5120x2x64xi32, #tpu.memory_space<hbm>> -> memref<1x2x64xi32, #tpu.memory_space<hbm>>
        %dma_start3A_503 = tpu.memref_squeeze %dma_start3A_502 : memref<1x2x64xi32, #tpu.memory_space<hbm>> -> memref<2x64xi32, #tpu.memory_space<hbm>>
        tpu.enqueue_dma source(%dma_start3A_503 : memref<2x64xi32, #tpu.memory_space<hbm>>) target(%arg9 : memref<2x64xi32, #tpu.memory_space<vmem>>) target_semaphore(%arg25 : memref<!tpu.dma_semaphore, #tpu.memory_space<semaphore_mem>>)
      } else {
      }
      %add3A_175 = arith.constant 3 : i32
      %add3A_176 = arith.addi %add3A_167, %add3A_175 : i32
      %lt3A_177 = arith.cmpi slt, %add3A_176, %select_n3A : i32
      %convert_element_type3A_178 = arith.extui %lt3A_177 : i1 to i32
      %cond3A_179 = arith.constant 0 : i32
      %cond3A_180 = arith.cmpi ne, %convert_element_type3A_178, %cond3A_179 : i32
      scf.if %cond3A_180 {
        %add3A_493 = arith.addi %select_n3A_21, %add3A_167 : i32
        %add3A_494 = arith.constant 3 : i32
        %add3A_495 = arith.addi %add3A_493, %add3A_494 : i32
        %dma_wait3A_496 = arith.constant 0 : i32
        %dma_wait3A_497 = arith.constant 0 : i32
        %dma_wait3A_498 = tpu.memref_slice %arg3[%add3A_495, %dma_wait3A_496, %dma_wait3A_497] : memref<5120x2x64xi32, #tpu.memory_space<hbm>> -> memref<1x2x64xi32, #tpu.memory_space<hbm>>
        %dma_wait3A_499 = tpu.memref_squeeze %dma_wait3A_498 : memref<1x2x64xi32, #tpu.memory_space<hbm>> -> memref<2x64xi32, #tpu.memory_space<hbm>>
        %dma_wait3A_500 = arith.constant 0 : i32
        %dma_wait3A_501 = arith.constant 0 : i32
        %dma_wait3A_502 = tpu.memref_slice %arg3[%add3A_495, %dma_wait3A_500, %dma_wait3A_501] : memref<5120x2x64xi32, #tpu.memory_space<hbm>> -> memref<1x2x64xi32, #tpu.memory_space<hbm>>
        %dma_wait3A_503 = tpu.memref_squeeze %dma_wait3A_502 : memref<1x2x64xi32, #tpu.memory_space<hbm>> -> memref<2x64xi32, #tpu.memory_space<hbm>>
        tpu.wait_dma2 semaphore(%arg24 : memref<!tpu.dma_semaphore, #tpu.memory_space<semaphore_mem>>) src(%dma_wait3A_503 : memref<2x64xi32, #tpu.memory_space<hbm>>) dst(%arg8 : memref<2x64xi32, #tpu.memory_space<vmem>>)
        %dma_start3A_504 = arith.constant 0 : i32
        %dma_start3A_505 = arith.constant 0 : i32
        %dma_start3A_506 = tpu.memref_slice %arg8[%dma_start3A_504, %dma_start3A_505] : memref<2x64xi32, #tpu.memory_space<vmem>> -> memref<1x64xi32, #tpu.memory_space<vmem>>
        %dma_start3A_507 = tpu.memref_squeeze %dma_start3A_506 : memref<1x64xi32, #tpu.memory_space<vmem>> -> memref<64xi32, #tpu.memory_space<vmem>>
        %dma_start3A_508 = arith.constant 0 : i32
        %dma_start3A_509 = arith.constant 0 : i32
        %dma_start3A_510 = tpu.memref_slice %arg2[%dma_start3A_508, %dma_start3A_509] : memref<10240x128xf32, #tpu.memory_space<hbm>> -> memref<10240x128xf32, #tpu.memory_space<hbm>>
        tpu.enqueue_indirect_dma source(%dma_start3A_510 : memref<10240x128xf32, #tpu.memory_space<hbm>>) target(%arg18 : memref<64x128xf32, #tpu.memory_space<vmem>>) offsets(%dma_start3A_507 : memref<64xi32, #tpu.memory_space<vmem>>) semaphore(%arg34 : memref<!tpu.dma_semaphore, #tpu.memory_space<semaphore_mem>>)
      } else {
      }
      %dma_wait3A_181 = arith.constant 0 : i32
      %dma_wait3A_182 = arith.constant 0 : i32
      %dma_wait3A_183 = tpu.memref_slice %arg5[%dma_wait3A_181, %dma_wait3A_182] : memref<2x64xi32, #tpu.memory_space<vmem>> -> memref<1x64xi32, #tpu.memory_space<vmem>>
      %dma_wait3A_184 = tpu.memref_squeeze %dma_wait3A_183 : memref<1x64xi32, #tpu.memory_space<vmem>> -> memref<64xi32, #tpu.memory_space<vmem>>
      %dma_wait3A_185 = arith.constant 0 : i32
      %dma_wait3A_186 = arith.constant 0 : i32
      %dma_wait3A_187 = tpu.memref_slice %arg2[%dma_wait3A_185, %dma_wait3A_186] : memref<10240x128xf32, #tpu.memory_space<hbm>> -> memref<10240x128xf32, #tpu.memory_space<hbm>>
      tpu.wait_indirect_dma semaphore(%arg31 : memref<!tpu.dma_semaphore, #tpu.memory_space<semaphore_mem>>) src(%dma_wait3A_187 : memref<10240x128xf32, #tpu.memory_space<hbm>>) dst(%arg15 : memref<64x128xf32, #tpu.memory_space<vmem>>)
      %dma_start3A_188 = arith.constant 1 : i32
      %dma_start3A_189 = arith.constant 0 : i32
      %dma_start3A_190 = tpu.memref_slice %arg5[%dma_start3A_188, %dma_start3A_189] : memref<2x64xi32, #tpu.memory_space<vmem>> -> memref<1x64xi32, #tpu.memory_space<vmem>>
      %dma_start3A_191 = tpu.memref_squeeze %dma_start3A_190 : memref<1x64xi32, #tpu.memory_space<vmem>> -> memref<64xi32, #tpu.memory_space<vmem>>
      %dma_start3A_192 = arith.constant 0 : i32
      %dma_start3A_193 = arith.constant 0 : i32
      %dma_start3A_194 = tpu.memref_slice %arg20[%dma_start3A_192, %dma_start3A_193] : memref<10240x128xf32, #tpu.memory_space<vmem_shared>> -> memref<10240x128xf32, #tpu.memory_space<vmem_shared>>
      tpu.enqueue_indirect_dma source(%arg15 : memref<64x128xf32, #tpu.memory_space<vmem>>) target(%dma_start3A_194 : memref<10240x128xf32, #tpu.memory_space<vmem_shared>>) offsets(%dma_start3A_191 : memref<64xi32, #tpu.memory_space<vmem>>) semaphore(%arg36 : memref<!tpu.dma_semaphore, #tpu.memory_space<semaphore_mem>>) {add = true}
      %add3A_195 = arith.constant 1 : i32
      %add3A_196 = arith.addi %mul3A_165, %add3A_195 : i32
      %ge3A_197 = arith.constant 2 : i32
      %ge3A_198 = arith.cmpi sge, %add3A_196, %ge3A_197 : i32
      %convert_element_type3A_199 = arith.extui %ge3A_198 : i1 to i32
      %cond3A_200 = arith.constant 0 : i32
      %cond3A_201 = arith.cmpi ne, %convert_element_type3A_199, %cond3A_200 : i32
      scf.if %cond3A_201 {
        %dma_wait3A_493 = arith.constant 1 : i32
        %dma_wait3A_494 = arith.constant 0 : i32
        %dma_wait3A_495 = tpu.memref_slice %arg14[%dma_wait3A_493, %dma_wait3A_494] : memref<2x64xi32, #tpu.memory_space<vmem>> -> memref<1x64xi32, #tpu.memory_space<vmem>>
        %dma_wait3A_496 = tpu.memref_squeeze %dma_wait3A_495 : memref<1x64xi32, #tpu.memory_space<vmem>> -> memref<64xi32, #tpu.memory_space<vmem>>
        %dma_wait3A_497 = arith.constant 0 : i32
        %dma_wait3A_498 = arith.constant 0 : i32
        %dma_wait3A_499 = tpu.memref_slice %arg20[%dma_wait3A_497, %dma_wait3A_498] : memref<10240x128xf32, #tpu.memory_space<vmem_shared>> -> memref<10240x128xf32, #tpu.memory_space<vmem_shared>>
        tpu.wait_indirect_dma semaphore(%arg40 : memref<!tpu.dma_semaphore, #tpu.memory_space<semaphore_mem>>) src(%arg19 : memref<64x128xf32, #tpu.memory_space<vmem>>) dst(%dma_wait3A_499 : memref<10240x128xf32, #tpu.memory_space<vmem_shared>>)
      } else {
      }
      %add3A_202 = arith.constant 4 : i32
      %add3A_203 = arith.addi %add3A_196, %add3A_202 : i32
      %lt3A_204 = arith.cmpi slt, %add3A_203, %select_n3A : i32
      %convert_element_type3A_205 = arith.extui %lt3A_204 : i1 to i32
      %cond3A_206 = arith.constant 0 : i32
      %cond3A_207 = arith.cmpi ne, %convert_element_type3A_205, %cond3A_206 : i32
      scf.if %cond3A_207 {
        %add3A_493 = arith.addi %select_n3A_21, %add3A_196 : i32
        %add3A_494 = arith.constant 4 : i32
        %add3A_495 = arith.addi %add3A_493, %add3A_494 : i32
        %dma_start3A_496 = arith.constant 0 : i32
        %dma_start3A_497 = arith.constant 0 : i32
        %dma_start3A_498 = tpu.memref_slice %arg3[%add3A_495, %dma_start3A_496, %dma_start3A_497] : memref<5120x2x64xi32, #tpu.memory_space<hbm>> -> memref<1x2x64xi32, #tpu.memory_space<hbm>>
        %dma_start3A_499 = tpu.memref_squeeze %dma_start3A_498 : memref<1x2x64xi32, #tpu.memory_space<hbm>> -> memref<2x64xi32, #tpu.memory_space<hbm>>
        %dma_start3A_500 = arith.constant 0 : i32
        %dma_start3A_501 = arith.constant 0 : i32
        %dma_start3A_502 = tpu.memref_slice %arg3[%add3A_495, %dma_start3A_500, %dma_start3A_501] : memref<5120x2x64xi32, #tpu.memory_space<hbm>> -> memref<1x2x64xi32, #tpu.memory_space<hbm>>
        %dma_start3A_503 = tpu.memref_squeeze %dma_start3A_502 : memref<1x2x64xi32, #tpu.memory_space<hbm>> -> memref<2x64xi32, #tpu.memory_space<hbm>>
        tpu.enqueue_dma source(%dma_start3A_503 : memref<2x64xi32, #tpu.memory_space<hbm>>) target(%arg10 : memref<2x64xi32, #tpu.memory_space<vmem>>) target_semaphore(%arg26 : memref<!tpu.dma_semaphore, #tpu.memory_space<semaphore_mem>>)
      } else {
      }
      %add3A_208 = arith.constant 3 : i32
      %add3A_209 = arith.addi %add3A_196, %add3A_208 : i32
      %lt3A_210 = arith.cmpi slt, %add3A_209, %select_n3A : i32
      %convert_element_type3A_211 = arith.extui %lt3A_210 : i1 to i32
      %cond3A_212 = arith.constant 0 : i32
      %cond3A_213 = arith.cmpi ne, %convert_element_type3A_211, %cond3A_212 : i32
      scf.if %cond3A_213 {
        %add3A_493 = arith.addi %select_n3A_21, %add3A_196 : i32
        %add3A_494 = arith.constant 3 : i32
        %add3A_495 = arith.addi %add3A_493, %add3A_494 : i32
        %dma_wait3A_496 = arith.constant 0 : i32
        %dma_wait3A_497 = arith.constant 0 : i32
        %dma_wait3A_498 = tpu.memref_slice %arg3[%add3A_495, %dma_wait3A_496, %dma_wait3A_497] : memref<5120x2x64xi32, #tpu.memory_space<hbm>> -> memref<1x2x64xi32, #tpu.memory_space<hbm>>
        %dma_wait3A_499 = tpu.memref_squeeze %dma_wait3A_498 : memref<1x2x64xi32, #tpu.memory_space<hbm>> -> memref<2x64xi32, #tpu.memory_space<hbm>>
        %dma_wait3A_500 = arith.constant 0 : i32
        %dma_wait3A_501 = arith.constant 0 : i32
        %dma_wait3A_502 = tpu.memref_slice %arg3[%add3A_495, %dma_wait3A_500, %dma_wait3A_501] : memref<5120x2x64xi32, #tpu.memory_space<hbm>> -> memref<1x2x64xi32, #tpu.memory_space<hbm>>
        %dma_wait3A_503 = tpu.memref_squeeze %dma_wait3A_502 : memref<1x2x64xi32, #tpu.memory_space<hbm>> -> memref<2x64xi32, #tpu.memory_space<hbm>>
        tpu.wait_dma2 semaphore(%arg25 : memref<!tpu.dma_semaphore, #tpu.memory_space<semaphore_mem>>) src(%dma_wait3A_503 : memref<2x64xi32, #tpu.memory_space<hbm>>) dst(%arg9 : memref<2x64xi32, #tpu.memory_space<vmem>>)
        %dma_start3A_504 = arith.constant 0 : i32
        %dma_start3A_505 = arith.constant 0 : i32
        %dma_start3A_506 = tpu.memref_slice %arg9[%dma_start3A_504, %dma_start3A_505] : memref<2x64xi32, #tpu.memory_space<vmem>> -> memref<1x64xi32, #tpu.memory_space<vmem>>
        %dma_start3A_507 = tpu.memref_squeeze %dma_start3A_506 : memref<1x64xi32, #tpu.memory_space<vmem>> -> memref<64xi32, #tpu.memory_space<vmem>>
        %dma_start3A_508 = arith.constant 0 : i32
        %dma_start3A_509 = arith.constant 0 : i32
        %dma_start3A_510 = tpu.memref_slice %arg2[%dma_start3A_508, %dma_start3A_509] : memref<10240x128xf32, #tpu.memory_space<hbm>> -> memref<10240x128xf32, #tpu.memory_space<hbm>>
        tpu.enqueue_indirect_dma source(%dma_start3A_510 : memref<10240x128xf32, #tpu.memory_space<hbm>>) target(%arg19 : memref<64x128xf32, #tpu.memory_space<vmem>>) offsets(%dma_start3A_507 : memref<64xi32, #tpu.memory_space<vmem>>) semaphore(%arg35 : memref<!tpu.dma_semaphore, #tpu.memory_space<semaphore_mem>>)
      } else {
      }
      %dma_wait3A_214 = arith.constant 0 : i32
      %dma_wait3A_215 = arith.constant 0 : i32
      %dma_wait3A_216 = tpu.memref_slice %arg6[%dma_wait3A_214, %dma_wait3A_215] : memref<2x64xi32, #tpu.memory_space<vmem>> -> memref<1x64xi32, #tpu.memory_space<vmem>>
      %dma_wait3A_217 = tpu.memref_squeeze %dma_wait3A_216 : memref<1x64xi32, #tpu.memory_space<vmem>> -> memref<64xi32, #tpu.memory_space<vmem>>
      %dma_wait3A_218 = arith.constant 0 : i32
      %dma_wait3A_219 = arith.constant 0 : i32
      %dma_wait3A_220 = tpu.memref_slice %arg2[%dma_wait3A_218, %dma_wait3A_219] : memref<10240x128xf32, #tpu.memory_space<hbm>> -> memref<10240x128xf32, #tpu.memory_space<hbm>>
      tpu.wait_indirect_dma semaphore(%arg32 : memref<!tpu.dma_semaphore, #tpu.memory_space<semaphore_mem>>) src(%dma_wait3A_220 : memref<10240x128xf32, #tpu.memory_space<hbm>>) dst(%arg16 : memref<64x128xf32, #tpu.memory_space<vmem>>)
      %dma_start3A_221 = arith.constant 1 : i32
      %dma_start3A_222 = arith.constant 0 : i32
      %dma_start3A_223 = tpu.memref_slice %arg6[%dma_start3A_221, %dma_start3A_222] : memref<2x64xi32, #tpu.memory_space<vmem>> -> memref<1x64xi32, #tpu.memory_space<vmem>>
      %dma_start3A_224 = tpu.memref_squeeze %dma_start3A_223 : memref<1x64xi32, #tpu.memory_space<vmem>> -> memref<64xi32, #tpu.memory_space<vmem>>
      %dma_start3A_225 = arith.constant 0 : i32
      %dma_start3A_226 = arith.constant 0 : i32
      %dma_start3A_227 = tpu.memref_slice %arg20[%dma_start3A_225, %dma_start3A_226] : memref<10240x128xf32, #tpu.memory_space<vmem_shared>> -> memref<10240x128xf32, #tpu.memory_space<vmem_shared>>
      tpu.enqueue_indirect_dma source(%arg16 : memref<64x128xf32, #tpu.memory_space<vmem>>) target(%dma_start3A_227 : memref<10240x128xf32, #tpu.memory_space<vmem_shared>>) offsets(%dma_start3A_224 : memref<64xi32, #tpu.memory_space<vmem>>) semaphore(%arg37 : memref<!tpu.dma_semaphore, #tpu.memory_space<semaphore_mem>>) {add = true}
      %add3A_228 = arith.constant 2 : i32
      %add3A_229 = arith.addi %mul3A_165, %add3A_228 : i32
      %ge3A_230 = arith.constant 2 : i32
      %ge3A_231 = arith.cmpi sge, %add3A_229, %ge3A_230 : i32
      %convert_element_type3A_232 = arith.extui %ge3A_231 : i1 to i32
      %cond3A_233 = arith.constant 0 : i32
      %cond3A_234 = arith.cmpi ne, %convert_element_type3A_232, %cond3A_233 : i32
      scf.if %cond3A_234 {
        %dma_wait3A_493 = arith.constant 1 : i32
        %dma_wait3A_494 = arith.constant 0 : i32
        %dma_wait3A_495 = tpu.memref_slice %arg5[%dma_wait3A_493, %dma_wait3A_494] : memref<2x64xi32, #tpu.memory_space<vmem>> -> memref<1x64xi32, #tpu.memory_space<vmem>>
        %dma_wait3A_496 = tpu.memref_squeeze %dma_wait3A_495 : memref<1x64xi32, #tpu.memory_space<vmem>> -> memref<64xi32, #tpu.memory_space<vmem>>
        %dma_wait3A_497 = arith.constant 0 : i32
        %dma_wait3A_498 = arith.constant 0 : i32
        %dma_wait3A_499 = tpu.memref_slice %arg20[%dma_wait3A_497, %dma_wait3A_498] : memref<10240x128xf32, #tpu.memory_space<vmem_shared>> -> memref<10240x128xf32, #tpu.memory_space<vmem_shared>>
        tpu.wait_indirect_dma semaphore(%arg36 : memref<!tpu.dma_semaphore, #tpu.memory_space<semaphore_mem>>) src(%arg15 : memref<64x128xf32, #tpu.memory_space<vmem>>) dst(%dma_wait3A_499 : memref<10240x128xf32, #tpu.memory_space<vmem_shared>>)
      } else {
      }
      %add3A_235 = arith.constant 4 : i32
      %add3A_236 = arith.addi %add3A_229, %add3A_235 : i32
      %lt3A_237 = arith.cmpi slt, %add3A_236, %select_n3A : i32
      %convert_element_type3A_238 = arith.extui %lt3A_237 : i1 to i32
      %cond3A_239 = arith.constant 0 : i32
      %cond3A_240 = arith.cmpi ne, %convert_element_type3A_238, %cond3A_239 : i32
      scf.if %cond3A_240 {
        %add3A_493 = arith.addi %select_n3A_21, %add3A_229 : i32
        %add3A_494 = arith.constant 4 : i32
        %add3A_495 = arith.addi %add3A_493, %add3A_494 : i32
        %dma_start3A_496 = arith.constant 0 : i32
        %dma_start3A_497 = arith.constant 0 : i32
        %dma_start3A_498 = tpu.memref_slice %arg3[%add3A_495, %dma_start3A_496, %dma_start3A_497] : memref<5120x2x64xi32, #tpu.memory_space<hbm>> -> memref<1x2x64xi32, #tpu.memory_space<hbm>>
        %dma_start3A_499 = tpu.memref_squeeze %dma_start3A_498 : memref<1x2x64xi32, #tpu.memory_space<hbm>> -> memref<2x64xi32, #tpu.memory_space<hbm>>
        %dma_start3A_500 = arith.constant 0 : i32
        %dma_start3A_501 = arith.constant 0 : i32
        %dma_start3A_502 = tpu.memref_slice %arg3[%add3A_495, %dma_start3A_500, %dma_start3A_501] : memref<5120x2x64xi32, #tpu.memory_space<hbm>> -> memref<1x2x64xi32, #tpu.memory_space<hbm>>
        %dma_start3A_503 = tpu.memref_squeeze %dma_start3A_502 : memref<1x2x64xi32, #tpu.memory_space<hbm>> -> memref<2x64xi32, #tpu.memory_space<hbm>>
        tpu.enqueue_dma source(%dma_start3A_503 : memref<2x64xi32, #tpu.memory_space<hbm>>) target(%arg11 : memref<2x64xi32, #tpu.memory_space<vmem>>) target_semaphore(%arg27 : memref<!tpu.dma_semaphore, #tpu.memory_space<semaphore_mem>>)
      } else {
      }
      %add3A_241 = arith.constant 3 : i32
      %add3A_242 = arith.addi %add3A_229, %add3A_241 : i32
      %lt3A_243 = arith.cmpi slt, %add3A_242, %select_n3A : i32
      %convert_element_type3A_244 = arith.extui %lt3A_243 : i1 to i32
      %cond3A_245 = arith.constant 0 : i32
      %cond3A_246 = arith.cmpi ne, %convert_element_type3A_244, %cond3A_245 : i32
      scf.if %cond3A_246 {
        %add3A_493 = arith.addi %select_n3A_21, %add3A_229 : i32
        %add3A_494 = arith.constant 3 : i32
        %add3A_495 = arith.addi %add3A_493, %add3A_494 : i32
        %dma_wait3A_496 = arith.constant 0 : i32
        %dma_wait3A_497 = arith.constant 0 : i32
        %dma_wait3A_498 = tpu.memref_slice %arg3[%add3A_495, %dma_wait3A_496, %dma_wait3A_497] : memref<5120x2x64xi32, #tpu.memory_space<hbm>> -> memref<1x2x64xi32, #tpu.memory_space<hbm>>
        %dma_wait3A_499 = tpu.memref_squeeze %dma_wait3A_498 : memref<1x2x64xi32, #tpu.memory_space<hbm>> -> memref<2x64xi32, #tpu.memory_space<hbm>>
        %dma_wait3A_500 = arith.constant 0 : i32
        %dma_wait3A_501 = arith.constant 0 : i32
        %dma_wait3A_502 = tpu.memref_slice %arg3[%add3A_495, %dma_wait3A_500, %dma_wait3A_501] : memref<5120x2x64xi32, #tpu.memory_space<hbm>> -> memref<1x2x64xi32, #tpu.memory_space<hbm>>
        %dma_wait3A_503 = tpu.memref_squeeze %dma_wait3A_502 : memref<1x2x64xi32, #tpu.memory_space<hbm>> -> memref<2x64xi32, #tpu.memory_space<hbm>>
        tpu.wait_dma2 semaphore(%arg26 : memref<!tpu.dma_semaphore, #tpu.memory_space<semaphore_mem>>) src(%dma_wait3A_503 : memref<2x64xi32, #tpu.memory_space<hbm>>) dst(%arg10 : memref<2x64xi32, #tpu.memory_space<vmem>>)
        %dma_start3A_504 = arith.constant 0 : i32
        %dma_start3A_505 = arith.constant 0 : i32
        %dma_start3A_506 = tpu.memref_slice %arg10[%dma_start3A_504, %dma_start3A_505] : memref<2x64xi32, #tpu.memory_space<vmem>> -> memref<1x64xi32, #tpu.memory_space<vmem>>
        %dma_start3A_507 = tpu.memref_squeeze %dma_start3A_506 : memref<1x64xi32, #tpu.memory_space<vmem>> -> memref<64xi32, #tpu.memory_space<vmem>>
        %dma_start3A_508 = arith.constant 0 : i32
        %dma_start3A_509 = arith.constant 0 : i32
        %dma_start3A_510 = tpu.memref_slice %arg2[%dma_start3A_508, %dma_start3A_509] : memref<10240x128xf32, #tpu.memory_space<hbm>> -> memref<10240x128xf32, #tpu.memory_space<hbm>>
        tpu.enqueue_indirect_dma source(%dma_start3A_510 : memref<10240x128xf32, #tpu.memory_space<hbm>>) target(%arg15 : memref<64x128xf32, #tpu.memory_space<vmem>>) offsets(%dma_start3A_507 : memref<64xi32, #tpu.memory_space<vmem>>) semaphore(%arg31 : memref<!tpu.dma_semaphore, #tpu.memory_space<semaphore_mem>>)
      } else {
      }
      %dma_wait3A_247 = arith.constant 0 : i32
      %dma_wait3A_248 = arith.constant 0 : i32
      %dma_wait3A_249 = tpu.memref_slice %arg7[%dma_wait3A_247, %dma_wait3A_248] : memref<2x64xi32, #tpu.memory_space<vmem>> -> memref<1x64xi32, #tpu.memory_space<vmem>>
      %dma_wait3A_250 = tpu.memref_squeeze %dma_wait3A_249 : memref<1x64xi32, #tpu.memory_space<vmem>> -> memref<64xi32, #tpu.memory_space<vmem>>
      %dma_wait3A_251 = arith.constant 0 : i32
      %dma_wait3A_252 = arith.constant 0 : i32
      %dma_wait3A_253 = tpu.memref_slice %arg2[%dma_wait3A_251, %dma_wait3A_252] : memref<10240x128xf32, #tpu.memory_space<hbm>> -> memref<10240x128xf32, #tpu.memory_space<hbm>>
      tpu.wait_indirect_dma semaphore(%arg33 : memref<!tpu.dma_semaphore, #tpu.memory_space<semaphore_mem>>) src(%dma_wait3A_253 : memref<10240x128xf32, #tpu.memory_space<hbm>>) dst(%arg17 : memref<64x128xf32, #tpu.memory_space<vmem>>)
      %dma_start3A_254 = arith.constant 1 : i32
      %dma_start3A_255 = arith.constant 0 : i32
      %dma_start3A_256 = tpu.memref_slice %arg7[%dma_start3A_254, %dma_start3A_255] : memref<2x64xi32, #tpu.memory_space<vmem>> -> memref<1x64xi32, #tpu.memory_space<vmem>>
      %dma_start3A_257 = tpu.memref_squeeze %dma_start3A_256 : memref<1x64xi32, #tpu.memory_space<vmem>> -> memref<64xi32, #tpu.memory_space<vmem>>
      %dma_start3A_258 = arith.constant 0 : i32
      %dma_start3A_259 = arith.constant 0 : i32
      %dma_start3A_260 = tpu.memref_slice %arg20[%dma_start3A_258, %dma_start3A_259] : memref<10240x128xf32, #tpu.memory_space<vmem_shared>> -> memref<10240x128xf32, #tpu.memory_space<vmem_shared>>
      tpu.enqueue_indirect_dma source(%arg17 : memref<64x128xf32, #tpu.memory_space<vmem>>) target(%dma_start3A_260 : memref<10240x128xf32, #tpu.memory_space<vmem_shared>>) offsets(%dma_start3A_257 : memref<64xi32, #tpu.memory_space<vmem>>) semaphore(%arg38 : memref<!tpu.dma_semaphore, #tpu.memory_space<semaphore_mem>>) {add = true}
      %add3A_261 = arith.constant 3 : i32
      %add3A_262 = arith.addi %mul3A_165, %add3A_261 : i32
      %ge3A_263 = arith.constant 2 : i32
      %ge3A_264 = arith.cmpi sge, %add3A_262, %ge3A_263 : i32
      %convert_element_type3A_265 = arith.extui %ge3A_264 : i1 to i32
      %cond3A_266 = arith.constant 0 : i32
      %cond3A_267 = arith.cmpi ne, %convert_element_type3A_265, %cond3A_266 : i32
      scf.if %cond3A_267 {
        %dma_wait3A_493 = arith.constant 1 : i32
        %dma_wait3A_494 = arith.constant 0 : i32
        %dma_wait3A_495 = tpu.memref_slice %arg6[%dma_wait3A_493, %dma_wait3A_494] : memref<2x64xi32, #tpu.memory_space<vmem>> -> memref<1x64xi32, #tpu.memory_space<vmem>>
        %dma_wait3A_496 = tpu.memref_squeeze %dma_wait3A_495 : memref<1x64xi32, #tpu.memory_space<vmem>> -> memref<64xi32, #tpu.memory_space<vmem>>
        %dma_wait3A_497 = arith.constant 0 : i32
        %dma_wait3A_498 = arith.constant 0 : i32
        %dma_wait3A_499 = tpu.memref_slice %arg20[%dma_wait3A_497, %dma_wait3A_498] : memref<10240x128xf32, #tpu.memory_space<vmem_shared>> -> memref<10240x128xf32, #tpu.memory_space<vmem_shared>>
        tpu.wait_indirect_dma semaphore(%arg37 : memref<!tpu.dma_semaphore, #tpu.memory_space<semaphore_mem>>) src(%arg16 : memref<64x128xf32, #tpu.memory_space<vmem>>) dst(%dma_wait3A_499 : memref<10240x128xf32, #tpu.memory_space<vmem_shared>>)
      } else {
      }
      %add3A_268 = arith.constant 4 : i32
      %add3A_269 = arith.addi %add3A_262, %add3A_268 : i32
      %lt3A_270 = arith.cmpi slt, %add3A_269, %select_n3A : i32
      %convert_element_type3A_271 = arith.extui %lt3A_270 : i1 to i32
      %cond3A_272 = arith.constant 0 : i32
      %cond3A_273 = arith.cmpi ne, %convert_element_type3A_271, %cond3A_272 : i32
      scf.if %cond3A_273 {
        %add3A_493 = arith.addi %select_n3A_21, %add3A_262 : i32
        %add3A_494 = arith.constant 4 : i32
        %add3A_495 = arith.addi %add3A_493, %add3A_494 : i32
        %dma_start3A_496 = arith.constant 0 : i32
        %dma_start3A_497 = arith.constant 0 : i32
        %dma_start3A_498 = tpu.memref_slice %arg3[%add3A_495, %dma_start3A_496, %dma_start3A_497] : memref<5120x2x64xi32, #tpu.memory_space<hbm>> -> memref<1x2x64xi32, #tpu.memory_space<hbm>>
        %dma_start3A_499 = tpu.memref_squeeze %dma_start3A_498 : memref<1x2x64xi32, #tpu.memory_space<hbm>> -> memref<2x64xi32, #tpu.memory_space<hbm>>
        %dma_start3A_500 = arith.constant 0 : i32
        %dma_start3A_501 = arith.constant 0 : i32
        %dma_start3A_502 = tpu.memref_slice %arg3[%add3A_495, %dma_start3A_500, %dma_start3A_501] : memref<5120x2x64xi32, #tpu.memory_space<hbm>> -> memref<1x2x64xi32, #tpu.memory_space<hbm>>
        %dma_start3A_503 = tpu.memref_squeeze %dma_start3A_502 : memref<1x2x64xi32, #tpu.memory_space<hbm>> -> memref<2x64xi32, #tpu.memory_space<hbm>>
        tpu.enqueue_dma source(%dma_start3A_503 : memref<2x64xi32, #tpu.memory_space<hbm>>) target(%arg12 : memref<2x64xi32, #tpu.memory_space<vmem>>) target_semaphore(%arg28 : memref<!tpu.dma_semaphore, #tpu.memory_space<semaphore_mem>>)
      } else {
      }
      %add3A_274 = arith.constant 3 : i32
      %add3A_275 = arith.addi %add3A_262, %add3A_274 : i32
      %lt3A_276 = arith.cmpi slt, %add3A_275, %select_n3A : i32
      %convert_element_type3A_277 = arith.extui %lt3A_276 : i1 to i32
      %cond3A_278 = arith.constant 0 : i32
      %cond3A_279 = arith.cmpi ne, %convert_element_type3A_277, %cond3A_278 : i32
      scf.if %cond3A_279 {
        %add3A_493 = arith.addi %select_n3A_21, %add3A_262 : i32
        %add3A_494 = arith.constant 3 : i32
        %add3A_495 = arith.addi %add3A_493, %add3A_494 : i32
        %dma_wait3A_496 = arith.constant 0 : i32
        %dma_wait3A_497 = arith.constant 0 : i32
        %dma_wait3A_498 = tpu.memref_slice %arg3[%add3A_495, %dma_wait3A_496, %dma_wait3A_497] : memref<5120x2x64xi32, #tpu.memory_space<hbm>> -> memref<1x2x64xi32, #tpu.memory_space<hbm>>
        %dma_wait3A_499 = tpu.memref_squeeze %dma_wait3A_498 : memref<1x2x64xi32, #tpu.memory_space<hbm>> -> memref<2x64xi32, #tpu.memory_space<hbm>>
        %dma_wait3A_500 = arith.constant 0 : i32
        %dma_wait3A_501 = arith.constant 0 : i32
        %dma_wait3A_502 = tpu.memref_slice %arg3[%add3A_495, %dma_wait3A_500, %dma_wait3A_501] : memref<5120x2x64xi32, #tpu.memory_space<hbm>> -> memref<1x2x64xi32, #tpu.memory_space<hbm>>
        %dma_wait3A_503 = tpu.memref_squeeze %dma_wait3A_502 : memref<1x2x64xi32, #tpu.memory_space<hbm>> -> memref<2x64xi32, #tpu.memory_space<hbm>>
        tpu.wait_dma2 semaphore(%arg27 : memref<!tpu.dma_semaphore, #tpu.memory_space<semaphore_mem>>) src(%dma_wait3A_503 : memref<2x64xi32, #tpu.memory_space<hbm>>) dst(%arg11 : memref<2x64xi32, #tpu.memory_space<vmem>>)
        %dma_start3A_504 = arith.constant 0 : i32
        %dma_start3A_505 = arith.constant 0 : i32
        %dma_start3A_506 = tpu.memref_slice %arg11[%dma_start3A_504, %dma_start3A_505] : memref<2x64xi32, #tpu.memory_space<vmem>> -> memref<1x64xi32, #tpu.memory_space<vmem>>
        %dma_start3A_507 = tpu.memref_squeeze %dma_start3A_506 : memref<1x64xi32, #tpu.memory_space<vmem>> -> memref<64xi32, #tpu.memory_space<vmem>>
        %dma_start3A_508 = arith.constant 0 : i32
        %dma_start3A_509 = arith.constant 0 : i32
        %dma_start3A_510 = tpu.memref_slice %arg2[%dma_start3A_508, %dma_start3A_509] : memref<10240x128xf32, #tpu.memory_space<hbm>> -> memref<10240x128xf32, #tpu.memory_space<hbm>>
        tpu.enqueue_indirect_dma source(%dma_start3A_510 : memref<10240x128xf32, #tpu.memory_space<hbm>>) target(%arg16 : memref<64x128xf32, #tpu.memory_space<vmem>>) offsets(%dma_start3A_507 : memref<64xi32, #tpu.memory_space<vmem>>) semaphore(%arg32 : memref<!tpu.dma_semaphore, #tpu.memory_space<semaphore_mem>>)
      } else {
      }
      %dma_wait3A_280 = arith.constant 0 : i32
      %dma_wait3A_281 = arith.constant 0 : i32
      %dma_wait3A_282 = tpu.memref_slice %arg8[%dma_wait3A_280, %dma_wait3A_281] : memref<2x64xi32, #tpu.memory_space<vmem>> -> memref<1x64xi32, #tpu.memory_space<vmem>>
      %dma_wait3A_283 = tpu.memref_squeeze %dma_wait3A_282 : memref<1x64xi32, #tpu.memory_space<vmem>> -> memref<64xi32, #tpu.memory_space<vmem>>
      %dma_wait3A_284 = arith.constant 0 : i32
      %dma_wait3A_285 = arith.constant 0 : i32
      %dma_wait3A_286 = tpu.memref_slice %arg2[%dma_wait3A_284, %dma_wait3A_285] : memref<10240x128xf32, #tpu.memory_space<hbm>> -> memref<10240x128xf32, #tpu.memory_space<hbm>>
      tpu.wait_indirect_dma semaphore(%arg34 : memref<!tpu.dma_semaphore, #tpu.memory_space<semaphore_mem>>) src(%dma_wait3A_286 : memref<10240x128xf32, #tpu.memory_space<hbm>>) dst(%arg18 : memref<64x128xf32, #tpu.memory_space<vmem>>)
      %dma_start3A_287 = arith.constant 1 : i32
      %dma_start3A_288 = arith.constant 0 : i32
      %dma_start3A_289 = tpu.memref_slice %arg8[%dma_start3A_287, %dma_start3A_288] : memref<2x64xi32, #tpu.memory_space<vmem>> -> memref<1x64xi32, #tpu.memory_space<vmem>>
      %dma_start3A_290 = tpu.memref_squeeze %dma_start3A_289 : memref<1x64xi32, #tpu.memory_space<vmem>> -> memref<64xi32, #tpu.memory_space<vmem>>
      %dma_start3A_291 = arith.constant 0 : i32
      %dma_start3A_292 = arith.constant 0 : i32
      %dma_start3A_293 = tpu.memref_slice %arg20[%dma_start3A_291, %dma_start3A_292] : memref<10240x128xf32, #tpu.memory_space<vmem_shared>> -> memref<10240x128xf32, #tpu.memory_space<vmem_shared>>
      tpu.enqueue_indirect_dma source(%arg18 : memref<64x128xf32, #tpu.memory_space<vmem>>) target(%dma_start3A_293 : memref<10240x128xf32, #tpu.memory_space<vmem_shared>>) offsets(%dma_start3A_290 : memref<64xi32, #tpu.memory_space<vmem>>) semaphore(%arg39 : memref<!tpu.dma_semaphore, #tpu.memory_space<semaphore_mem>>) {add = true}
      %add3A_294 = arith.constant 4 : i32
      %add3A_295 = arith.addi %mul3A_165, %add3A_294 : i32
      %ge3A_296 = arith.constant 2 : i32
      %ge3A_297 = arith.cmpi sge, %add3A_295, %ge3A_296 : i32
      %convert_element_type3A_298 = arith.extui %ge3A_297 : i1 to i32
      %cond3A_299 = arith.constant 0 : i32
      %cond3A_300 = arith.cmpi ne, %convert_element_type3A_298, %cond3A_299 : i32
      scf.if %cond3A_300 {
        %dma_wait3A_493 = arith.constant 1 : i32
        %dma_wait3A_494 = arith.constant 0 : i32
        %dma_wait3A_495 = tpu.memref_slice %arg7[%dma_wait3A_493, %dma_wait3A_494] : memref<2x64xi32, #tpu.memory_space<vmem>> -> memref<1x64xi32, #tpu.memory_space<vmem>>
        %dma_wait3A_496 = tpu.memref_squeeze %dma_wait3A_495 : memref<1x64xi32, #tpu.memory_space<vmem>> -> memref<64xi32, #tpu.memory_space<vmem>>
        %dma_wait3A_497 = arith.constant 0 : i32
        %dma_wait3A_498 = arith.constant 0 : i32
        %dma_wait3A_499 = tpu.memref_slice %arg20[%dma_wait3A_497, %dma_wait3A_498] : memref<10240x128xf32, #tpu.memory_space<vmem_shared>> -> memref<10240x128xf32, #tpu.memory_space<vmem_shared>>
        tpu.wait_indirect_dma semaphore(%arg38 : memref<!tpu.dma_semaphore, #tpu.memory_space<semaphore_mem>>) src(%arg17 : memref<64x128xf32, #tpu.memory_space<vmem>>) dst(%dma_wait3A_499 : memref<10240x128xf32, #tpu.memory_space<vmem_shared>>)
      } else {
      }
      %add3A_301 = arith.constant 4 : i32
      %add3A_302 = arith.addi %add3A_295, %add3A_301 : i32
      %lt3A_303 = arith.cmpi slt, %add3A_302, %select_n3A : i32
      %convert_element_type3A_304 = arith.extui %lt3A_303 : i1 to i32
      %cond3A_305 = arith.constant 0 : i32
      %cond3A_306 = arith.cmpi ne, %convert_element_type3A_304, %cond3A_305 : i32
      scf.if %cond3A_306 {
        %add3A_493 = arith.addi %select_n3A_21, %add3A_295 : i32
        %add3A_494 = arith.constant 4 : i32
        %add3A_495 = arith.addi %add3A_493, %add3A_494 : i32
        %dma_start3A_496 = arith.constant 0 : i32
        %dma_start3A_497 = arith.constant 0 : i32
        %dma_start3A_498 = tpu.memref_slice %arg3[%add3A_495, %dma_start3A_496, %dma_start3A_497] : memref<5120x2x64xi32, #tpu.memory_space<hbm>> -> memref<1x2x64xi32, #tpu.memory_space<hbm>>
        %dma_start3A_499 = tpu.memref_squeeze %dma_start3A_498 : memref<1x2x64xi32, #tpu.memory_space<hbm>> -> memref<2x64xi32, #tpu.memory_space<hbm>>
        %dma_start3A_500 = arith.constant 0 : i32
        %dma_start3A_501 = arith.constant 0 : i32
        %dma_start3A_502 = tpu.memref_slice %arg3[%add3A_495, %dma_start3A_500, %dma_start3A_501] : memref<5120x2x64xi32, #tpu.memory_space<hbm>> -> memref<1x2x64xi32, #tpu.memory_space<hbm>>
        %dma_start3A_503 = tpu.memref_squeeze %dma_start3A_502 : memref<1x2x64xi32, #tpu.memory_space<hbm>> -> memref<2x64xi32, #tpu.memory_space<hbm>>
        tpu.enqueue_dma source(%dma_start3A_503 : memref<2x64xi32, #tpu.memory_space<hbm>>) target(%arg13 : memref<2x64xi32, #tpu.memory_space<vmem>>) target_semaphore(%arg29 : memref<!tpu.dma_semaphore, #tpu.memory_space<semaphore_mem>>)
      } else {
      }
      %add3A_307 = arith.constant 3 : i32
      %add3A_308 = arith.addi %add3A_295, %add3A_307 : i32
      %lt3A_309 = arith.cmpi slt, %add3A_308, %select_n3A : i32
      %convert_element_type3A_310 = arith.extui %lt3A_309 : i1 to i32
      %cond3A_311 = arith.constant 0 : i32
      %cond3A_312 = arith.cmpi ne, %convert_element_type3A_310, %cond3A_311 : i32
      scf.if %cond3A_312 {
        %add3A_493 = arith.addi %select_n3A_21, %add3A_295 : i32
        %add3A_494 = arith.constant 3 : i32
        %add3A_495 = arith.addi %add3A_493, %add3A_494 : i32
        %dma_wait3A_496 = arith.constant 0 : i32
        %dma_wait3A_497 = arith.constant 0 : i32
        %dma_wait3A_498 = tpu.memref_slice %arg3[%add3A_495, %dma_wait3A_496, %dma_wait3A_497] : memref<5120x2x64xi32, #tpu.memory_space<hbm>> -> memref<1x2x64xi32, #tpu.memory_space<hbm>>
        %dma_wait3A_499 = tpu.memref_squeeze %dma_wait3A_498 : memref<1x2x64xi32, #tpu.memory_space<hbm>> -> memref<2x64xi32, #tpu.memory_space<hbm>>
        %dma_wait3A_500 = arith.constant 0 : i32
        %dma_wait3A_501 = arith.constant 0 : i32
        %dma_wait3A_502 = tpu.memref_slice %arg3[%add3A_495, %dma_wait3A_500, %dma_wait3A_501] : memref<5120x2x64xi32, #tpu.memory_space<hbm>> -> memref<1x2x64xi32, #tpu.memory_space<hbm>>
        %dma_wait3A_503 = tpu.memref_squeeze %dma_wait3A_502 : memref<1x2x64xi32, #tpu.memory_space<hbm>> -> memref<2x64xi32, #tpu.memory_space<hbm>>
        tpu.wait_dma2 semaphore(%arg28 : memref<!tpu.dma_semaphore, #tpu.memory_space<semaphore_mem>>) src(%dma_wait3A_503 : memref<2x64xi32, #tpu.memory_space<hbm>>) dst(%arg12 : memref<2x64xi32, #tpu.memory_space<vmem>>)
        %dma_start3A_504 = arith.constant 0 : i32
        %dma_start3A_505 = arith.constant 0 : i32
        %dma_start3A_506 = tpu.memref_slice %arg12[%dma_start3A_504, %dma_start3A_505] : memref<2x64xi32, #tpu.memory_space<vmem>> -> memref<1x64xi32, #tpu.memory_space<vmem>>
        %dma_start3A_507 = tpu.memref_squeeze %dma_start3A_506 : memref<1x64xi32, #tpu.memory_space<vmem>> -> memref<64xi32, #tpu.memory_space<vmem>>
        %dma_start3A_508 = arith.constant 0 : i32
        %dma_start3A_509 = arith.constant 0 : i32
        %dma_start3A_510 = tpu.memref_slice %arg2[%dma_start3A_508, %dma_start3A_509] : memref<10240x128xf32, #tpu.memory_space<hbm>> -> memref<10240x128xf32, #tpu.memory_space<hbm>>
        tpu.enqueue_indirect_dma source(%dma_start3A_510 : memref<10240x128xf32, #tpu.memory_space<hbm>>) target(%arg17 : memref<64x128xf32, #tpu.memory_space<vmem>>) offsets(%dma_start3A_507 : memref<64xi32, #tpu.memory_space<vmem>>) semaphore(%arg33 : memref<!tpu.dma_semaphore, #tpu.memory_space<semaphore_mem>>)
      } else {
      }
      %dma_wait3A_313 = arith.constant 0 : i32
      %dma_wait3A_314 = arith.constant 0 : i32
      %dma_wait3A_315 = tpu.memref_slice %arg9[%dma_wait3A_313, %dma_wait3A_314] : memref<2x64xi32, #tpu.memory_space<vmem>> -> memref<1x64xi32, #tpu.memory_space<vmem>>
      %dma_wait3A_316 = tpu.memref_squeeze %dma_wait3A_315 : memref<1x64xi32, #tpu.memory_space<vmem>> -> memref<64xi32, #tpu.memory_space<vmem>>
      %dma_wait3A_317 = arith.constant 0 : i32
      %dma_wait3A_318 = arith.constant 0 : i32
      %dma_wait3A_319 = tpu.memref_slice %arg2[%dma_wait3A_317, %dma_wait3A_318] : memref<10240x128xf32, #tpu.memory_space<hbm>> -> memref<10240x128xf32, #tpu.memory_space<hbm>>
      tpu.wait_indirect_dma semaphore(%arg35 : memref<!tpu.dma_semaphore, #tpu.memory_space<semaphore_mem>>) src(%dma_wait3A_319 : memref<10240x128xf32, #tpu.memory_space<hbm>>) dst(%arg19 : memref<64x128xf32, #tpu.memory_space<vmem>>)
      %dma_start3A_320 = arith.constant 1 : i32
      %dma_start3A_321 = arith.constant 0 : i32
      %dma_start3A_322 = tpu.memref_slice %arg9[%dma_start3A_320, %dma_start3A_321] : memref<2x64xi32, #tpu.memory_space<vmem>> -> memref<1x64xi32, #tpu.memory_space<vmem>>
      %dma_start3A_323 = tpu.memref_squeeze %dma_start3A_322 : memref<1x64xi32, #tpu.memory_space<vmem>> -> memref<64xi32, #tpu.memory_space<vmem>>
      %dma_start3A_324 = arith.constant 0 : i32
      %dma_start3A_325 = arith.constant 0 : i32
      %dma_start3A_326 = tpu.memref_slice %arg20[%dma_start3A_324, %dma_start3A_325] : memref<10240x128xf32, #tpu.memory_space<vmem_shared>> -> memref<10240x128xf32, #tpu.memory_space<vmem_shared>>
      tpu.enqueue_indirect_dma source(%arg19 : memref<64x128xf32, #tpu.memory_space<vmem>>) target(%dma_start3A_326 : memref<10240x128xf32, #tpu.memory_space<vmem_shared>>) offsets(%dma_start3A_323 : memref<64xi32, #tpu.memory_space<vmem>>) semaphore(%arg40 : memref<!tpu.dma_semaphore, #tpu.memory_space<semaphore_mem>>) {add = true}
      %add3A_327 = arith.constant 5 : i32
      %add3A_328 = arith.addi %mul3A_165, %add3A_327 : i32
      %ge3A_329 = arith.constant 2 : i32
      %ge3A_330 = arith.cmpi sge, %add3A_328, %ge3A_329 : i32
      %convert_element_type3A_331 = arith.extui %ge3A_330 : i1 to i32
      %cond3A_332 = arith.constant 0 : i32
      %cond3A_333 = arith.cmpi ne, %convert_element_type3A_331, %cond3A_332 : i32
      scf.if %cond3A_333 {
        %dma_wait3A_493 = arith.constant 1 : i32
        %dma_wait3A_494 = arith.constant 0 : i32
        %dma_wait3A_495 = tpu.memref_slice %arg8[%dma_wait3A_493, %dma_wait3A_494] : memref<2x64xi32, #tpu.memory_space<vmem>> -> memref<1x64xi32, #tpu.memory_space<vmem>>
        %dma_wait3A_496 = tpu.memref_squeeze %dma_wait3A_495 : memref<1x64xi32, #tpu.memory_space<vmem>> -> memref<64xi32, #tpu.memory_space<vmem>>
        %dma_wait3A_497 = arith.constant 0 : i32
        %dma_wait3A_498 = arith.constant 0 : i32
        %dma_wait3A_499 = tpu.memref_slice %arg20[%dma_wait3A_497, %dma_wait3A_498] : memref<10240x128xf32, #tpu.memory_space<vmem_shared>> -> memref<10240x128xf32, #tpu.memory_space<vmem_shared>>
        tpu.wait_indirect_dma semaphore(%arg39 : memref<!tpu.dma_semaphore, #tpu.memory_space<semaphore_mem>>) src(%arg18 : memref<64x128xf32, #tpu.memory_space<vmem>>) dst(%dma_wait3A_499 : memref<10240x128xf32, #tpu.memory_space<vmem_shared>>)
      } else {
      }
      %add3A_334 = arith.constant 4 : i32
      %add3A_335 = arith.addi %add3A_328, %add3A_334 : i32
      %lt3A_336 = arith.cmpi slt, %add3A_335, %select_n3A : i32
      %convert_element_type3A_337 = arith.extui %lt3A_336 : i1 to i32
      %cond3A_338 = arith.constant 0 : i32
      %cond3A_339 = arith.cmpi ne, %convert_element_type3A_337, %cond3A_338 : i32
      scf.if %cond3A_339 {
        %add3A_493 = arith.addi %select_n3A_21, %add3A_328 : i32
        %add3A_494 = arith.constant 4 : i32
        %add3A_495 = arith.addi %add3A_493, %add3A_494 : i32
        %dma_start3A_496 = arith.constant 0 : i32
        %dma_start3A_497 = arith.constant 0 : i32
        %dma_start3A_498 = tpu.memref_slice %arg3[%add3A_495, %dma_start3A_496, %dma_start3A_497] : memref<5120x2x64xi32, #tpu.memory_space<hbm>> -> memref<1x2x64xi32, #tpu.memory_space<hbm>>
        %dma_start3A_499 = tpu.memref_squeeze %dma_start3A_498 : memref<1x2x64xi32, #tpu.memory_space<hbm>> -> memref<2x64xi32, #tpu.memory_space<hbm>>
        %dma_start3A_500 = arith.constant 0 : i32
        %dma_start3A_501 = arith.constant 0 : i32
        %dma_start3A_502 = tpu.memref_slice %arg3[%add3A_495, %dma_start3A_500, %dma_start3A_501] : memref<5120x2x64xi32, #tpu.memory_space<hbm>> -> memref<1x2x64xi32, #tpu.memory_space<hbm>>
        %dma_start3A_503 = tpu.memref_squeeze %dma_start3A_502 : memref<1x2x64xi32, #tpu.memory_space<hbm>> -> memref<2x64xi32, #tpu.memory_space<hbm>>
        tpu.enqueue_dma source(%dma_start3A_503 : memref<2x64xi32, #tpu.memory_space<hbm>>) target(%arg14 : memref<2x64xi32, #tpu.memory_space<vmem>>) target_semaphore(%arg30 : memref<!tpu.dma_semaphore, #tpu.memory_space<semaphore_mem>>)
      } else {
      }
      %add3A_340 = arith.constant 3 : i32
      %add3A_341 = arith.addi %add3A_328, %add3A_340 : i32
      %lt3A_342 = arith.cmpi slt, %add3A_341, %select_n3A : i32
      %convert_element_type3A_343 = arith.extui %lt3A_342 : i1 to i32
      %cond3A_344 = arith.constant 0 : i32
      %cond3A_345 = arith.cmpi ne, %convert_element_type3A_343, %cond3A_344 : i32
      scf.if %cond3A_345 {
        %add3A_493 = arith.addi %select_n3A_21, %add3A_328 : i32
        %add3A_494 = arith.constant 3 : i32
        %add3A_495 = arith.addi %add3A_493, %add3A_494 : i32
        %dma_wait3A_496 = arith.constant 0 : i32
        %dma_wait3A_497 = arith.constant 0 : i32
        %dma_wait3A_498 = tpu.memref_slice %arg3[%add3A_495, %dma_wait3A_496, %dma_wait3A_497] : memref<5120x2x64xi32, #tpu.memory_space<hbm>> -> memref<1x2x64xi32, #tpu.memory_space<hbm>>
        %dma_wait3A_499 = tpu.memref_squeeze %dma_wait3A_498 : memref<1x2x64xi32, #tpu.memory_space<hbm>> -> memref<2x64xi32, #tpu.memory_space<hbm>>
        %dma_wait3A_500 = arith.constant 0 : i32
        %dma_wait3A_501 = arith.constant 0 : i32
        %dma_wait3A_502 = tpu.memref_slice %arg3[%add3A_495, %dma_wait3A_500, %dma_wait3A_501] : memref<5120x2x64xi32, #tpu.memory_space<hbm>> -> memref<1x2x64xi32, #tpu.memory_space<hbm>>
        %dma_wait3A_503 = tpu.memref_squeeze %dma_wait3A_502 : memref<1x2x64xi32, #tpu.memory_space<hbm>> -> memref<2x64xi32, #tpu.memory_space<hbm>>
        tpu.wait_dma2 semaphore(%arg29 : memref<!tpu.dma_semaphore, #tpu.memory_space<semaphore_mem>>) src(%dma_wait3A_503 : memref<2x64xi32, #tpu.memory_space<hbm>>) dst(%arg13 : memref<2x64xi32, #tpu.memory_space<vmem>>)
        %dma_start3A_504 = arith.constant 0 : i32
        %dma_start3A_505 = arith.constant 0 : i32
        %dma_start3A_506 = tpu.memref_slice %arg13[%dma_start3A_504, %dma_start3A_505] : memref<2x64xi32, #tpu.memory_space<vmem>> -> memref<1x64xi32, #tpu.memory_space<vmem>>
        %dma_start3A_507 = tpu.memref_squeeze %dma_start3A_506 : memref<1x64xi32, #tpu.memory_space<vmem>> -> memref<64xi32, #tpu.memory_space<vmem>>
        %dma_start3A_508 = arith.constant 0 : i32
        %dma_start3A_509 = arith.constant 0 : i32
        %dma_start3A_510 = tpu.memref_slice %arg2[%dma_start3A_508, %dma_start3A_509] : memref<10240x128xf32, #tpu.memory_space<hbm>> -> memref<10240x128xf32, #tpu.memory_space<hbm>>
        tpu.enqueue_indirect_dma source(%dma_start3A_510 : memref<10240x128xf32, #tpu.memory_space<hbm>>) target(%arg18 : memref<64x128xf32, #tpu.memory_space<vmem>>) offsets(%dma_start3A_507 : memref<64xi32, #tpu.memory_space<vmem>>) semaphore(%arg34 : memref<!tpu.dma_semaphore, #tpu.memory_space<semaphore_mem>>)
      } else {
      }
      %dma_wait3A_346 = arith.constant 0 : i32
      %dma_wait3A_347 = arith.constant 0 : i32
      %dma_wait3A_348 = tpu.memref_slice %arg10[%dma_wait3A_346, %dma_wait3A_347] : memref<2x64xi32, #tpu.memory_space<vmem>> -> memref<1x64xi32, #tpu.memory_space<vmem>>
      %dma_wait3A_349 = tpu.memref_squeeze %dma_wait3A_348 : memref<1x64xi32, #tpu.memory_space<vmem>> -> memref<64xi32, #tpu.memory_space<vmem>>
      %dma_wait3A_350 = arith.constant 0 : i32
      %dma_wait3A_351 = arith.constant 0 : i32
      %dma_wait3A_352 = tpu.memref_slice %arg2[%dma_wait3A_350, %dma_wait3A_351] : memref<10240x128xf32, #tpu.memory_space<hbm>> -> memref<10240x128xf32, #tpu.memory_space<hbm>>
      tpu.wait_indirect_dma semaphore(%arg31 : memref<!tpu.dma_semaphore, #tpu.memory_space<semaphore_mem>>) src(%dma_wait3A_352 : memref<10240x128xf32, #tpu.memory_space<hbm>>) dst(%arg15 : memref<64x128xf32, #tpu.memory_space<vmem>>)
      %dma_start3A_353 = arith.constant 1 : i32
      %dma_start3A_354 = arith.constant 0 : i32
      %dma_start3A_355 = tpu.memref_slice %arg10[%dma_start3A_353, %dma_start3A_354] : memref<2x64xi32, #tpu.memory_space<vmem>> -> memref<1x64xi32, #tpu.memory_space<vmem>>
      %dma_start3A_356 = tpu.memref_squeeze %dma_start3A_355 : memref<1x64xi32, #tpu.memory_space<vmem>> -> memref<64xi32, #tpu.memory_space<vmem>>
      %dma_start3A_357 = arith.constant 0 : i32
      %dma_start3A_358 = arith.constant 0 : i32
      %dma_start3A_359 = tpu.memref_slice %arg20[%dma_start3A_357, %dma_start3A_358] : memref<10240x128xf32, #tpu.memory_space<vmem_shared>> -> memref<10240x128xf32, #tpu.memory_space<vmem_shared>>
      tpu.enqueue_indirect_dma source(%arg15 : memref<64x128xf32, #tpu.memory_space<vmem>>) target(%dma_start3A_359 : memref<10240x128xf32, #tpu.memory_space<vmem_shared>>) offsets(%dma_start3A_356 : memref<64xi32, #tpu.memory_space<vmem>>) semaphore(%arg36 : memref<!tpu.dma_semaphore, #tpu.memory_space<semaphore_mem>>) {add = true}
      %add3A_360 = arith.constant 6 : i32
      %add3A_361 = arith.addi %mul3A_165, %add3A_360 : i32
      %ge3A_362 = arith.constant 2 : i32
      %ge3A_363 = arith.cmpi sge, %add3A_361, %ge3A_362 : i32
      %convert_element_type3A_364 = arith.extui %ge3A_363 : i1 to i32
      %cond3A_365 = arith.constant 0 : i32
      %cond3A_366 = arith.cmpi ne, %convert_element_type3A_364, %cond3A_365 : i32
      scf.if %cond3A_366 {
        %dma_wait3A_493 = arith.constant 1 : i32
        %dma_wait3A_494 = arith.constant 0 : i32
        %dma_wait3A_495 = tpu.memref_slice %arg9[%dma_wait3A_493, %dma_wait3A_494] : memref<2x64xi32, #tpu.memory_space<vmem>> -> memref<1x64xi32, #tpu.memory_space<vmem>>
        %dma_wait3A_496 = tpu.memref_squeeze %dma_wait3A_495 : memref<1x64xi32, #tpu.memory_space<vmem>> -> memref<64xi32, #tpu.memory_space<vmem>>
        %dma_wait3A_497 = arith.constant 0 : i32
        %dma_wait3A_498 = arith.constant 0 : i32
        %dma_wait3A_499 = tpu.memref_slice %arg20[%dma_wait3A_497, %dma_wait3A_498] : memref<10240x128xf32, #tpu.memory_space<vmem_shared>> -> memref<10240x128xf32, #tpu.memory_space<vmem_shared>>
        tpu.wait_indirect_dma semaphore(%arg40 : memref<!tpu.dma_semaphore, #tpu.memory_space<semaphore_mem>>) src(%arg19 : memref<64x128xf32, #tpu.memory_space<vmem>>) dst(%dma_wait3A_499 : memref<10240x128xf32, #tpu.memory_space<vmem_shared>>)
      } else {
      }
      %add3A_367 = arith.constant 4 : i32
      %add3A_368 = arith.addi %add3A_361, %add3A_367 : i32
      %lt3A_369 = arith.cmpi slt, %add3A_368, %select_n3A : i32
      %convert_element_type3A_370 = arith.extui %lt3A_369 : i1 to i32
      %cond3A_371 = arith.constant 0 : i32
      %cond3A_372 = arith.cmpi ne, %convert_element_type3A_370, %cond3A_371 : i32
      scf.if %cond3A_372 {
        %add3A_493 = arith.addi %select_n3A_21, %add3A_361 : i32
        %add3A_494 = arith.constant 4 : i32
        %add3A_495 = arith.addi %add3A_493, %add3A_494 : i32
        %dma_start3A_496 = arith.constant 0 : i32
        %dma_start3A_497 = arith.constant 0 : i32
        %dma_start3A_498 = tpu.memref_slice %arg3[%add3A_495, %dma_start3A_496, %dma_start3A_497] : memref<5120x2x64xi32, #tpu.memory_space<hbm>> -> memref<1x2x64xi32, #tpu.memory_space<hbm>>
        %dma_start3A_499 = tpu.memref_squeeze %dma_start3A_498 : memref<1x2x64xi32, #tpu.memory_space<hbm>> -> memref<2x64xi32, #tpu.memory_space<hbm>>
        %dma_start3A_500 = arith.constant 0 : i32
        %dma_start3A_501 = arith.constant 0 : i32
        %dma_start3A_502 = tpu.memref_slice %arg3[%add3A_495, %dma_start3A_500, %dma_start3A_501] : memref<5120x2x64xi32, #tpu.memory_space<hbm>> -> memref<1x2x64xi32, #tpu.memory_space<hbm>>
        %dma_start3A_503 = tpu.memref_squeeze %dma_start3A_502 : memref<1x2x64xi32, #tpu.memory_space<hbm>> -> memref<2x64xi32, #tpu.memory_space<hbm>>
        tpu.enqueue_dma source(%dma_start3A_503 : memref<2x64xi32, #tpu.memory_space<hbm>>) target(%arg5 : memref<2x64xi32, #tpu.memory_space<vmem>>) target_semaphore(%arg21 : memref<!tpu.dma_semaphore, #tpu.memory_space<semaphore_mem>>)
      } else {
      }
      %add3A_373 = arith.constant 3 : i32
      %add3A_374 = arith.addi %add3A_361, %add3A_373 : i32
      %lt3A_375 = arith.cmpi slt, %add3A_374, %select_n3A : i32
      %convert_element_type3A_376 = arith.extui %lt3A_375 : i1 to i32
      %cond3A_377 = arith.constant 0 : i32
      %cond3A_378 = arith.cmpi ne, %convert_element_type3A_376, %cond3A_377 : i32
      scf.if %cond3A_378 {
        %add3A_493 = arith.addi %select_n3A_21, %add3A_361 : i32
        %add3A_494 = arith.constant 3 : i32
        %add3A_495 = arith.addi %add3A_493, %add3A_494 : i32
        %dma_wait3A_496 = arith.constant 0 : i32
        %dma_wait3A_497 = arith.constant 0 : i32
        %dma_wait3A_498 = tpu.memref_slice %arg3[%add3A_495, %dma_wait3A_496, %dma_wait3A_497] : memref<5120x2x64xi32, #tpu.memory_space<hbm>> -> memref<1x2x64xi32, #tpu.memory_space<hbm>>
        %dma_wait3A_499 = tpu.memref_squeeze %dma_wait3A_498 : memref<1x2x64xi32, #tpu.memory_space<hbm>> -> memref<2x64xi32, #tpu.memory_space<hbm>>
        %dma_wait3A_500 = arith.constant 0 : i32
        %dma_wait3A_501 = arith.constant 0 : i32
        %dma_wait3A_502 = tpu.memref_slice %arg3[%add3A_495, %dma_wait3A_500, %dma_wait3A_501] : memref<5120x2x64xi32, #tpu.memory_space<hbm>> -> memref<1x2x64xi32, #tpu.memory_space<hbm>>
        %dma_wait3A_503 = tpu.memref_squeeze %dma_wait3A_502 : memref<1x2x64xi32, #tpu.memory_space<hbm>> -> memref<2x64xi32, #tpu.memory_space<hbm>>
        tpu.wait_dma2 semaphore(%arg30 : memref<!tpu.dma_semaphore, #tpu.memory_space<semaphore_mem>>) src(%dma_wait3A_503 : memref<2x64xi32, #tpu.memory_space<hbm>>) dst(%arg14 : memref<2x64xi32, #tpu.memory_space<vmem>>)
        %dma_start3A_504 = arith.constant 0 : i32
        %dma_start3A_505 = arith.constant 0 : i32
        %dma_start3A_506 = tpu.memref_slice %arg14[%dma_start3A_504, %dma_start3A_505] : memref<2x64xi32, #tpu.memory_space<vmem>> -> memref<1x64xi32, #tpu.memory_space<vmem>>
        %dma_start3A_507 = tpu.memref_squeeze %dma_start3A_506 : memref<1x64xi32, #tpu.memory_space<vmem>> -> memref<64xi32, #tpu.memory_space<vmem>>
        %dma_start3A_508 = arith.constant 0 : i32
        %dma_start3A_509 = arith.constant 0 : i32
        %dma_start3A_510 = tpu.memref_slice %arg2[%dma_start3A_508, %dma_start3A_509] : memref<10240x128xf32, #tpu.memory_space<hbm>> -> memref<10240x128xf32, #tpu.memory_space<hbm>>
        tpu.enqueue_indirect_dma source(%dma_start3A_510 : memref<10240x128xf32, #tpu.memory_space<hbm>>) target(%arg19 : memref<64x128xf32, #tpu.memory_space<vmem>>) offsets(%dma_start3A_507 : memref<64xi32, #tpu.memory_space<vmem>>) semaphore(%arg35 : memref<!tpu.dma_semaphore, #tpu.memory_space<semaphore_mem>>)
      } else {
      }
      %dma_wait3A_379 = arith.constant 0 : i32
      %dma_wait3A_380 = arith.constant 0 : i32
      %dma_wait3A_381 = tpu.memref_slice %arg11[%dma_wait3A_379, %dma_wait3A_380] : memref<2x64xi32, #tpu.memory_space<vmem>> -> memref<1x64xi32, #tpu.memory_space<vmem>>
      %dma_wait3A_382 = tpu.memref_squeeze %dma_wait3A_381 : memref<1x64xi32, #tpu.memory_space<vmem>> -> memref<64xi32, #tpu.memory_space<vmem>>
      %dma_wait3A_383 = arith.constant 0 : i32
      %dma_wait3A_384 = arith.constant 0 : i32
      %dma_wait3A_385 = tpu.memref_slice %arg2[%dma_wait3A_383, %dma_wait3A_384] : memref<10240x128xf32, #tpu.memory_space<hbm>> -> memref<10240x128xf32, #tpu.memory_space<hbm>>
      tpu.wait_indirect_dma semaphore(%arg32 : memref<!tpu.dma_semaphore, #tpu.memory_space<semaphore_mem>>) src(%dma_wait3A_385 : memref<10240x128xf32, #tpu.memory_space<hbm>>) dst(%arg16 : memref<64x128xf32, #tpu.memory_space<vmem>>)
      %dma_start3A_386 = arith.constant 1 : i32
      %dma_start3A_387 = arith.constant 0 : i32
      %dma_start3A_388 = tpu.memref_slice %arg11[%dma_start3A_386, %dma_start3A_387] : memref<2x64xi32, #tpu.memory_space<vmem>> -> memref<1x64xi32, #tpu.memory_space<vmem>>
      %dma_start3A_389 = tpu.memref_squeeze %dma_start3A_388 : memref<1x64xi32, #tpu.memory_space<vmem>> -> memref<64xi32, #tpu.memory_space<vmem>>
      %dma_start3A_390 = arith.constant 0 : i32
      %dma_start3A_391 = arith.constant 0 : i32
      %dma_start3A_392 = tpu.memref_slice %arg20[%dma_start3A_390, %dma_start3A_391] : memref<10240x128xf32, #tpu.memory_space<vmem_shared>> -> memref<10240x128xf32, #tpu.memory_space<vmem_shared>>
      tpu.enqueue_indirect_dma source(%arg16 : memref<64x128xf32, #tpu.memory_space<vmem>>) target(%dma_start3A_392 : memref<10240x128xf32, #tpu.memory_space<vmem_shared>>) offsets(%dma_start3A_389 : memref<64xi32, #tpu.memory_space<vmem>>) semaphore(%arg37 : memref<!tpu.dma_semaphore, #tpu.memory_space<semaphore_mem>>) {add = true}
      %add3A_393 = arith.constant 7 : i32
      %add3A_394 = arith.addi %mul3A_165, %add3A_393 : i32
      %ge3A_395 = arith.constant 2 : i32
      %ge3A_396 = arith.cmpi sge, %add3A_394, %ge3A_395 : i32
      %convert_element_type3A_397 = arith.extui %ge3A_396 : i1 to i32
      %cond3A_398 = arith.constant 0 : i32
      %cond3A_399 = arith.cmpi ne, %convert_element_type3A_397, %cond3A_398 : i32
      scf.if %cond3A_399 {
        %dma_wait3A_493 = arith.constant 1 : i32
        %dma_wait3A_494 = arith.constant 0 : i32
        %dma_wait3A_495 = tpu.memref_slice %arg10[%dma_wait3A_493, %dma_wait3A_494] : memref<2x64xi32, #tpu.memory_space<vmem>> -> memref<1x64xi32, #tpu.memory_space<vmem>>
        %dma_wait3A_496 = tpu.memref_squeeze %dma_wait3A_495 : memref<1x64xi32, #tpu.memory_space<vmem>> -> memref<64xi32, #tpu.memory_space<vmem>>
        %dma_wait3A_497 = arith.constant 0 : i32
        %dma_wait3A_498 = arith.constant 0 : i32
        %dma_wait3A_499 = tpu.memref_slice %arg20[%dma_wait3A_497, %dma_wait3A_498] : memref<10240x128xf32, #tpu.memory_space<vmem_shared>> -> memref<10240x128xf32, #tpu.memory_space<vmem_shared>>
        tpu.wait_indirect_dma semaphore(%arg36 : memref<!tpu.dma_semaphore, #tpu.memory_space<semaphore_mem>>) src(%arg15 : memref<64x128xf32, #tpu.memory_space<vmem>>) dst(%dma_wait3A_499 : memref<10240x128xf32, #tpu.memory_space<vmem_shared>>)
      } else {
      }
      %add3A_400 = arith.constant 4 : i32
      %add3A_401 = arith.addi %add3A_394, %add3A_400 : i32
      %lt3A_402 = arith.cmpi slt, %add3A_401, %select_n3A : i32
      %convert_element_type3A_403 = arith.extui %lt3A_402 : i1 to i32
      %cond3A_404 = arith.constant 0 : i32
      %cond3A_405 = arith.cmpi ne, %convert_element_type3A_403, %cond3A_404 : i32
      scf.if %cond3A_405 {
        %add3A_493 = arith.addi %select_n3A_21, %add3A_394 : i32
        %add3A_494 = arith.constant 4 : i32
        %add3A_495 = arith.addi %add3A_493, %add3A_494 : i32
        %dma_start3A_496 = arith.constant 0 : i32
        %dma_start3A_497 = arith.constant 0 : i32
        %dma_start3A_498 = tpu.memref_slice %arg3[%add3A_495, %dma_start3A_496, %dma_start3A_497] : memref<5120x2x64xi32, #tpu.memory_space<hbm>> -> memref<1x2x64xi32, #tpu.memory_space<hbm>>
        %dma_start3A_499 = tpu.memref_squeeze %dma_start3A_498 : memref<1x2x64xi32, #tpu.memory_space<hbm>> -> memref<2x64xi32, #tpu.memory_space<hbm>>
        %dma_start3A_500 = arith.constant 0 : i32
        %dma_start3A_501 = arith.constant 0 : i32
        %dma_start3A_502 = tpu.memref_slice %arg3[%add3A_495, %dma_start3A_500, %dma_start3A_501] : memref<5120x2x64xi32, #tpu.memory_space<hbm>> -> memref<1x2x64xi32, #tpu.memory_space<hbm>>
        %dma_start3A_503 = tpu.memref_squeeze %dma_start3A_502 : memref<1x2x64xi32, #tpu.memory_space<hbm>> -> memref<2x64xi32, #tpu.memory_space<hbm>>
        tpu.enqueue_dma source(%dma_start3A_503 : memref<2x64xi32, #tpu.memory_space<hbm>>) target(%arg6 : memref<2x64xi32, #tpu.memory_space<vmem>>) target_semaphore(%arg22 : memref<!tpu.dma_semaphore, #tpu.memory_space<semaphore_mem>>)
      } else {
      }
      %add3A_406 = arith.constant 3 : i32
      %add3A_407 = arith.addi %add3A_394, %add3A_406 : i32
      %lt3A_408 = arith.cmpi slt, %add3A_407, %select_n3A : i32
      %convert_element_type3A_409 = arith.extui %lt3A_408 : i1 to i32
      %cond3A_410 = arith.constant 0 : i32
      %cond3A_411 = arith.cmpi ne, %convert_element_type3A_409, %cond3A_410 : i32
      scf.if %cond3A_411 {
        %add3A_493 = arith.addi %select_n3A_21, %add3A_394 : i32
        %add3A_494 = arith.constant 3 : i32
        %add3A_495 = arith.addi %add3A_493, %add3A_494 : i32
        %dma_wait3A_496 = arith.constant 0 : i32
        %dma_wait3A_497 = arith.constant 0 : i32
        %dma_wait3A_498 = tpu.memref_slice %arg3[%add3A_495, %dma_wait3A_496, %dma_wait3A_497] : memref<5120x2x64xi32, #tpu.memory_space<hbm>> -> memref<1x2x64xi32, #tpu.memory_space<hbm>>
        %dma_wait3A_499 = tpu.memref_squeeze %dma_wait3A_498 : memref<1x2x64xi32, #tpu.memory_space<hbm>> -> memref<2x64xi32, #tpu.memory_space<hbm>>
        %dma_wait3A_500 = arith.constant 0 : i32
        %dma_wait3A_501 = arith.constant 0 : i32
        %dma_wait3A_502 = tpu.memref_slice %arg3[%add3A_495, %dma_wait3A_500, %dma_wait3A_501] : memref<5120x2x64xi32, #tpu.memory_space<hbm>> -> memref<1x2x64xi32, #tpu.memory_space<hbm>>
        %dma_wait3A_503 = tpu.memref_squeeze %dma_wait3A_502 : memref<1x2x64xi32, #tpu.memory_space<hbm>> -> memref<2x64xi32, #tpu.memory_space<hbm>>
        tpu.wait_dma2 semaphore(%arg21 : memref<!tpu.dma_semaphore, #tpu.memory_space<semaphore_mem>>) src(%dma_wait3A_503 : memref<2x64xi32, #tpu.memory_space<hbm>>) dst(%arg5 : memref<2x64xi32, #tpu.memory_space<vmem>>)
        %dma_start3A_504 = arith.constant 0 : i32
        %dma_start3A_505 = arith.constant 0 : i32
        %dma_start3A_506 = tpu.memref_slice %arg5[%dma_start3A_504, %dma_start3A_505] : memref<2x64xi32, #tpu.memory_space<vmem>> -> memref<1x64xi32, #tpu.memory_space<vmem>>
        %dma_start3A_507 = tpu.memref_squeeze %dma_start3A_506 : memref<1x64xi32, #tpu.memory_space<vmem>> -> memref<64xi32, #tpu.memory_space<vmem>>
        %dma_start3A_508 = arith.constant 0 : i32
        %dma_start3A_509 = arith.constant 0 : i32
        %dma_start3A_510 = tpu.memref_slice %arg2[%dma_start3A_508, %dma_start3A_509] : memref<10240x128xf32, #tpu.memory_space<hbm>> -> memref<10240x128xf32, #tpu.memory_space<hbm>>
        tpu.enqueue_indirect_dma source(%dma_start3A_510 : memref<10240x128xf32, #tpu.memory_space<hbm>>) target(%arg15 : memref<64x128xf32, #tpu.memory_space<vmem>>) offsets(%dma_start3A_507 : memref<64xi32, #tpu.memory_space<vmem>>) semaphore(%arg31 : memref<!tpu.dma_semaphore, #tpu.memory_space<semaphore_mem>>)
      } else {
      }
      %dma_wait3A_412 = arith.constant 0 : i32
      %dma_wait3A_413 = arith.constant 0 : i32
      %dma_wait3A_414 = tpu.memref_slice %arg12[%dma_wait3A_412, %dma_wait3A_413] : memref<2x64xi32, #tpu.memory_space<vmem>> -> memref<1x64xi32, #tpu.memory_space<vmem>>
      %dma_wait3A_415 = tpu.memref_squeeze %dma_wait3A_414 : memref<1x64xi32, #tpu.memory_space<vmem>> -> memref<64xi32, #tpu.memory_space<vmem>>
      %dma_wait3A_416 = arith.constant 0 : i32
      %dma_wait3A_417 = arith.constant 0 : i32
      %dma_wait3A_418 = tpu.memref_slice %arg2[%dma_wait3A_416, %dma_wait3A_417] : memref<10240x128xf32, #tpu.memory_space<hbm>> -> memref<10240x128xf32, #tpu.memory_space<hbm>>
      tpu.wait_indirect_dma semaphore(%arg33 : memref<!tpu.dma_semaphore, #tpu.memory_space<semaphore_mem>>) src(%dma_wait3A_418 : memref<10240x128xf32, #tpu.memory_space<hbm>>) dst(%arg17 : memref<64x128xf32, #tpu.memory_space<vmem>>)
      %dma_start3A_419 = arith.constant 1 : i32
      %dma_start3A_420 = arith.constant 0 : i32
      %dma_start3A_421 = tpu.memref_slice %arg12[%dma_start3A_419, %dma_start3A_420] : memref<2x64xi32, #tpu.memory_space<vmem>> -> memref<1x64xi32, #tpu.memory_space<vmem>>
      %dma_start3A_422 = tpu.memref_squeeze %dma_start3A_421 : memref<1x64xi32, #tpu.memory_space<vmem>> -> memref<64xi32, #tpu.memory_space<vmem>>
      %dma_start3A_423 = arith.constant 0 : i32
      %dma_start3A_424 = arith.constant 0 : i32
      %dma_start3A_425 = tpu.memref_slice %arg20[%dma_start3A_423, %dma_start3A_424] : memref<10240x128xf32, #tpu.memory_space<vmem_shared>> -> memref<10240x128xf32, #tpu.memory_space<vmem_shared>>
      tpu.enqueue_indirect_dma source(%arg17 : memref<64x128xf32, #tpu.memory_space<vmem>>) target(%dma_start3A_425 : memref<10240x128xf32, #tpu.memory_space<vmem_shared>>) offsets(%dma_start3A_422 : memref<64xi32, #tpu.memory_space<vmem>>) semaphore(%arg38 : memref<!tpu.dma_semaphore, #tpu.memory_space<semaphore_mem>>) {add = true}
      %add3A_426 = arith.constant 8 : i32
      %add3A_427 = arith.addi %mul3A_165, %add3A_426 : i32
      %ge3A_428 = arith.constant 2 : i32
      %ge3A_429 = arith.cmpi sge, %add3A_427, %ge3A_428 : i32
      %convert_element_type3A_430 = arith.extui %ge3A_429 : i1 to i32
      %cond3A_431 = arith.constant 0 : i32
      %cond3A_432 = arith.cmpi ne, %convert_element_type3A_430, %cond3A_431 : i32
      scf.if %cond3A_432 {
        %dma_wait3A_493 = arith.constant 1 : i32
        %dma_wait3A_494 = arith.constant 0 : i32
        %dma_wait3A_495 = tpu.memref_slice %arg11[%dma_wait3A_493, %dma_wait3A_494] : memref<2x64xi32, #tpu.memory_space<vmem>> -> memref<1x64xi32, #tpu.memory_space<vmem>>
        %dma_wait3A_496 = tpu.memref_squeeze %dma_wait3A_495 : memref<1x64xi32, #tpu.memory_space<vmem>> -> memref<64xi32, #tpu.memory_space<vmem>>
        %dma_wait3A_497 = arith.constant 0 : i32
        %dma_wait3A_498 = arith.constant 0 : i32
        %dma_wait3A_499 = tpu.memref_slice %arg20[%dma_wait3A_497, %dma_wait3A_498] : memref<10240x128xf32, #tpu.memory_space<vmem_shared>> -> memref<10240x128xf32, #tpu.memory_space<vmem_shared>>
        tpu.wait_indirect_dma semaphore(%arg37 : memref<!tpu.dma_semaphore, #tpu.memory_space<semaphore_mem>>) src(%arg16 : memref<64x128xf32, #tpu.memory_space<vmem>>) dst(%dma_wait3A_499 : memref<10240x128xf32, #tpu.memory_space<vmem_shared>>)
      } else {
      }
      %add3A_433 = arith.constant 4 : i32
      %add3A_434 = arith.addi %add3A_427, %add3A_433 : i32
      %lt3A_435 = arith.cmpi slt, %add3A_434, %select_n3A : i32
      %convert_element_type3A_436 = arith.extui %lt3A_435 : i1 to i32
      %cond3A_437 = arith.constant 0 : i32
      %cond3A_438 = arith.cmpi ne, %convert_element_type3A_436, %cond3A_437 : i32
      scf.if %cond3A_438 {
        %add3A_493 = arith.addi %select_n3A_21, %add3A_427 : i32
        %add3A_494 = arith.constant 4 : i32
        %add3A_495 = arith.addi %add3A_493, %add3A_494 : i32
        %dma_start3A_496 = arith.constant 0 : i32
        %dma_start3A_497 = arith.constant 0 : i32
        %dma_start3A_498 = tpu.memref_slice %arg3[%add3A_495, %dma_start3A_496, %dma_start3A_497] : memref<5120x2x64xi32, #tpu.memory_space<hbm>> -> memref<1x2x64xi32, #tpu.memory_space<hbm>>
        %dma_start3A_499 = tpu.memref_squeeze %dma_start3A_498 : memref<1x2x64xi32, #tpu.memory_space<hbm>> -> memref<2x64xi32, #tpu.memory_space<hbm>>
        %dma_start3A_500 = arith.constant 0 : i32
        %dma_start3A_501 = arith.constant 0 : i32
        %dma_start3A_502 = tpu.memref_slice %arg3[%add3A_495, %dma_start3A_500, %dma_start3A_501] : memref<5120x2x64xi32, #tpu.memory_space<hbm>> -> memref<1x2x64xi32, #tpu.memory_space<hbm>>
        %dma_start3A_503 = tpu.memref_squeeze %dma_start3A_502 : memref<1x2x64xi32, #tpu.memory_space<hbm>> -> memref<2x64xi32, #tpu.memory_space<hbm>>
        tpu.enqueue_dma source(%dma_start3A_503 : memref<2x64xi32, #tpu.memory_space<hbm>>) target(%arg7 : memref<2x64xi32, #tpu.memory_space<vmem>>) target_semaphore(%arg23 : memref<!tpu.dma_semaphore, #tpu.memory_space<semaphore_mem>>)
      } else {
      }
      %add3A_439 = arith.constant 3 : i32
      %add3A_440 = arith.addi %add3A_427, %add3A_439 : i32
      %lt3A_441 = arith.cmpi slt, %add3A_440, %select_n3A : i32
      %convert_element_type3A_442 = arith.extui %lt3A_441 : i1 to i32
      %cond3A_443 = arith.constant 0 : i32
      %cond3A_444 = arith.cmpi ne, %convert_element_type3A_442, %cond3A_443 : i32
      scf.if %cond3A_444 {
        %add3A_493 = arith.addi %select_n3A_21, %add3A_427 : i32
        %add3A_494 = arith.constant 3 : i32
        %add3A_495 = arith.addi %add3A_493, %add3A_494 : i32
        %dma_wait3A_496 = arith.constant 0 : i32
        %dma_wait3A_497 = arith.constant 0 : i32
        %dma_wait3A_498 = tpu.memref_slice %arg3[%add3A_495, %dma_wait3A_496, %dma_wait3A_497] : memref<5120x2x64xi32, #tpu.memory_space<hbm>> -> memref<1x2x64xi32, #tpu.memory_space<hbm>>
        %dma_wait3A_499 = tpu.memref_squeeze %dma_wait3A_498 : memref<1x2x64xi32, #tpu.memory_space<hbm>> -> memref<2x64xi32, #tpu.memory_space<hbm>>
        %dma_wait3A_500 = arith.constant 0 : i32
        %dma_wait3A_501 = arith.constant 0 : i32
        %dma_wait3A_502 = tpu.memref_slice %arg3[%add3A_495, %dma_wait3A_500, %dma_wait3A_501] : memref<5120x2x64xi32, #tpu.memory_space<hbm>> -> memref<1x2x64xi32, #tpu.memory_space<hbm>>
        %dma_wait3A_503 = tpu.memref_squeeze %dma_wait3A_502 : memref<1x2x64xi32, #tpu.memory_space<hbm>> -> memref<2x64xi32, #tpu.memory_space<hbm>>
        tpu.wait_dma2 semaphore(%arg22 : memref<!tpu.dma_semaphore, #tpu.memory_space<semaphore_mem>>) src(%dma_wait3A_503 : memref<2x64xi32, #tpu.memory_space<hbm>>) dst(%arg6 : memref<2x64xi32, #tpu.memory_space<vmem>>)
        %dma_start3A_504 = arith.constant 0 : i32
        %dma_start3A_505 = arith.constant 0 : i32
        %dma_start3A_506 = tpu.memref_slice %arg6[%dma_start3A_504, %dma_start3A_505] : memref<2x64xi32, #tpu.memory_space<vmem>> -> memref<1x64xi32, #tpu.memory_space<vmem>>
        %dma_start3A_507 = tpu.memref_squeeze %dma_start3A_506 : memref<1x64xi32, #tpu.memory_space<vmem>> -> memref<64xi32, #tpu.memory_space<vmem>>
        %dma_start3A_508 = arith.constant 0 : i32
        %dma_start3A_509 = arith.constant 0 : i32
        %dma_start3A_510 = tpu.memref_slice %arg2[%dma_start3A_508, %dma_start3A_509] : memref<10240x128xf32, #tpu.memory_space<hbm>> -> memref<10240x128xf32, #tpu.memory_space<hbm>>
        tpu.enqueue_indirect_dma source(%dma_start3A_510 : memref<10240x128xf32, #tpu.memory_space<hbm>>) target(%arg16 : memref<64x128xf32, #tpu.memory_space<vmem>>) offsets(%dma_start3A_507 : memref<64xi32, #tpu.memory_space<vmem>>) semaphore(%arg32 : memref<!tpu.dma_semaphore, #tpu.memory_space<semaphore_mem>>)
      } else {
      }
      %dma_wait3A_445 = arith.constant 0 : i32
      %dma_wait3A_446 = arith.constant 0 : i32
      %dma_wait3A_447 = tpu.memref_slice %arg13[%dma_wait3A_445, %dma_wait3A_446] : memref<2x64xi32, #tpu.memory_space<vmem>> -> memref<1x64xi32, #tpu.memory_space<vmem>>
      %dma_wait3A_448 = tpu.memref_squeeze %dma_wait3A_447 : memref<1x64xi32, #tpu.memory_space<vmem>> -> memref<64xi32, #tpu.memory_space<vmem>>
      %dma_wait3A_449 = arith.constant 0 : i32
      %dma_wait3A_450 = arith.constant 0 : i32
      %dma_wait3A_451 = tpu.memref_slice %arg2[%dma_wait3A_449, %dma_wait3A_450] : memref<10240x128xf32, #tpu.memory_space<hbm>> -> memref<10240x128xf32, #tpu.memory_space<hbm>>
      tpu.wait_indirect_dma semaphore(%arg34 : memref<!tpu.dma_semaphore, #tpu.memory_space<semaphore_mem>>) src(%dma_wait3A_451 : memref<10240x128xf32, #tpu.memory_space<hbm>>) dst(%arg18 : memref<64x128xf32, #tpu.memory_space<vmem>>)
      %dma_start3A_452 = arith.constant 1 : i32
      %dma_start3A_453 = arith.constant 0 : i32
      %dma_start3A_454 = tpu.memref_slice %arg13[%dma_start3A_452, %dma_start3A_453] : memref<2x64xi32, #tpu.memory_space<vmem>> -> memref<1x64xi32, #tpu.memory_space<vmem>>
      %dma_start3A_455 = tpu.memref_squeeze %dma_start3A_454 : memref<1x64xi32, #tpu.memory_space<vmem>> -> memref<64xi32, #tpu.memory_space<vmem>>
      %dma_start3A_456 = arith.constant 0 : i32
      %dma_start3A_457 = arith.constant 0 : i32
      %dma_start3A_458 = tpu.memref_slice %arg20[%dma_start3A_456, %dma_start3A_457] : memref<10240x128xf32, #tpu.memory_space<vmem_shared>> -> memref<10240x128xf32, #tpu.memory_space<vmem_shared>>
      tpu.enqueue_indirect_dma source(%arg18 : memref<64x128xf32, #tpu.memory_space<vmem>>) target(%dma_start3A_458 : memref<10240x128xf32, #tpu.memory_space<vmem_shared>>) offsets(%dma_start3A_455 : memref<64xi32, #tpu.memory_space<vmem>>) semaphore(%arg39 : memref<!tpu.dma_semaphore, #tpu.memory_space<semaphore_mem>>) {add = true}
      %add3A_459 = arith.constant 9 : i32
      %add3A_460 = arith.addi %mul3A_165, %add3A_459 : i32
      %ge3A_461 = arith.constant 2 : i32
      %ge3A_462 = arith.cmpi sge, %add3A_460, %ge3A_461 : i32
      %convert_element_type3A_463 = arith.extui %ge3A_462 : i1 to i32
      %cond3A_464 = arith.constant 0 : i32
      %cond3A_465 = arith.cmpi ne, %convert_element_type3A_463, %cond3A_464 : i32
      scf.if %cond3A_465 {
        %dma_wait3A_493 = arith.constant 1 : i32
        %dma_wait3A_494 = arith.constant 0 : i32
        %dma_wait3A_495 = tpu.memref_slice %arg12[%dma_wait3A_493, %dma_wait3A_494] : memref<2x64xi32, #tpu.memory_space<vmem>> -> memref<1x64xi32, #tpu.memory_space<vmem>>
        %dma_wait3A_496 = tpu.memref_squeeze %dma_wait3A_495 : memref<1x64xi32, #tpu.memory_space<vmem>> -> memref<64xi32, #tpu.memory_space<vmem>>
        %dma_wait3A_497 = arith.constant 0 : i32
        %dma_wait3A_498 = arith.constant 0 : i32
        %dma_wait3A_499 = tpu.memref_slice %arg20[%dma_wait3A_497, %dma_wait3A_498] : memref<10240x128xf32, #tpu.memory_space<vmem_shared>> -> memref<10240x128xf32, #tpu.memory_space<vmem_shared>>
        tpu.wait_indirect_dma semaphore(%arg38 : memref<!tpu.dma_semaphore, #tpu.memory_space<semaphore_mem>>) src(%arg17 : memref<64x128xf32, #tpu.memory_space<vmem>>) dst(%dma_wait3A_499 : memref<10240x128xf32, #tpu.memory_space<vmem_shared>>)
      } else {
      }
      %add3A_466 = arith.constant 4 : i32
      %add3A_467 = arith.addi %add3A_460, %add3A_466 : i32
      %lt3A_468 = arith.cmpi slt, %add3A_467, %select_n3A : i32
      %convert_element_type3A_469 = arith.extui %lt3A_468 : i1 to i32
      %cond3A_470 = arith.constant 0 : i32
      %cond3A_471 = arith.cmpi ne, %convert_element_type3A_469, %cond3A_470 : i32
      scf.if %cond3A_471 {
        %add3A_493 = arith.addi %select_n3A_21, %add3A_460 : i32
        %add3A_494 = arith.constant 4 : i32
        %add3A_495 = arith.addi %add3A_493, %add3A_494 : i32
        %dma_start3A_496 = arith.constant 0 : i32
        %dma_start3A_497 = arith.constant 0 : i32
        %dma_start3A_498 = tpu.memref_slice %arg3[%add3A_495, %dma_start3A_496, %dma_start3A_497] : memref<5120x2x64xi32, #tpu.memory_space<hbm>> -> memref<1x2x64xi32, #tpu.memory_space<hbm>>
        %dma_start3A_499 = tpu.memref_squeeze %dma_start3A_498 : memref<1x2x64xi32, #tpu.memory_space<hbm>> -> memref<2x64xi32, #tpu.memory_space<hbm>>
        %dma_start3A_500 = arith.constant 0 : i32
        %dma_start3A_501 = arith.constant 0 : i32
        %dma_start3A_502 = tpu.memref_slice %arg3[%add3A_495, %dma_start3A_500, %dma_start3A_501] : memref<5120x2x64xi32, #tpu.memory_space<hbm>> -> memref<1x2x64xi32, #tpu.memory_space<hbm>>
        %dma_start3A_503 = tpu.memref_squeeze %dma_start3A_502 : memref<1x2x64xi32, #tpu.memory_space<hbm>> -> memref<2x64xi32, #tpu.memory_space<hbm>>
        tpu.enqueue_dma source(%dma_start3A_503 : memref<2x64xi32, #tpu.memory_space<hbm>>) target(%arg8 : memref<2x64xi32, #tpu.memory_space<vmem>>) target_semaphore(%arg24 : memref<!tpu.dma_semaphore, #tpu.memory_space<semaphore_mem>>)
      } else {
      }
      %add3A_472 = arith.constant 3 : i32
      %add3A_473 = arith.addi %add3A_460, %add3A_472 : i32
      %lt3A_474 = arith.cmpi slt, %add3A_473, %select_n3A : i32
      %convert_element_type3A_475 = arith.extui %lt3A_474 : i1 to i32
      %cond3A_476 = arith.constant 0 : i32
      %cond3A_477 = arith.cmpi ne, %convert_element_type3A_475, %cond3A_476 : i32
      scf.if %cond3A_477 {
        %add3A_493 = arith.addi %select_n3A_21, %add3A_460 : i32
        %add3A_494 = arith.constant 3 : i32
        %add3A_495 = arith.addi %add3A_493, %add3A_494 : i32
        %dma_wait3A_496 = arith.constant 0 : i32
        %dma_wait3A_497 = arith.constant 0 : i32
        %dma_wait3A_498 = tpu.memref_slice %arg3[%add3A_495, %dma_wait3A_496, %dma_wait3A_497] : memref<5120x2x64xi32, #tpu.memory_space<hbm>> -> memref<1x2x64xi32, #tpu.memory_space<hbm>>
        %dma_wait3A_499 = tpu.memref_squeeze %dma_wait3A_498 : memref<1x2x64xi32, #tpu.memory_space<hbm>> -> memref<2x64xi32, #tpu.memory_space<hbm>>
        %dma_wait3A_500 = arith.constant 0 : i32
        %dma_wait3A_501 = arith.constant 0 : i32
        %dma_wait3A_502 = tpu.memref_slice %arg3[%add3A_495, %dma_wait3A_500, %dma_wait3A_501] : memref<5120x2x64xi32, #tpu.memory_space<hbm>> -> memref<1x2x64xi32, #tpu.memory_space<hbm>>
        %dma_wait3A_503 = tpu.memref_squeeze %dma_wait3A_502 : memref<1x2x64xi32, #tpu.memory_space<hbm>> -> memref<2x64xi32, #tpu.memory_space<hbm>>
        tpu.wait_dma2 semaphore(%arg23 : memref<!tpu.dma_semaphore, #tpu.memory_space<semaphore_mem>>) src(%dma_wait3A_503 : memref<2x64xi32, #tpu.memory_space<hbm>>) dst(%arg7 : memref<2x64xi32, #tpu.memory_space<vmem>>)
        %dma_start3A_504 = arith.constant 0 : i32
        %dma_start3A_505 = arith.constant 0 : i32
        %dma_start3A_506 = tpu.memref_slice %arg7[%dma_start3A_504, %dma_start3A_505] : memref<2x64xi32, #tpu.memory_space<vmem>> -> memref<1x64xi32, #tpu.memory_space<vmem>>
        %dma_start3A_507 = tpu.memref_squeeze %dma_start3A_506 : memref<1x64xi32, #tpu.memory_space<vmem>> -> memref<64xi32, #tpu.memory_space<vmem>>
        %dma_start3A_508 = arith.constant 0 : i32
        %dma_start3A_509 = arith.constant 0 : i32
        %dma_start3A_510 = tpu.memref_slice %arg2[%dma_start3A_508, %dma_start3A_509] : memref<10240x128xf32, #tpu.memory_space<hbm>> -> memref<10240x128xf32, #tpu.memory_space<hbm>>
        tpu.enqueue_indirect_dma source(%dma_start3A_510 : memref<10240x128xf32, #tpu.memory_space<hbm>>) target(%arg17 : memref<64x128xf32, #tpu.memory_space<vmem>>) offsets(%dma_start3A_507 : memref<64xi32, #tpu.memory_space<vmem>>) semaphore(%arg33 : memref<!tpu.dma_semaphore, #tpu.memory_space<semaphore_mem>>)
      } else {
      }
      %dma_wait3A_478 = arith.constant 0 : i32
      %dma_wait3A_479 = arith.constant 0 : i32
      %dma_wait3A_480 = tpu.memref_slice %arg14[%dma_wait3A_478, %dma_wait3A_479] : memref<2x64xi32, #tpu.memory_space<vmem>> -> memref<1x64xi32, #tpu.memory_space<vmem>>
      %dma_wait3A_481 = tpu.memref_squeeze %dma_wait3A_480 : memref<1x64xi32, #tpu.memory_space<vmem>> -> memref<64xi32, #tpu.memory_space<vmem>>
      %dma_wait3A_482 = arith.constant 0 : i32
      %dma_wait3A_483 = arith.constant 0 : i32
      %dma_wait3A_484 = tpu.memref_slice %arg2[%dma_wait3A_482, %dma_wait3A_483] : memref<10240x128xf32, #tpu.memory_space<hbm>> -> memref<10240x128xf32, #tpu.memory_space<hbm>>
      tpu.wait_indirect_dma semaphore(%arg35 : memref<!tpu.dma_semaphore, #tpu.memory_space<semaphore_mem>>) src(%dma_wait3A_484 : memref<10240x128xf32, #tpu.memory_space<hbm>>) dst(%arg19 : memref<64x128xf32, #tpu.memory_space<vmem>>)
      %dma_start3A_485 = arith.constant 1 : i32
      %dma_start3A_486 = arith.constant 0 : i32
      %dma_start3A_487 = tpu.memref_slice %arg14[%dma_start3A_485, %dma_start3A_486] : memref<2x64xi32, #tpu.memory_space<vmem>> -> memref<1x64xi32, #tpu.memory_space<vmem>>
      %dma_start3A_488 = tpu.memref_squeeze %dma_start3A_487 : memref<1x64xi32, #tpu.memory_space<vmem>> -> memref<64xi32, #tpu.memory_space<vmem>>
      %dma_start3A_489 = arith.constant 0 : i32
      %dma_start3A_490 = arith.constant 0 : i32
      %dma_start3A_491 = tpu.memref_slice %arg20[%dma_start3A_489, %dma_start3A_490] : memref<10240x128xf32, #tpu.memory_space<vmem_shared>> -> memref<10240x128xf32, #tpu.memory_space<vmem_shared>>
      tpu.enqueue_indirect_dma source(%arg19 : memref<64x128xf32, #tpu.memory_space<vmem>>) target(%dma_start3A_491 : memref<10240x128xf32, #tpu.memory_space<vmem_shared>>) offsets(%dma_start3A_488 : memref<64xi32, #tpu.memory_space<vmem>>) semaphore(%arg40 : memref<!tpu.dma_semaphore, #tpu.memory_space<semaphore_mem>>) {add = true}
      %while3A_492 = arith.constant 0 : i32
      scf.yield %while3A_492 : i32
    }
    %dma_wait3A_140 = arith.constant 1 : i32
    %dma_wait3A_141 = arith.constant 0 : i32
    %dma_wait3A_142 = tpu.memref_slice %arg13[%dma_wait3A_140, %dma_wait3A_141] : memref<2x64xi32, #tpu.memory_space<vmem>> -> memref<1x64xi32, #tpu.memory_space<vmem>>
    %dma_wait3A_143 = tpu.memref_squeeze %dma_wait3A_142 : memref<1x64xi32, #tpu.memory_space<vmem>> -> memref<64xi32, #tpu.memory_space<vmem>>
    %dma_wait3A_144 = arith.constant 0 : i32
    %dma_wait3A_145 = arith.constant 0 : i32
    %dma_wait3A_146 = tpu.memref_slice %arg20[%dma_wait3A_144, %dma_wait3A_145] : memref<10240x128xf32, #tpu.memory_space<vmem_shared>> -> memref<10240x128xf32, #tpu.memory_space<vmem_shared>>
    tpu.wait_indirect_dma semaphore(%arg39 : memref<!tpu.dma_semaphore, #tpu.memory_space<semaphore_mem>>) src(%arg18 : memref<64x128xf32, #tpu.memory_space<vmem>>) dst(%dma_wait3A_146 : memref<10240x128xf32, #tpu.memory_space<vmem_shared>>)
    %dma_wait3A_147 = arith.constant 1 : i32
    %dma_wait3A_148 = arith.constant 0 : i32
    %dma_wait3A_149 = tpu.memref_slice %arg14[%dma_wait3A_147, %dma_wait3A_148] : memref<2x64xi32, #tpu.memory_space<vmem>> -> memref<1x64xi32, #tpu.memory_space<vmem>>
    %dma_wait3A_150 = tpu.memref_squeeze %dma_wait3A_149 : memref<1x64xi32, #tpu.memory_space<vmem>> -> memref<64xi32, #tpu.memory_space<vmem>>
    %dma_wait3A_151 = arith.constant 0 : i32
    %dma_wait3A_152 = arith.constant 0 : i32
    %dma_wait3A_153 = tpu.memref_slice %arg20[%dma_wait3A_151, %dma_wait3A_152] : memref<10240x128xf32, #tpu.memory_space<vmem_shared>> -> memref<10240x128xf32, #tpu.memory_space<vmem_shared>>
    tpu.wait_indirect_dma semaphore(%arg40 : memref<!tpu.dma_semaphore, #tpu.memory_space<semaphore_mem>>) src(%arg19 : memref<64x128xf32, #tpu.memory_space<vmem>>) dst(%dma_wait3A_153 : memref<10240x128xf32, #tpu.memory_space<vmem_shared>>)
    %barrier3A_154 = arith.constant 0 : index
    tpu.barrier barrier_id(%barrier3A_154)
    %scan3A_155 = arith.constant 0 : i32
    %scan3A_156 = arith.constant 0 : i32
    %scan3A_157 = arith.constant 10 : i32
    %scan3A_158 = arith.addi %scan3A_156, %scan3A_157 : i32
    %scan3A_159 = arith.constant 1 : i32
    %scan3A_160 = scf.for %scan3A_162 = %scan3A_156 to %scan3A_158 step %scan3A_159 iter_args(%scan3A_163 = %scan3A_155) -> (i32)  : i32 {
      %mul3A_164 = arith.constant 640 : i32
      %mul3A_165 = arith.muli %arg1, %mul3A_164 : i32
      %mul3A_166 = arith.constant 64 : i32
      %mul3A_167 = arith.muli %scan3A_162, %mul3A_166 : i32
      %add3A_168 = arith.addi %mul3A_165, %mul3A_167 : i32
      %mul3A_169 = arith.constant 10240 : i32
      %mul3A_170 = arith.muli %arg0, %mul3A_169 : i32
      %mul3A_171 = arith.constant 640 : i32
      %mul3A_172 = arith.muli %arg1, %mul3A_171 : i32
      %add3A_173 = arith.addi %mul3A_170, %mul3A_172 : i32
      %mul3A_174 = arith.constant 64 : i32
      %mul3A_175 = arith.muli %scan3A_162, %mul3A_174 : i32
      %add3A_176 = arith.addi %add3A_173, %mul3A_175 : i32
      "tpu.region"() ({
        %run_scoped3A = tpu.sem_alloc : memref<!tpu.dma_semaphore, #tpu.memory_space<semaphore_mem>>
        %dma_start3A_178 = arith.constant 0 : i32
        %dma_start3A_179 = tpu.memref_slice %arg4[%add3A_176, %dma_start3A_178] : memref<20480x128xf32, #tpu.memory_space<hbm>> -> memref<64x128xf32, #tpu.memory_space<hbm>>
        %dma_start3A_180 = arith.constant 0 : i32
        %dma_start3A_181 = tpu.memref_slice %arg20[%add3A_168, %dma_start3A_180] : memref<10240x128xf32, #tpu.memory_space<vmem_shared>> -> memref<64x128xf32, #tpu.memory_space<vmem_shared>>
        tpu.enqueue_dma source(%dma_start3A_181 : memref<64x128xf32, #tpu.memory_space<vmem_shared>>) target(%dma_start3A_179 : memref<64x128xf32, #tpu.memory_space<hbm>>) target_semaphore(%run_scoped3A : memref<!tpu.dma_semaphore, #tpu.memory_space<semaphore_mem>>)
        %dma_wait3A_182 = arith.constant 0 : i32
        %dma_wait3A_183 = tpu.memref_slice %arg4[%add3A_176, %dma_wait3A_182] : memref<20480x128xf32, #tpu.memory_space<hbm>> -> memref<64x128xf32, #tpu.memory_space<hbm>>
        %dma_wait3A_184 = arith.constant 0 : i32
        %dma_wait3A_185 = tpu.memref_slice %arg20[%add3A_168, %dma_wait3A_184] : memref<10240x128xf32, #tpu.memory_space<vmem_shared>> -> memref<64x128xf32, #tpu.memory_space<vmem_shared>>
        tpu.wait_dma2 semaphore(%run_scoped3A : memref<!tpu.dma_semaphore, #tpu.memory_space<semaphore_mem>>) src(%dma_wait3A_185 : memref<64x128xf32, #tpu.memory_space<vmem_shared>>) dst(%dma_wait3A_183 : memref<64x128xf32, #tpu.memory_space<hbm>>)
        tpu.yield
      }) : () -> ()
      %scan3A_177 = arith.constant 0 : i32
      scf.yield %scan3A_177 : i32
    }
    %scan3A_161 = arith.constant 10 : i32
    return
  }
}

#map = affine_map<(d0, d1) -> (0, 0)>
#map1 = affine_map<(d0, d1) -> (0, 0, 0)>
module attributes {stable_mosaic.version = 14 : i64} {
  func.func @_prop_body(%arg0: i32, %arg1: i32, %arg2: memref<10240x128xf32, #tpu.memory_space<hbm>>, %arg3: memref<5120x2x64xi32, #tpu.memory_space<hbm>>, %arg4: memref<20480x128xf32, #tpu.memory_space<hbm>>, %arg5: memref<2x64xi32, #tpu.memory_space<vmem>>, %arg6: memref<2x64xi32, #tpu.memory_space<vmem>>, %arg7: memref<2x64xi32, #tpu.memory_space<vmem>>, %arg8: memref<2x64xi32, #tpu.memory_space<vmem>>, %arg9: memref<2x64xi32, #tpu.memory_space<vmem>>, %arg10: memref<2x64xi32, #tpu.memory_space<vmem>>, %arg11: memref<2x64xi32, #tpu.memory_space<vmem>>, %arg12: memref<2x64xi32, #tpu.memory_space<vmem>>, %arg13: memref<2x64xi32, #tpu.memory_space<vmem>>, %arg14: memref<2x64xi32, #tpu.memory_space<vmem>>, %arg15: memref<64x128xf32, #tpu.memory_space<vmem>>, %arg16: memref<64x128xf32, #tpu.memory_space<vmem>>, %arg17: memref<64x128xf32, #tpu.memory_space<vmem>>, %arg18: memref<64x128xf32, #tpu.memory_space<vmem>>, %arg19: memref<64x128xf32, #tpu.memory_space<vmem>>, %arg20: memref<10240x128xf32, #tpu.memory_space<vmem_shared>>, %arg21: memref<!tpu.dma_semaphore, #tpu.memory_space<semaphore_mem>>, %arg22: memref<!tpu.dma_semaphore, #tpu.memory_space<semaphore_mem>>, %arg23: memref<!tpu.dma_semaphore, #tpu.memory_space<semaphore_mem>>, %arg24: memref<!tpu.dma_semaphore, #tpu.memory_space<semaphore_mem>>, %arg25: memref<!tpu.dma_semaphore, #tpu.memory_space<semaphore_mem>>, %arg26: memref<!tpu.dma_semaphore, #tpu.memory_space<semaphore_mem>>, %arg27: memref<!tpu.dma_semaphore, #tpu.memory_space<semaphore_mem>>, %arg28: memref<!tpu.dma_semaphore, #tpu.memory_space<semaphore_mem>>, %arg29: memref<!tpu.dma_semaphore, #tpu.memory_space<semaphore_mem>>, %arg30: memref<!tpu.dma_semaphore, #tpu.memory_space<semaphore_mem>>, %arg31: memref<!tpu.dma_semaphore, #tpu.memory_space<semaphore_mem>>, %arg32: memref<!tpu.dma_semaphore, #tpu.memory_space<semaphore_mem>>, %arg33: memref<!tpu.dma_semaphore, #tpu.memory_space<semaphore_mem>>, %arg34: memref<!tpu.dma_semaphore, #tpu.memory_space<semaphore_mem>>, %arg35: memref<!tpu.dma_semaphore, #tpu.memory_space<semaphore_mem>>, %arg36: memref<!tpu.dma_semaphore, #tpu.memory_space<semaphore_mem>>, %arg37: memref<!tpu.dma_semaphore, #tpu.memory_space<semaphore_mem>>, %arg38: memref<!tpu.dma_semaphore, #tpu.memory_space<semaphore_mem>>, %arg39: memref<!tpu.dma_semaphore, #tpu.memory_space<semaphore_mem>>, %arg40: memref<!tpu.dma_semaphore, #tpu.memory_space<semaphore_mem>>) attributes {dimension_semantics = [#tpu.dimension_semantics<core_parallel>, #tpu.dimension_semantics<subcore_parallel>], iteration_bounds = array<i64: 2, 16>, scalar_prefetch = 0 : i64, scratch_operands = 36 : i64, tpu.core_type = #tpu.core_type<sc_vector_subcore>, window_params = [{transform_indices = #map}, {transform_indices = #map1}, {transform_indices = #map}]} {
    %scan3A = arith.constant 0 : i32
    %scan3A_0 = arith.constant 0 : i32
    %scan3A_1 = arith.constant 64 : i32
    %scan3A_2 = arith.addi %scan3A_0, %scan3A_1 : i32
    %scan3A_3 = arith.constant 1 : i32
    %scan3A_4 = scf.for %scan3A_162 = %scan3A_0 to %scan3A_2 step %scan3A_3 iter_args(%scan3A_163 = %scan3A) -> (i32)  : i32 {
      %broadcast_in_dim3A = arith.constant 0.000000e+00 : f32
      %broadcast_in_dim3A_164 = vector.broadcast %broadcast_in_dim3A : f32 to vector<16xf32>
      %swap3A = arith.index_cast %scan3A_162 : i32 to index
      %swap3A_165 = arith.constant 0 : index
      %swap3A_166 = tpu.vector_load %arg15[%swap3A, %swap3A_165] {strides = array<i32>} : memref<64x128xf32, #tpu.memory_space<vmem>>, vector<1x16xf32>,
      %swap3A_167 = vector.shape_cast %swap3A_166 : vector<1x16xf32> to vector<16xf32>
      %swap3A_168 = vector.shape_cast %broadcast_in_dim3A_164 : vector<16xf32> to vector<1x16xf32>
      tpu.vector_store %arg15[%swap3A, %swap3A_165], %swap3A_168 {strides = array<i32>} : memref<64x128xf32, #tpu.memory_space<vmem>>, vector<1x16xf32>,
      %broadcast_in_dim3A_169 = arith.constant 0.000000e+00 : f32
      %broadcast_in_dim3A_170 = vector.broadcast %broadcast_in_dim3A_169 : f32 to vector<16xf32>
      %swap3A_171 = arith.index_cast %scan3A_162 : i32 to index
      %swap3A_172 = arith.constant 16 : index
      %swap3A_173 = tpu.vector_load %arg15[%swap3A_171, %swap3A_172] {strides = array<i32>} : memref<64x128xf32, #tpu.memory_space<vmem>>, vector<1x16xf32>,
      %swap3A_174 = vector.shape_cast %swap3A_173 : vector<1x16xf32> to vector<16xf32>
      %swap3A_175 = vector.shape_cast %broadcast_in_dim3A_170 : vector<16xf32> to vector<1x16xf32>
      tpu.vector_store %arg15[%swap3A_171, %swap3A_172], %swap3A_175 {strides = array<i32>} : memref<64x128xf32, #tpu.memory_space<vmem>>, vector<1x16xf32>,
      %broadcast_in_dim3A_176 = arith.constant 0.000000e+00 : f32
      %broadcast_in_dim3A_177 = vector.broadcast %broadcast_in_dim3A_176 : f32 to vector<16xf32>
      %swap3A_178 = arith.index_cast %scan3A_162 : i32 to index
      %swap3A_179 = arith.constant 32 : index
      %swap3A_180 = tpu.vector_load %arg15[%swap3A_178, %swap3A_179] {strides = array<i32>} : memref<64x128xf32, #tpu.memory_space<vmem>>, vector<1x16xf32>,
      %swap3A_181 = vector.shape_cast %swap3A_180 : vector<1x16xf32> to vector<16xf32>
      %swap3A_182 = vector.shape_cast %broadcast_in_dim3A_177 : vector<16xf32> to vector<1x16xf32>
      tpu.vector_store %arg15[%swap3A_178, %swap3A_179], %swap3A_182 {strides = array<i32>} : memref<64x128xf32, #tpu.memory_space<vmem>>, vector<1x16xf32>,
      %broadcast_in_dim3A_183 = arith.constant 0.000000e+00 : f32
      %broadcast_in_dim3A_184 = vector.broadcast %broadcast_in_dim3A_183 : f32 to vector<16xf32>
      %swap3A_185 = arith.index_cast %scan3A_162 : i32 to index
      %swap3A_186 = arith.constant 48 : index
      %swap3A_187 = tpu.vector_load %arg15[%swap3A_185, %swap3A_186] {strides = array<i32>} : memref<64x128xf32, #tpu.memory_space<vmem>>, vector<1x16xf32>,
      %swap3A_188 = vector.shape_cast %swap3A_187 : vector<1x16xf32> to vector<16xf32>
      %swap3A_189 = vector.shape_cast %broadcast_in_dim3A_184 : vector<16xf32> to vector<1x16xf32>
      tpu.vector_store %arg15[%swap3A_185, %swap3A_186], %swap3A_189 {strides = array<i32>} : memref<64x128xf32, #tpu.memory_space<vmem>>, vector<1x16xf32>,
      %broadcast_in_dim3A_190 = arith.constant 0.000000e+00 : f32
      %broadcast_in_dim3A_191 = vector.broadcast %broadcast_in_dim3A_190 : f32 to vector<16xf32>
      %swap3A_192 = arith.index_cast %scan3A_162 : i32 to index
      %swap3A_193 = arith.constant 64 : index
      %swap3A_194 = tpu.vector_load %arg15[%swap3A_192, %swap3A_193] {strides = array<i32>} : memref<64x128xf32, #tpu.memory_space<vmem>>, vector<1x16xf32>,
      %swap3A_195 = vector.shape_cast %swap3A_194 : vector<1x16xf32> to vector<16xf32>
      %swap3A_196 = vector.shape_cast %broadcast_in_dim3A_191 : vector<16xf32> to vector<1x16xf32>
      tpu.vector_store %arg15[%swap3A_192, %swap3A_193], %swap3A_196 {strides = array<i32>} : memref<64x128xf32, #tpu.memory_space<vmem>>, vector<1x16xf32>,
      %broadcast_in_dim3A_197 = arith.constant 0.000000e+00 : f32
      %broadcast_in_dim3A_198 = vector.broadcast %broadcast_in_dim3A_197 : f32 to vector<16xf32>
      %swap3A_199 = arith.index_cast %scan3A_162 : i32 to index
      %swap3A_200 = arith.constant 80 : index
      %swap3A_201 = tpu.vector_load %arg15[%swap3A_199, %swap3A_200] {strides = array<i32>} : memref<64x128xf32, #tpu.memory_space<vmem>>, vector<1x16xf32>,
      %swap3A_202 = vector.shape_cast %swap3A_201 : vector<1x16xf32> to vector<16xf32>
      %swap3A_203 = vector.shape_cast %broadcast_in_dim3A_198 : vector<16xf32> to vector<1x16xf32>
      tpu.vector_store %arg15[%swap3A_199, %swap3A_200], %swap3A_203 {strides = array<i32>} : memref<64x128xf32, #tpu.memory_space<vmem>>, vector<1x16xf32>,
      %broadcast_in_dim3A_204 = arith.constant 0.000000e+00 : f32
      %broadcast_in_dim3A_205 = vector.broadcast %broadcast_in_dim3A_204 : f32 to vector<16xf32>
      %swap3A_206 = arith.index_cast %scan3A_162 : i32 to index
      %swap3A_207 = arith.constant 96 : index
      %swap3A_208 = tpu.vector_load %arg15[%swap3A_206, %swap3A_207] {strides = array<i32>} : memref<64x128xf32, #tpu.memory_space<vmem>>, vector<1x16xf32>,
      %swap3A_209 = vector.shape_cast %swap3A_208 : vector<1x16xf32> to vector<16xf32>
      %swap3A_210 = vector.shape_cast %broadcast_in_dim3A_205 : vector<16xf32> to vector<1x16xf32>
      tpu.vector_store %arg15[%swap3A_206, %swap3A_207], %swap3A_210 {strides = array<i32>} : memref<64x128xf32, #tpu.memory_space<vmem>>, vector<1x16xf32>,
      %broadcast_in_dim3A_211 = arith.constant 0.000000e+00 : f32
      %broadcast_in_dim3A_212 = vector.broadcast %broadcast_in_dim3A_211 : f32 to vector<16xf32>
      %swap3A_213 = arith.index_cast %scan3A_162 : i32 to index
      %swap3A_214 = arith.constant 112 : index
      %swap3A_215 = tpu.vector_load %arg15[%swap3A_213, %swap3A_214] {strides = array<i32>} : memref<64x128xf32, #tpu.memory_space<vmem>>, vector<1x16xf32>,
      %swap3A_216 = vector.shape_cast %swap3A_215 : vector<1x16xf32> to vector<16xf32>
      %swap3A_217 = vector.shape_cast %broadcast_in_dim3A_212 : vector<16xf32> to vector<1x16xf32>
      tpu.vector_store %arg15[%swap3A_213, %swap3A_214], %swap3A_217 {strides = array<i32>} : memref<64x128xf32, #tpu.memory_space<vmem>>, vector<1x16xf32>,
      %scan3A_218 = arith.constant 0 : i32
      scf.yield %scan3A_218 : i32
    }
    %scan3A_5 = arith.constant 64 : i32
    %scan3A_6 = arith.constant 0 : i32
    %scan3A_7 = arith.constant 0 : i32
    %scan3A_8 = arith.constant 10 : i32
    %scan3A_9 = arith.addi %scan3A_7, %scan3A_8 : i32
    %scan3A_10 = arith.constant 1 : i32
    %scan3A_11 = scf.for %scan3A_162 = %scan3A_7 to %scan3A_9 step %scan3A_10 iter_args(%scan3A_163 = %scan3A_6) -> (i32)  : i32 {
      %mul3A_164 = arith.constant 640 : i32
      %mul3A_165 = arith.muli %arg1, %mul3A_164 : i32
      %mul3A_166 = arith.constant 64 : i32
      %mul3A_167 = arith.muli %scan3A_162, %mul3A_166 : i32
      %add3A_168 = arith.addi %mul3A_165, %mul3A_167 : i32
      "tpu.region"() ({
        %run_scoped3A = tpu.sem_alloc : memref<!tpu.dma_semaphore, #tpu.memory_space<semaphore_mem>>
        %dma_start3A_170 = arith.constant 0 : i32
        %dma_start3A_171 = tpu.memref_slice %arg20[%add3A_168, %dma_start3A_170] : memref<10240x128xf32, #tpu.memory_space<vmem_shared>> -> memref<64x128xf32, #tpu.memory_space<vmem_shared>>
        %dma_start3A_172 = arith.constant 0 : i32
        %dma_start3A_173 = tpu.memref_slice %arg20[%add3A_168, %dma_start3A_172] : memref<10240x128xf32, #tpu.memory_space<vmem_shared>> -> memref<64x128xf32, #tpu.memory_space<vmem_shared>>
        tpu.enqueue_dma source(%arg15 : memref<64x128xf32, #tpu.memory_space<vmem>>) target(%dma_start3A_173 : memref<64x128xf32, #tpu.memory_space<vmem_shared>>) target_semaphore(%run_scoped3A : memref<!tpu.dma_semaphore, #tpu.memory_space<semaphore_mem>>)
        %dma_wait3A_174 = arith.constant 0 : i32
        %dma_wait3A_175 = tpu.memref_slice %arg20[%add3A_168, %dma_wait3A_174] : memref<10240x128xf32, #tpu.memory_space<vmem_shared>> -> memref<64x128xf32, #tpu.memory_space<vmem_shared>>
        %dma_wait3A_176 = arith.constant 0 : i32
        %dma_wait3A_177 = tpu.memref_slice %arg20[%add3A_168, %dma_wait3A_176] : memref<10240x128xf32, #tpu.memory_space<vmem_shared>> -> memref<64x128xf32, #tpu.memory_space<vmem_shared>>
        tpu.wait_dma2 semaphore(%run_scoped3A : memref<!tpu.dma_semaphore, #tpu.memory_space<semaphore_mem>>) src(%arg15 : memref<64x128xf32, #tpu.memory_space<vmem>>) dst(%dma_wait3A_177 : memref<64x128xf32, #tpu.memory_space<vmem_shared>>)
        tpu.yield
      }) : () -> ()
      %scan3A_169 = arith.constant 0 : i32
      scf.yield %scan3A_169 : i32
    }
    %scan3A_12 = arith.constant 10 : i32
    %barrier3A = arith.constant 0 : index
    tpu.barrier barrier_id(%barrier3A)
    %eq3A = arith.constant 0 : i32
    %eq3A_13 = arith.cmpi eq, %arg0, %eq3A : i32
    %jit3A = arith.constant 300 : i32
    %jit3A_14 = arith.constant 20 : i32
    %select_n3A = arith.select %eq3A_13, %jit3A, %jit3A_14 : i32
    %eq3A_15 = arith.constant 0 : i32
    %eq3A_16 = arith.cmpi eq, %arg0, %eq3A_15 : i32
    %mul3A = arith.constant 300 : i32
    %mul3A_17 = arith.muli %arg1, %mul3A : i32
    %mul3A_18 = arith.constant 20 : i32
    %mul3A_19 = arith.muli %arg1, %mul3A_18 : i32
    %add3A = arith.constant 4800 : i32
    %add3A_20 = arith.addi %add3A, %mul3A_19 : i32
    %select_n3A_21 = arith.select %eq3A_16, %mul3A_17, %add3A_20 : i32
    %add3A_22 = arith.constant 0 : i32
    %add3A_23 = arith.addi %select_n3A_21, %add3A_22 : i32
    %dma_start3A = arith.constant 0 : i32
    %dma_start3A_24 = arith.constant 0 : i32
    %dma_start3A_25 = tpu.memref_slice %arg3[%add3A_23, %dma_start3A, %dma_start3A_24] : memref<5120x2x64xi32, #tpu.memory_space<hbm>> -> memref<1x2x64xi32, #tpu.memory_space<hbm>>
    %dma_start3A_26 = tpu.memref_squeeze %dma_start3A_25 : memref<1x2x64xi32, #tpu.memory_space<hbm>> -> memref<2x64xi32, #tpu.memory_space<hbm>>
    %dma_start3A_27 = arith.constant 0 : i32
    %dma_start3A_28 = arith.constant 0 : i32
    %dma_start3A_29 = tpu.memref_slice %arg3[%add3A_23, %dma_start3A_27, %dma_start3A_28] : memref<5120x2x64xi32, #tpu.memory_space<hbm>> -> memref<1x2x64xi32, #tpu.memory_space<hbm>>
    %dma_start3A_30 = tpu.memref_squeeze %dma_start3A_29 : memref<1x2x64xi32, #tpu.memory_space<hbm>> -> memref<2x64xi32, #tpu.memory_space<hbm>>
    tpu.enqueue_dma source(%dma_start3A_30 : memref<2x64xi32, #tpu.memory_space<hbm>>) target(%arg5 : memref<2x64xi32, #tpu.memory_space<vmem>>) target_semaphore(%arg21 : memref<!tpu.dma_semaphore, #tpu.memory_space<semaphore_mem>>)
    %add3A_31 = arith.constant 1 : i32
    %add3A_32 = arith.addi %select_n3A_21, %add3A_31 : i32
    %dma_start3A_33 = arith.constant 0 : i32
    %dma_start3A_34 = arith.constant 0 : i32
    %dma_start3A_35 = tpu.memref_slice %arg3[%add3A_32, %dma_start3A_33, %dma_start3A_34] : memref<5120x2x64xi32, #tpu.memory_space<hbm>> -> memref<1x2x64xi32, #tpu.memory_space<hbm>>
    %dma_start3A_36 = tpu.memref_squeeze %dma_start3A_35 : memref<1x2x64xi32, #tpu.memory_space<hbm>> -> memref<2x64xi32, #tpu.memory_space<hbm>>
    %dma_start3A_37 = arith.constant 0 : i32
    %dma_start3A_38 = arith.constant 0 : i32
    %dma_start3A_39 = tpu.memref_slice %arg3[%add3A_32, %dma_start3A_37, %dma_start3A_38] : memref<5120x2x64xi32, #tpu.memory_space<hbm>> -> memref<1x2x64xi32, #tpu.memory_space<hbm>>
    %dma_start3A_40 = tpu.memref_squeeze %dma_start3A_39 : memref<1x2x64xi32, #tpu.memory_space<hbm>> -> memref<2x64xi32, #tpu.memory_space<hbm>>
    tpu.enqueue_dma source(%dma_start3A_40 : memref<2x64xi32, #tpu.memory_space<hbm>>) target(%arg6 : memref<2x64xi32, #tpu.memory_space<vmem>>) target_semaphore(%arg22 : memref<!tpu.dma_semaphore, #tpu.memory_space<semaphore_mem>>)
    %add3A_41 = arith.constant 2 : i32
    %add3A_42 = arith.addi %select_n3A_21, %add3A_41 : i32
    %dma_start3A_43 = arith.constant 0 : i32
    %dma_start3A_44 = arith.constant 0 : i32
    %dma_start3A_45 = tpu.memref_slice %arg3[%add3A_42, %dma_start3A_43, %dma_start3A_44] : memref<5120x2x64xi32, #tpu.memory_space<hbm>> -> memref<1x2x64xi32, #tpu.memory_space<hbm>>
    %dma_start3A_46 = tpu.memref_squeeze %dma_start3A_45 : memref<1x2x64xi32, #tpu.memory_space<hbm>> -> memref<2x64xi32, #tpu.memory_space<hbm>>
    %dma_start3A_47 = arith.constant 0 : i32
    %dma_start3A_48 = arith.constant 0 : i32
    %dma_start3A_49 = tpu.memref_slice %arg3[%add3A_42, %dma_start3A_47, %dma_start3A_48] : memref<5120x2x64xi32, #tpu.memory_space<hbm>> -> memref<1x2x64xi32, #tpu.memory_space<hbm>>
    %dma_start3A_50 = tpu.memref_squeeze %dma_start3A_49 : memref<1x2x64xi32, #tpu.memory_space<hbm>> -> memref<2x64xi32, #tpu.memory_space<hbm>>
    tpu.enqueue_dma source(%dma_start3A_50 : memref<2x64xi32, #tpu.memory_space<hbm>>) target(%arg7 : memref<2x64xi32, #tpu.memory_space<vmem>>) target_semaphore(%arg23 : memref<!tpu.dma_semaphore, #tpu.memory_space<semaphore_mem>>)
    %add3A_51 = arith.constant 3 : i32
    %add3A_52 = arith.addi %select_n3A_21, %add3A_51 : i32
    %dma_start3A_53 = arith.constant 0 : i32
    %dma_start3A_54 = arith.constant 0 : i32
    %dma_start3A_55 = tpu.memref_slice %arg3[%add3A_52, %dma_start3A_53, %dma_start3A_54] : memref<5120x2x64xi32, #tpu.memory_space<hbm>> -> memref<1x2x64xi32, #tpu.memory_space<hbm>>
    %dma_start3A_56 = tpu.memref_squeeze %dma_start3A_55 : memref<1x2x64xi32, #tpu.memory_space<hbm>> -> memref<2x64xi32, #tpu.memory_space<hbm>>
    %dma_start3A_57 = arith.constant 0 : i32
    %dma_start3A_58 = arith.constant 0 : i32
    %dma_start3A_59 = tpu.memref_slice %arg3[%add3A_52, %dma_start3A_57, %dma_start3A_58] : memref<5120x2x64xi32, #tpu.memory_space<hbm>> -> memref<1x2x64xi32, #tpu.memory_space<hbm>>
    %dma_start3A_60 = tpu.memref_squeeze %dma_start3A_59 : memref<1x2x64xi32, #tpu.memory_space<hbm>> -> memref<2x64xi32, #tpu.memory_space<hbm>>
    tpu.enqueue_dma source(%dma_start3A_60 : memref<2x64xi32, #tpu.memory_space<hbm>>) target(%arg8 : memref<2x64xi32, #tpu.memory_space<vmem>>) target_semaphore(%arg24 : memref<!tpu.dma_semaphore, #tpu.memory_space<semaphore_mem>>)
    %add3A_61 = arith.constant 0 : i32
    %add3A_62 = arith.addi %select_n3A_21, %add3A_61 : i32
    %dma_wait3A = arith.constant 0 : i32
    %dma_wait3A_63 = arith.constant 0 : i32
    %dma_wait3A_64 = tpu.memref_slice %arg3[%add3A_62, %dma_wait3A, %dma_wait3A_63] : memref<5120x2x64xi32, #tpu.memory_space<hbm>> -> memref<1x2x64xi32, #tpu.memory_space<hbm>>
    %dma_wait3A_65 = tpu.memref_squeeze %dma_wait3A_64 : memref<1x2x64xi32, #tpu.memory_space<hbm>> -> memref<2x64xi32, #tpu.memory_space<hbm>>
    %dma_wait3A_66 = arith.constant 0 : i32
    %dma_wait3A_67 = arith.constant 0 : i32
    %dma_wait3A_68 = tpu.memref_slice %arg3[%add3A_62, %dma_wait3A_66, %dma_wait3A_67] : memref<5120x2x64xi32, #tpu.memory_space<hbm>> -> memref<1x2x64xi32, #tpu.memory_space<hbm>>
    %dma_wait3A_69 = tpu.memref_squeeze %dma_wait3A_68 : memref<1x2x64xi32, #tpu.memory_space<hbm>> -> memref<2x64xi32, #tpu.memory_space<hbm>>
    tpu.wait_dma2 semaphore(%arg21 : memref<!tpu.dma_semaphore, #tpu.memory_space<semaphore_mem>>) src(%dma_wait3A_69 : memref<2x64xi32, #tpu.memory_space<hbm>>) dst(%arg5 : memref<2x64xi32, #tpu.memory_space<vmem>>)
    %dma_start3A_70 = arith.constant 0 : i32
    %dma_start3A_71 = arith.constant 0 : i32
    %dma_start3A_72 = tpu.memref_slice %arg5[%dma_start3A_70, %dma_start3A_71] : memref<2x64xi32, #tpu.memory_space<vmem>> -> memref<1x64xi32, #tpu.memory_space<vmem>>
    %dma_start3A_73 = tpu.memref_squeeze %dma_start3A_72 : memref<1x64xi32, #tpu.memory_space<vmem>> -> memref<64xi32, #tpu.memory_space<vmem>>
    %dma_start3A_74 = arith.constant 0 : i32
    %dma_start3A_75 = arith.constant 0 : i32
    %dma_start3A_76 = tpu.memref_slice %arg2[%dma_start3A_74, %dma_start3A_75] : memref<10240x128xf32, #tpu.memory_space<hbm>> -> memref<10240x128xf32, #tpu.memory_space<hbm>>
    tpu.enqueue_indirect_dma source(%dma_start3A_76 : memref<10240x128xf32, #tpu.memory_space<hbm>>) target(%arg15 : memref<64x128xf32, #tpu.memory_space<vmem>>) offsets(%dma_start3A_73 : memref<64xi32, #tpu.memory_space<vmem>>) semaphore(%arg31 : memref<!tpu.dma_semaphore, #tpu.memory_space<semaphore_mem>>)
    %add3A_77 = arith.constant 1 : i32
    %add3A_78 = arith.addi %select_n3A_21, %add3A_77 : i32
    %dma_wait3A_79 = arith.constant 0 : i32
    %dma_wait3A_80 = arith.constant 0 : i32
    %dma_wait3A_81 = tpu.memref_slice %arg3[%add3A_78, %dma_wait3A_79, %dma_wait3A_80] : memref<5120x2x64xi32, #tpu.memory_space<hbm>> -> memref<1x2x64xi32, #tpu.memory_space<hbm>>
    %dma_wait3A_82 = tpu.memref_squeeze %dma_wait3A_81 : memref<1x2x64xi32, #tpu.memory_space<hbm>> -> memref<2x64xi32, #tpu.memory_space<hbm>>
    %dma_wait3A_83 = arith.constant 0 : i32
    %dma_wait3A_84 = arith.constant 0 : i32
    %dma_wait3A_85 = tpu.memref_slice %arg3[%add3A_78, %dma_wait3A_83, %dma_wait3A_84] : memref<5120x2x64xi32, #tpu.memory_space<hbm>> -> memref<1x2x64xi32, #tpu.memory_space<hbm>>
    %dma_wait3A_86 = tpu.memref_squeeze %dma_wait3A_85 : memref<1x2x64xi32, #tpu.memory_space<hbm>> -> memref<2x64xi32, #tpu.memory_space<hbm>>
    tpu.wait_dma2 semaphore(%arg22 : memref<!tpu.dma_semaphore, #tpu.memory_space<semaphore_mem>>) src(%dma_wait3A_86 : memref<2x64xi32, #tpu.memory_space<hbm>>) dst(%arg6 : memref<2x64xi32, #tpu.memory_space<vmem>>)
    %dma_start3A_87 = arith.constant 0 : i32
    %dma_start3A_88 = arith.constant 0 : i32
    %dma_start3A_89 = tpu.memref_slice %arg6[%dma_start3A_87, %dma_start3A_88] : memref<2x64xi32, #tpu.memory_space<vmem>> -> memref<1x64xi32, #tpu.memory_space<vmem>>
    %dma_start3A_90 = tpu.memref_squeeze %dma_start3A_89 : memref<1x64xi32, #tpu.memory_space<vmem>> -> memref<64xi32, #tpu.memory_space<vmem>>
    %dma_start3A_91 = arith.constant 0 : i32
    %dma_start3A_92 = arith.constant 0 : i32
    %dma_start3A_93 = tpu.memref_slice %arg2[%dma_start3A_91, %dma_start3A_92] : memref<10240x128xf32, #tpu.memory_space<hbm>> -> memref<10240x128xf32, #tpu.memory_space<hbm>>
    tpu.enqueue_indirect_dma source(%dma_start3A_93 : memref<10240x128xf32, #tpu.memory_space<hbm>>) target(%arg16 : memref<64x128xf32, #tpu.memory_space<vmem>>) offsets(%dma_start3A_90 : memref<64xi32, #tpu.memory_space<vmem>>) semaphore(%arg32 : memref<!tpu.dma_semaphore, #tpu.memory_space<semaphore_mem>>)
    %add3A_94 = arith.constant 2 : i32
    %add3A_95 = arith.addi %select_n3A_21, %add3A_94 : i32
    %dma_wait3A_96 = arith.constant 0 : i32
    %dma_wait3A_97 = arith.constant 0 : i32
    %dma_wait3A_98 = tpu.memref_slice %arg3[%add3A_95, %dma_wait3A_96, %dma_wait3A_97] : memref<5120x2x64xi32, #tpu.memory_space<hbm>> -> memref<1x2x64xi32, #tpu.memory_space<hbm>>
    %dma_wait3A_99 = tpu.memref_squeeze %dma_wait3A_98 : memref<1x2x64xi32, #tpu.memory_space<hbm>> -> memref<2x64xi32, #tpu.memory_space<hbm>>
    %dma_wait3A_100 = arith.constant 0 : i32
    %dma_wait3A_101 = arith.constant 0 : i32
    %dma_wait3A_102 = tpu.memref_slice %arg3[%add3A_95, %dma_wait3A_100, %dma_wait3A_101] : memref<5120x2x64xi32, #tpu.memory_space<hbm>> -> memref<1x2x64xi32, #tpu.memory_space<hbm>>
    %dma_wait3A_103 = tpu.memref_squeeze %dma_wait3A_102 : memref<1x2x64xi32, #tpu.memory_space<hbm>> -> memref<2x64xi32, #tpu.memory_space<hbm>>
    tpu.wait_dma2 semaphore(%arg23 : memref<!tpu.dma_semaphore, #tpu.memory_space<semaphore_mem>>) src(%dma_wait3A_103 : memref<2x64xi32, #tpu.memory_space<hbm>>) dst(%arg7 : memref<2x64xi32, #tpu.memory_space<vmem>>)
    %dma_start3A_104 = arith.constant 0 : i32
    %dma_start3A_105 = arith.constant 0 : i32
    %dma_start3A_106 = tpu.memref_slice %arg7[%dma_start3A_104, %dma_start3A_105] : memref<2x64xi32, #tpu.memory_space<vmem>> -> memref<1x64xi32, #tpu.memory_space<vmem>>
    %dma_start3A_107 = tpu.memref_squeeze %dma_start3A_106 : memref<1x64xi32, #tpu.memory_space<vmem>> -> memref<64xi32, #tpu.memory_space<vmem>>
    %dma_start3A_108 = arith.constant 0 : i32
    %dma_start3A_109 = arith.constant 0 : i32
    %dma_start3A_110 = tpu.memref_slice %arg2[%dma_start3A_108, %dma_start3A_109] : memref<10240x128xf32, #tpu.memory_space<hbm>> -> memref<10240x128xf32, #tpu.memory_space<hbm>>
    tpu.enqueue_indirect_dma source(%dma_start3A_110 : memref<10240x128xf32, #tpu.memory_space<hbm>>) target(%arg17 : memref<64x128xf32, #tpu.memory_space<vmem>>) offsets(%dma_start3A_107 : memref<64xi32, #tpu.memory_space<vmem>>) semaphore(%arg33 : memref<!tpu.dma_semaphore, #tpu.memory_space<semaphore_mem>>)
    %jit3A_111 = arith.constant 10 : i32
    %div3A = arith.divsi %select_n3A, %jit3A_111 : i32
    %sign3A = arith.constant 0 : i32
    %sign3A_112 = arith.cmpi sgt, %select_n3A, %sign3A : i32
    %sign3A_113 = arith.extui %sign3A_112 : i1 to i32
    %sign3A_114 = arith.constant 0 : i32
    %sign3A_115 = arith.cmpi slt, %select_n3A, %sign3A_114 : i32
    %sign3A_116 = arith.extui %sign3A_115 : i1 to i32
    %sign3A_117 = arith.subi %sign3A_113, %sign3A_116 : i32
    %sign3A_118 = arith.constant 0 : i32
    %sign3A_119 = arith.cmpi sgt, %jit3A_111, %sign3A_118 : i32
    %sign3A_120 = arith.extui %sign3A_119 : i1 to i32
    %sign3A_121 = arith.constant 0 : i32
    %sign3A_122 = arith.cmpi slt, %jit3A_111, %sign3A_121 : i32
    %sign3A_123 = arith.extui %sign3A_122 : i1 to i32
    %sign3A_124 = arith.subi %sign3A_120, %sign3A_123 : i32
    %ne3A = arith.cmpi ne, %sign3A_117, %sign3A_124 : i32
    %rem3A = arith.remsi %select_n3A, %jit3A_111 : i32
    %ne3A_125 = arith.constant 0 : i32
    %ne3A_126 = arith.cmpi ne, %rem3A, %ne3A_125 : i32
    %and3A = arith.andi %ne3A, %ne3A_126 : i1
    %sub3A = arith.constant 1 : i32
    %sub3A_127 = arith.subi %div3A, %sub3A : i32
    %select_n3A_128 = arith.select %and3A, %sub3A_127, %div3A : i32
    %while3A = arith.constant 0 : i32
    %while3A_129 = arith.constant 0 : i32
    %while3A_130 = arith.subi %select_n3A_128, %while3A : i32
    %while3A_131 = arith.addi %while3A, %while3A_130 : i32
    %while3A_132 = arith.constant 1 : i32
    %while3A_133 = arith.divsi %while3A_130, %while3A_132 : i32
    %while3A_134 = arith.muli %while3A_133, %while3A_132 : i32
    %while3A_135 = arith.addi %while3A, %while3A_134 : i32
    %while3A_136 = arith.constant 1 : i32
    %while3A_137 = scf.for %while3A_162 = %while3A to %while3A_135 step %while3A_136 iter_args(%while3A_163 = %while3A_129) -> (i32)  : i32 {
      %mul3A_164 = arith.constant 10 : i32
      %mul3A_165 = arith.muli %while3A_162, %mul3A_164 : i32
      %add3A_166 = arith.constant 0 : i32
      %add3A_167 = arith.addi %mul3A_165, %add3A_166 : i32
      %ge3A = arith.constant 2 : i32
      %ge3A_168 = arith.cmpi sge, %add3A_167, %ge3A : i32
      %convert_element_type3A = arith.extui %ge3A_168 : i1 to i32
      %cond3A = arith.constant 0 : i32
      %cond3A_169 = arith.cmpi ne, %convert_element_type3A, %cond3A : i32
      scf.if %cond3A_169 {
        %dma_wait3A_493 = arith.constant 1 : i32
        %dma_wait3A_494 = arith.constant 0 : i32
        %dma_wait3A_495 = tpu.memref_slice %arg13[%dma_wait3A_493, %dma_wait3A_494] : memref<2x64xi32, #tpu.memory_space<vmem>> -> memref<1x64xi32, #tpu.memory_space<vmem>>
        %dma_wait3A_496 = tpu.memref_squeeze %dma_wait3A_495 : memref<1x64xi32, #tpu.memory_space<vmem>> -> memref<64xi32, #tpu.memory_space<vmem>>
        %dma_wait3A_497 = arith.constant 0 : i32
        %dma_wait3A_498 = arith.constant 0 : i32
        %dma_wait3A_499 = tpu.memref_slice %arg20[%dma_wait3A_497, %dma_wait3A_498] : memref<10240x128xf32, #tpu.memory_space<vmem_shared>> -> memref<10240x128xf32, #tpu.memory_space<vmem_shared>>
        tpu.wait_indirect_dma semaphore(%arg39 : memref<!tpu.dma_semaphore, #tpu.memory_space<semaphore_mem>>) src(%arg18 : memref<64x128xf32, #tpu.memory_space<vmem>>) dst(%dma_wait3A_499 : memref<10240x128xf32, #tpu.memory_space<vmem_shared>>)
      } else {
      }
      %add3A_170 = arith.constant 4 : i32
      %add3A_171 = arith.addi %add3A_167, %add3A_170 : i32
      %lt3A = arith.cmpi slt, %add3A_171, %select_n3A : i32
      %convert_element_type3A_172 = arith.extui %lt3A : i1 to i32
      %cond3A_173 = arith.constant 0 : i32
      %cond3A_174 = arith.cmpi ne, %convert_element_type3A_172, %cond3A_173 : i32
      scf.if %cond3A_174 {
        %add3A_493 = arith.addi %select_n3A_21, %add3A_167 : i32
        %add3A_494 = arith.constant 4 : i32
        %add3A_495 = arith.addi %add3A_493, %add3A_494 : i32
        %dma_start3A_496 = arith.constant 0 : i32
        %dma_start3A_497 = arith.constant 0 : i32
        %dma_start3A_498 = tpu.memref_slice %arg3[%add3A_495, %dma_start3A_496, %dma_start3A_497] : memref<5120x2x64xi32, #tpu.memory_space<hbm>> -> memref<1x2x64xi32, #tpu.memory_space<hbm>>
        %dma_start3A_499 = tpu.memref_squeeze %dma_start3A_498 : memref<1x2x64xi32, #tpu.memory_space<hbm>> -> memref<2x64xi32, #tpu.memory_space<hbm>>
        %dma_start3A_500 = arith.constant 0 : i32
        %dma_start3A_501 = arith.constant 0 : i32
        %dma_start3A_502 = tpu.memref_slice %arg3[%add3A_495, %dma_start3A_500, %dma_start3A_501] : memref<5120x2x64xi32, #tpu.memory_space<hbm>> -> memref<1x2x64xi32, #tpu.memory_space<hbm>>
        %dma_start3A_503 = tpu.memref_squeeze %dma_start3A_502 : memref<1x2x64xi32, #tpu.memory_space<hbm>> -> memref<2x64xi32, #tpu.memory_space<hbm>>
        tpu.enqueue_dma source(%dma_start3A_503 : memref<2x64xi32, #tpu.memory_space<hbm>>) target(%arg9 : memref<2x64xi32, #tpu.memory_space<vmem>>) target_semaphore(%arg25 : memref<!tpu.dma_semaphore, #tpu.memory_space<semaphore_mem>>)
      } else {
      }
      %add3A_175 = arith.constant 3 : i32
      %add3A_176 = arith.addi %add3A_167, %add3A_175 : i32
      %lt3A_177 = arith.cmpi slt, %add3A_176, %select_n3A : i32
      %convert_element_type3A_178 = arith.extui %lt3A_177 : i1 to i32
      %cond3A_179 = arith.constant 0 : i32
      %cond3A_180 = arith.cmpi ne, %convert_element_type3A_178, %cond3A_179 : i32
      scf.if %cond3A_180 {
        %add3A_493 = arith.addi %select_n3A_21, %add3A_167 : i32
        %add3A_494 = arith.constant 3 : i32
        %add3A_495 = arith.addi %add3A_493, %add3A_494 : i32
        %dma_wait3A_496 = arith.constant 0 : i32
        %dma_wait3A_497 = arith.constant 0 : i32
        %dma_wait3A_498 = tpu.memref_slice %arg3[%add3A_495, %dma_wait3A_496, %dma_wait3A_497] : memref<5120x2x64xi32, #tpu.memory_space<hbm>> -> memref<1x2x64xi32, #tpu.memory_space<hbm>>
        %dma_wait3A_499 = tpu.memref_squeeze %dma_wait3A_498 : memref<1x2x64xi32, #tpu.memory_space<hbm>> -> memref<2x64xi32, #tpu.memory_space<hbm>>
        %dma_wait3A_500 = arith.constant 0 : i32
        %dma_wait3A_501 = arith.constant 0 : i32
        %dma_wait3A_502 = tpu.memref_slice %arg3[%add3A_495, %dma_wait3A_500, %dma_wait3A_501] : memref<5120x2x64xi32, #tpu.memory_space<hbm>> -> memref<1x2x64xi32, #tpu.memory_space<hbm>>
        %dma_wait3A_503 = tpu.memref_squeeze %dma_wait3A_502 : memref<1x2x64xi32, #tpu.memory_space<hbm>> -> memref<2x64xi32, #tpu.memory_space<hbm>>
        tpu.wait_dma2 semaphore(%arg24 : memref<!tpu.dma_semaphore, #tpu.memory_space<semaphore_mem>>) src(%dma_wait3A_503 : memref<2x64xi32, #tpu.memory_space<hbm>>) dst(%arg8 : memref<2x64xi32, #tpu.memory_space<vmem>>)
        %dma_start3A_504 = arith.constant 0 : i32
        %dma_start3A_505 = arith.constant 0 : i32
        %dma_start3A_506 = tpu.memref_slice %arg8[%dma_start3A_504, %dma_start3A_505] : memref<2x64xi32, #tpu.memory_space<vmem>> -> memref<1x64xi32, #tpu.memory_space<vmem>>
        %dma_start3A_507 = tpu.memref_squeeze %dma_start3A_506 : memref<1x64xi32, #tpu.memory_space<vmem>> -> memref<64xi32, #tpu.memory_space<vmem>>
        %dma_start3A_508 = arith.constant 0 : i32
        %dma_start3A_509 = arith.constant 0 : i32
        %dma_start3A_510 = tpu.memref_slice %arg2[%dma_start3A_508, %dma_start3A_509] : memref<10240x128xf32, #tpu.memory_space<hbm>> -> memref<10240x128xf32, #tpu.memory_space<hbm>>
        tpu.enqueue_indirect_dma source(%dma_start3A_510 : memref<10240x128xf32, #tpu.memory_space<hbm>>) target(%arg18 : memref<64x128xf32, #tpu.memory_space<vmem>>) offsets(%dma_start3A_507 : memref<64xi32, #tpu.memory_space<vmem>>) semaphore(%arg34 : memref<!tpu.dma_semaphore, #tpu.memory_space<semaphore_mem>>)
      } else {
      }
      %dma_wait3A_181 = arith.constant 0 : i32
      %dma_wait3A_182 = arith.constant 0 : i32
      %dma_wait3A_183 = tpu.memref_slice %arg5[%dma_wait3A_181, %dma_wait3A_182] : memref<2x64xi32, #tpu.memory_space<vmem>> -> memref<1x64xi32, #tpu.memory_space<vmem>>
      %dma_wait3A_184 = tpu.memref_squeeze %dma_wait3A_183 : memref<1x64xi32, #tpu.memory_space<vmem>> -> memref<64xi32, #tpu.memory_space<vmem>>
      %dma_wait3A_185 = arith.constant 0 : i32
      %dma_wait3A_186 = arith.constant 0 : i32
      %dma_wait3A_187 = tpu.memref_slice %arg2[%dma_wait3A_185, %dma_wait3A_186] : memref<10240x128xf32, #tpu.memory_space<hbm>> -> memref<10240x128xf32, #tpu.memory_space<hbm>>
      tpu.wait_indirect_dma semaphore(%arg31 : memref<!tpu.dma_semaphore, #tpu.memory_space<semaphore_mem>>) src(%dma_wait3A_187 : memref<10240x128xf32, #tpu.memory_space<hbm>>) dst(%arg15 : memref<64x128xf32, #tpu.memory_space<vmem>>)
      %dma_start3A_188 = arith.constant 1 : i32
      %dma_start3A_189 = arith.constant 0 : i32
      %dma_start3A_190 = tpu.memref_slice %arg5[%dma_start3A_188, %dma_start3A_189] : memref<2x64xi32, #tpu.memory_space<vmem>> -> memref<1x64xi32, #tpu.memory_space<vmem>>
      %dma_start3A_191 = tpu.memref_squeeze %dma_start3A_190 : memref<1x64xi32, #tpu.memory_space<vmem>> -> memref<64xi32, #tpu.memory_space<vmem>>
      %dma_start3A_192 = arith.constant 0 : i32
      %dma_start3A_193 = arith.constant 0 : i32
      %dma_start3A_194 = tpu.memref_slice %arg20[%dma_start3A_192, %dma_start3A_193] : memref<10240x128xf32, #tpu.memory_space<vmem_shared>> -> memref<10240x128xf32, #tpu.memory_space<vmem_shared>>
      tpu.enqueue_indirect_dma source(%arg15 : memref<64x128xf32, #tpu.memory_space<vmem>>) target(%dma_start3A_194 : memref<10240x128xf32, #tpu.memory_space<vmem_shared>>) offsets(%dma_start3A_191 : memref<64xi32, #tpu.memory_space<vmem>>) semaphore(%arg36 : memref<!tpu.dma_semaphore, #tpu.memory_space<semaphore_mem>>) {add = true}
      %add3A_195 = arith.constant 1 : i32
      %add3A_196 = arith.addi %mul3A_165, %add3A_195 : i32
      %ge3A_197 = arith.constant 2 : i32
      %ge3A_198 = arith.cmpi sge, %add3A_196, %ge3A_197 : i32
      %convert_element_type3A_199 = arith.extui %ge3A_198 : i1 to i32
      %cond3A_200 = arith.constant 0 : i32
      %cond3A_201 = arith.cmpi ne, %convert_element_type3A_199, %cond3A_200 : i32
      scf.if %cond3A_201 {
        %dma_wait3A_493 = arith.constant 1 : i32
        %dma_wait3A_494 = arith.constant 0 : i32
        %dma_wait3A_495 = tpu.memref_slice %arg14[%dma_wait3A_493, %dma_wait3A_494] : memref<2x64xi32, #tpu.memory_space<vmem>> -> memref<1x64xi32, #tpu.memory_space<vmem>>
        %dma_wait3A_496 = tpu.memref_squeeze %dma_wait3A_495 : memref<1x64xi32, #tpu.memory_space<vmem>> -> memref<64xi32, #tpu.memory_space<vmem>>
        %dma_wait3A_497 = arith.constant 0 : i32
        %dma_wait3A_498 = arith.constant 0 : i32
        %dma_wait3A_499 = tpu.memref_slice %arg20[%dma_wait3A_497, %dma_wait3A_498] : memref<10240x128xf32, #tpu.memory_space<vmem_shared>> -> memref<10240x128xf32, #tpu.memory_space<vmem_shared>>
        tpu.wait_indirect_dma semaphore(%arg40 : memref<!tpu.dma_semaphore, #tpu.memory_space<semaphore_mem>>) src(%arg19 : memref<64x128xf32, #tpu.memory_space<vmem>>) dst(%dma_wait3A_499 : memref<10240x128xf32, #tpu.memory_space<vmem_shared>>)
      } else {
      }
      %add3A_202 = arith.constant 4 : i32
      %add3A_203 = arith.addi %add3A_196, %add3A_202 : i32
      %lt3A_204 = arith.cmpi slt, %add3A_203, %select_n3A : i32
      %convert_element_type3A_205 = arith.extui %lt3A_204 : i1 to i32
      %cond3A_206 = arith.constant 0 : i32
      %cond3A_207 = arith.cmpi ne, %convert_element_type3A_205, %cond3A_206 : i32
      scf.if %cond3A_207 {
        %add3A_493 = arith.addi %select_n3A_21, %add3A_196 : i32
        %add3A_494 = arith.constant 4 : i32
        %add3A_495 = arith.addi %add3A_493, %add3A_494 : i32
        %dma_start3A_496 = arith.constant 0 : i32
        %dma_start3A_497 = arith.constant 0 : i32
        %dma_start3A_498 = tpu.memref_slice %arg3[%add3A_495, %dma_start3A_496, %dma_start3A_497] : memref<5120x2x64xi32, #tpu.memory_space<hbm>> -> memref<1x2x64xi32, #tpu.memory_space<hbm>>
        %dma_start3A_499 = tpu.memref_squeeze %dma_start3A_498 : memref<1x2x64xi32, #tpu.memory_space<hbm>> -> memref<2x64xi32, #tpu.memory_space<hbm>>
        %dma_start3A_500 = arith.constant 0 : i32
        %dma_start3A_501 = arith.constant 0 : i32
        %dma_start3A_502 = tpu.memref_slice %arg3[%add3A_495, %dma_start3A_500, %dma_start3A_501] : memref<5120x2x64xi32, #tpu.memory_space<hbm>> -> memref<1x2x64xi32, #tpu.memory_space<hbm>>
        %dma_start3A_503 = tpu.memref_squeeze %dma_start3A_502 : memref<1x2x64xi32, #tpu.memory_space<hbm>> -> memref<2x64xi32, #tpu.memory_space<hbm>>
        tpu.enqueue_dma source(%dma_start3A_503 : memref<2x64xi32, #tpu.memory_space<hbm>>) target(%arg10 : memref<2x64xi32, #tpu.memory_space<vmem>>) target_semaphore(%arg26 : memref<!tpu.dma_semaphore, #tpu.memory_space<semaphore_mem>>)
      } else {
      }
      %add3A_208 = arith.constant 3 : i32
      %add3A_209 = arith.addi %add3A_196, %add3A_208 : i32
      %lt3A_210 = arith.cmpi slt, %add3A_209, %select_n3A : i32
      %convert_element_type3A_211 = arith.extui %lt3A_210 : i1 to i32
      %cond3A_212 = arith.constant 0 : i32
      %cond3A_213 = arith.cmpi ne, %convert_element_type3A_211, %cond3A_212 : i32
      scf.if %cond3A_213 {
        %add3A_493 = arith.addi %select_n3A_21, %add3A_196 : i32
        %add3A_494 = arith.constant 3 : i32
        %add3A_495 = arith.addi %add3A_493, %add3A_494 : i32
        %dma_wait3A_496 = arith.constant 0 : i32
        %dma_wait3A_497 = arith.constant 0 : i32
        %dma_wait3A_498 = tpu.memref_slice %arg3[%add3A_495, %dma_wait3A_496, %dma_wait3A_497] : memref<5120x2x64xi32, #tpu.memory_space<hbm>> -> memref<1x2x64xi32, #tpu.memory_space<hbm>>
        %dma_wait3A_499 = tpu.memref_squeeze %dma_wait3A_498 : memref<1x2x64xi32, #tpu.memory_space<hbm>> -> memref<2x64xi32, #tpu.memory_space<hbm>>
        %dma_wait3A_500 = arith.constant 0 : i32
        %dma_wait3A_501 = arith.constant 0 : i32
        %dma_wait3A_502 = tpu.memref_slice %arg3[%add3A_495, %dma_wait3A_500, %dma_wait3A_501] : memref<5120x2x64xi32, #tpu.memory_space<hbm>> -> memref<1x2x64xi32, #tpu.memory_space<hbm>>
        %dma_wait3A_503 = tpu.memref_squeeze %dma_wait3A_502 : memref<1x2x64xi32, #tpu.memory_space<hbm>> -> memref<2x64xi32, #tpu.memory_space<hbm>>
        tpu.wait_dma2 semaphore(%arg25 : memref<!tpu.dma_semaphore, #tpu.memory_space<semaphore_mem>>) src(%dma_wait3A_503 : memref<2x64xi32, #tpu.memory_space<hbm>>) dst(%arg9 : memref<2x64xi32, #tpu.memory_space<vmem>>)
        %dma_start3A_504 = arith.constant 0 : i32
        %dma_start3A_505 = arith.constant 0 : i32
        %dma_start3A_506 = tpu.memref_slice %arg9[%dma_start3A_504, %dma_start3A_505] : memref<2x64xi32, #tpu.memory_space<vmem>> -> memref<1x64xi32, #tpu.memory_space<vmem>>
        %dma_start3A_507 = tpu.memref_squeeze %dma_start3A_506 : memref<1x64xi32, #tpu.memory_space<vmem>> -> memref<64xi32, #tpu.memory_space<vmem>>
        %dma_start3A_508 = arith.constant 0 : i32
        %dma_start3A_509 = arith.constant 0 : i32
        %dma_start3A_510 = tpu.memref_slice %arg2[%dma_start3A_508, %dma_start3A_509] : memref<10240x128xf32, #tpu.memory_space<hbm>> -> memref<10240x128xf32, #tpu.memory_space<hbm>>
        tpu.enqueue_indirect_dma source(%dma_start3A_510 : memref<10240x128xf32, #tpu.memory_space<hbm>>) target(%arg19 : memref<64x128xf32, #tpu.memory_space<vmem>>) offsets(%dma_start3A_507 : memref<64xi32, #tpu.memory_space<vmem>>) semaphore(%arg35 : memref<!tpu.dma_semaphore, #tpu.memory_space<semaphore_mem>>)
      } else {
      }
      %dma_wait3A_214 = arith.constant 0 : i32
      %dma_wait3A_215 = arith.constant 0 : i32
      %dma_wait3A_216 = tpu.memref_slice %arg6[%dma_wait3A_214, %dma_wait3A_215] : memref<2x64xi32, #tpu.memory_space<vmem>> -> memref<1x64xi32, #tpu.memory_space<vmem>>
      %dma_wait3A_217 = tpu.memref_squeeze %dma_wait3A_216 : memref<1x64xi32, #tpu.memory_space<vmem>> -> memref<64xi32, #tpu.memory_space<vmem>>
      %dma_wait3A_218 = arith.constant 0 : i32
      %dma_wait3A_219 = arith.constant 0 : i32
      %dma_wait3A_220 = tpu.memref_slice %arg2[%dma_wait3A_218, %dma_wait3A_219] : memref<10240x128xf32, #tpu.memory_space<hbm>> -> memref<10240x128xf32, #tpu.memory_space<hbm>>
      tpu.wait_indirect_dma semaphore(%arg32 : memref<!tpu.dma_semaphore, #tpu.memory_space<semaphore_mem>>) src(%dma_wait3A_220 : memref<10240x128xf32, #tpu.memory_space<hbm>>) dst(%arg16 : memref<64x128xf32, #tpu.memory_space<vmem>>)
      %dma_start3A_221 = arith.constant 1 : i32
      %dma_start3A_222 = arith.constant 0 : i32
      %dma_start3A_223 = tpu.memref_slice %arg6[%dma_start3A_221, %dma_start3A_222] : memref<2x64xi32, #tpu.memory_space<vmem>> -> memref<1x64xi32, #tpu.memory_space<vmem>>
      %dma_start3A_224 = tpu.memref_squeeze %dma_start3A_223 : memref<1x64xi32, #tpu.memory_space<vmem>> -> memref<64xi32, #tpu.memory_space<vmem>>
      %dma_start3A_225 = arith.constant 0 : i32
      %dma_start3A_226 = arith.constant 0 : i32
      %dma_start3A_227 = tpu.memref_slice %arg20[%dma_start3A_225, %dma_start3A_226] : memref<10240x128xf32, #tpu.memory_space<vmem_shared>> -> memref<10240x128xf32, #tpu.memory_space<vmem_shared>>
      tpu.enqueue_indirect_dma source(%arg16 : memref<64x128xf32, #tpu.memory_space<vmem>>) target(%dma_start3A_227 : memref<10240x128xf32, #tpu.memory_space<vmem_shared>>) offsets(%dma_start3A_224 : memref<64xi32, #tpu.memory_space<vmem>>) semaphore(%arg37 : memref<!tpu.dma_semaphore, #tpu.memory_space<semaphore_mem>>) {add = true}
      %add3A_228 = arith.constant 2 : i32
      %add3A_229 = arith.addi %mul3A_165, %add3A_228 : i32
      %ge3A_230 = arith.constant 2 : i32
      %ge3A_231 = arith.cmpi sge, %add3A_229, %ge3A_230 : i32
      %convert_element_type3A_232 = arith.extui %ge3A_231 : i1 to i32
      %cond3A_233 = arith.constant 0 : i32
      %cond3A_234 = arith.cmpi ne, %convert_element_type3A_232, %cond3A_233 : i32
      scf.if %cond3A_234 {
        %dma_wait3A_493 = arith.constant 1 : i32
        %dma_wait3A_494 = arith.constant 0 : i32
        %dma_wait3A_495 = tpu.memref_slice %arg5[%dma_wait3A_493, %dma_wait3A_494] : memref<2x64xi32, #tpu.memory_space<vmem>> -> memref<1x64xi32, #tpu.memory_space<vmem>>
        %dma_wait3A_496 = tpu.memref_squeeze %dma_wait3A_495 : memref<1x64xi32, #tpu.memory_space<vmem>> -> memref<64xi32, #tpu.memory_space<vmem>>
        %dma_wait3A_497 = arith.constant 0 : i32
        %dma_wait3A_498 = arith.constant 0 : i32
        %dma_wait3A_499 = tpu.memref_slice %arg20[%dma_wait3A_497, %dma_wait3A_498] : memref<10240x128xf32, #tpu.memory_space<vmem_shared>> -> memref<10240x128xf32, #tpu.memory_space<vmem_shared>>
        tpu.wait_indirect_dma semaphore(%arg36 : memref<!tpu.dma_semaphore, #tpu.memory_space<semaphore_mem>>) src(%arg15 : memref<64x128xf32, #tpu.memory_space<vmem>>) dst(%dma_wait3A_499 : memref<10240x128xf32, #tpu.memory_space<vmem_shared>>)
      } else {
      }
      %add3A_235 = arith.constant 4 : i32
      %add3A_236 = arith.addi %add3A_229, %add3A_235 : i32
      %lt3A_237 = arith.cmpi slt, %add3A_236, %select_n3A : i32
      %convert_element_type3A_238 = arith.extui %lt3A_237 : i1 to i32
      %cond3A_239 = arith.constant 0 : i32
      %cond3A_240 = arith.cmpi ne, %convert_element_type3A_238, %cond3A_239 : i32
      scf.if %cond3A_240 {
        %add3A_493 = arith.addi %select_n3A_21, %add3A_229 : i32
        %add3A_494 = arith.constant 4 : i32
        %add3A_495 = arith.addi %add3A_493, %add3A_494 : i32
        %dma_start3A_496 = arith.constant 0 : i32
        %dma_start3A_497 = arith.constant 0 : i32
        %dma_start3A_498 = tpu.memref_slice %arg3[%add3A_495, %dma_start3A_496, %dma_start3A_497] : memref<5120x2x64xi32, #tpu.memory_space<hbm>> -> memref<1x2x64xi32, #tpu.memory_space<hbm>>
        %dma_start3A_499 = tpu.memref_squeeze %dma_start3A_498 : memref<1x2x64xi32, #tpu.memory_space<hbm>> -> memref<2x64xi32, #tpu.memory_space<hbm>>
        %dma_start3A_500 = arith.constant 0 : i32
        %dma_start3A_501 = arith.constant 0 : i32
        %dma_start3A_502 = tpu.memref_slice %arg3[%add3A_495, %dma_start3A_500, %dma_start3A_501] : memref<5120x2x64xi32, #tpu.memory_space<hbm>> -> memref<1x2x64xi32, #tpu.memory_space<hbm>>
        %dma_start3A_503 = tpu.memref_squeeze %dma_start3A_502 : memref<1x2x64xi32, #tpu.memory_space<hbm>> -> memref<2x64xi32, #tpu.memory_space<hbm>>
        tpu.enqueue_dma source(%dma_start3A_503 : memref<2x64xi32, #tpu.memory_space<hbm>>) target(%arg11 : memref<2x64xi32, #tpu.memory_space<vmem>>) target_semaphore(%arg27 : memref<!tpu.dma_semaphore, #tpu.memory_space<semaphore_mem>>)
      } else {
      }
      %add3A_241 = arith.constant 3 : i32
      %add3A_242 = arith.addi %add3A_229, %add3A_241 : i32
      %lt3A_243 = arith.cmpi slt, %add3A_242, %select_n3A : i32
      %convert_element_type3A_244 = arith.extui %lt3A_243 : i1 to i32
      %cond3A_245 = arith.constant 0 : i32
      %cond3A_246 = arith.cmpi ne, %convert_element_type3A_244, %cond3A_245 : i32
      scf.if %cond3A_246 {
        %add3A_493 = arith.addi %select_n3A_21, %add3A_229 : i32
        %add3A_494 = arith.constant 3 : i32
        %add3A_495 = arith.addi %add3A_493, %add3A_494 : i32
        %dma_wait3A_496 = arith.constant 0 : i32
        %dma_wait3A_497 = arith.constant 0 : i32
        %dma_wait3A_498 = tpu.memref_slice %arg3[%add3A_495, %dma_wait3A_496, %dma_wait3A_497] : memref<5120x2x64xi32, #tpu.memory_space<hbm>> -> memref<1x2x64xi32, #tpu.memory_space<hbm>>
        %dma_wait3A_499 = tpu.memref_squeeze %dma_wait3A_498 : memref<1x2x64xi32, #tpu.memory_space<hbm>> -> memref<2x64xi32, #tpu.memory_space<hbm>>
        %dma_wait3A_500 = arith.constant 0 : i32
        %dma_wait3A_501 = arith.constant 0 : i32
        %dma_wait3A_502 = tpu.memref_slice %arg3[%add3A_495, %dma_wait3A_500, %dma_wait3A_501] : memref<5120x2x64xi32, #tpu.memory_space<hbm>> -> memref<1x2x64xi32, #tpu.memory_space<hbm>>
        %dma_wait3A_503 = tpu.memref_squeeze %dma_wait3A_502 : memref<1x2x64xi32, #tpu.memory_space<hbm>> -> memref<2x64xi32, #tpu.memory_space<hbm>>
        tpu.wait_dma2 semaphore(%arg26 : memref<!tpu.dma_semaphore, #tpu.memory_space<semaphore_mem>>) src(%dma_wait3A_503 : memref<2x64xi32, #tpu.memory_space<hbm>>) dst(%arg10 : memref<2x64xi32, #tpu.memory_space<vmem>>)
        %dma_start3A_504 = arith.constant 0 : i32
        %dma_start3A_505 = arith.constant 0 : i32
        %dma_start3A_506 = tpu.memref_slice %arg10[%dma_start3A_504, %dma_start3A_505] : memref<2x64xi32, #tpu.memory_space<vmem>> -> memref<1x64xi32, #tpu.memory_space<vmem>>
        %dma_start3A_507 = tpu.memref_squeeze %dma_start3A_506 : memref<1x64xi32, #tpu.memory_space<vmem>> -> memref<64xi32, #tpu.memory_space<vmem>>
        %dma_start3A_508 = arith.constant 0 : i32
        %dma_start3A_509 = arith.constant 0 : i32
        %dma_start3A_510 = tpu.memref_slice %arg2[%dma_start3A_508, %dma_start3A_509] : memref<10240x128xf32, #tpu.memory_space<hbm>> -> memref<10240x128xf32, #tpu.memory_space<hbm>>
        tpu.enqueue_indirect_dma source(%dma_start3A_510 : memref<10240x128xf32, #tpu.memory_space<hbm>>) target(%arg15 : memref<64x128xf32, #tpu.memory_space<vmem>>) offsets(%dma_start3A_507 : memref<64xi32, #tpu.memory_space<vmem>>) semaphore(%arg31 : memref<!tpu.dma_semaphore, #tpu.memory_space<semaphore_mem>>)
      } else {
      }
      %dma_wait3A_247 = arith.constant 0 : i32
      %dma_wait3A_248 = arith.constant 0 : i32
      %dma_wait3A_249 = tpu.memref_slice %arg7[%dma_wait3A_247, %dma_wait3A_248] : memref<2x64xi32, #tpu.memory_space<vmem>> -> memref<1x64xi32, #tpu.memory_space<vmem>>
      %dma_wait3A_250 = tpu.memref_squeeze %dma_wait3A_249 : memref<1x64xi32, #tpu.memory_space<vmem>> -> memref<64xi32, #tpu.memory_space<vmem>>
      %dma_wait3A_251 = arith.constant 0 : i32
      %dma_wait3A_252 = arith.constant 0 : i32
      %dma_wait3A_253 = tpu.memref_slice %arg2[%dma_wait3A_251, %dma_wait3A_252] : memref<10240x128xf32, #tpu.memory_space<hbm>> -> memref<10240x128xf32, #tpu.memory_space<hbm>>
      tpu.wait_indirect_dma semaphore(%arg33 : memref<!tpu.dma_semaphore, #tpu.memory_space<semaphore_mem>>) src(%dma_wait3A_253 : memref<10240x128xf32, #tpu.memory_space<hbm>>) dst(%arg17 : memref<64x128xf32, #tpu.memory_space<vmem>>)
      %dma_start3A_254 = arith.constant 1 : i32
      %dma_start3A_255 = arith.constant 0 : i32
      %dma_start3A_256 = tpu.memref_slice %arg7[%dma_start3A_254, %dma_start3A_255] : memref<2x64xi32, #tpu.memory_space<vmem>> -> memref<1x64xi32, #tpu.memory_space<vmem>>
      %dma_start3A_257 = tpu.memref_squeeze %dma_start3A_256 : memref<1x64xi32, #tpu.memory_space<vmem>> -> memref<64xi32, #tpu.memory_space<vmem>>
      %dma_start3A_258 = arith.constant 0 : i32
      %dma_start3A_259 = arith.constant 0 : i32
      %dma_start3A_260 = tpu.memref_slice %arg20[%dma_start3A_258, %dma_start3A_259] : memref<10240x128xf32, #tpu.memory_space<vmem_shared>> -> memref<10240x128xf32, #tpu.memory_space<vmem_shared>>
      tpu.enqueue_indirect_dma source(%arg17 : memref<64x128xf32, #tpu.memory_space<vmem>>) target(%dma_start3A_260 : memref<10240x128xf32, #tpu.memory_space<vmem_shared>>) offsets(%dma_start3A_257 : memref<64xi32, #tpu.memory_space<vmem>>) semaphore(%arg38 : memref<!tpu.dma_semaphore, #tpu.memory_space<semaphore_mem>>) {add = true}
      %add3A_261 = arith.constant 3 : i32
      %add3A_262 = arith.addi %mul3A_165, %add3A_261 : i32
      %ge3A_263 = arith.constant 2 : i32
      %ge3A_264 = arith.cmpi sge, %add3A_262, %ge3A_263 : i32
      %convert_element_type3A_265 = arith.extui %ge3A_264 : i1 to i32
      %cond3A_266 = arith.constant 0 : i32
      %cond3A_267 = arith.cmpi ne, %convert_element_type3A_265, %cond3A_266 : i32
      scf.if %cond3A_267 {
        %dma_wait3A_493 = arith.constant 1 : i32
        %dma_wait3A_494 = arith.constant 0 : i32
        %dma_wait3A_495 = tpu.memref_slice %arg6[%dma_wait3A_493, %dma_wait3A_494] : memref<2x64xi32, #tpu.memory_space<vmem>> -> memref<1x64xi32, #tpu.memory_space<vmem>>
        %dma_wait3A_496 = tpu.memref_squeeze %dma_wait3A_495 : memref<1x64xi32, #tpu.memory_space<vmem>> -> memref<64xi32, #tpu.memory_space<vmem>>
        %dma_wait3A_497 = arith.constant 0 : i32
        %dma_wait3A_498 = arith.constant 0 : i32
        %dma_wait3A_499 = tpu.memref_slice %arg20[%dma_wait3A_497, %dma_wait3A_498] : memref<10240x128xf32, #tpu.memory_space<vmem_shared>> -> memref<10240x128xf32, #tpu.memory_space<vmem_shared>>
        tpu.wait_indirect_dma semaphore(%arg37 : memref<!tpu.dma_semaphore, #tpu.memory_space<semaphore_mem>>) src(%arg16 : memref<64x128xf32, #tpu.memory_space<vmem>>) dst(%dma_wait3A_499 : memref<10240x128xf32, #tpu.memory_space<vmem_shared>>)
      } else {
      }
      %add3A_268 = arith.constant 4 : i32
      %add3A_269 = arith.addi %add3A_262, %add3A_268 : i32
      %lt3A_270 = arith.cmpi slt, %add3A_269, %select_n3A : i32
      %convert_element_type3A_271 = arith.extui %lt3A_270 : i1 to i32
      %cond3A_272 = arith.constant 0 : i32
      %cond3A_273 = arith.cmpi ne, %convert_element_type3A_271, %cond3A_272 : i32
      scf.if %cond3A_273 {
        %add3A_493 = arith.addi %select_n3A_21, %add3A_262 : i32
        %add3A_494 = arith.constant 4 : i32
        %add3A_495 = arith.addi %add3A_493, %add3A_494 : i32
        %dma_start3A_496 = arith.constant 0 : i32
        %dma_start3A_497 = arith.constant 0 : i32
        %dma_start3A_498 = tpu.memref_slice %arg3[%add3A_495, %dma_start3A_496, %dma_start3A_497] : memref<5120x2x64xi32, #tpu.memory_space<hbm>> -> memref<1x2x64xi32, #tpu.memory_space<hbm>>
        %dma_start3A_499 = tpu.memref_squeeze %dma_start3A_498 : memref<1x2x64xi32, #tpu.memory_space<hbm>> -> memref<2x64xi32, #tpu.memory_space<hbm>>
        %dma_start3A_500 = arith.constant 0 : i32
        %dma_start3A_501 = arith.constant 0 : i32
        %dma_start3A_502 = tpu.memref_slice %arg3[%add3A_495, %dma_start3A_500, %dma_start3A_501] : memref<5120x2x64xi32, #tpu.memory_space<hbm>> -> memref<1x2x64xi32, #tpu.memory_space<hbm>>
        %dma_start3A_503 = tpu.memref_squeeze %dma_start3A_502 : memref<1x2x64xi32, #tpu.memory_space<hbm>> -> memref<2x64xi32, #tpu.memory_space<hbm>>
        tpu.enqueue_dma source(%dma_start3A_503 : memref<2x64xi32, #tpu.memory_space<hbm>>) target(%arg12 : memref<2x64xi32, #tpu.memory_space<vmem>>) target_semaphore(%arg28 : memref<!tpu.dma_semaphore, #tpu.memory_space<semaphore_mem>>)
      } else {
      }
      %add3A_274 = arith.constant 3 : i32
      %add3A_275 = arith.addi %add3A_262, %add3A_274 : i32
      %lt3A_276 = arith.cmpi slt, %add3A_275, %select_n3A : i32
      %convert_element_type3A_277 = arith.extui %lt3A_276 : i1 to i32
      %cond3A_278 = arith.constant 0 : i32
      %cond3A_279 = arith.cmpi ne, %convert_element_type3A_277, %cond3A_278 : i32
      scf.if %cond3A_279 {
        %add3A_493 = arith.addi %select_n3A_21, %add3A_262 : i32
        %add3A_494 = arith.constant 3 : i32
        %add3A_495 = arith.addi %add3A_493, %add3A_494 : i32
        %dma_wait3A_496 = arith.constant 0 : i32
        %dma_wait3A_497 = arith.constant 0 : i32
        %dma_wait3A_498 = tpu.memref_slice %arg3[%add3A_495, %dma_wait3A_496, %dma_wait3A_497] : memref<5120x2x64xi32, #tpu.memory_space<hbm>> -> memref<1x2x64xi32, #tpu.memory_space<hbm>>
        %dma_wait3A_499 = tpu.memref_squeeze %dma_wait3A_498 : memref<1x2x64xi32, #tpu.memory_space<hbm>> -> memref<2x64xi32, #tpu.memory_space<hbm>>
        %dma_wait3A_500 = arith.constant 0 : i32
        %dma_wait3A_501 = arith.constant 0 : i32
        %dma_wait3A_502 = tpu.memref_slice %arg3[%add3A_495, %dma_wait3A_500, %dma_wait3A_501] : memref<5120x2x64xi32, #tpu.memory_space<hbm>> -> memref<1x2x64xi32, #tpu.memory_space<hbm>>
        %dma_wait3A_503 = tpu.memref_squeeze %dma_wait3A_502 : memref<1x2x64xi32, #tpu.memory_space<hbm>> -> memref<2x64xi32, #tpu.memory_space<hbm>>
        tpu.wait_dma2 semaphore(%arg27 : memref<!tpu.dma_semaphore, #tpu.memory_space<semaphore_mem>>) src(%dma_wait3A_503 : memref<2x64xi32, #tpu.memory_space<hbm>>) dst(%arg11 : memref<2x64xi32, #tpu.memory_space<vmem>>)
        %dma_start3A_504 = arith.constant 0 : i32
        %dma_start3A_505 = arith.constant 0 : i32
        %dma_start3A_506 = tpu.memref_slice %arg11[%dma_start3A_504, %dma_start3A_505] : memref<2x64xi32, #tpu.memory_space<vmem>> -> memref<1x64xi32, #tpu.memory_space<vmem>>
        %dma_start3A_507 = tpu.memref_squeeze %dma_start3A_506 : memref<1x64xi32, #tpu.memory_space<vmem>> -> memref<64xi32, #tpu.memory_space<vmem>>
        %dma_start3A_508 = arith.constant 0 : i32
        %dma_start3A_509 = arith.constant 0 : i32
        %dma_start3A_510 = tpu.memref_slice %arg2[%dma_start3A_508, %dma_start3A_509] : memref<10240x128xf32, #tpu.memory_space<hbm>> -> memref<10240x128xf32, #tpu.memory_space<hbm>>
        tpu.enqueue_indirect_dma source(%dma_start3A_510 : memref<10240x128xf32, #tpu.memory_space<hbm>>) target(%arg16 : memref<64x128xf32, #tpu.memory_space<vmem>>) offsets(%dma_start3A_507 : memref<64xi32, #tpu.memory_space<vmem>>) semaphore(%arg32 : memref<!tpu.dma_semaphore, #tpu.memory_space<semaphore_mem>>)
      } else {
      }
      %dma_wait3A_280 = arith.constant 0 : i32
      %dma_wait3A_281 = arith.constant 0 : i32
      %dma_wait3A_282 = tpu.memref_slice %arg8[%dma_wait3A_280, %dma_wait3A_281] : memref<2x64xi32, #tpu.memory_space<vmem>> -> memref<1x64xi32, #tpu.memory_space<vmem>>
      %dma_wait3A_283 = tpu.memref_squeeze %dma_wait3A_282 : memref<1x64xi32, #tpu.memory_space<vmem>> -> memref<64xi32, #tpu.memory_space<vmem>>
      %dma_wait3A_284 = arith.constant 0 : i32
      %dma_wait3A_285 = arith.constant 0 : i32
      %dma_wait3A_286 = tpu.memref_slice %arg2[%dma_wait3A_284, %dma_wait3A_285] : memref<10240x128xf32, #tpu.memory_space<hbm>> -> memref<10240x128xf32, #tpu.memory_space<hbm>>
      tpu.wait_indirect_dma semaphore(%arg34 : memref<!tpu.dma_semaphore, #tpu.memory_space<semaphore_mem>>) src(%dma_wait3A_286 : memref<10240x128xf32, #tpu.memory_space<hbm>>) dst(%arg18 : memref<64x128xf32, #tpu.memory_space<vmem>>)
      %dma_start3A_287 = arith.constant 1 : i32
      %dma_start3A_288 = arith.constant 0 : i32
      %dma_start3A_289 = tpu.memref_slice %arg8[%dma_start3A_287, %dma_start3A_288] : memref<2x64xi32, #tpu.memory_space<vmem>> -> memref<1x64xi32, #tpu.memory_space<vmem>>
      %dma_start3A_290 = tpu.memref_squeeze %dma_start3A_289 : memref<1x64xi32, #tpu.memory_space<vmem>> -> memref<64xi32, #tpu.memory_space<vmem>>
      %dma_start3A_291 = arith.constant 0 : i32
      %dma_start3A_292 = arith.constant 0 : i32
      %dma_start3A_293 = tpu.memref_slice %arg20[%dma_start3A_291, %dma_start3A_292] : memref<10240x128xf32, #tpu.memory_space<vmem_shared>> -> memref<10240x128xf32, #tpu.memory_space<vmem_shared>>
      tpu.enqueue_indirect_dma source(%arg18 : memref<64x128xf32, #tpu.memory_space<vmem>>) target(%dma_start3A_293 : memref<10240x128xf32, #tpu.memory_space<vmem_shared>>) offsets(%dma_start3A_290 : memref<64xi32, #tpu.memory_space<vmem>>) semaphore(%arg39 : memref<!tpu.dma_semaphore, #tpu.memory_space<semaphore_mem>>) {add = true}
      %add3A_294 = arith.constant 4 : i32
      %add3A_295 = arith.addi %mul3A_165, %add3A_294 : i32
      %ge3A_296 = arith.constant 2 : i32
      %ge3A_297 = arith.cmpi sge, %add3A_295, %ge3A_296 : i32
      %convert_element_type3A_298 = arith.extui %ge3A_297 : i1 to i32
      %cond3A_299 = arith.constant 0 : i32
      %cond3A_300 = arith.cmpi ne, %convert_element_type3A_298, %cond3A_299 : i32
      scf.if %cond3A_300 {
        %dma_wait3A_493 = arith.constant 1 : i32
        %dma_wait3A_494 = arith.constant 0 : i32
        %dma_wait3A_495 = tpu.memref_slice %arg7[%dma_wait3A_493, %dma_wait3A_494] : memref<2x64xi32, #tpu.memory_space<vmem>> -> memref<1x64xi32, #tpu.memory_space<vmem>>
        %dma_wait3A_496 = tpu.memref_squeeze %dma_wait3A_495 : memref<1x64xi32, #tpu.memory_space<vmem>> -> memref<64xi32, #tpu.memory_space<vmem>>
        %dma_wait3A_497 = arith.constant 0 : i32
        %dma_wait3A_498 = arith.constant 0 : i32
        %dma_wait3A_499 = tpu.memref_slice %arg20[%dma_wait3A_497, %dma_wait3A_498] : memref<10240x128xf32, #tpu.memory_space<vmem_shared>> -> memref<10240x128xf32, #tpu.memory_space<vmem_shared>>
        tpu.wait_indirect_dma semaphore(%arg38 : memref<!tpu.dma_semaphore, #tpu.memory_space<semaphore_mem>>) src(%arg17 : memref<64x128xf32, #tpu.memory_space<vmem>>) dst(%dma_wait3A_499 : memref<10240x128xf32, #tpu.memory_space<vmem_shared>>)
      } else {
      }
      %add3A_301 = arith.constant 4 : i32
      %add3A_302 = arith.addi %add3A_295, %add3A_301 : i32
      %lt3A_303 = arith.cmpi slt, %add3A_302, %select_n3A : i32
      %convert_element_type3A_304 = arith.extui %lt3A_303 : i1 to i32
      %cond3A_305 = arith.constant 0 : i32
      %cond3A_306 = arith.cmpi ne, %convert_element_type3A_304, %cond3A_305 : i32
      scf.if %cond3A_306 {
        %add3A_493 = arith.addi %select_n3A_21, %add3A_295 : i32
        %add3A_494 = arith.constant 4 : i32
        %add3A_495 = arith.addi %add3A_493, %add3A_494 : i32
        %dma_start3A_496 = arith.constant 0 : i32
        %dma_start3A_497 = arith.constant 0 : i32
        %dma_start3A_498 = tpu.memref_slice %arg3[%add3A_495, %dma_start3A_496, %dma_start3A_497] : memref<5120x2x64xi32, #tpu.memory_space<hbm>> -> memref<1x2x64xi32, #tpu.memory_space<hbm>>
        %dma_start3A_499 = tpu.memref_squeeze %dma_start3A_498 : memref<1x2x64xi32, #tpu.memory_space<hbm>> -> memref<2x64xi32, #tpu.memory_space<hbm>>
        %dma_start3A_500 = arith.constant 0 : i32
        %dma_start3A_501 = arith.constant 0 : i32
        %dma_start3A_502 = tpu.memref_slice %arg3[%add3A_495, %dma_start3A_500, %dma_start3A_501] : memref<5120x2x64xi32, #tpu.memory_space<hbm>> -> memref<1x2x64xi32, #tpu.memory_space<hbm>>
        %dma_start3A_503 = tpu.memref_squeeze %dma_start3A_502 : memref<1x2x64xi32, #tpu.memory_space<hbm>> -> memref<2x64xi32, #tpu.memory_space<hbm>>
        tpu.enqueue_dma source(%dma_start3A_503 : memref<2x64xi32, #tpu.memory_space<hbm>>) target(%arg13 : memref<2x64xi32, #tpu.memory_space<vmem>>) target_semaphore(%arg29 : memref<!tpu.dma_semaphore, #tpu.memory_space<semaphore_mem>>)
      } else {
      }
      %add3A_307 = arith.constant 3 : i32
      %add3A_308 = arith.addi %add3A_295, %add3A_307 : i32
      %lt3A_309 = arith.cmpi slt, %add3A_308, %select_n3A : i32
      %convert_element_type3A_310 = arith.extui %lt3A_309 : i1 to i32
      %cond3A_311 = arith.constant 0 : i32
      %cond3A_312 = arith.cmpi ne, %convert_element_type3A_310, %cond3A_311 : i32
      scf.if %cond3A_312 {
        %add3A_493 = arith.addi %select_n3A_21, %add3A_295 : i32
        %add3A_494 = arith.constant 3 : i32
        %add3A_495 = arith.addi %add3A_493, %add3A_494 : i32
        %dma_wait3A_496 = arith.constant 0 : i32
        %dma_wait3A_497 = arith.constant 0 : i32
        %dma_wait3A_498 = tpu.memref_slice %arg3[%add3A_495, %dma_wait3A_496, %dma_wait3A_497] : memref<5120x2x64xi32, #tpu.memory_space<hbm>> -> memref<1x2x64xi32, #tpu.memory_space<hbm>>
        %dma_wait3A_499 = tpu.memref_squeeze %dma_wait3A_498 : memref<1x2x64xi32, #tpu.memory_space<hbm>> -> memref<2x64xi32, #tpu.memory_space<hbm>>
        %dma_wait3A_500 = arith.constant 0 : i32
        %dma_wait3A_501 = arith.constant 0 : i32
        %dma_wait3A_502 = tpu.memref_slice %arg3[%add3A_495, %dma_wait3A_500, %dma_wait3A_501] : memref<5120x2x64xi32, #tpu.memory_space<hbm>> -> memref<1x2x64xi32, #tpu.memory_space<hbm>>
        %dma_wait3A_503 = tpu.memref_squeeze %dma_wait3A_502 : memref<1x2x64xi32, #tpu.memory_space<hbm>> -> memref<2x64xi32, #tpu.memory_space<hbm>>
        tpu.wait_dma2 semaphore(%arg28 : memref<!tpu.dma_semaphore, #tpu.memory_space<semaphore_mem>>) src(%dma_wait3A_503 : memref<2x64xi32, #tpu.memory_space<hbm>>) dst(%arg12 : memref<2x64xi32, #tpu.memory_space<vmem>>)
        %dma_start3A_504 = arith.constant 0 : i32
        %dma_start3A_505 = arith.constant 0 : i32
        %dma_start3A_506 = tpu.memref_slice %arg12[%dma_start3A_504, %dma_start3A_505] : memref<2x64xi32, #tpu.memory_space<vmem>> -> memref<1x64xi32, #tpu.memory_space<vmem>>
        %dma_start3A_507 = tpu.memref_squeeze %dma_start3A_506 : memref<1x64xi32, #tpu.memory_space<vmem>> -> memref<64xi32, #tpu.memory_space<vmem>>
        %dma_start3A_508 = arith.constant 0 : i32
        %dma_start3A_509 = arith.constant 0 : i32
        %dma_start3A_510 = tpu.memref_slice %arg2[%dma_start3A_508, %dma_start3A_509] : memref<10240x128xf32, #tpu.memory_space<hbm>> -> memref<10240x128xf32, #tpu.memory_space<hbm>>
        tpu.enqueue_indirect_dma source(%dma_start3A_510 : memref<10240x128xf32, #tpu.memory_space<hbm>>) target(%arg17 : memref<64x128xf32, #tpu.memory_space<vmem>>) offsets(%dma_start3A_507 : memref<64xi32, #tpu.memory_space<vmem>>) semaphore(%arg33 : memref<!tpu.dma_semaphore, #tpu.memory_space<semaphore_mem>>)
      } else {
      }
      %dma_wait3A_313 = arith.constant 0 : i32
      %dma_wait3A_314 = arith.constant 0 : i32
      %dma_wait3A_315 = tpu.memref_slice %arg9[%dma_wait3A_313, %dma_wait3A_314] : memref<2x64xi32, #tpu.memory_space<vmem>> -> memref<1x64xi32, #tpu.memory_space<vmem>>
      %dma_wait3A_316 = tpu.memref_squeeze %dma_wait3A_315 : memref<1x64xi32, #tpu.memory_space<vmem>> -> memref<64xi32, #tpu.memory_space<vmem>>
      %dma_wait3A_317 = arith.constant 0 : i32
      %dma_wait3A_318 = arith.constant 0 : i32
      %dma_wait3A_319 = tpu.memref_slice %arg2[%dma_wait3A_317, %dma_wait3A_318] : memref<10240x128xf32, #tpu.memory_space<hbm>> -> memref<10240x128xf32, #tpu.memory_space<hbm>>
      tpu.wait_indirect_dma semaphore(%arg35 : memref<!tpu.dma_semaphore, #tpu.memory_space<semaphore_mem>>) src(%dma_wait3A_319 : memref<10240x128xf32, #tpu.memory_space<hbm>>) dst(%arg19 : memref<64x128xf32, #tpu.memory_space<vmem>>)
      %dma_start3A_320 = arith.constant 1 : i32
      %dma_start3A_321 = arith.constant 0 : i32
      %dma_start3A_322 = tpu.memref_slice %arg9[%dma_start3A_320, %dma_start3A_321] : memref<2x64xi32, #tpu.memory_space<vmem>> -> memref<1x64xi32, #tpu.memory_space<vmem>>
      %dma_start3A_323 = tpu.memref_squeeze %dma_start3A_322 : memref<1x64xi32, #tpu.memory_space<vmem>> -> memref<64xi32, #tpu.memory_space<vmem>>
      %dma_start3A_324 = arith.constant 0 : i32
      %dma_start3A_325 = arith.constant 0 : i32
      %dma_start3A_326 = tpu.memref_slice %arg20[%dma_start3A_324, %dma_start3A_325] : memref<10240x128xf32, #tpu.memory_space<vmem_shared>> -> memref<10240x128xf32, #tpu.memory_space<vmem_shared>>
      tpu.enqueue_indirect_dma source(%arg19 : memref<64x128xf32, #tpu.memory_space<vmem>>) target(%dma_start3A_326 : memref<10240x128xf32, #tpu.memory_space<vmem_shared>>) offsets(%dma_start3A_323 : memref<64xi32, #tpu.memory_space<vmem>>) semaphore(%arg40 : memref<!tpu.dma_semaphore, #tpu.memory_space<semaphore_mem>>) {add = true}
      %add3A_327 = arith.constant 5 : i32
      %add3A_328 = arith.addi %mul3A_165, %add3A_327 : i32
      %ge3A_329 = arith.constant 2 : i32
      %ge3A_330 = arith.cmpi sge, %add3A_328, %ge3A_329 : i32
      %convert_element_type3A_331 = arith.extui %ge3A_330 : i1 to i32
      %cond3A_332 = arith.constant 0 : i32
      %cond3A_333 = arith.cmpi ne, %convert_element_type3A_331, %cond3A_332 : i32
      scf.if %cond3A_333 {
        %dma_wait3A_493 = arith.constant 1 : i32
        %dma_wait3A_494 = arith.constant 0 : i32
        %dma_wait3A_495 = tpu.memref_slice %arg8[%dma_wait3A_493, %dma_wait3A_494] : memref<2x64xi32, #tpu.memory_space<vmem>> -> memref<1x64xi32, #tpu.memory_space<vmem>>
        %dma_wait3A_496 = tpu.memref_squeeze %dma_wait3A_495 : memref<1x64xi32, #tpu.memory_space<vmem>> -> memref<64xi32, #tpu.memory_space<vmem>>
        %dma_wait3A_497 = arith.constant 0 : i32
        %dma_wait3A_498 = arith.constant 0 : i32
        %dma_wait3A_499 = tpu.memref_slice %arg20[%dma_wait3A_497, %dma_wait3A_498] : memref<10240x128xf32, #tpu.memory_space<vmem_shared>> -> memref<10240x128xf32, #tpu.memory_space<vmem_shared>>
        tpu.wait_indirect_dma semaphore(%arg39 : memref<!tpu.dma_semaphore, #tpu.memory_space<semaphore_mem>>) src(%arg18 : memref<64x128xf32, #tpu.memory_space<vmem>>) dst(%dma_wait3A_499 : memref<10240x128xf32, #tpu.memory_space<vmem_shared>>)
      } else {
      }
      %add3A_334 = arith.constant 4 : i32
      %add3A_335 = arith.addi %add3A_328, %add3A_334 : i32
      %lt3A_336 = arith.cmpi slt, %add3A_335, %select_n3A : i32
      %convert_element_type3A_337 = arith.extui %lt3A_336 : i1 to i32
      %cond3A_338 = arith.constant 0 : i32
      %cond3A_339 = arith.cmpi ne, %convert_element_type3A_337, %cond3A_338 : i32
      scf.if %cond3A_339 {
        %add3A_493 = arith.addi %select_n3A_21, %add3A_328 : i32
        %add3A_494 = arith.constant 4 : i32
        %add3A_495 = arith.addi %add3A_493, %add3A_494 : i32
        %dma_start3A_496 = arith.constant 0 : i32
        %dma_start3A_497 = arith.constant 0 : i32
        %dma_start3A_498 = tpu.memref_slice %arg3[%add3A_495, %dma_start3A_496, %dma_start3A_497] : memref<5120x2x64xi32, #tpu.memory_space<hbm>> -> memref<1x2x64xi32, #tpu.memory_space<hbm>>
        %dma_start3A_499 = tpu.memref_squeeze %dma_start3A_498 : memref<1x2x64xi32, #tpu.memory_space<hbm>> -> memref<2x64xi32, #tpu.memory_space<hbm>>
        %dma_start3A_500 = arith.constant 0 : i32
        %dma_start3A_501 = arith.constant 0 : i32
        %dma_start3A_502 = tpu.memref_slice %arg3[%add3A_495, %dma_start3A_500, %dma_start3A_501] : memref<5120x2x64xi32, #tpu.memory_space<hbm>> -> memref<1x2x64xi32, #tpu.memory_space<hbm>>
        %dma_start3A_503 = tpu.memref_squeeze %dma_start3A_502 : memref<1x2x64xi32, #tpu.memory_space<hbm>> -> memref<2x64xi32, #tpu.memory_space<hbm>>
        tpu.enqueue_dma source(%dma_start3A_503 : memref<2x64xi32, #tpu.memory_space<hbm>>) target(%arg14 : memref<2x64xi32, #tpu.memory_space<vmem>>) target_semaphore(%arg30 : memref<!tpu.dma_semaphore, #tpu.memory_space<semaphore_mem>>)
      } else {
      }
      %add3A_340 = arith.constant 3 : i32
      %add3A_341 = arith.addi %add3A_328, %add3A_340 : i32
      %lt3A_342 = arith.cmpi slt, %add3A_341, %select_n3A : i32
      %convert_element_type3A_343 = arith.extui %lt3A_342 : i1 to i32
      %cond3A_344 = arith.constant 0 : i32
      %cond3A_345 = arith.cmpi ne, %convert_element_type3A_343, %cond3A_344 : i32
      scf.if %cond3A_345 {
        %add3A_493 = arith.addi %select_n3A_21, %add3A_328 : i32
        %add3A_494 = arith.constant 3 : i32
        %add3A_495 = arith.addi %add3A_493, %add3A_494 : i32
        %dma_wait3A_496 = arith.constant 0 : i32
        %dma_wait3A_497 = arith.constant 0 : i32
        %dma_wait3A_498 = tpu.memref_slice %arg3[%add3A_495, %dma_wait3A_496, %dma_wait3A_497] : memref<5120x2x64xi32, #tpu.memory_space<hbm>> -> memref<1x2x64xi32, #tpu.memory_space<hbm>>
        %dma_wait3A_499 = tpu.memref_squeeze %dma_wait3A_498 : memref<1x2x64xi32, #tpu.memory_space<hbm>> -> memref<2x64xi32, #tpu.memory_space<hbm>>
        %dma_wait3A_500 = arith.constant 0 : i32
        %dma_wait3A_501 = arith.constant 0 : i32
        %dma_wait3A_502 = tpu.memref_slice %arg3[%add3A_495, %dma_wait3A_500, %dma_wait3A_501] : memref<5120x2x64xi32, #tpu.memory_space<hbm>> -> memref<1x2x64xi32, #tpu.memory_space<hbm>>
        %dma_wait3A_503 = tpu.memref_squeeze %dma_wait3A_502 : memref<1x2x64xi32, #tpu.memory_space<hbm>> -> memref<2x64xi32, #tpu.memory_space<hbm>>
        tpu.wait_dma2 semaphore(%arg29 : memref<!tpu.dma_semaphore, #tpu.memory_space<semaphore_mem>>) src(%dma_wait3A_503 : memref<2x64xi32, #tpu.memory_space<hbm>>) dst(%arg13 : memref<2x64xi32, #tpu.memory_space<vmem>>)
        %dma_start3A_504 = arith.constant 0 : i32
        %dma_start3A_505 = arith.constant 0 : i32
        %dma_start3A_506 = tpu.memref_slice %arg13[%dma_start3A_504, %dma_start3A_505] : memref<2x64xi32, #tpu.memory_space<vmem>> -> memref<1x64xi32, #tpu.memory_space<vmem>>
        %dma_start3A_507 = tpu.memref_squeeze %dma_start3A_506 : memref<1x64xi32, #tpu.memory_space<vmem>> -> memref<64xi32, #tpu.memory_space<vmem>>
        %dma_start3A_508 = arith.constant 0 : i32
        %dma_start3A_509 = arith.constant 0 : i32
        %dma_start3A_510 = tpu.memref_slice %arg2[%dma_start3A_508, %dma_start3A_509] : memref<10240x128xf32, #tpu.memory_space<hbm>> -> memref<10240x128xf32, #tpu.memory_space<hbm>>
        tpu.enqueue_indirect_dma source(%dma_start3A_510 : memref<10240x128xf32, #tpu.memory_space<hbm>>) target(%arg18 : memref<64x128xf32, #tpu.memory_space<vmem>>) offsets(%dma_start3A_507 : memref<64xi32, #tpu.memory_space<vmem>>) semaphore(%arg34 : memref<!tpu.dma_semaphore, #tpu.memory_space<semaphore_mem>>)
      } else {
      }
      %dma_wait3A_346 = arith.constant 0 : i32
      %dma_wait3A_347 = arith.constant 0 : i32
      %dma_wait3A_348 = tpu.memref_slice %arg10[%dma_wait3A_346, %dma_wait3A_347] : memref<2x64xi32, #tpu.memory_space<vmem>> -> memref<1x64xi32, #tpu.memory_space<vmem>>
      %dma_wait3A_349 = tpu.memref_squeeze %dma_wait3A_348 : memref<1x64xi32, #tpu.memory_space<vmem>> -> memref<64xi32, #tpu.memory_space<vmem>>
      %dma_wait3A_350 = arith.constant 0 : i32
      %dma_wait3A_351 = arith.constant 0 : i32
      %dma_wait3A_352 = tpu.memref_slice %arg2[%dma_wait3A_350, %dma_wait3A_351] : memref<10240x128xf32, #tpu.memory_space<hbm>> -> memref<10240x128xf32, #tpu.memory_space<hbm>>
      tpu.wait_indirect_dma semaphore(%arg31 : memref<!tpu.dma_semaphore, #tpu.memory_space<semaphore_mem>>) src(%dma_wait3A_352 : memref<10240x128xf32, #tpu.memory_space<hbm>>) dst(%arg15 : memref<64x128xf32, #tpu.memory_space<vmem>>)
      %dma_start3A_353 = arith.constant 1 : i32
      %dma_start3A_354 = arith.constant 0 : i32
      %dma_start3A_355 = tpu.memref_slice %arg10[%dma_start3A_353, %dma_start3A_354] : memref<2x64xi32, #tpu.memory_space<vmem>> -> memref<1x64xi32, #tpu.memory_space<vmem>>
      %dma_start3A_356 = tpu.memref_squeeze %dma_start3A_355 : memref<1x64xi32, #tpu.memory_space<vmem>> -> memref<64xi32, #tpu.memory_space<vmem>>
      %dma_start3A_357 = arith.constant 0 : i32
      %dma_start3A_358 = arith.constant 0 : i32
      %dma_start3A_359 = tpu.memref_slice %arg20[%dma_start3A_357, %dma_start3A_358] : memref<10240x128xf32, #tpu.memory_space<vmem_shared>> -> memref<10240x128xf32, #tpu.memory_space<vmem_shared>>
      tpu.enqueue_indirect_dma source(%arg15 : memref<64x128xf32, #tpu.memory_space<vmem>>) target(%dma_start3A_359 : memref<10240x128xf32, #tpu.memory_space<vmem_shared>>) offsets(%dma_start3A_356 : memref<64xi32, #tpu.memory_space<vmem>>) semaphore(%arg36 : memref<!tpu.dma_semaphore, #tpu.memory_space<semaphore_mem>>) {add = true}
      %add3A_360 = arith.constant 6 : i32
      %add3A_361 = arith.addi %mul3A_165, %add3A_360 : i32
      %ge3A_362 = arith.constant 2 : i32
      %ge3A_363 = arith.cmpi sge, %add3A_361, %ge3A_362 : i32
      %convert_element_type3A_364 = arith.extui %ge3A_363 : i1 to i32
      %cond3A_365 = arith.constant 0 : i32
      %cond3A_366 = arith.cmpi ne, %convert_element_type3A_364, %cond3A_365 : i32
      scf.if %cond3A_366 {
        %dma_wait3A_493 = arith.constant 1 : i32
        %dma_wait3A_494 = arith.constant 0 : i32
        %dma_wait3A_495 = tpu.memref_slice %arg9[%dma_wait3A_493, %dma_wait3A_494] : memref<2x64xi32, #tpu.memory_space<vmem>> -> memref<1x64xi32, #tpu.memory_space<vmem>>
        %dma_wait3A_496 = tpu.memref_squeeze %dma_wait3A_495 : memref<1x64xi32, #tpu.memory_space<vmem>> -> memref<64xi32, #tpu.memory_space<vmem>>
        %dma_wait3A_497 = arith.constant 0 : i32
        %dma_wait3A_498 = arith.constant 0 : i32
        %dma_wait3A_499 = tpu.memref_slice %arg20[%dma_wait3A_497, %dma_wait3A_498] : memref<10240x128xf32, #tpu.memory_space<vmem_shared>> -> memref<10240x128xf32, #tpu.memory_space<vmem_shared>>
        tpu.wait_indirect_dma semaphore(%arg40 : memref<!tpu.dma_semaphore, #tpu.memory_space<semaphore_mem>>) src(%arg19 : memref<64x128xf32, #tpu.memory_space<vmem>>) dst(%dma_wait3A_499 : memref<10240x128xf32, #tpu.memory_space<vmem_shared>>)
      } else {
      }
      %add3A_367 = arith.constant 4 : i32
      %add3A_368 = arith.addi %add3A_361, %add3A_367 : i32
      %lt3A_369 = arith.cmpi slt, %add3A_368, %select_n3A : i32
      %convert_element_type3A_370 = arith.extui %lt3A_369 : i1 to i32
      %cond3A_371 = arith.constant 0 : i32
      %cond3A_372 = arith.cmpi ne, %convert_element_type3A_370, %cond3A_371 : i32
      scf.if %cond3A_372 {
        %add3A_493 = arith.addi %select_n3A_21, %add3A_361 : i32
        %add3A_494 = arith.constant 4 : i32
        %add3A_495 = arith.addi %add3A_493, %add3A_494 : i32
        %dma_start3A_496 = arith.constant 0 : i32
        %dma_start3A_497 = arith.constant 0 : i32
        %dma_start3A_498 = tpu.memref_slice %arg3[%add3A_495, %dma_start3A_496, %dma_start3A_497] : memref<5120x2x64xi32, #tpu.memory_space<hbm>> -> memref<1x2x64xi32, #tpu.memory_space<hbm>>
        %dma_start3A_499 = tpu.memref_squeeze %dma_start3A_498 : memref<1x2x64xi32, #tpu.memory_space<hbm>> -> memref<2x64xi32, #tpu.memory_space<hbm>>
        %dma_start3A_500 = arith.constant 0 : i32
        %dma_start3A_501 = arith.constant 0 : i32
        %dma_start3A_502 = tpu.memref_slice %arg3[%add3A_495, %dma_start3A_500, %dma_start3A_501] : memref<5120x2x64xi32, #tpu.memory_space<hbm>> -> memref<1x2x64xi32, #tpu.memory_space<hbm>>
        %dma_start3A_503 = tpu.memref_squeeze %dma_start3A_502 : memref<1x2x64xi32, #tpu.memory_space<hbm>> -> memref<2x64xi32, #tpu.memory_space<hbm>>
        tpu.enqueue_dma source(%dma_start3A_503 : memref<2x64xi32, #tpu.memory_space<hbm>>) target(%arg5 : memref<2x64xi32, #tpu.memory_space<vmem>>) target_semaphore(%arg21 : memref<!tpu.dma_semaphore, #tpu.memory_space<semaphore_mem>>)
      } else {
      }
      %add3A_373 = arith.constant 3 : i32
      %add3A_374 = arith.addi %add3A_361, %add3A_373 : i32
      %lt3A_375 = arith.cmpi slt, %add3A_374, %select_n3A : i32
      %convert_element_type3A_376 = arith.extui %lt3A_375 : i1 to i32
      %cond3A_377 = arith.constant 0 : i32
      %cond3A_378 = arith.cmpi ne, %convert_element_type3A_376, %cond3A_377 : i32
      scf.if %cond3A_378 {
        %add3A_493 = arith.addi %select_n3A_21, %add3A_361 : i32
        %add3A_494 = arith.constant 3 : i32
        %add3A_495 = arith.addi %add3A_493, %add3A_494 : i32
        %dma_wait3A_496 = arith.constant 0 : i32
        %dma_wait3A_497 = arith.constant 0 : i32
        %dma_wait3A_498 = tpu.memref_slice %arg3[%add3A_495, %dma_wait3A_496, %dma_wait3A_497] : memref<5120x2x64xi32, #tpu.memory_space<hbm>> -> memref<1x2x64xi32, #tpu.memory_space<hbm>>
        %dma_wait3A_499 = tpu.memref_squeeze %dma_wait3A_498 : memref<1x2x64xi32, #tpu.memory_space<hbm>> -> memref<2x64xi32, #tpu.memory_space<hbm>>
        %dma_wait3A_500 = arith.constant 0 : i32
        %dma_wait3A_501 = arith.constant 0 : i32
        %dma_wait3A_502 = tpu.memref_slice %arg3[%add3A_495, %dma_wait3A_500, %dma_wait3A_501] : memref<5120x2x64xi32, #tpu.memory_space<hbm>> -> memref<1x2x64xi32, #tpu.memory_space<hbm>>
        %dma_wait3A_503 = tpu.memref_squeeze %dma_wait3A_502 : memref<1x2x64xi32, #tpu.memory_space<hbm>> -> memref<2x64xi32, #tpu.memory_space<hbm>>
        tpu.wait_dma2 semaphore(%arg30 : memref<!tpu.dma_semaphore, #tpu.memory_space<semaphore_mem>>) src(%dma_wait3A_503 : memref<2x64xi32, #tpu.memory_space<hbm>>) dst(%arg14 : memref<2x64xi32, #tpu.memory_space<vmem>>)
        %dma_start3A_504 = arith.constant 0 : i32
        %dma_start3A_505 = arith.constant 0 : i32
        %dma_start3A_506 = tpu.memref_slice %arg14[%dma_start3A_504, %dma_start3A_505] : memref<2x64xi32, #tpu.memory_space<vmem>> -> memref<1x64xi32, #tpu.memory_space<vmem>>
        %dma_start3A_507 = tpu.memref_squeeze %dma_start3A_506 : memref<1x64xi32, #tpu.memory_space<vmem>> -> memref<64xi32, #tpu.memory_space<vmem>>
        %dma_start3A_508 = arith.constant 0 : i32
        %dma_start3A_509 = arith.constant 0 : i32
        %dma_start3A_510 = tpu.memref_slice %arg2[%dma_start3A_508, %dma_start3A_509] : memref<10240x128xf32, #tpu.memory_space<hbm>> -> memref<10240x128xf32, #tpu.memory_space<hbm>>
        tpu.enqueue_indirect_dma source(%dma_start3A_510 : memref<10240x128xf32, #tpu.memory_space<hbm>>) target(%arg19 : memref<64x128xf32, #tpu.memory_space<vmem>>) offsets(%dma_start3A_507 : memref<64xi32, #tpu.memory_space<vmem>>) semaphore(%arg35 : memref<!tpu.dma_semaphore, #tpu.memory_space<semaphore_mem>>)
      } else {
      }
      %dma_wait3A_379 = arith.constant 0 : i32
      %dma_wait3A_380 = arith.constant 0 : i32
      %dma_wait3A_381 = tpu.memref_slice %arg11[%dma_wait3A_379, %dma_wait3A_380] : memref<2x64xi32, #tpu.memory_space<vmem>> -> memref<1x64xi32, #tpu.memory_space<vmem>>
      %dma_wait3A_382 = tpu.memref_squeeze %dma_wait3A_381 : memref<1x64xi32, #tpu.memory_space<vmem>> -> memref<64xi32, #tpu.memory_space<vmem>>
      %dma_wait3A_383 = arith.constant 0 : i32
      %dma_wait3A_384 = arith.constant 0 : i32
      %dma_wait3A_385 = tpu.memref_slice %arg2[%dma_wait3A_383, %dma_wait3A_384] : memref<10240x128xf32, #tpu.memory_space<hbm>> -> memref<10240x128xf32, #tpu.memory_space<hbm>>
      tpu.wait_indirect_dma semaphore(%arg32 : memref<!tpu.dma_semaphore, #tpu.memory_space<semaphore_mem>>) src(%dma_wait3A_385 : memref<10240x128xf32, #tpu.memory_space<hbm>>) dst(%arg16 : memref<64x128xf32, #tpu.memory_space<vmem>>)
      %dma_start3A_386 = arith.constant 1 : i32
      %dma_start3A_387 = arith.constant 0 : i32
      %dma_start3A_388 = tpu.memref_slice %arg11[%dma_start3A_386, %dma_start3A_387] : memref<2x64xi32, #tpu.memory_space<vmem>> -> memref<1x64xi32, #tpu.memory_space<vmem>>
      %dma_start3A_389 = tpu.memref_squeeze %dma_start3A_388 : memref<1x64xi32, #tpu.memory_space<vmem>> -> memref<64xi32, #tpu.memory_space<vmem>>
      %dma_start3A_390 = arith.constant 0 : i32
      %dma_start3A_391 = arith.constant 0 : i32
      %dma_start3A_392 = tpu.memref_slice %arg20[%dma_start3A_390, %dma_start3A_391] : memref<10240x128xf32, #tpu.memory_space<vmem_shared>> -> memref<10240x128xf32, #tpu.memory_space<vmem_shared>>
      tpu.enqueue_indirect_dma source(%arg16 : memref<64x128xf32, #tpu.memory_space<vmem>>) target(%dma_start3A_392 : memref<10240x128xf32, #tpu.memory_space<vmem_shared>>) offsets(%dma_start3A_389 : memref<64xi32, #tpu.memory_space<vmem>>) semaphore(%arg37 : memref<!tpu.dma_semaphore, #tpu.memory_space<semaphore_mem>>) {add = true}
      %add3A_393 = arith.constant 7 : i32
      %add3A_394 = arith.addi %mul3A_165, %add3A_393 : i32
      %ge3A_395 = arith.constant 2 : i32
      %ge3A_396 = arith.cmpi sge, %add3A_394, %ge3A_395 : i32
      %convert_element_type3A_397 = arith.extui %ge3A_396 : i1 to i32
      %cond3A_398 = arith.constant 0 : i32
      %cond3A_399 = arith.cmpi ne, %convert_element_type3A_397, %cond3A_398 : i32
      scf.if %cond3A_399 {
        %dma_wait3A_493 = arith.constant 1 : i32
        %dma_wait3A_494 = arith.constant 0 : i32
        %dma_wait3A_495 = tpu.memref_slice %arg10[%dma_wait3A_493, %dma_wait3A_494] : memref<2x64xi32, #tpu.memory_space<vmem>> -> memref<1x64xi32, #tpu.memory_space<vmem>>
        %dma_wait3A_496 = tpu.memref_squeeze %dma_wait3A_495 : memref<1x64xi32, #tpu.memory_space<vmem>> -> memref<64xi32, #tpu.memory_space<vmem>>
        %dma_wait3A_497 = arith.constant 0 : i32
        %dma_wait3A_498 = arith.constant 0 : i32
        %dma_wait3A_499 = tpu.memref_slice %arg20[%dma_wait3A_497, %dma_wait3A_498] : memref<10240x128xf32, #tpu.memory_space<vmem_shared>> -> memref<10240x128xf32, #tpu.memory_space<vmem_shared>>
        tpu.wait_indirect_dma semaphore(%arg36 : memref<!tpu.dma_semaphore, #tpu.memory_space<semaphore_mem>>) src(%arg15 : memref<64x128xf32, #tpu.memory_space<vmem>>) dst(%dma_wait3A_499 : memref<10240x128xf32, #tpu.memory_space<vmem_shared>>)
      } else {
      }
      %add3A_400 = arith.constant 4 : i32
      %add3A_401 = arith.addi %add3A_394, %add3A_400 : i32
      %lt3A_402 = arith.cmpi slt, %add3A_401, %select_n3A : i32
      %convert_element_type3A_403 = arith.extui %lt3A_402 : i1 to i32
      %cond3A_404 = arith.constant 0 : i32
      %cond3A_405 = arith.cmpi ne, %convert_element_type3A_403, %cond3A_404 : i32
      scf.if %cond3A_405 {
        %add3A_493 = arith.addi %select_n3A_21, %add3A_394 : i32
        %add3A_494 = arith.constant 4 : i32
        %add3A_495 = arith.addi %add3A_493, %add3A_494 : i32
        %dma_start3A_496 = arith.constant 0 : i32
        %dma_start3A_497 = arith.constant 0 : i32
        %dma_start3A_498 = tpu.memref_slice %arg3[%add3A_495, %dma_start3A_496, %dma_start3A_497] : memref<5120x2x64xi32, #tpu.memory_space<hbm>> -> memref<1x2x64xi32, #tpu.memory_space<hbm>>
        %dma_start3A_499 = tpu.memref_squeeze %dma_start3A_498 : memref<1x2x64xi32, #tpu.memory_space<hbm>> -> memref<2x64xi32, #tpu.memory_space<hbm>>
        %dma_start3A_500 = arith.constant 0 : i32
        %dma_start3A_501 = arith.constant 0 : i32
        %dma_start3A_502 = tpu.memref_slice %arg3[%add3A_495, %dma_start3A_500, %dma_start3A_501] : memref<5120x2x64xi32, #tpu.memory_space<hbm>> -> memref<1x2x64xi32, #tpu.memory_space<hbm>>
        %dma_start3A_503 = tpu.memref_squeeze %dma_start3A_502 : memref<1x2x64xi32, #tpu.memory_space<hbm>> -> memref<2x64xi32, #tpu.memory_space<hbm>>
        tpu.enqueue_dma source(%dma_start3A_503 : memref<2x64xi32, #tpu.memory_space<hbm>>) target(%arg6 : memref<2x64xi32, #tpu.memory_space<vmem>>) target_semaphore(%arg22 : memref<!tpu.dma_semaphore, #tpu.memory_space<semaphore_mem>>)
      } else {
      }
      %add3A_406 = arith.constant 3 : i32
      %add3A_407 = arith.addi %add3A_394, %add3A_406 : i32
      %lt3A_408 = arith.cmpi slt, %add3A_407, %select_n3A : i32
      %convert_element_type3A_409 = arith.extui %lt3A_408 : i1 to i32
      %cond3A_410 = arith.constant 0 : i32
      %cond3A_411 = arith.cmpi ne, %convert_element_type3A_409, %cond3A_410 : i32
      scf.if %cond3A_411 {
        %add3A_493 = arith.addi %select_n3A_21, %add3A_394 : i32
        %add3A_494 = arith.constant 3 : i32
        %add3A_495 = arith.addi %add3A_493, %add3A_494 : i32
        %dma_wait3A_496 = arith.constant 0 : i32
        %dma_wait3A_497 = arith.constant 0 : i32
        %dma_wait3A_498 = tpu.memref_slice %arg3[%add3A_495, %dma_wait3A_496, %dma_wait3A_497] : memref<5120x2x64xi32, #tpu.memory_space<hbm>> -> memref<1x2x64xi32, #tpu.memory_space<hbm>>
        %dma_wait3A_499 = tpu.memref_squeeze %dma_wait3A_498 : memref<1x2x64xi32, #tpu.memory_space<hbm>> -> memref<2x64xi32, #tpu.memory_space<hbm>>
        %dma_wait3A_500 = arith.constant 0 : i32
        %dma_wait3A_501 = arith.constant 0 : i32
        %dma_wait3A_502 = tpu.memref_slice %arg3[%add3A_495, %dma_wait3A_500, %dma_wait3A_501] : memref<5120x2x64xi32, #tpu.memory_space<hbm>> -> memref<1x2x64xi32, #tpu.memory_space<hbm>>
        %dma_wait3A_503 = tpu.memref_squeeze %dma_wait3A_502 : memref<1x2x64xi32, #tpu.memory_space<hbm>> -> memref<2x64xi32, #tpu.memory_space<hbm>>
        tpu.wait_dma2 semaphore(%arg21 : memref<!tpu.dma_semaphore, #tpu.memory_space<semaphore_mem>>) src(%dma_wait3A_503 : memref<2x64xi32, #tpu.memory_space<hbm>>) dst(%arg5 : memref<2x64xi32, #tpu.memory_space<vmem>>)
        %dma_start3A_504 = arith.constant 0 : i32
        %dma_start3A_505 = arith.constant 0 : i32
        %dma_start3A_506 = tpu.memref_slice %arg5[%dma_start3A_504, %dma_start3A_505] : memref<2x64xi32, #tpu.memory_space<vmem>> -> memref<1x64xi32, #tpu.memory_space<vmem>>
        %dma_start3A_507 = tpu.memref_squeeze %dma_start3A_506 : memref<1x64xi32, #tpu.memory_space<vmem>> -> memref<64xi32, #tpu.memory_space<vmem>>
        %dma_start3A_508 = arith.constant 0 : i32
        %dma_start3A_509 = arith.constant 0 : i32
        %dma_start3A_510 = tpu.memref_slice %arg2[%dma_start3A_508, %dma_start3A_509] : memref<10240x128xf32, #tpu.memory_space<hbm>> -> memref<10240x128xf32, #tpu.memory_space<hbm>>
        tpu.enqueue_indirect_dma source(%dma_start3A_510 : memref<10240x128xf32, #tpu.memory_space<hbm>>) target(%arg15 : memref<64x128xf32, #tpu.memory_space<vmem>>) offsets(%dma_start3A_507 : memref<64xi32, #tpu.memory_space<vmem>>) semaphore(%arg31 : memref<!tpu.dma_semaphore, #tpu.memory_space<semaphore_mem>>)
      } else {
      }
      %dma_wait3A_412 = arith.constant 0 : i32
      %dma_wait3A_413 = arith.constant 0 : i32
      %dma_wait3A_414 = tpu.memref_slice %arg12[%dma_wait3A_412, %dma_wait3A_413] : memref<2x64xi32, #tpu.memory_space<vmem>> -> memref<1x64xi32, #tpu.memory_space<vmem>>
      %dma_wait3A_415 = tpu.memref_squeeze %dma_wait3A_414 : memref<1x64xi32, #tpu.memory_space<vmem>> -> memref<64xi32, #tpu.memory_space<vmem>>
      %dma_wait3A_416 = arith.constant 0 : i32
      %dma_wait3A_417 = arith.constant 0 : i32
      %dma_wait3A_418 = tpu.memref_slice %arg2[%dma_wait3A_416, %dma_wait3A_417] : memref<10240x128xf32, #tpu.memory_space<hbm>> -> memref<10240x128xf32, #tpu.memory_space<hbm>>
      tpu.wait_indirect_dma semaphore(%arg33 : memref<!tpu.dma_semaphore, #tpu.memory_space<semaphore_mem>>) src(%dma_wait3A_418 : memref<10240x128xf32, #tpu.memory_space<hbm>>) dst(%arg17 : memref<64x128xf32, #tpu.memory_space<vmem>>)
      %dma_start3A_419 = arith.constant 1 : i32
      %dma_start3A_420 = arith.constant 0 : i32
      %dma_start3A_421 = tpu.memref_slice %arg12[%dma_start3A_419, %dma_start3A_420] : memref<2x64xi32, #tpu.memory_space<vmem>> -> memref<1x64xi32, #tpu.memory_space<vmem>>
      %dma_start3A_422 = tpu.memref_squeeze %dma_start3A_421 : memref<1x64xi32, #tpu.memory_space<vmem>> -> memref<64xi32, #tpu.memory_space<vmem>>
      %dma_start3A_423 = arith.constant 0 : i32
      %dma_start3A_424 = arith.constant 0 : i32
      %dma_start3A_425 = tpu.memref_slice %arg20[%dma_start3A_423, %dma_start3A_424] : memref<10240x128xf32, #tpu.memory_space<vmem_shared>> -> memref<10240x128xf32, #tpu.memory_space<vmem_shared>>
      tpu.enqueue_indirect_dma source(%arg17 : memref<64x128xf32, #tpu.memory_space<vmem>>) target(%dma_start3A_425 : memref<10240x128xf32, #tpu.memory_space<vmem_shared>>) offsets(%dma_start3A_422 : memref<64xi32, #tpu.memory_space<vmem>>) semaphore(%arg38 : memref<!tpu.dma_semaphore, #tpu.memory_space<semaphore_mem>>) {add = true}
      %add3A_426 = arith.constant 8 : i32
      %add3A_427 = arith.addi %mul3A_165, %add3A_426 : i32
      %ge3A_428 = arith.constant 2 : i32
      %ge3A_429 = arith.cmpi sge, %add3A_427, %ge3A_428 : i32
      %convert_element_type3A_430 = arith.extui %ge3A_429 : i1 to i32
      %cond3A_431 = arith.constant 0 : i32
      %cond3A_432 = arith.cmpi ne, %convert_element_type3A_430, %cond3A_431 : i32
      scf.if %cond3A_432 {
        %dma_wait3A_493 = arith.constant 1 : i32
        %dma_wait3A_494 = arith.constant 0 : i32
        %dma_wait3A_495 = tpu.memref_slice %arg11[%dma_wait3A_493, %dma_wait3A_494] : memref<2x64xi32, #tpu.memory_space<vmem>> -> memref<1x64xi32, #tpu.memory_space<vmem>>
        %dma_wait3A_496 = tpu.memref_squeeze %dma_wait3A_495 : memref<1x64xi32, #tpu.memory_space<vmem>> -> memref<64xi32, #tpu.memory_space<vmem>>
        %dma_wait3A_497 = arith.constant 0 : i32
        %dma_wait3A_498 = arith.constant 0 : i32
        %dma_wait3A_499 = tpu.memref_slice %arg20[%dma_wait3A_497, %dma_wait3A_498] : memref<10240x128xf32, #tpu.memory_space<vmem_shared>> -> memref<10240x128xf32, #tpu.memory_space<vmem_shared>>
        tpu.wait_indirect_dma semaphore(%arg37 : memref<!tpu.dma_semaphore, #tpu.memory_space<semaphore_mem>>) src(%arg16 : memref<64x128xf32, #tpu.memory_space<vmem>>) dst(%dma_wait3A_499 : memref<10240x128xf32, #tpu.memory_space<vmem_shared>>)
      } else {
      }
      %add3A_433 = arith.constant 4 : i32
      %add3A_434 = arith.addi %add3A_427, %add3A_433 : i32
      %lt3A_435 = arith.cmpi slt, %add3A_434, %select_n3A : i32
      %convert_element_type3A_436 = arith.extui %lt3A_435 : i1 to i32
      %cond3A_437 = arith.constant 0 : i32
      %cond3A_438 = arith.cmpi ne, %convert_element_type3A_436, %cond3A_437 : i32
      scf.if %cond3A_438 {
        %add3A_493 = arith.addi %select_n3A_21, %add3A_427 : i32
        %add3A_494 = arith.constant 4 : i32
        %add3A_495 = arith.addi %add3A_493, %add3A_494 : i32
        %dma_start3A_496 = arith.constant 0 : i32
        %dma_start3A_497 = arith.constant 0 : i32
        %dma_start3A_498 = tpu.memref_slice %arg3[%add3A_495, %dma_start3A_496, %dma_start3A_497] : memref<5120x2x64xi32, #tpu.memory_space<hbm>> -> memref<1x2x64xi32, #tpu.memory_space<hbm>>
        %dma_start3A_499 = tpu.memref_squeeze %dma_start3A_498 : memref<1x2x64xi32, #tpu.memory_space<hbm>> -> memref<2x64xi32, #tpu.memory_space<hbm>>
        %dma_start3A_500 = arith.constant 0 : i32
        %dma_start3A_501 = arith.constant 0 : i32
        %dma_start3A_502 = tpu.memref_slice %arg3[%add3A_495, %dma_start3A_500, %dma_start3A_501] : memref<5120x2x64xi32, #tpu.memory_space<hbm>> -> memref<1x2x64xi32, #tpu.memory_space<hbm>>
        %dma_start3A_503 = tpu.memref_squeeze %dma_start3A_502 : memref<1x2x64xi32, #tpu.memory_space<hbm>> -> memref<2x64xi32, #tpu.memory_space<hbm>>
        tpu.enqueue_dma source(%dma_start3A_503 : memref<2x64xi32, #tpu.memory_space<hbm>>) target(%arg7 : memref<2x64xi32, #tpu.memory_space<vmem>>) target_semaphore(%arg23 : memref<!tpu.dma_semaphore, #tpu.memory_space<semaphore_mem>>)
      } else {
      }
      %add3A_439 = arith.constant 3 : i32
      %add3A_440 = arith.addi %add3A_427, %add3A_439 : i32
      %lt3A_441 = arith.cmpi slt, %add3A_440, %select_n3A : i32
      %convert_element_type3A_442 = arith.extui %lt3A_441 : i1 to i32
      %cond3A_443 = arith.constant 0 : i32
      %cond3A_444 = arith.cmpi ne, %convert_element_type3A_442, %cond3A_443 : i32
      scf.if %cond3A_444 {
        %add3A_493 = arith.addi %select_n3A_21, %add3A_427 : i32
        %add3A_494 = arith.constant 3 : i32
        %add3A_495 = arith.addi %add3A_493, %add3A_494 : i32
        %dma_wait3A_496 = arith.constant 0 : i32
        %dma_wait3A_497 = arith.constant 0 : i32
        %dma_wait3A_498 = tpu.memref_slice %arg3[%add3A_495, %dma_wait3A_496, %dma_wait3A_497] : memref<5120x2x64xi32, #tpu.memory_space<hbm>> -> memref<1x2x64xi32, #tpu.memory_space<hbm>>
        %dma_wait3A_499 = tpu.memref_squeeze %dma_wait3A_498 : memref<1x2x64xi32, #tpu.memory_space<hbm>> -> memref<2x64xi32, #tpu.memory_space<hbm>>
        %dma_wait3A_500 = arith.constant 0 : i32
        %dma_wait3A_501 = arith.constant 0 : i32
        %dma_wait3A_502 = tpu.memref_slice %arg3[%add3A_495, %dma_wait3A_500, %dma_wait3A_501] : memref<5120x2x64xi32, #tpu.memory_space<hbm>> -> memref<1x2x64xi32, #tpu.memory_space<hbm>>
        %dma_wait3A_503 = tpu.memref_squeeze %dma_wait3A_502 : memref<1x2x64xi32, #tpu.memory_space<hbm>> -> memref<2x64xi32, #tpu.memory_space<hbm>>
        tpu.wait_dma2 semaphore(%arg22 : memref<!tpu.dma_semaphore, #tpu.memory_space<semaphore_mem>>) src(%dma_wait3A_503 : memref<2x64xi32, #tpu.memory_space<hbm>>) dst(%arg6 : memref<2x64xi32, #tpu.memory_space<vmem>>)
        %dma_start3A_504 = arith.constant 0 : i32
        %dma_start3A_505 = arith.constant 0 : i32
        %dma_start3A_506 = tpu.memref_slice %arg6[%dma_start3A_504, %dma_start3A_505] : memref<2x64xi32, #tpu.memory_space<vmem>> -> memref<1x64xi32, #tpu.memory_space<vmem>>
        %dma_start3A_507 = tpu.memref_squeeze %dma_start3A_506 : memref<1x64xi32, #tpu.memory_space<vmem>> -> memref<64xi32, #tpu.memory_space<vmem>>
        %dma_start3A_508 = arith.constant 0 : i32
        %dma_start3A_509 = arith.constant 0 : i32
        %dma_start3A_510 = tpu.memref_slice %arg2[%dma_start3A_508, %dma_start3A_509] : memref<10240x128xf32, #tpu.memory_space<hbm>> -> memref<10240x128xf32, #tpu.memory_space<hbm>>
        tpu.enqueue_indirect_dma source(%dma_start3A_510 : memref<10240x128xf32, #tpu.memory_space<hbm>>) target(%arg16 : memref<64x128xf32, #tpu.memory_space<vmem>>) offsets(%dma_start3A_507 : memref<64xi32, #tpu.memory_space<vmem>>) semaphore(%arg32 : memref<!tpu.dma_semaphore, #tpu.memory_space<semaphore_mem>>)
      } else {
      }
      %dma_wait3A_445 = arith.constant 0 : i32
      %dma_wait3A_446 = arith.constant 0 : i32
      %dma_wait3A_447 = tpu.memref_slice %arg13[%dma_wait3A_445, %dma_wait3A_446] : memref<2x64xi32, #tpu.memory_space<vmem>> -> memref<1x64xi32, #tpu.memory_space<vmem>>
      %dma_wait3A_448 = tpu.memref_squeeze %dma_wait3A_447 : memref<1x64xi32, #tpu.memory_space<vmem>> -> memref<64xi32, #tpu.memory_space<vmem>>
      %dma_wait3A_449 = arith.constant 0 : i32
      %dma_wait3A_450 = arith.constant 0 : i32
      %dma_wait3A_451 = tpu.memref_slice %arg2[%dma_wait3A_449, %dma_wait3A_450] : memref<10240x128xf32, #tpu.memory_space<hbm>> -> memref<10240x128xf32, #tpu.memory_space<hbm>>
      tpu.wait_indirect_dma semaphore(%arg34 : memref<!tpu.dma_semaphore, #tpu.memory_space<semaphore_mem>>) src(%dma_wait3A_451 : memref<10240x128xf32, #tpu.memory_space<hbm>>) dst(%arg18 : memref<64x128xf32, #tpu.memory_space<vmem>>)
      %dma_start3A_452 = arith.constant 1 : i32
      %dma_start3A_453 = arith.constant 0 : i32
      %dma_start3A_454 = tpu.memref_slice %arg13[%dma_start3A_452, %dma_start3A_453] : memref<2x64xi32, #tpu.memory_space<vmem>> -> memref<1x64xi32, #tpu.memory_space<vmem>>
      %dma_start3A_455 = tpu.memref_squeeze %dma_start3A_454 : memref<1x64xi32, #tpu.memory_space<vmem>> -> memref<64xi32, #tpu.memory_space<vmem>>
      %dma_start3A_456 = arith.constant 0 : i32
      %dma_start3A_457 = arith.constant 0 : i32
      %dma_start3A_458 = tpu.memref_slice %arg20[%dma_start3A_456, %dma_start3A_457] : memref<10240x128xf32, #tpu.memory_space<vmem_shared>> -> memref<10240x128xf32, #tpu.memory_space<vmem_shared>>
      tpu.enqueue_indirect_dma source(%arg18 : memref<64x128xf32, #tpu.memory_space<vmem>>) target(%dma_start3A_458 : memref<10240x128xf32, #tpu.memory_space<vmem_shared>>) offsets(%dma_start3A_455 : memref<64xi32, #tpu.memory_space<vmem>>) semaphore(%arg39 : memref<!tpu.dma_semaphore, #tpu.memory_space<semaphore_mem>>) {add = true}
      %add3A_459 = arith.constant 9 : i32
      %add3A_460 = arith.addi %mul3A_165, %add3A_459 : i32
      %ge3A_461 = arith.constant 2 : i32
      %ge3A_462 = arith.cmpi sge, %add3A_460, %ge3A_461 : i32
      %convert_element_type3A_463 = arith.extui %ge3A_462 : i1 to i32
      %cond3A_464 = arith.constant 0 : i32
      %cond3A_465 = arith.cmpi ne, %convert_element_type3A_463, %cond3A_464 : i32
      scf.if %cond3A_465 {
        %dma_wait3A_493 = arith.constant 1 : i32
        %dma_wait3A_494 = arith.constant 0 : i32
        %dma_wait3A_495 = tpu.memref_slice %arg12[%dma_wait3A_493, %dma_wait3A_494] : memref<2x64xi32, #tpu.memory_space<vmem>> -> memref<1x64xi32, #tpu.memory_space<vmem>>
        %dma_wait3A_496 = tpu.memref_squeeze %dma_wait3A_495 : memref<1x64xi32, #tpu.memory_space<vmem>> -> memref<64xi32, #tpu.memory_space<vmem>>
        %dma_wait3A_497 = arith.constant 0 : i32
        %dma_wait3A_498 = arith.constant 0 : i32
        %dma_wait3A_499 = tpu.memref_slice %arg20[%dma_wait3A_497, %dma_wait3A_498] : memref<10240x128xf32, #tpu.memory_space<vmem_shared>> -> memref<10240x128xf32, #tpu.memory_space<vmem_shared>>
        tpu.wait_indirect_dma semaphore(%arg38 : memref<!tpu.dma_semaphore, #tpu.memory_space<semaphore_mem>>) src(%arg17 : memref<64x128xf32, #tpu.memory_space<vmem>>) dst(%dma_wait3A_499 : memref<10240x128xf32, #tpu.memory_space<vmem_shared>>)
      } else {
      }
      %add3A_466 = arith.constant 4 : i32
      %add3A_467 = arith.addi %add3A_460, %add3A_466 : i32
      %lt3A_468 = arith.cmpi slt, %add3A_467, %select_n3A : i32
      %convert_element_type3A_469 = arith.extui %lt3A_468 : i1 to i32
      %cond3A_470 = arith.constant 0 : i32
      %cond3A_471 = arith.cmpi ne, %convert_element_type3A_469, %cond3A_470 : i32
      scf.if %cond3A_471 {
        %add3A_493 = arith.addi %select_n3A_21, %add3A_460 : i32
        %add3A_494 = arith.constant 4 : i32
        %add3A_495 = arith.addi %add3A_493, %add3A_494 : i32
        %dma_start3A_496 = arith.constant 0 : i32
        %dma_start3A_497 = arith.constant 0 : i32
        %dma_start3A_498 = tpu.memref_slice %arg3[%add3A_495, %dma_start3A_496, %dma_start3A_497] : memref<5120x2x64xi32, #tpu.memory_space<hbm>> -> memref<1x2x64xi32, #tpu.memory_space<hbm>>
        %dma_start3A_499 = tpu.memref_squeeze %dma_start3A_498 : memref<1x2x64xi32, #tpu.memory_space<hbm>> -> memref<2x64xi32, #tpu.memory_space<hbm>>
        %dma_start3A_500 = arith.constant 0 : i32
        %dma_start3A_501 = arith.constant 0 : i32
        %dma_start3A_502 = tpu.memref_slice %arg3[%add3A_495, %dma_start3A_500, %dma_start3A_501] : memref<5120x2x64xi32, #tpu.memory_space<hbm>> -> memref<1x2x64xi32, #tpu.memory_space<hbm>>
        %dma_start3A_503 = tpu.memref_squeeze %dma_start3A_502 : memref<1x2x64xi32, #tpu.memory_space<hbm>> -> memref<2x64xi32, #tpu.memory_space<hbm>>
        tpu.enqueue_dma source(%dma_start3A_503 : memref<2x64xi32, #tpu.memory_space<hbm>>) target(%arg8 : memref<2x64xi32, #tpu.memory_space<vmem>>) target_semaphore(%arg24 : memref<!tpu.dma_semaphore, #tpu.memory_space<semaphore_mem>>)
      } else {
      }
      %add3A_472 = arith.constant 3 : i32
      %add3A_473 = arith.addi %add3A_460, %add3A_472 : i32
      %lt3A_474 = arith.cmpi slt, %add3A_473, %select_n3A : i32
      %convert_element_type3A_475 = arith.extui %lt3A_474 : i1 to i32
      %cond3A_476 = arith.constant 0 : i32
      %cond3A_477 = arith.cmpi ne, %convert_element_type3A_475, %cond3A_476 : i32
      scf.if %cond3A_477 {
        %add3A_493 = arith.addi %select_n3A_21, %add3A_460 : i32
        %add3A_494 = arith.constant 3 : i32
        %add3A_495 = arith.addi %add3A_493, %add3A_494 : i32
        %dma_wait3A_496 = arith.constant 0 : i32
        %dma_wait3A_497 = arith.constant 0 : i32
        %dma_wait3A_498 = tpu.memref_slice %arg3[%add3A_495, %dma_wait3A_496, %dma_wait3A_497] : memref<5120x2x64xi32, #tpu.memory_space<hbm>> -> memref<1x2x64xi32, #tpu.memory_space<hbm>>
        %dma_wait3A_499 = tpu.memref_squeeze %dma_wait3A_498 : memref<1x2x64xi32, #tpu.memory_space<hbm>> -> memref<2x64xi32, #tpu.memory_space<hbm>>
        %dma_wait3A_500 = arith.constant 0 : i32
        %dma_wait3A_501 = arith.constant 0 : i32
        %dma_wait3A_502 = tpu.memref_slice %arg3[%add3A_495, %dma_wait3A_500, %dma_wait3A_501] : memref<5120x2x64xi32, #tpu.memory_space<hbm>> -> memref<1x2x64xi32, #tpu.memory_space<hbm>>
        %dma_wait3A_503 = tpu.memref_squeeze %dma_wait3A_502 : memref<1x2x64xi32, #tpu.memory_space<hbm>> -> memref<2x64xi32, #tpu.memory_space<hbm>>
        tpu.wait_dma2 semaphore(%arg23 : memref<!tpu.dma_semaphore, #tpu.memory_space<semaphore_mem>>) src(%dma_wait3A_503 : memref<2x64xi32, #tpu.memory_space<hbm>>) dst(%arg7 : memref<2x64xi32, #tpu.memory_space<vmem>>)
        %dma_start3A_504 = arith.constant 0 : i32
        %dma_start3A_505 = arith.constant 0 : i32
        %dma_start3A_506 = tpu.memref_slice %arg7[%dma_start3A_504, %dma_start3A_505] : memref<2x64xi32, #tpu.memory_space<vmem>> -> memref<1x64xi32, #tpu.memory_space<vmem>>
        %dma_start3A_507 = tpu.memref_squeeze %dma_start3A_506 : memref<1x64xi32, #tpu.memory_space<vmem>> -> memref<64xi32, #tpu.memory_space<vmem>>
        %dma_start3A_508 = arith.constant 0 : i32
        %dma_start3A_509 = arith.constant 0 : i32
        %dma_start3A_510 = tpu.memref_slice %arg2[%dma_start3A_508, %dma_start3A_509] : memref<10240x128xf32, #tpu.memory_space<hbm>> -> memref<10240x128xf32, #tpu.memory_space<hbm>>
        tpu.enqueue_indirect_dma source(%dma_start3A_510 : memref<10240x128xf32, #tpu.memory_space<hbm>>) target(%arg17 : memref<64x128xf32, #tpu.memory_space<vmem>>) offsets(%dma_start3A_507 : memref<64xi32, #tpu.memory_space<vmem>>) semaphore(%arg33 : memref<!tpu.dma_semaphore, #tpu.memory_space<semaphore_mem>>)
      } else {
      }
      %dma_wait3A_478 = arith.constant 0 : i32
      %dma_wait3A_479 = arith.constant 0 : i32
      %dma_wait3A_480 = tpu.memref_slice %arg14[%dma_wait3A_478, %dma_wait3A_479] : memref<2x64xi32, #tpu.memory_space<vmem>> -> memref<1x64xi32, #tpu.memory_space<vmem>>
      %dma_wait3A_481 = tpu.memref_squeeze %dma_wait3A_480 : memref<1x64xi32, #tpu.memory_space<vmem>> -> memref<64xi32, #tpu.memory_space<vmem>>
      %dma_wait3A_482 = arith.constant 0 : i32
      %dma_wait3A_483 = arith.constant 0 : i32
      %dma_wait3A_484 = tpu.memref_slice %arg2[%dma_wait3A_482, %dma_wait3A_483] : memref<10240x128xf32, #tpu.memory_space<hbm>> -> memref<10240x128xf32, #tpu.memory_space<hbm>>
      tpu.wait_indirect_dma semaphore(%arg35 : memref<!tpu.dma_semaphore, #tpu.memory_space<semaphore_mem>>) src(%dma_wait3A_484 : memref<10240x128xf32, #tpu.memory_space<hbm>>) dst(%arg19 : memref<64x128xf32, #tpu.memory_space<vmem>>)
      %dma_start3A_485 = arith.constant 1 : i32
      %dma_start3A_486 = arith.constant 0 : i32
      %dma_start3A_487 = tpu.memref_slice %arg14[%dma_start3A_485, %dma_start3A_486] : memref<2x64xi32, #tpu.memory_space<vmem>> -> memref<1x64xi32, #tpu.memory_space<vmem>>
      %dma_start3A_488 = tpu.memref_squeeze %dma_start3A_487 : memref<1x64xi32, #tpu.memory_space<vmem>> -> memref<64xi32, #tpu.memory_space<vmem>>
      %dma_start3A_489 = arith.constant 0 : i32
      %dma_start3A_490 = arith.constant 0 : i32
      %dma_start3A_491 = tpu.memref_slice %arg20[%dma_start3A_489, %dma_start3A_490] : memref<10240x128xf32, #tpu.memory_space<vmem_shared>> -> memref<10240x128xf32, #tpu.memory_space<vmem_shared>>
      tpu.enqueue_indirect_dma source(%arg19 : memref<64x128xf32, #tpu.memory_space<vmem>>) target(%dma_start3A_491 : memref<10240x128xf32, #tpu.memory_space<vmem_shared>>) offsets(%dma_start3A_488 : memref<64xi32, #tpu.memory_space<vmem>>) semaphore(%arg40 : memref<!tpu.dma_semaphore, #tpu.memory_space<semaphore_mem>>) {add = true}
      %while3A_492 = arith.constant 0 : i32
      scf.yield %while3A_492 : i32
    }
    %while3A_138 = arith.constant 1 : i32
    %while3A_139 = scf.for %while3A_162 = %while3A_135 to %while3A_131 step %while3A_138 iter_args(%while3A_163 = %while3A_137) -> (i32)  : i32 {
      %mul3A_164 = arith.constant 10 : i32
      %mul3A_165 = arith.muli %while3A_162, %mul3A_164 : i32
      %add3A_166 = arith.constant 0 : i32
      %add3A_167 = arith.addi %mul3A_165, %add3A_166 : i32
      %ge3A = arith.constant 2 : i32
      %ge3A_168 = arith.cmpi sge, %add3A_167, %ge3A : i32
      %convert_element_type3A = arith.extui %ge3A_168 : i1 to i32
      %cond3A = arith.constant 0 : i32
      %cond3A_169 = arith.cmpi ne, %convert_element_type3A, %cond3A : i32
      scf.if %cond3A_169 {
        %dma_wait3A_493 = arith.constant 1 : i32
        %dma_wait3A_494 = arith.constant 0 : i32
        %dma_wait3A_495 = tpu.memref_slice %arg13[%dma_wait3A_493, %dma_wait3A_494] : memref<2x64xi32, #tpu.memory_space<vmem>> -> memref<1x64xi32, #tpu.memory_space<vmem>>
        %dma_wait3A_496 = tpu.memref_squeeze %dma_wait3A_495 : memref<1x64xi32, #tpu.memory_space<vmem>> -> memref<64xi32, #tpu.memory_space<vmem>>
        %dma_wait3A_497 = arith.constant 0 : i32
        %dma_wait3A_498 = arith.constant 0 : i32
        %dma_wait3A_499 = tpu.memref_slice %arg20[%dma_wait3A_497, %dma_wait3A_498] : memref<10240x128xf32, #tpu.memory_space<vmem_shared>> -> memref<10240x128xf32, #tpu.memory_space<vmem_shared>>
        tpu.wait_indirect_dma semaphore(%arg39 : memref<!tpu.dma_semaphore, #tpu.memory_space<semaphore_mem>>) src(%arg18 : memref<64x128xf32, #tpu.memory_space<vmem>>) dst(%dma_wait3A_499 : memref<10240x128xf32, #tpu.memory_space<vmem_shared>>)
      } else {
      }
      %add3A_170 = arith.constant 4 : i32
      %add3A_171 = arith.addi %add3A_167, %add3A_170 : i32
      %lt3A = arith.cmpi slt, %add3A_171, %select_n3A : i32
      %convert_element_type3A_172 = arith.extui %lt3A : i1 to i32
      %cond3A_173 = arith.constant 0 : i32
      %cond3A_174 = arith.cmpi ne, %convert_element_type3A_172, %cond3A_173 : i32
      scf.if %cond3A_174 {
        %add3A_493 = arith.addi %select_n3A_21, %add3A_167 : i32
        %add3A_494 = arith.constant 4 : i32
        %add3A_495 = arith.addi %add3A_493, %add3A_494 : i32
        %dma_start3A_496 = arith.constant 0 : i32
        %dma_start3A_497 = arith.constant 0 : i32
        %dma_start3A_498 = tpu.memref_slice %arg3[%add3A_495, %dma_start3A_496, %dma_start3A_497] : memref<5120x2x64xi32, #tpu.memory_space<hbm>> -> memref<1x2x64xi32, #tpu.memory_space<hbm>>
        %dma_start3A_499 = tpu.memref_squeeze %dma_start3A_498 : memref<1x2x64xi32, #tpu.memory_space<hbm>> -> memref<2x64xi32, #tpu.memory_space<hbm>>
        %dma_start3A_500 = arith.constant 0 : i32
        %dma_start3A_501 = arith.constant 0 : i32
        %dma_start3A_502 = tpu.memref_slice %arg3[%add3A_495, %dma_start3A_500, %dma_start3A_501] : memref<5120x2x64xi32, #tpu.memory_space<hbm>> -> memref<1x2x64xi32, #tpu.memory_space<hbm>>
        %dma_start3A_503 = tpu.memref_squeeze %dma_start3A_502 : memref<1x2x64xi32, #tpu.memory_space<hbm>> -> memref<2x64xi32, #tpu.memory_space<hbm>>
        tpu.enqueue_dma source(%dma_start3A_503 : memref<2x64xi32, #tpu.memory_space<hbm>>) target(%arg9 : memref<2x64xi32, #tpu.memory_space<vmem>>) target_semaphore(%arg25 : memref<!tpu.dma_semaphore, #tpu.memory_space<semaphore_mem>>)
      } else {
      }
      %add3A_175 = arith.constant 3 : i32
      %add3A_176 = arith.addi %add3A_167, %add3A_175 : i32
      %lt3A_177 = arith.cmpi slt, %add3A_176, %select_n3A : i32
      %convert_element_type3A_178 = arith.extui %lt3A_177 : i1 to i32
      %cond3A_179 = arith.constant 0 : i32
      %cond3A_180 = arith.cmpi ne, %convert_element_type3A_178, %cond3A_179 : i32
      scf.if %cond3A_180 {
        %add3A_493 = arith.addi %select_n3A_21, %add3A_167 : i32
        %add3A_494 = arith.constant 3 : i32
        %add3A_495 = arith.addi %add3A_493, %add3A_494 : i32
        %dma_wait3A_496 = arith.constant 0 : i32
        %dma_wait3A_497 = arith.constant 0 : i32
        %dma_wait3A_498 = tpu.memref_slice %arg3[%add3A_495, %dma_wait3A_496, %dma_wait3A_497] : memref<5120x2x64xi32, #tpu.memory_space<hbm>> -> memref<1x2x64xi32, #tpu.memory_space<hbm>>
        %dma_wait3A_499 = tpu.memref_squeeze %dma_wait3A_498 : memref<1x2x64xi32, #tpu.memory_space<hbm>> -> memref<2x64xi32, #tpu.memory_space<hbm>>
        %dma_wait3A_500 = arith.constant 0 : i32
        %dma_wait3A_501 = arith.constant 0 : i32
        %dma_wait3A_502 = tpu.memref_slice %arg3[%add3A_495, %dma_wait3A_500, %dma_wait3A_501] : memref<5120x2x64xi32, #tpu.memory_space<hbm>> -> memref<1x2x64xi32, #tpu.memory_space<hbm>>
        %dma_wait3A_503 = tpu.memref_squeeze %dma_wait3A_502 : memref<1x2x64xi32, #tpu.memory_space<hbm>> -> memref<2x64xi32, #tpu.memory_space<hbm>>
        tpu.wait_dma2 semaphore(%arg24 : memref<!tpu.dma_semaphore, #tpu.memory_space<semaphore_mem>>) src(%dma_wait3A_503 : memref<2x64xi32, #tpu.memory_space<hbm>>) dst(%arg8 : memref<2x64xi32, #tpu.memory_space<vmem>>)
        %dma_start3A_504 = arith.constant 0 : i32
        %dma_start3A_505 = arith.constant 0 : i32
        %dma_start3A_506 = tpu.memref_slice %arg8[%dma_start3A_504, %dma_start3A_505] : memref<2x64xi32, #tpu.memory_space<vmem>> -> memref<1x64xi32, #tpu.memory_space<vmem>>
        %dma_start3A_507 = tpu.memref_squeeze %dma_start3A_506 : memref<1x64xi32, #tpu.memory_space<vmem>> -> memref<64xi32, #tpu.memory_space<vmem>>
        %dma_start3A_508 = arith.constant 0 : i32
        %dma_start3A_509 = arith.constant 0 : i32
        %dma_start3A_510 = tpu.memref_slice %arg2[%dma_start3A_508, %dma_start3A_509] : memref<10240x128xf32, #tpu.memory_space<hbm>> -> memref<10240x128xf32, #tpu.memory_space<hbm>>
        tpu.enqueue_indirect_dma source(%dma_start3A_510 : memref<10240x128xf32, #tpu.memory_space<hbm>>) target(%arg18 : memref<64x128xf32, #tpu.memory_space<vmem>>) offsets(%dma_start3A_507 : memref<64xi32, #tpu.memory_space<vmem>>) semaphore(%arg34 : memref<!tpu.dma_semaphore, #tpu.memory_space<semaphore_mem>>)
      } else {
      }
      %dma_wait3A_181 = arith.constant 0 : i32
      %dma_wait3A_182 = arith.constant 0 : i32
      %dma_wait3A_183 = tpu.memref_slice %arg5[%dma_wait3A_181, %dma_wait3A_182] : memref<2x64xi32, #tpu.memory_space<vmem>> -> memref<1x64xi32, #tpu.memory_space<vmem>>
      %dma_wait3A_184 = tpu.memref_squeeze %dma_wait3A_183 : memref<1x64xi32, #tpu.memory_space<vmem>> -> memref<64xi32, #tpu.memory_space<vmem>>
      %dma_wait3A_185 = arith.constant 0 : i32
      %dma_wait3A_186 = arith.constant 0 : i32
      %dma_wait3A_187 = tpu.memref_slice %arg2[%dma_wait3A_185, %dma_wait3A_186] : memref<10240x128xf32, #tpu.memory_space<hbm>> -> memref<10240x128xf32, #tpu.memory_space<hbm>>
      tpu.wait_indirect_dma semaphore(%arg31 : memref<!tpu.dma_semaphore, #tpu.memory_space<semaphore_mem>>) src(%dma_wait3A_187 : memref<10240x128xf32, #tpu.memory_space<hbm>>) dst(%arg15 : memref<64x128xf32, #tpu.memory_space<vmem>>)
      %dma_start3A_188 = arith.constant 1 : i32
      %dma_start3A_189 = arith.constant 0 : i32
      %dma_start3A_190 = tpu.memref_slice %arg5[%dma_start3A_188, %dma_start3A_189] : memref<2x64xi32, #tpu.memory_space<vmem>> -> memref<1x64xi32, #tpu.memory_space<vmem>>
      %dma_start3A_191 = tpu.memref_squeeze %dma_start3A_190 : memref<1x64xi32, #tpu.memory_space<vmem>> -> memref<64xi32, #tpu.memory_space<vmem>>
      %dma_start3A_192 = arith.constant 0 : i32
      %dma_start3A_193 = arith.constant 0 : i32
      %dma_start3A_194 = tpu.memref_slice %arg20[%dma_start3A_192, %dma_start3A_193] : memref<10240x128xf32, #tpu.memory_space<vmem_shared>> -> memref<10240x128xf32, #tpu.memory_space<vmem_shared>>
      tpu.enqueue_indirect_dma source(%arg15 : memref<64x128xf32, #tpu.memory_space<vmem>>) target(%dma_start3A_194 : memref<10240x128xf32, #tpu.memory_space<vmem_shared>>) offsets(%dma_start3A_191 : memref<64xi32, #tpu.memory_space<vmem>>) semaphore(%arg36 : memref<!tpu.dma_semaphore, #tpu.memory_space<semaphore_mem>>) {add = true}
      %add3A_195 = arith.constant 1 : i32
      %add3A_196 = arith.addi %mul3A_165, %add3A_195 : i32
      %ge3A_197 = arith.constant 2 : i32
      %ge3A_198 = arith.cmpi sge, %add3A_196, %ge3A_197 : i32
      %convert_element_type3A_199 = arith.extui %ge3A_198 : i1 to i32
      %cond3A_200 = arith.constant 0 : i32
      %cond3A_201 = arith.cmpi ne, %convert_element_type3A_199, %cond3A_200 : i32
      scf.if %cond3A_201 {
        %dma_wait3A_493 = arith.constant 1 : i32
        %dma_wait3A_494 = arith.constant 0 : i32
        %dma_wait3A_495 = tpu.memref_slice %arg14[%dma_wait3A_493, %dma_wait3A_494] : memref<2x64xi32, #tpu.memory_space<vmem>> -> memref<1x64xi32, #tpu.memory_space<vmem>>
        %dma_wait3A_496 = tpu.memref_squeeze %dma_wait3A_495 : memref<1x64xi32, #tpu.memory_space<vmem>> -> memref<64xi32, #tpu.memory_space<vmem>>
        %dma_wait3A_497 = arith.constant 0 : i32
        %dma_wait3A_498 = arith.constant 0 : i32
        %dma_wait3A_499 = tpu.memref_slice %arg20[%dma_wait3A_497, %dma_wait3A_498] : memref<10240x128xf32, #tpu.memory_space<vmem_shared>> -> memref<10240x128xf32, #tpu.memory_space<vmem_shared>>
        tpu.wait_indirect_dma semaphore(%arg40 : memref<!tpu.dma_semaphore, #tpu.memory_space<semaphore_mem>>) src(%arg19 : memref<64x128xf32, #tpu.memory_space<vmem>>) dst(%dma_wait3A_499 : memref<10240x128xf32, #tpu.memory_space<vmem_shared>>)
      } else {
      }
      %add3A_202 = arith.constant 4 : i32
      %add3A_203 = arith.addi %add3A_196, %add3A_202 : i32
      %lt3A_204 = arith.cmpi slt, %add3A_203, %select_n3A : i32
      %convert_element_type3A_205 = arith.extui %lt3A_204 : i1 to i32
      %cond3A_206 = arith.constant 0 : i32
      %cond3A_207 = arith.cmpi ne, %convert_element_type3A_205, %cond3A_206 : i32
      scf.if %cond3A_207 {
        %add3A_493 = arith.addi %select_n3A_21, %add3A_196 : i32
        %add3A_494 = arith.constant 4 : i32
        %add3A_495 = arith.addi %add3A_493, %add3A_494 : i32
        %dma_start3A_496 = arith.constant 0 : i32
        %dma_start3A_497 = arith.constant 0 : i32
        %dma_start3A_498 = tpu.memref_slice %arg3[%add3A_495, %dma_start3A_496, %dma_start3A_497] : memref<5120x2x64xi32, #tpu.memory_space<hbm>> -> memref<1x2x64xi32, #tpu.memory_space<hbm>>
        %dma_start3A_499 = tpu.memref_squeeze %dma_start3A_498 : memref<1x2x64xi32, #tpu.memory_space<hbm>> -> memref<2x64xi32, #tpu.memory_space<hbm>>
        %dma_start3A_500 = arith.constant 0 : i32
        %dma_start3A_501 = arith.constant 0 : i32
        %dma_start3A_502 = tpu.memref_slice %arg3[%add3A_495, %dma_start3A_500, %dma_start3A_501] : memref<5120x2x64xi32, #tpu.memory_space<hbm>> -> memref<1x2x64xi32, #tpu.memory_space<hbm>>
        %dma_start3A_503 = tpu.memref_squeeze %dma_start3A_502 : memref<1x2x64xi32, #tpu.memory_space<hbm>> -> memref<2x64xi32, #tpu.memory_space<hbm>>
        tpu.enqueue_dma source(%dma_start3A_503 : memref<2x64xi32, #tpu.memory_space<hbm>>) target(%arg10 : memref<2x64xi32, #tpu.memory_space<vmem>>) target_semaphore(%arg26 : memref<!tpu.dma_semaphore, #tpu.memory_space<semaphore_mem>>)
      } else {
      }
      %add3A_208 = arith.constant 3 : i32
      %add3A_209 = arith.addi %add3A_196, %add3A_208 : i32
      %lt3A_210 = arith.cmpi slt, %add3A_209, %select_n3A : i32
      %convert_element_type3A_211 = arith.extui %lt3A_210 : i1 to i32
      %cond3A_212 = arith.constant 0 : i32
      %cond3A_213 = arith.cmpi ne, %convert_element_type3A_211, %cond3A_212 : i32
      scf.if %cond3A_213 {
        %add3A_493 = arith.addi %select_n3A_21, %add3A_196 : i32
        %add3A_494 = arith.constant 3 : i32
        %add3A_495 = arith.addi %add3A_493, %add3A_494 : i32
        %dma_wait3A_496 = arith.constant 0 : i32
        %dma_wait3A_497 = arith.constant 0 : i32
        %dma_wait3A_498 = tpu.memref_slice %arg3[%add3A_495, %dma_wait3A_496, %dma_wait3A_497] : memref<5120x2x64xi32, #tpu.memory_space<hbm>> -> memref<1x2x64xi32, #tpu.memory_space<hbm>>
        %dma_wait3A_499 = tpu.memref_squeeze %dma_wait3A_498 : memref<1x2x64xi32, #tpu.memory_space<hbm>> -> memref<2x64xi32, #tpu.memory_space<hbm>>
        %dma_wait3A_500 = arith.constant 0 : i32
        %dma_wait3A_501 = arith.constant 0 : i32
        %dma_wait3A_502 = tpu.memref_slice %arg3[%add3A_495, %dma_wait3A_500, %dma_wait3A_501] : memref<5120x2x64xi32, #tpu.memory_space<hbm>> -> memref<1x2x64xi32, #tpu.memory_space<hbm>>
        %dma_wait3A_503 = tpu.memref_squeeze %dma_wait3A_502 : memref<1x2x64xi32, #tpu.memory_space<hbm>> -> memref<2x64xi32, #tpu.memory_space<hbm>>
        tpu.wait_dma2 semaphore(%arg25 : memref<!tpu.dma_semaphore, #tpu.memory_space<semaphore_mem>>) src(%dma_wait3A_503 : memref<2x64xi32, #tpu.memory_space<hbm>>) dst(%arg9 : memref<2x64xi32, #tpu.memory_space<vmem>>)
        %dma_start3A_504 = arith.constant 0 : i32
        %dma_start3A_505 = arith.constant 0 : i32
        %dma_start3A_506 = tpu.memref_slice %arg9[%dma_start3A_504, %dma_start3A_505] : memref<2x64xi32, #tpu.memory_space<vmem>> -> memref<1x64xi32, #tpu.memory_space<vmem>>
        %dma_start3A_507 = tpu.memref_squeeze %dma_start3A_506 : memref<1x64xi32, #tpu.memory_space<vmem>> -> memref<64xi32, #tpu.memory_space<vmem>>
        %dma_start3A_508 = arith.constant 0 : i32
        %dma_start3A_509 = arith.constant 0 : i32
        %dma_start3A_510 = tpu.memref_slice %arg2[%dma_start3A_508, %dma_start3A_509] : memref<10240x128xf32, #tpu.memory_space<hbm>> -> memref<10240x128xf32, #tpu.memory_space<hbm>>
        tpu.enqueue_indirect_dma source(%dma_start3A_510 : memref<10240x128xf32, #tpu.memory_space<hbm>>) target(%arg19 : memref<64x128xf32, #tpu.memory_space<vmem>>) offsets(%dma_start3A_507 : memref<64xi32, #tpu.memory_space<vmem>>) semaphore(%arg35 : memref<!tpu.dma_semaphore, #tpu.memory_space<semaphore_mem>>)
      } else {
      }
      %dma_wait3A_214 = arith.constant 0 : i32
      %dma_wait3A_215 = arith.constant 0 : i32
      %dma_wait3A_216 = tpu.memref_slice %arg6[%dma_wait3A_214, %dma_wait3A_215] : memref<2x64xi32, #tpu.memory_space<vmem>> -> memref<1x64xi32, #tpu.memory_space<vmem>>
      %dma_wait3A_217 = tpu.memref_squeeze %dma_wait3A_216 : memref<1x64xi32, #tpu.memory_space<vmem>> -> memref<64xi32, #tpu.memory_space<vmem>>
      %dma_wait3A_218 = arith.constant 0 : i32
      %dma_wait3A_219 = arith.constant 0 : i32
      %dma_wait3A_220 = tpu.memref_slice %arg2[%dma_wait3A_218, %dma_wait3A_219] : memref<10240x128xf32, #tpu.memory_space<hbm>> -> memref<10240x128xf32, #tpu.memory_space<hbm>>
      tpu.wait_indirect_dma semaphore(%arg32 : memref<!tpu.dma_semaphore, #tpu.memory_space<semaphore_mem>>) src(%dma_wait3A_220 : memref<10240x128xf32, #tpu.memory_space<hbm>>) dst(%arg16 : memref<64x128xf32, #tpu.memory_space<vmem>>)
      %dma_start3A_221 = arith.constant 1 : i32
      %dma_start3A_222 = arith.constant 0 : i32
      %dma_start3A_223 = tpu.memref_slice %arg6[%dma_start3A_221, %dma_start3A_222] : memref<2x64xi32, #tpu.memory_space<vmem>> -> memref<1x64xi32, #tpu.memory_space<vmem>>
      %dma_start3A_224 = tpu.memref_squeeze %dma_start3A_223 : memref<1x64xi32, #tpu.memory_space<vmem>> -> memref<64xi32, #tpu.memory_space<vmem>>
      %dma_start3A_225 = arith.constant 0 : i32
      %dma_start3A_226 = arith.constant 0 : i32
      %dma_start3A_227 = tpu.memref_slice %arg20[%dma_start3A_225, %dma_start3A_226] : memref<10240x128xf32, #tpu.memory_space<vmem_shared>> -> memref<10240x128xf32, #tpu.memory_space<vmem_shared>>
      tpu.enqueue_indirect_dma source(%arg16 : memref<64x128xf32, #tpu.memory_space<vmem>>) target(%dma_start3A_227 : memref<10240x128xf32, #tpu.memory_space<vmem_shared>>) offsets(%dma_start3A_224 : memref<64xi32, #tpu.memory_space<vmem>>) semaphore(%arg37 : memref<!tpu.dma_semaphore, #tpu.memory_space<semaphore_mem>>) {add = true}
      %add3A_228 = arith.constant 2 : i32
      %add3A_229 = arith.addi %mul3A_165, %add3A_228 : i32
      %ge3A_230 = arith.constant 2 : i32
      %ge3A_231 = arith.cmpi sge, %add3A_229, %ge3A_230 : i32
      %convert_element_type3A_232 = arith.extui %ge3A_231 : i1 to i32
      %cond3A_233 = arith.constant 0 : i32
      %cond3A_234 = arith.cmpi ne, %convert_element_type3A_232, %cond3A_233 : i32
      scf.if %cond3A_234 {
        %dma_wait3A_493 = arith.constant 1 : i32
        %dma_wait3A_494 = arith.constant 0 : i32
        %dma_wait3A_495 = tpu.memref_slice %arg5[%dma_wait3A_493, %dma_wait3A_494] : memref<2x64xi32, #tpu.memory_space<vmem>> -> memref<1x64xi32, #tpu.memory_space<vmem>>
        %dma_wait3A_496 = tpu.memref_squeeze %dma_wait3A_495 : memref<1x64xi32, #tpu.memory_space<vmem>> -> memref<64xi32, #tpu.memory_space<vmem>>
        %dma_wait3A_497 = arith.constant 0 : i32
        %dma_wait3A_498 = arith.constant 0 : i32
        %dma_wait3A_499 = tpu.memref_slice %arg20[%dma_wait3A_497, %dma_wait3A_498] : memref<10240x128xf32, #tpu.memory_space<vmem_shared>> -> memref<10240x128xf32, #tpu.memory_space<vmem_shared>>
        tpu.wait_indirect_dma semaphore(%arg36 : memref<!tpu.dma_semaphore, #tpu.memory_space<semaphore_mem>>) src(%arg15 : memref<64x128xf32, #tpu.memory_space<vmem>>) dst(%dma_wait3A_499 : memref<10240x128xf32, #tpu.memory_space<vmem_shared>>)
      } else {
      }
      %add3A_235 = arith.constant 4 : i32
      %add3A_236 = arith.addi %add3A_229, %add3A_235 : i32
      %lt3A_237 = arith.cmpi slt, %add3A_236, %select_n3A : i32
      %convert_element_type3A_238 = arith.extui %lt3A_237 : i1 to i32
      %cond3A_239 = arith.constant 0 : i32
      %cond3A_240 = arith.cmpi ne, %convert_element_type3A_238, %cond3A_239 : i32
      scf.if %cond3A_240 {
        %add3A_493 = arith.addi %select_n3A_21, %add3A_229 : i32
        %add3A_494 = arith.constant 4 : i32
        %add3A_495 = arith.addi %add3A_493, %add3A_494 : i32
        %dma_start3A_496 = arith.constant 0 : i32
        %dma_start3A_497 = arith.constant 0 : i32
        %dma_start3A_498 = tpu.memref_slice %arg3[%add3A_495, %dma_start3A_496, %dma_start3A_497] : memref<5120x2x64xi32, #tpu.memory_space<hbm>> -> memref<1x2x64xi32, #tpu.memory_space<hbm>>
        %dma_start3A_499 = tpu.memref_squeeze %dma_start3A_498 : memref<1x2x64xi32, #tpu.memory_space<hbm>> -> memref<2x64xi32, #tpu.memory_space<hbm>>
        %dma_start3A_500 = arith.constant 0 : i32
        %dma_start3A_501 = arith.constant 0 : i32
        %dma_start3A_502 = tpu.memref_slice %arg3[%add3A_495, %dma_start3A_500, %dma_start3A_501] : memref<5120x2x64xi32, #tpu.memory_space<hbm>> -> memref<1x2x64xi32, #tpu.memory_space<hbm>>
        %dma_start3A_503 = tpu.memref_squeeze %dma_start3A_502 : memref<1x2x64xi32, #tpu.memory_space<hbm>> -> memref<2x64xi32, #tpu.memory_space<hbm>>
        tpu.enqueue_dma source(%dma_start3A_503 : memref<2x64xi32, #tpu.memory_space<hbm>>) target(%arg11 : memref<2x64xi32, #tpu.memory_space<vmem>>) target_semaphore(%arg27 : memref<!tpu.dma_semaphore, #tpu.memory_space<semaphore_mem>>)
      } else {
      }
      %add3A_241 = arith.constant 3 : i32
      %add3A_242 = arith.addi %add3A_229, %add3A_241 : i32
      %lt3A_243 = arith.cmpi slt, %add3A_242, %select_n3A : i32
      %convert_element_type3A_244 = arith.extui %lt3A_243 : i1 to i32
      %cond3A_245 = arith.constant 0 : i32
      %cond3A_246 = arith.cmpi ne, %convert_element_type3A_244, %cond3A_245 : i32
      scf.if %cond3A_246 {
        %add3A_493 = arith.addi %select_n3A_21, %add3A_229 : i32
        %add3A_494 = arith.constant 3 : i32
        %add3A_495 = arith.addi %add3A_493, %add3A_494 : i32
        %dma_wait3A_496 = arith.constant 0 : i32
        %dma_wait3A_497 = arith.constant 0 : i32
        %dma_wait3A_498 = tpu.memref_slice %arg3[%add3A_495, %dma_wait3A_496, %dma_wait3A_497] : memref<5120x2x64xi32, #tpu.memory_space<hbm>> -> memref<1x2x64xi32, #tpu.memory_space<hbm>>
        %dma_wait3A_499 = tpu.memref_squeeze %dma_wait3A_498 : memref<1x2x64xi32, #tpu.memory_space<hbm>> -> memref<2x64xi32, #tpu.memory_space<hbm>>
        %dma_wait3A_500 = arith.constant 0 : i32
        %dma_wait3A_501 = arith.constant 0 : i32
        %dma_wait3A_502 = tpu.memref_slice %arg3[%add3A_495, %dma_wait3A_500, %dma_wait3A_501] : memref<5120x2x64xi32, #tpu.memory_space<hbm>> -> memref<1x2x64xi32, #tpu.memory_space<hbm>>
        %dma_wait3A_503 = tpu.memref_squeeze %dma_wait3A_502 : memref<1x2x64xi32, #tpu.memory_space<hbm>> -> memref<2x64xi32, #tpu.memory_space<hbm>>
        tpu.wait_dma2 semaphore(%arg26 : memref<!tpu.dma_semaphore, #tpu.memory_space<semaphore_mem>>) src(%dma_wait3A_503 : memref<2x64xi32, #tpu.memory_space<hbm>>) dst(%arg10 : memref<2x64xi32, #tpu.memory_space<vmem>>)
        %dma_start3A_504 = arith.constant 0 : i32
        %dma_start3A_505 = arith.constant 0 : i32
        %dma_start3A_506 = tpu.memref_slice %arg10[%dma_start3A_504, %dma_start3A_505] : memref<2x64xi32, #tpu.memory_space<vmem>> -> memref<1x64xi32, #tpu.memory_space<vmem>>
        %dma_start3A_507 = tpu.memref_squeeze %dma_start3A_506 : memref<1x64xi32, #tpu.memory_space<vmem>> -> memref<64xi32, #tpu.memory_space<vmem>>
        %dma_start3A_508 = arith.constant 0 : i32
        %dma_start3A_509 = arith.constant 0 : i32
        %dma_start3A_510 = tpu.memref_slice %arg2[%dma_start3A_508, %dma_start3A_509] : memref<10240x128xf32, #tpu.memory_space<hbm>> -> memref<10240x128xf32, #tpu.memory_space<hbm>>
        tpu.enqueue_indirect_dma source(%dma_start3A_510 : memref<10240x128xf32, #tpu.memory_space<hbm>>) target(%arg15 : memref<64x128xf32, #tpu.memory_space<vmem>>) offsets(%dma_start3A_507 : memref<64xi32, #tpu.memory_space<vmem>>) semaphore(%arg31 : memref<!tpu.dma_semaphore, #tpu.memory_space<semaphore_mem>>)
      } else {
      }
      %dma_wait3A_247 = arith.constant 0 : i32
      %dma_wait3A_248 = arith.constant 0 : i32
      %dma_wait3A_249 = tpu.memref_slice %arg7[%dma_wait3A_247, %dma_wait3A_248] : memref<2x64xi32, #tpu.memory_space<vmem>> -> memref<1x64xi32, #tpu.memory_space<vmem>>
      %dma_wait3A_250 = tpu.memref_squeeze %dma_wait3A_249 : memref<1x64xi32, #tpu.memory_space<vmem>> -> memref<64xi32, #tpu.memory_space<vmem>>
      %dma_wait3A_251 = arith.constant 0 : i32
      %dma_wait3A_252 = arith.constant 0 : i32
      %dma_wait3A_253 = tpu.memref_slice %arg2[%dma_wait3A_251, %dma_wait3A_252] : memref<10240x128xf32, #tpu.memory_space<hbm>> -> memref<10240x128xf32, #tpu.memory_space<hbm>>
      tpu.wait_indirect_dma semaphore(%arg33 : memref<!tpu.dma_semaphore, #tpu.memory_space<semaphore_mem>>) src(%dma_wait3A_253 : memref<10240x128xf32, #tpu.memory_space<hbm>>) dst(%arg17 : memref<64x128xf32, #tpu.memory_space<vmem>>)
      %dma_start3A_254 = arith.constant 1 : i32
      %dma_start3A_255 = arith.constant 0 : i32
      %dma_start3A_256 = tpu.memref_slice %arg7[%dma_start3A_254, %dma_start3A_255] : memref<2x64xi32, #tpu.memory_space<vmem>> -> memref<1x64xi32, #tpu.memory_space<vmem>>
      %dma_start3A_257 = tpu.memref_squeeze %dma_start3A_256 : memref<1x64xi32, #tpu.memory_space<vmem>> -> memref<64xi32, #tpu.memory_space<vmem>>
      %dma_start3A_258 = arith.constant 0 : i32
      %dma_start3A_259 = arith.constant 0 : i32
      %dma_start3A_260 = tpu.memref_slice %arg20[%dma_start3A_258, %dma_start3A_259] : memref<10240x128xf32, #tpu.memory_space<vmem_shared>> -> memref<10240x128xf32, #tpu.memory_space<vmem_shared>>
      tpu.enqueue_indirect_dma source(%arg17 : memref<64x128xf32, #tpu.memory_space<vmem>>) target(%dma_start3A_260 : memref<10240x128xf32, #tpu.memory_space<vmem_shared>>) offsets(%dma_start3A_257 : memref<64xi32, #tpu.memory_space<vmem>>) semaphore(%arg38 : memref<!tpu.dma_semaphore, #tpu.memory_space<semaphore_mem>>) {add = true}
      %add3A_261 = arith.constant 3 : i32
      %add3A_262 = arith.addi %mul3A_165, %add3A_261 : i32
      %ge3A_263 = arith.constant 2 : i32
      %ge3A_264 = arith.cmpi sge, %add3A_262, %ge3A_263 : i32
      %convert_element_type3A_265 = arith.extui %ge3A_264 : i1 to i32
      %cond3A_266 = arith.constant 0 : i32
      %cond3A_267 = arith.cmpi ne, %convert_element_type3A_265, %cond3A_266 : i32
      scf.if %cond3A_267 {
        %dma_wait3A_493 = arith.constant 1 : i32
        %dma_wait3A_494 = arith.constant 0 : i32
        %dma_wait3A_495 = tpu.memref_slice %arg6[%dma_wait3A_493, %dma_wait3A_494] : memref<2x64xi32, #tpu.memory_space<vmem>> -> memref<1x64xi32, #tpu.memory_space<vmem>>
        %dma_wait3A_496 = tpu.memref_squeeze %dma_wait3A_495 : memref<1x64xi32, #tpu.memory_space<vmem>> -> memref<64xi32, #tpu.memory_space<vmem>>
        %dma_wait3A_497 = arith.constant 0 : i32
        %dma_wait3A_498 = arith.constant 0 : i32
        %dma_wait3A_499 = tpu.memref_slice %arg20[%dma_wait3A_497, %dma_wait3A_498] : memref<10240x128xf32, #tpu.memory_space<vmem_shared>> -> memref<10240x128xf32, #tpu.memory_space<vmem_shared>>
        tpu.wait_indirect_dma semaphore(%arg37 : memref<!tpu.dma_semaphore, #tpu.memory_space<semaphore_mem>>) src(%arg16 : memref<64x128xf32, #tpu.memory_space<vmem>>) dst(%dma_wait3A_499 : memref<10240x128xf32, #tpu.memory_space<vmem_shared>>)
      } else {
      }
      %add3A_268 = arith.constant 4 : i32
      %add3A_269 = arith.addi %add3A_262, %add3A_268 : i32
      %lt3A_270 = arith.cmpi slt, %add3A_269, %select_n3A : i32
      %convert_element_type3A_271 = arith.extui %lt3A_270 : i1 to i32
      %cond3A_272 = arith.constant 0 : i32
      %cond3A_273 = arith.cmpi ne, %convert_element_type3A_271, %cond3A_272 : i32
      scf.if %cond3A_273 {
        %add3A_493 = arith.addi %select_n3A_21, %add3A_262 : i32
        %add3A_494 = arith.constant 4 : i32
        %add3A_495 = arith.addi %add3A_493, %add3A_494 : i32
        %dma_start3A_496 = arith.constant 0 : i32
        %dma_start3A_497 = arith.constant 0 : i32
        %dma_start3A_498 = tpu.memref_slice %arg3[%add3A_495, %dma_start3A_496, %dma_start3A_497] : memref<5120x2x64xi32, #tpu.memory_space<hbm>> -> memref<1x2x64xi32, #tpu.memory_space<hbm>>
        %dma_start3A_499 = tpu.memref_squeeze %dma_start3A_498 : memref<1x2x64xi32, #tpu.memory_space<hbm>> -> memref<2x64xi32, #tpu.memory_space<hbm>>
        %dma_start3A_500 = arith.constant 0 : i32
        %dma_start3A_501 = arith.constant 0 : i32
        %dma_start3A_502 = tpu.memref_slice %arg3[%add3A_495, %dma_start3A_500, %dma_start3A_501] : memref<5120x2x64xi32, #tpu.memory_space<hbm>> -> memref<1x2x64xi32, #tpu.memory_space<hbm>>
        %dma_start3A_503 = tpu.memref_squeeze %dma_start3A_502 : memref<1x2x64xi32, #tpu.memory_space<hbm>> -> memref<2x64xi32, #tpu.memory_space<hbm>>
        tpu.enqueue_dma source(%dma_start3A_503 : memref<2x64xi32, #tpu.memory_space<hbm>>) target(%arg12 : memref<2x64xi32, #tpu.memory_space<vmem>>) target_semaphore(%arg28 : memref<!tpu.dma_semaphore, #tpu.memory_space<semaphore_mem>>)
      } else {
      }
      %add3A_274 = arith.constant 3 : i32
      %add3A_275 = arith.addi %add3A_262, %add3A_274 : i32
      %lt3A_276 = arith.cmpi slt, %add3A_275, %select_n3A : i32
      %convert_element_type3A_277 = arith.extui %lt3A_276 : i1 to i32
      %cond3A_278 = arith.constant 0 : i32
      %cond3A_279 = arith.cmpi ne, %convert_element_type3A_277, %cond3A_278 : i32
      scf.if %cond3A_279 {
        %add3A_493 = arith.addi %select_n3A_21, %add3A_262 : i32
        %add3A_494 = arith.constant 3 : i32
        %add3A_495 = arith.addi %add3A_493, %add3A_494 : i32
        %dma_wait3A_496 = arith.constant 0 : i32
        %dma_wait3A_497 = arith.constant 0 : i32
        %dma_wait3A_498 = tpu.memref_slice %arg3[%add3A_495, %dma_wait3A_496, %dma_wait3A_497] : memref<5120x2x64xi32, #tpu.memory_space<hbm>> -> memref<1x2x64xi32, #tpu.memory_space<hbm>>
        %dma_wait3A_499 = tpu.memref_squeeze %dma_wait3A_498 : memref<1x2x64xi32, #tpu.memory_space<hbm>> -> memref<2x64xi32, #tpu.memory_space<hbm>>
        %dma_wait3A_500 = arith.constant 0 : i32
        %dma_wait3A_501 = arith.constant 0 : i32
        %dma_wait3A_502 = tpu.memref_slice %arg3[%add3A_495, %dma_wait3A_500, %dma_wait3A_501] : memref<5120x2x64xi32, #tpu.memory_space<hbm>> -> memref<1x2x64xi32, #tpu.memory_space<hbm>>
        %dma_wait3A_503 = tpu.memref_squeeze %dma_wait3A_502 : memref<1x2x64xi32, #tpu.memory_space<hbm>> -> memref<2x64xi32, #tpu.memory_space<hbm>>
        tpu.wait_dma2 semaphore(%arg27 : memref<!tpu.dma_semaphore, #tpu.memory_space<semaphore_mem>>) src(%dma_wait3A_503 : memref<2x64xi32, #tpu.memory_space<hbm>>) dst(%arg11 : memref<2x64xi32, #tpu.memory_space<vmem>>)
        %dma_start3A_504 = arith.constant 0 : i32
        %dma_start3A_505 = arith.constant 0 : i32
        %dma_start3A_506 = tpu.memref_slice %arg11[%dma_start3A_504, %dma_start3A_505] : memref<2x64xi32, #tpu.memory_space<vmem>> -> memref<1x64xi32, #tpu.memory_space<vmem>>
        %dma_start3A_507 = tpu.memref_squeeze %dma_start3A_506 : memref<1x64xi32, #tpu.memory_space<vmem>> -> memref<64xi32, #tpu.memory_space<vmem>>
        %dma_start3A_508 = arith.constant 0 : i32
        %dma_start3A_509 = arith.constant 0 : i32
        %dma_start3A_510 = tpu.memref_slice %arg2[%dma_start3A_508, %dma_start3A_509] : memref<10240x128xf32, #tpu.memory_space<hbm>> -> memref<10240x128xf32, #tpu.memory_space<hbm>>
        tpu.enqueue_indirect_dma source(%dma_start3A_510 : memref<10240x128xf32, #tpu.memory_space<hbm>>) target(%arg16 : memref<64x128xf32, #tpu.memory_space<vmem>>) offsets(%dma_start3A_507 : memref<64xi32, #tpu.memory_space<vmem>>) semaphore(%arg32 : memref<!tpu.dma_semaphore, #tpu.memory_space<semaphore_mem>>)
      } else {
      }
      %dma_wait3A_280 = arith.constant 0 : i32
      %dma_wait3A_281 = arith.constant 0 : i32
      %dma_wait3A_282 = tpu.memref_slice %arg8[%dma_wait3A_280, %dma_wait3A_281] : memref<2x64xi32, #tpu.memory_space<vmem>> -> memref<1x64xi32, #tpu.memory_space<vmem>>
      %dma_wait3A_283 = tpu.memref_squeeze %dma_wait3A_282 : memref<1x64xi32, #tpu.memory_space<vmem>> -> memref<64xi32, #tpu.memory_space<vmem>>
      %dma_wait3A_284 = arith.constant 0 : i32
      %dma_wait3A_285 = arith.constant 0 : i32
      %dma_wait3A_286 = tpu.memref_slice %arg2[%dma_wait3A_284, %dma_wait3A_285] : memref<10240x128xf32, #tpu.memory_space<hbm>> -> memref<10240x128xf32, #tpu.memory_space<hbm>>
      tpu.wait_indirect_dma semaphore(%arg34 : memref<!tpu.dma_semaphore, #tpu.memory_space<semaphore_mem>>) src(%dma_wait3A_286 : memref<10240x128xf32, #tpu.memory_space<hbm>>) dst(%arg18 : memref<64x128xf32, #tpu.memory_space<vmem>>)
      %dma_start3A_287 = arith.constant 1 : i32
      %dma_start3A_288 = arith.constant 0 : i32
      %dma_start3A_289 = tpu.memref_slice %arg8[%dma_start3A_287, %dma_start3A_288] : memref<2x64xi32, #tpu.memory_space<vmem>> -> memref<1x64xi32, #tpu.memory_space<vmem>>
      %dma_start3A_290 = tpu.memref_squeeze %dma_start3A_289 : memref<1x64xi32, #tpu.memory_space<vmem>> -> memref<64xi32, #tpu.memory_space<vmem>>
      %dma_start3A_291 = arith.constant 0 : i32
      %dma_start3A_292 = arith.constant 0 : i32
      %dma_start3A_293 = tpu.memref_slice %arg20[%dma_start3A_291, %dma_start3A_292] : memref<10240x128xf32, #tpu.memory_space<vmem_shared>> -> memref<10240x128xf32, #tpu.memory_space<vmem_shared>>
      tpu.enqueue_indirect_dma source(%arg18 : memref<64x128xf32, #tpu.memory_space<vmem>>) target(%dma_start3A_293 : memref<10240x128xf32, #tpu.memory_space<vmem_shared>>) offsets(%dma_start3A_290 : memref<64xi32, #tpu.memory_space<vmem>>) semaphore(%arg39 : memref<!tpu.dma_semaphore, #tpu.memory_space<semaphore_mem>>) {add = true}
      %add3A_294 = arith.constant 4 : i32
      %add3A_295 = arith.addi %mul3A_165, %add3A_294 : i32
      %ge3A_296 = arith.constant 2 : i32
      %ge3A_297 = arith.cmpi sge, %add3A_295, %ge3A_296 : i32
      %convert_element_type3A_298 = arith.extui %ge3A_297 : i1 to i32
      %cond3A_299 = arith.constant 0 : i32
      %cond3A_300 = arith.cmpi ne, %convert_element_type3A_298, %cond3A_299 : i32
      scf.if %cond3A_300 {
        %dma_wait3A_493 = arith.constant 1 : i32
        %dma_wait3A_494 = arith.constant 0 : i32
        %dma_wait3A_495 = tpu.memref_slice %arg7[%dma_wait3A_493, %dma_wait3A_494] : memref<2x64xi32, #tpu.memory_space<vmem>> -> memref<1x64xi32, #tpu.memory_space<vmem>>
        %dma_wait3A_496 = tpu.memref_squeeze %dma_wait3A_495 : memref<1x64xi32, #tpu.memory_space<vmem>> -> memref<64xi32, #tpu.memory_space<vmem>>
        %dma_wait3A_497 = arith.constant 0 : i32
        %dma_wait3A_498 = arith.constant 0 : i32
        %dma_wait3A_499 = tpu.memref_slice %arg20[%dma_wait3A_497, %dma_wait3A_498] : memref<10240x128xf32, #tpu.memory_space<vmem_shared>> -> memref<10240x128xf32, #tpu.memory_space<vmem_shared>>
        tpu.wait_indirect_dma semaphore(%arg38 : memref<!tpu.dma_semaphore, #tpu.memory_space<semaphore_mem>>) src(%arg17 : memref<64x128xf32, #tpu.memory_space<vmem>>) dst(%dma_wait3A_499 : memref<10240x128xf32, #tpu.memory_space<vmem_shared>>)
      } else {
      }
      %add3A_301 = arith.constant 4 : i32
      %add3A_302 = arith.addi %add3A_295, %add3A_301 : i32
      %lt3A_303 = arith.cmpi slt, %add3A_302, %select_n3A : i32
      %convert_element_type3A_304 = arith.extui %lt3A_303 : i1 to i32
      %cond3A_305 = arith.constant 0 : i32
      %cond3A_306 = arith.cmpi ne, %convert_element_type3A_304, %cond3A_305 : i32
      scf.if %cond3A_306 {
        %add3A_493 = arith.addi %select_n3A_21, %add3A_295 : i32
        %add3A_494 = arith.constant 4 : i32
        %add3A_495 = arith.addi %add3A_493, %add3A_494 : i32
        %dma_start3A_496 = arith.constant 0 : i32
        %dma_start3A_497 = arith.constant 0 : i32
        %dma_start3A_498 = tpu.memref_slice %arg3[%add3A_495, %dma_start3A_496, %dma_start3A_497] : memref<5120x2x64xi32, #tpu.memory_space<hbm>> -> memref<1x2x64xi32, #tpu.memory_space<hbm>>
        %dma_start3A_499 = tpu.memref_squeeze %dma_start3A_498 : memref<1x2x64xi32, #tpu.memory_space<hbm>> -> memref<2x64xi32, #tpu.memory_space<hbm>>
        %dma_start3A_500 = arith.constant 0 : i32
        %dma_start3A_501 = arith.constant 0 : i32
        %dma_start3A_502 = tpu.memref_slice %arg3[%add3A_495, %dma_start3A_500, %dma_start3A_501] : memref<5120x2x64xi32, #tpu.memory_space<hbm>> -> memref<1x2x64xi32, #tpu.memory_space<hbm>>
        %dma_start3A_503 = tpu.memref_squeeze %dma_start3A_502 : memref<1x2x64xi32, #tpu.memory_space<hbm>> -> memref<2x64xi32, #tpu.memory_space<hbm>>
        tpu.enqueue_dma source(%dma_start3A_503 : memref<2x64xi32, #tpu.memory_space<hbm>>) target(%arg13 : memref<2x64xi32, #tpu.memory_space<vmem>>) target_semaphore(%arg29 : memref<!tpu.dma_semaphore, #tpu.memory_space<semaphore_mem>>)
      } else {
      }
      %add3A_307 = arith.constant 3 : i32
      %add3A_308 = arith.addi %add3A_295, %add3A_307 : i32
      %lt3A_309 = arith.cmpi slt, %add3A_308, %select_n3A : i32
      %convert_element_type3A_310 = arith.extui %lt3A_309 : i1 to i32
      %cond3A_311 = arith.constant 0 : i32
      %cond3A_312 = arith.cmpi ne, %convert_element_type3A_310, %cond3A_311 : i32
      scf.if %cond3A_312 {
        %add3A_493 = arith.addi %select_n3A_21, %add3A_295 : i32
        %add3A_494 = arith.constant 3 : i32
        %add3A_495 = arith.addi %add3A_493, %add3A_494 : i32
        %dma_wait3A_496 = arith.constant 0 : i32
        %dma_wait3A_497 = arith.constant 0 : i32
        %dma_wait3A_498 = tpu.memref_slice %arg3[%add3A_495, %dma_wait3A_496, %dma_wait3A_497] : memref<5120x2x64xi32, #tpu.memory_space<hbm>> -> memref<1x2x64xi32, #tpu.memory_space<hbm>>
        %dma_wait3A_499 = tpu.memref_squeeze %dma_wait3A_498 : memref<1x2x64xi32, #tpu.memory_space<hbm>> -> memref<2x64xi32, #tpu.memory_space<hbm>>
        %dma_wait3A_500 = arith.constant 0 : i32
        %dma_wait3A_501 = arith.constant 0 : i32
        %dma_wait3A_502 = tpu.memref_slice %arg3[%add3A_495, %dma_wait3A_500, %dma_wait3A_501] : memref<5120x2x64xi32, #tpu.memory_space<hbm>> -> memref<1x2x64xi32, #tpu.memory_space<hbm>>
        %dma_wait3A_503 = tpu.memref_squeeze %dma_wait3A_502 : memref<1x2x64xi32, #tpu.memory_space<hbm>> -> memref<2x64xi32, #tpu.memory_space<hbm>>
        tpu.wait_dma2 semaphore(%arg28 : memref<!tpu.dma_semaphore, #tpu.memory_space<semaphore_mem>>) src(%dma_wait3A_503 : memref<2x64xi32, #tpu.memory_space<hbm>>) dst(%arg12 : memref<2x64xi32, #tpu.memory_space<vmem>>)
        %dma_start3A_504 = arith.constant 0 : i32
        %dma_start3A_505 = arith.constant 0 : i32
        %dma_start3A_506 = tpu.memref_slice %arg12[%dma_start3A_504, %dma_start3A_505] : memref<2x64xi32, #tpu.memory_space<vmem>> -> memref<1x64xi32, #tpu.memory_space<vmem>>
        %dma_start3A_507 = tpu.memref_squeeze %dma_start3A_506 : memref<1x64xi32, #tpu.memory_space<vmem>> -> memref<64xi32, #tpu.memory_space<vmem>>
        %dma_start3A_508 = arith.constant 0 : i32
        %dma_start3A_509 = arith.constant 0 : i32
        %dma_start3A_510 = tpu.memref_slice %arg2[%dma_start3A_508, %dma_start3A_509] : memref<10240x128xf32, #tpu.memory_space<hbm>> -> memref<10240x128xf32, #tpu.memory_space<hbm>>
        tpu.enqueue_indirect_dma source(%dma_start3A_510 : memref<10240x128xf32, #tpu.memory_space<hbm>>) target(%arg17 : memref<64x128xf32, #tpu.memory_space<vmem>>) offsets(%dma_start3A_507 : memref<64xi32, #tpu.memory_space<vmem>>) semaphore(%arg33 : memref<!tpu.dma_semaphore, #tpu.memory_space<semaphore_mem>>)
      } else {
      }
      %dma_wait3A_313 = arith.constant 0 : i32
      %dma_wait3A_314 = arith.constant 0 : i32
      %dma_wait3A_315 = tpu.memref_slice %arg9[%dma_wait3A_313, %dma_wait3A_314] : memref<2x64xi32, #tpu.memory_space<vmem>> -> memref<1x64xi32, #tpu.memory_space<vmem>>
      %dma_wait3A_316 = tpu.memref_squeeze %dma_wait3A_315 : memref<1x64xi32, #tpu.memory_space<vmem>> -> memref<64xi32, #tpu.memory_space<vmem>>
      %dma_wait3A_317 = arith.constant 0 : i32
      %dma_wait3A_318 = arith.constant 0 : i32
      %dma_wait3A_319 = tpu.memref_slice %arg2[%dma_wait3A_317, %dma_wait3A_318] : memref<10240x128xf32, #tpu.memory_space<hbm>> -> memref<10240x128xf32, #tpu.memory_space<hbm>>
      tpu.wait_indirect_dma semaphore(%arg35 : memref<!tpu.dma_semaphore, #tpu.memory_space<semaphore_mem>>) src(%dma_wait3A_319 : memref<10240x128xf32, #tpu.memory_space<hbm>>) dst(%arg19 : memref<64x128xf32, #tpu.memory_space<vmem>>)
      %dma_start3A_320 = arith.constant 1 : i32
      %dma_start3A_321 = arith.constant 0 : i32
      %dma_start3A_322 = tpu.memref_slice %arg9[%dma_start3A_320, %dma_start3A_321] : memref<2x64xi32, #tpu.memory_space<vmem>> -> memref<1x64xi32, #tpu.memory_space<vmem>>
      %dma_start3A_323 = tpu.memref_squeeze %dma_start3A_322 : memref<1x64xi32, #tpu.memory_space<vmem>> -> memref<64xi32, #tpu.memory_space<vmem>>
      %dma_start3A_324 = arith.constant 0 : i32
      %dma_start3A_325 = arith.constant 0 : i32
      %dma_start3A_326 = tpu.memref_slice %arg20[%dma_start3A_324, %dma_start3A_325] : memref<10240x128xf32, #tpu.memory_space<vmem_shared>> -> memref<10240x128xf32, #tpu.memory_space<vmem_shared>>
      tpu.enqueue_indirect_dma source(%arg19 : memref<64x128xf32, #tpu.memory_space<vmem>>) target(%dma_start3A_326 : memref<10240x128xf32, #tpu.memory_space<vmem_shared>>) offsets(%dma_start3A_323 : memref<64xi32, #tpu.memory_space<vmem>>) semaphore(%arg40 : memref<!tpu.dma_semaphore, #tpu.memory_space<semaphore_mem>>) {add = true}
      %add3A_327 = arith.constant 5 : i32
      %add3A_328 = arith.addi %mul3A_165, %add3A_327 : i32
      %ge3A_329 = arith.constant 2 : i32
      %ge3A_330 = arith.cmpi sge, %add3A_328, %ge3A_329 : i32
      %convert_element_type3A_331 = arith.extui %ge3A_330 : i1 to i32
      %cond3A_332 = arith.constant 0 : i32
      %cond3A_333 = arith.cmpi ne, %convert_element_type3A_331, %cond3A_332 : i32
      scf.if %cond3A_333 {
        %dma_wait3A_493 = arith.constant 1 : i32
        %dma_wait3A_494 = arith.constant 0 : i32
        %dma_wait3A_495 = tpu.memref_slice %arg8[%dma_wait3A_493, %dma_wait3A_494] : memref<2x64xi32, #tpu.memory_space<vmem>> -> memref<1x64xi32, #tpu.memory_space<vmem>>
        %dma_wait3A_496 = tpu.memref_squeeze %dma_wait3A_495 : memref<1x64xi32, #tpu.memory_space<vmem>> -> memref<64xi32, #tpu.memory_space<vmem>>
        %dma_wait3A_497 = arith.constant 0 : i32
        %dma_wait3A_498 = arith.constant 0 : i32
        %dma_wait3A_499 = tpu.memref_slice %arg20[%dma_wait3A_497, %dma_wait3A_498] : memref<10240x128xf32, #tpu.memory_space<vmem_shared>> -> memref<10240x128xf32, #tpu.memory_space<vmem_shared>>
        tpu.wait_indirect_dma semaphore(%arg39 : memref<!tpu.dma_semaphore, #tpu.memory_space<semaphore_mem>>) src(%arg18 : memref<64x128xf32, #tpu.memory_space<vmem>>) dst(%dma_wait3A_499 : memref<10240x128xf32, #tpu.memory_space<vmem_shared>>)
      } else {
      }
      %add3A_334 = arith.constant 4 : i32
      %add3A_335 = arith.addi %add3A_328, %add3A_334 : i32
      %lt3A_336 = arith.cmpi slt, %add3A_335, %select_n3A : i32
      %convert_element_type3A_337 = arith.extui %lt3A_336 : i1 to i32
      %cond3A_338 = arith.constant 0 : i32
      %cond3A_339 = arith.cmpi ne, %convert_element_type3A_337, %cond3A_338 : i32
      scf.if %cond3A_339 {
        %add3A_493 = arith.addi %select_n3A_21, %add3A_328 : i32
        %add3A_494 = arith.constant 4 : i32
        %add3A_495 = arith.addi %add3A_493, %add3A_494 : i32
        %dma_start3A_496 = arith.constant 0 : i32
        %dma_start3A_497 = arith.constant 0 : i32
        %dma_start3A_498 = tpu.memref_slice %arg3[%add3A_495, %dma_start3A_496, %dma_start3A_497] : memref<5120x2x64xi32, #tpu.memory_space<hbm>> -> memref<1x2x64xi32, #tpu.memory_space<hbm>>
        %dma_start3A_499 = tpu.memref_squeeze %dma_start3A_498 : memref<1x2x64xi32, #tpu.memory_space<hbm>> -> memref<2x64xi32, #tpu.memory_space<hbm>>
        %dma_start3A_500 = arith.constant 0 : i32
        %dma_start3A_501 = arith.constant 0 : i32
        %dma_start3A_502 = tpu.memref_slice %arg3[%add3A_495, %dma_start3A_500, %dma_start3A_501] : memref<5120x2x64xi32, #tpu.memory_space<hbm>> -> memref<1x2x64xi32, #tpu.memory_space<hbm>>
        %dma_start3A_503 = tpu.memref_squeeze %dma_start3A_502 : memref<1x2x64xi32, #tpu.memory_space<hbm>> -> memref<2x64xi32, #tpu.memory_space<hbm>>
        tpu.enqueue_dma source(%dma_start3A_503 : memref<2x64xi32, #tpu.memory_space<hbm>>) target(%arg14 : memref<2x64xi32, #tpu.memory_space<vmem>>) target_semaphore(%arg30 : memref<!tpu.dma_semaphore, #tpu.memory_space<semaphore_mem>>)
      } else {
      }
      %add3A_340 = arith.constant 3 : i32
      %add3A_341 = arith.addi %add3A_328, %add3A_340 : i32
      %lt3A_342 = arith.cmpi slt, %add3A_341, %select_n3A : i32
      %convert_element_type3A_343 = arith.extui %lt3A_342 : i1 to i32
      %cond3A_344 = arith.constant 0 : i32
      %cond3A_345 = arith.cmpi ne, %convert_element_type3A_343, %cond3A_344 : i32
      scf.if %cond3A_345 {
        %add3A_493 = arith.addi %select_n3A_21, %add3A_328 : i32
        %add3A_494 = arith.constant 3 : i32
        %add3A_495 = arith.addi %add3A_493, %add3A_494 : i32
        %dma_wait3A_496 = arith.constant 0 : i32
        %dma_wait3A_497 = arith.constant 0 : i32
        %dma_wait3A_498 = tpu.memref_slice %arg3[%add3A_495, %dma_wait3A_496, %dma_wait3A_497] : memref<5120x2x64xi32, #tpu.memory_space<hbm>> -> memref<1x2x64xi32, #tpu.memory_space<hbm>>
        %dma_wait3A_499 = tpu.memref_squeeze %dma_wait3A_498 : memref<1x2x64xi32, #tpu.memory_space<hbm>> -> memref<2x64xi32, #tpu.memory_space<hbm>>
        %dma_wait3A_500 = arith.constant 0 : i32
        %dma_wait3A_501 = arith.constant 0 : i32
        %dma_wait3A_502 = tpu.memref_slice %arg3[%add3A_495, %dma_wait3A_500, %dma_wait3A_501] : memref<5120x2x64xi32, #tpu.memory_space<hbm>> -> memref<1x2x64xi32, #tpu.memory_space<hbm>>
        %dma_wait3A_503 = tpu.memref_squeeze %dma_wait3A_502 : memref<1x2x64xi32, #tpu.memory_space<hbm>> -> memref<2x64xi32, #tpu.memory_space<hbm>>
        tpu.wait_dma2 semaphore(%arg29 : memref<!tpu.dma_semaphore, #tpu.memory_space<semaphore_mem>>) src(%dma_wait3A_503 : memref<2x64xi32, #tpu.memory_space<hbm>>) dst(%arg13 : memref<2x64xi32, #tpu.memory_space<vmem>>)
        %dma_start3A_504 = arith.constant 0 : i32
        %dma_start3A_505 = arith.constant 0 : i32
        %dma_start3A_506 = tpu.memref_slice %arg13[%dma_start3A_504, %dma_start3A_505] : memref<2x64xi32, #tpu.memory_space<vmem>> -> memref<1x64xi32, #tpu.memory_space<vmem>>
        %dma_start3A_507 = tpu.memref_squeeze %dma_start3A_506 : memref<1x64xi32, #tpu.memory_space<vmem>> -> memref<64xi32, #tpu.memory_space<vmem>>
        %dma_start3A_508 = arith.constant 0 : i32
        %dma_start3A_509 = arith.constant 0 : i32
        %dma_start3A_510 = tpu.memref_slice %arg2[%dma_start3A_508, %dma_start3A_509] : memref<10240x128xf32, #tpu.memory_space<hbm>> -> memref<10240x128xf32, #tpu.memory_space<hbm>>
        tpu.enqueue_indirect_dma source(%dma_start3A_510 : memref<10240x128xf32, #tpu.memory_space<hbm>>) target(%arg18 : memref<64x128xf32, #tpu.memory_space<vmem>>) offsets(%dma_start3A_507 : memref<64xi32, #tpu.memory_space<vmem>>) semaphore(%arg34 : memref<!tpu.dma_semaphore, #tpu.memory_space<semaphore_mem>>)
      } else {
      }
      %dma_wait3A_346 = arith.constant 0 : i32
      %dma_wait3A_347 = arith.constant 0 : i32
      %dma_wait3A_348 = tpu.memref_slice %arg10[%dma_wait3A_346, %dma_wait3A_347] : memref<2x64xi32, #tpu.memory_space<vmem>> -> memref<1x64xi32, #tpu.memory_space<vmem>>
      %dma_wait3A_349 = tpu.memref_squeeze %dma_wait3A_348 : memref<1x64xi32, #tpu.memory_space<vmem>> -> memref<64xi32, #tpu.memory_space<vmem>>
      %dma_wait3A_350 = arith.constant 0 : i32
      %dma_wait3A_351 = arith.constant 0 : i32
      %dma_wait3A_352 = tpu.memref_slice %arg2[%dma_wait3A_350, %dma_wait3A_351] : memref<10240x128xf32, #tpu.memory_space<hbm>> -> memref<10240x128xf32, #tpu.memory_space<hbm>>
      tpu.wait_indirect_dma semaphore(%arg31 : memref<!tpu.dma_semaphore, #tpu.memory_space<semaphore_mem>>) src(%dma_wait3A_352 : memref<10240x128xf32, #tpu.memory_space<hbm>>) dst(%arg15 : memref<64x128xf32, #tpu.memory_space<vmem>>)
      %dma_start3A_353 = arith.constant 1 : i32
      %dma_start3A_354 = arith.constant 0 : i32
      %dma_start3A_355 = tpu.memref_slice %arg10[%dma_start3A_353, %dma_start3A_354] : memref<2x64xi32, #tpu.memory_space<vmem>> -> memref<1x64xi32, #tpu.memory_space<vmem>>
      %dma_start3A_356 = tpu.memref_squeeze %dma_start3A_355 : memref<1x64xi32, #tpu.memory_space<vmem>> -> memref<64xi32, #tpu.memory_space<vmem>>
      %dma_start3A_357 = arith.constant 0 : i32
      %dma_start3A_358 = arith.constant 0 : i32
      %dma_start3A_359 = tpu.memref_slice %arg20[%dma_start3A_357, %dma_start3A_358] : memref<10240x128xf32, #tpu.memory_space<vmem_shared>> -> memref<10240x128xf32, #tpu.memory_space<vmem_shared>>
      tpu.enqueue_indirect_dma source(%arg15 : memref<64x128xf32, #tpu.memory_space<vmem>>) target(%dma_start3A_359 : memref<10240x128xf32, #tpu.memory_space<vmem_shared>>) offsets(%dma_start3A_356 : memref<64xi32, #tpu.memory_space<vmem>>) semaphore(%arg36 : memref<!tpu.dma_semaphore, #tpu.memory_space<semaphore_mem>>) {add = true}
      %add3A_360 = arith.constant 6 : i32
      %add3A_361 = arith.addi %mul3A_165, %add3A_360 : i32
      %ge3A_362 = arith.constant 2 : i32
      %ge3A_363 = arith.cmpi sge, %add3A_361, %ge3A_362 : i32
      %convert_element_type3A_364 = arith.extui %ge3A_363 : i1 to i32
      %cond3A_365 = arith.constant 0 : i32
      %cond3A_366 = arith.cmpi ne, %convert_element_type3A_364, %cond3A_365 : i32
      scf.if %cond3A_366 {
        %dma_wait3A_493 = arith.constant 1 : i32
        %dma_wait3A_494 = arith.constant 0 : i32
        %dma_wait3A_495 = tpu.memref_slice %arg9[%dma_wait3A_493, %dma_wait3A_494] : memref<2x64xi32, #tpu.memory_space<vmem>> -> memref<1x64xi32, #tpu.memory_space<vmem>>
        %dma_wait3A_496 = tpu.memref_squeeze %dma_wait3A_495 : memref<1x64xi32, #tpu.memory_space<vmem>> -> memref<64xi32, #tpu.memory_space<vmem>>
        %dma_wait3A_497 = arith.constant 0 : i32
        %dma_wait3A_498 = arith.constant 0 : i32
        %dma_wait3A_499 = tpu.memref_slice %arg20[%dma_wait3A_497, %dma_wait3A_498] : memref<10240x128xf32, #tpu.memory_space<vmem_shared>> -> memref<10240x128xf32, #tpu.memory_space<vmem_shared>>
        tpu.wait_indirect_dma semaphore(%arg40 : memref<!tpu.dma_semaphore, #tpu.memory_space<semaphore_mem>>) src(%arg19 : memref<64x128xf32, #tpu.memory_space<vmem>>) dst(%dma_wait3A_499 : memref<10240x128xf32, #tpu.memory_space<vmem_shared>>)
      } else {
      }
      %add3A_367 = arith.constant 4 : i32
      %add3A_368 = arith.addi %add3A_361, %add3A_367 : i32
      %lt3A_369 = arith.cmpi slt, %add3A_368, %select_n3A : i32
      %convert_element_type3A_370 = arith.extui %lt3A_369 : i1 to i32
      %cond3A_371 = arith.constant 0 : i32
      %cond3A_372 = arith.cmpi ne, %convert_element_type3A_370, %cond3A_371 : i32
      scf.if %cond3A_372 {
        %add3A_493 = arith.addi %select_n3A_21, %add3A_361 : i32
        %add3A_494 = arith.constant 4 : i32
        %add3A_495 = arith.addi %add3A_493, %add3A_494 : i32
        %dma_start3A_496 = arith.constant 0 : i32
        %dma_start3A_497 = arith.constant 0 : i32
        %dma_start3A_498 = tpu.memref_slice %arg3[%add3A_495, %dma_start3A_496, %dma_start3A_497] : memref<5120x2x64xi32, #tpu.memory_space<hbm>> -> memref<1x2x64xi32, #tpu.memory_space<hbm>>
        %dma_start3A_499 = tpu.memref_squeeze %dma_start3A_498 : memref<1x2x64xi32, #tpu.memory_space<hbm>> -> memref<2x64xi32, #tpu.memory_space<hbm>>
        %dma_start3A_500 = arith.constant 0 : i32
        %dma_start3A_501 = arith.constant 0 : i32
        %dma_start3A_502 = tpu.memref_slice %arg3[%add3A_495, %dma_start3A_500, %dma_start3A_501] : memref<5120x2x64xi32, #tpu.memory_space<hbm>> -> memref<1x2x64xi32, #tpu.memory_space<hbm>>
        %dma_start3A_503 = tpu.memref_squeeze %dma_start3A_502 : memref<1x2x64xi32, #tpu.memory_space<hbm>> -> memref<2x64xi32, #tpu.memory_space<hbm>>
        tpu.enqueue_dma source(%dma_start3A_503 : memref<2x64xi32, #tpu.memory_space<hbm>>) target(%arg5 : memref<2x64xi32, #tpu.memory_space<vmem>>) target_semaphore(%arg21 : memref<!tpu.dma_semaphore, #tpu.memory_space<semaphore_mem>>)
      } else {
      }
      %add3A_373 = arith.constant 3 : i32
      %add3A_374 = arith.addi %add3A_361, %add3A_373 : i32
      %lt3A_375 = arith.cmpi slt, %add3A_374, %select_n3A : i32
      %convert_element_type3A_376 = arith.extui %lt3A_375 : i1 to i32
      %cond3A_377 = arith.constant 0 : i32
      %cond3A_378 = arith.cmpi ne, %convert_element_type3A_376, %cond3A_377 : i32
      scf.if %cond3A_378 {
        %add3A_493 = arith.addi %select_n3A_21, %add3A_361 : i32
        %add3A_494 = arith.constant 3 : i32
        %add3A_495 = arith.addi %add3A_493, %add3A_494 : i32
        %dma_wait3A_496 = arith.constant 0 : i32
        %dma_wait3A_497 = arith.constant 0 : i32
        %dma_wait3A_498 = tpu.memref_slice %arg3[%add3A_495, %dma_wait3A_496, %dma_wait3A_497] : memref<5120x2x64xi32, #tpu.memory_space<hbm>> -> memref<1x2x64xi32, #tpu.memory_space<hbm>>
        %dma_wait3A_499 = tpu.memref_squeeze %dma_wait3A_498 : memref<1x2x64xi32, #tpu.memory_space<hbm>> -> memref<2x64xi32, #tpu.memory_space<hbm>>
        %dma_wait3A_500 = arith.constant 0 : i32
        %dma_wait3A_501 = arith.constant 0 : i32
        %dma_wait3A_502 = tpu.memref_slice %arg3[%add3A_495, %dma_wait3A_500, %dma_wait3A_501] : memref<5120x2x64xi32, #tpu.memory_space<hbm>> -> memref<1x2x64xi32, #tpu.memory_space<hbm>>
        %dma_wait3A_503 = tpu.memref_squeeze %dma_wait3A_502 : memref<1x2x64xi32, #tpu.memory_space<hbm>> -> memref<2x64xi32, #tpu.memory_space<hbm>>
        tpu.wait_dma2 semaphore(%arg30 : memref<!tpu.dma_semaphore, #tpu.memory_space<semaphore_mem>>) src(%dma_wait3A_503 : memref<2x64xi32, #tpu.memory_space<hbm>>) dst(%arg14 : memref<2x64xi32, #tpu.memory_space<vmem>>)
        %dma_start3A_504 = arith.constant 0 : i32
        %dma_start3A_505 = arith.constant 0 : i32
        %dma_start3A_506 = tpu.memref_slice %arg14[%dma_start3A_504, %dma_start3A_505] : memref<2x64xi32, #tpu.memory_space<vmem>> -> memref<1x64xi32, #tpu.memory_space<vmem>>
        %dma_start3A_507 = tpu.memref_squeeze %dma_start3A_506 : memref<1x64xi32, #tpu.memory_space<vmem>> -> memref<64xi32, #tpu.memory_space<vmem>>
        %dma_start3A_508 = arith.constant 0 : i32
        %dma_start3A_509 = arith.constant 0 : i32
        %dma_start3A_510 = tpu.memref_slice %arg2[%dma_start3A_508, %dma_start3A_509] : memref<10240x128xf32, #tpu.memory_space<hbm>> -> memref<10240x128xf32, #tpu.memory_space<hbm>>
        tpu.enqueue_indirect_dma source(%dma_start3A_510 : memref<10240x128xf32, #tpu.memory_space<hbm>>) target(%arg19 : memref<64x128xf32, #tpu.memory_space<vmem>>) offsets(%dma_start3A_507 : memref<64xi32, #tpu.memory_space<vmem>>) semaphore(%arg35 : memref<!tpu.dma_semaphore, #tpu.memory_space<semaphore_mem>>)
      } else {
      }
      %dma_wait3A_379 = arith.constant 0 : i32
      %dma_wait3A_380 = arith.constant 0 : i32
      %dma_wait3A_381 = tpu.memref_slice %arg11[%dma_wait3A_379, %dma_wait3A_380] : memref<2x64xi32, #tpu.memory_space<vmem>> -> memref<1x64xi32, #tpu.memory_space<vmem>>
      %dma_wait3A_382 = tpu.memref_squeeze %dma_wait3A_381 : memref<1x64xi32, #tpu.memory_space<vmem>> -> memref<64xi32, #tpu.memory_space<vmem>>
      %dma_wait3A_383 = arith.constant 0 : i32
      %dma_wait3A_384 = arith.constant 0 : i32
      %dma_wait3A_385 = tpu.memref_slice %arg2[%dma_wait3A_383, %dma_wait3A_384] : memref<10240x128xf32, #tpu.memory_space<hbm>> -> memref<10240x128xf32, #tpu.memory_space<hbm>>
      tpu.wait_indirect_dma semaphore(%arg32 : memref<!tpu.dma_semaphore, #tpu.memory_space<semaphore_mem>>) src(%dma_wait3A_385 : memref<10240x128xf32, #tpu.memory_space<hbm>>) dst(%arg16 : memref<64x128xf32, #tpu.memory_space<vmem>>)
      %dma_start3A_386 = arith.constant 1 : i32
      %dma_start3A_387 = arith.constant 0 : i32
      %dma_start3A_388 = tpu.memref_slice %arg11[%dma_start3A_386, %dma_start3A_387] : memref<2x64xi32, #tpu.memory_space<vmem>> -> memref<1x64xi32, #tpu.memory_space<vmem>>
      %dma_start3A_389 = tpu.memref_squeeze %dma_start3A_388 : memref<1x64xi32, #tpu.memory_space<vmem>> -> memref<64xi32, #tpu.memory_space<vmem>>
      %dma_start3A_390 = arith.constant 0 : i32
      %dma_start3A_391 = arith.constant 0 : i32
      %dma_start3A_392 = tpu.memref_slice %arg20[%dma_start3A_390, %dma_start3A_391] : memref<10240x128xf32, #tpu.memory_space<vmem_shared>> -> memref<10240x128xf32, #tpu.memory_space<vmem_shared>>
      tpu.enqueue_indirect_dma source(%arg16 : memref<64x128xf32, #tpu.memory_space<vmem>>) target(%dma_start3A_392 : memref<10240x128xf32, #tpu.memory_space<vmem_shared>>) offsets(%dma_start3A_389 : memref<64xi32, #tpu.memory_space<vmem>>) semaphore(%arg37 : memref<!tpu.dma_semaphore, #tpu.memory_space<semaphore_mem>>) {add = true}
      %add3A_393 = arith.constant 7 : i32
      %add3A_394 = arith.addi %mul3A_165, %add3A_393 : i32
      %ge3A_395 = arith.constant 2 : i32
      %ge3A_396 = arith.cmpi sge, %add3A_394, %ge3A_395 : i32
      %convert_element_type3A_397 = arith.extui %ge3A_396 : i1 to i32
      %cond3A_398 = arith.constant 0 : i32
      %cond3A_399 = arith.cmpi ne, %convert_element_type3A_397, %cond3A_398 : i32
      scf.if %cond3A_399 {
        %dma_wait3A_493 = arith.constant 1 : i32
        %dma_wait3A_494 = arith.constant 0 : i32
        %dma_wait3A_495 = tpu.memref_slice %arg10[%dma_wait3A_493, %dma_wait3A_494] : memref<2x64xi32, #tpu.memory_space<vmem>> -> memref<1x64xi32, #tpu.memory_space<vmem>>
        %dma_wait3A_496 = tpu.memref_squeeze %dma_wait3A_495 : memref<1x64xi32, #tpu.memory_space<vmem>> -> memref<64xi32, #tpu.memory_space<vmem>>
        %dma_wait3A_497 = arith.constant 0 : i32
        %dma_wait3A_498 = arith.constant 0 : i32
        %dma_wait3A_499 = tpu.memref_slice %arg20[%dma_wait3A_497, %dma_wait3A_498] : memref<10240x128xf32, #tpu.memory_space<vmem_shared>> -> memref<10240x128xf32, #tpu.memory_space<vmem_shared>>
        tpu.wait_indirect_dma semaphore(%arg36 : memref<!tpu.dma_semaphore, #tpu.memory_space<semaphore_mem>>) src(%arg15 : memref<64x128xf32, #tpu.memory_space<vmem>>) dst(%dma_wait3A_499 : memref<10240x128xf32, #tpu.memory_space<vmem_shared>>)
      } else {
      }
      %add3A_400 = arith.constant 4 : i32
      %add3A_401 = arith.addi %add3A_394, %add3A_400 : i32
      %lt3A_402 = arith.cmpi slt, %add3A_401, %select_n3A : i32
      %convert_element_type3A_403 = arith.extui %lt3A_402 : i1 to i32
      %cond3A_404 = arith.constant 0 : i32
      %cond3A_405 = arith.cmpi ne, %convert_element_type3A_403, %cond3A_404 : i32
      scf.if %cond3A_405 {
        %add3A_493 = arith.addi %select_n3A_21, %add3A_394 : i32
        %add3A_494 = arith.constant 4 : i32
        %add3A_495 = arith.addi %add3A_493, %add3A_494 : i32
        %dma_start3A_496 = arith.constant 0 : i32
        %dma_start3A_497 = arith.constant 0 : i32
        %dma_start3A_498 = tpu.memref_slice %arg3[%add3A_495, %dma_start3A_496, %dma_start3A_497] : memref<5120x2x64xi32, #tpu.memory_space<hbm>> -> memref<1x2x64xi32, #tpu.memory_space<hbm>>
        %dma_start3A_499 = tpu.memref_squeeze %dma_start3A_498 : memref<1x2x64xi32, #tpu.memory_space<hbm>> -> memref<2x64xi32, #tpu.memory_space<hbm>>
        %dma_start3A_500 = arith.constant 0 : i32
        %dma_start3A_501 = arith.constant 0 : i32
        %dma_start3A_502 = tpu.memref_slice %arg3[%add3A_495, %dma_start3A_500, %dma_start3A_501] : memref<5120x2x64xi32, #tpu.memory_space<hbm>> -> memref<1x2x64xi32, #tpu.memory_space<hbm>>
        %dma_start3A_503 = tpu.memref_squeeze %dma_start3A_502 : memref<1x2x64xi32, #tpu.memory_space<hbm>> -> memref<2x64xi32, #tpu.memory_space<hbm>>
        tpu.enqueue_dma source(%dma_start3A_503 : memref<2x64xi32, #tpu.memory_space<hbm>>) target(%arg6 : memref<2x64xi32, #tpu.memory_space<vmem>>) target_semaphore(%arg22 : memref<!tpu.dma_semaphore, #tpu.memory_space<semaphore_mem>>)
      } else {
      }
      %add3A_406 = arith.constant 3 : i32
      %add3A_407 = arith.addi %add3A_394, %add3A_406 : i32
      %lt3A_408 = arith.cmpi slt, %add3A_407, %select_n3A : i32
      %convert_element_type3A_409 = arith.extui %lt3A_408 : i1 to i32
      %cond3A_410 = arith.constant 0 : i32
      %cond3A_411 = arith.cmpi ne, %convert_element_type3A_409, %cond3A_410 : i32
      scf.if %cond3A_411 {
        %add3A_493 = arith.addi %select_n3A_21, %add3A_394 : i32
        %add3A_494 = arith.constant 3 : i32
        %add3A_495 = arith.addi %add3A_493, %add3A_494 : i32
        %dma_wait3A_496 = arith.constant 0 : i32
        %dma_wait3A_497 = arith.constant 0 : i32
        %dma_wait3A_498 = tpu.memref_slice %arg3[%add3A_495, %dma_wait3A_496, %dma_wait3A_497] : memref<5120x2x64xi32, #tpu.memory_space<hbm>> -> memref<1x2x64xi32, #tpu.memory_space<hbm>>
        %dma_wait3A_499 = tpu.memref_squeeze %dma_wait3A_498 : memref<1x2x64xi32, #tpu.memory_space<hbm>> -> memref<2x64xi32, #tpu.memory_space<hbm>>
        %dma_wait3A_500 = arith.constant 0 : i32
        %dma_wait3A_501 = arith.constant 0 : i32
        %dma_wait3A_502 = tpu.memref_slice %arg3[%add3A_495, %dma_wait3A_500, %dma_wait3A_501] : memref<5120x2x64xi32, #tpu.memory_space<hbm>> -> memref<1x2x64xi32, #tpu.memory_space<hbm>>
        %dma_wait3A_503 = tpu.memref_squeeze %dma_wait3A_502 : memref<1x2x64xi32, #tpu.memory_space<hbm>> -> memref<2x64xi32, #tpu.memory_space<hbm>>
        tpu.wait_dma2 semaphore(%arg21 : memref<!tpu.dma_semaphore, #tpu.memory_space<semaphore_mem>>) src(%dma_wait3A_503 : memref<2x64xi32, #tpu.memory_space<hbm>>) dst(%arg5 : memref<2x64xi32, #tpu.memory_space<vmem>>)
        %dma_start3A_504 = arith.constant 0 : i32
        %dma_start3A_505 = arith.constant 0 : i32
        %dma_start3A_506 = tpu.memref_slice %arg5[%dma_start3A_504, %dma_start3A_505] : memref<2x64xi32, #tpu.memory_space<vmem>> -> memref<1x64xi32, #tpu.memory_space<vmem>>
        %dma_start3A_507 = tpu.memref_squeeze %dma_start3A_506 : memref<1x64xi32, #tpu.memory_space<vmem>> -> memref<64xi32, #tpu.memory_space<vmem>>
        %dma_start3A_508 = arith.constant 0 : i32
        %dma_start3A_509 = arith.constant 0 : i32
        %dma_start3A_510 = tpu.memref_slice %arg2[%dma_start3A_508, %dma_start3A_509] : memref<10240x128xf32, #tpu.memory_space<hbm>> -> memref<10240x128xf32, #tpu.memory_space<hbm>>
        tpu.enqueue_indirect_dma source(%dma_start3A_510 : memref<10240x128xf32, #tpu.memory_space<hbm>>) target(%arg15 : memref<64x128xf32, #tpu.memory_space<vmem>>) offsets(%dma_start3A_507 : memref<64xi32, #tpu.memory_space<vmem>>) semaphore(%arg31 : memref<!tpu.dma_semaphore, #tpu.memory_space<semaphore_mem>>)
      } else {
      }
      %dma_wait3A_412 = arith.constant 0 : i32
      %dma_wait3A_413 = arith.constant 0 : i32
      %dma_wait3A_414 = tpu.memref_slice %arg12[%dma_wait3A_412, %dma_wait3A_413] : memref<2x64xi32, #tpu.memory_space<vmem>> -> memref<1x64xi32, #tpu.memory_space<vmem>>
      %dma_wait3A_415 = tpu.memref_squeeze %dma_wait3A_414 : memref<1x64xi32, #tpu.memory_space<vmem>> -> memref<64xi32, #tpu.memory_space<vmem>>
      %dma_wait3A_416 = arith.constant 0 : i32
      %dma_wait3A_417 = arith.constant 0 : i32
      %dma_wait3A_418 = tpu.memref_slice %arg2[%dma_wait3A_416, %dma_wait3A_417] : memref<10240x128xf32, #tpu.memory_space<hbm>> -> memref<10240x128xf32, #tpu.memory_space<hbm>>
      tpu.wait_indirect_dma semaphore(%arg33 : memref<!tpu.dma_semaphore, #tpu.memory_space<semaphore_mem>>) src(%dma_wait3A_418 : memref<10240x128xf32, #tpu.memory_space<hbm>>) dst(%arg17 : memref<64x128xf32, #tpu.memory_space<vmem>>)
      %dma_start3A_419 = arith.constant 1 : i32
      %dma_start3A_420 = arith.constant 0 : i32
      %dma_start3A_421 = tpu.memref_slice %arg12[%dma_start3A_419, %dma_start3A_420] : memref<2x64xi32, #tpu.memory_space<vmem>> -> memref<1x64xi32, #tpu.memory_space<vmem>>
      %dma_start3A_422 = tpu.memref_squeeze %dma_start3A_421 : memref<1x64xi32, #tpu.memory_space<vmem>> -> memref<64xi32, #tpu.memory_space<vmem>>
      %dma_start3A_423 = arith.constant 0 : i32
      %dma_start3A_424 = arith.constant 0 : i32
      %dma_start3A_425 = tpu.memref_slice %arg20[%dma_start3A_423, %dma_start3A_424] : memref<10240x128xf32, #tpu.memory_space<vmem_shared>> -> memref<10240x128xf32, #tpu.memory_space<vmem_shared>>
      tpu.enqueue_indirect_dma source(%arg17 : memref<64x128xf32, #tpu.memory_space<vmem>>) target(%dma_start3A_425 : memref<10240x128xf32, #tpu.memory_space<vmem_shared>>) offsets(%dma_start3A_422 : memref<64xi32, #tpu.memory_space<vmem>>) semaphore(%arg38 : memref<!tpu.dma_semaphore, #tpu.memory_space<semaphore_mem>>) {add = true}
      %add3A_426 = arith.constant 8 : i32
      %add3A_427 = arith.addi %mul3A_165, %add3A_426 : i32
      %ge3A_428 = arith.constant 2 : i32
      %ge3A_429 = arith.cmpi sge, %add3A_427, %ge3A_428 : i32
      %convert_element_type3A_430 = arith.extui %ge3A_429 : i1 to i32
      %cond3A_431 = arith.constant 0 : i32
      %cond3A_432 = arith.cmpi ne, %convert_element_type3A_430, %cond3A_431 : i32
      scf.if %cond3A_432 {
        %dma_wait3A_493 = arith.constant 1 : i32
        %dma_wait3A_494 = arith.constant 0 : i32
        %dma_wait3A_495 = tpu.memref_slice %arg11[%dma_wait3A_493, %dma_wait3A_494] : memref<2x64xi32, #tpu.memory_space<vmem>> -> memref<1x64xi32, #tpu.memory_space<vmem>>
        %dma_wait3A_496 = tpu.memref_squeeze %dma_wait3A_495 : memref<1x64xi32, #tpu.memory_space<vmem>> -> memref<64xi32, #tpu.memory_space<vmem>>
        %dma_wait3A_497 = arith.constant 0 : i32
        %dma_wait3A_498 = arith.constant 0 : i32
        %dma_wait3A_499 = tpu.memref_slice %arg20[%dma_wait3A_497, %dma_wait3A_498] : memref<10240x128xf32, #tpu.memory_space<vmem_shared>> -> memref<10240x128xf32, #tpu.memory_space<vmem_shared>>
        tpu.wait_indirect_dma semaphore(%arg37 : memref<!tpu.dma_semaphore, #tpu.memory_space<semaphore_mem>>) src(%arg16 : memref<64x128xf32, #tpu.memory_space<vmem>>) dst(%dma_wait3A_499 : memref<10240x128xf32, #tpu.memory_space<vmem_shared>>)
      } else {
      }
      %add3A_433 = arith.constant 4 : i32
      %add3A_434 = arith.addi %add3A_427, %add3A_433 : i32
      %lt3A_435 = arith.cmpi slt, %add3A_434, %select_n3A : i32
      %convert_element_type3A_436 = arith.extui %lt3A_435 : i1 to i32
      %cond3A_437 = arith.constant 0 : i32
      %cond3A_438 = arith.cmpi ne, %convert_element_type3A_436, %cond3A_437 : i32
      scf.if %cond3A_438 {
        %add3A_493 = arith.addi %select_n3A_21, %add3A_427 : i32
        %add3A_494 = arith.constant 4 : i32
        %add3A_495 = arith.addi %add3A_493, %add3A_494 : i32
        %dma_start3A_496 = arith.constant 0 : i32
        %dma_start3A_497 = arith.constant 0 : i32
        %dma_start3A_498 = tpu.memref_slice %arg3[%add3A_495, %dma_start3A_496, %dma_start3A_497] : memref<5120x2x64xi32, #tpu.memory_space<hbm>> -> memref<1x2x64xi32, #tpu.memory_space<hbm>>
        %dma_start3A_499 = tpu.memref_squeeze %dma_start3A_498 : memref<1x2x64xi32, #tpu.memory_space<hbm>> -> memref<2x64xi32, #tpu.memory_space<hbm>>
        %dma_start3A_500 = arith.constant 0 : i32
        %dma_start3A_501 = arith.constant 0 : i32
        %dma_start3A_502 = tpu.memref_slice %arg3[%add3A_495, %dma_start3A_500, %dma_start3A_501] : memref<5120x2x64xi32, #tpu.memory_space<hbm>> -> memref<1x2x64xi32, #tpu.memory_space<hbm>>
        %dma_start3A_503 = tpu.memref_squeeze %dma_start3A_502 : memref<1x2x64xi32, #tpu.memory_space<hbm>> -> memref<2x64xi32, #tpu.memory_space<hbm>>
        tpu.enqueue_dma source(%dma_start3A_503 : memref<2x64xi32, #tpu.memory_space<hbm>>) target(%arg7 : memref<2x64xi32, #tpu.memory_space<vmem>>) target_semaphore(%arg23 : memref<!tpu.dma_semaphore, #tpu.memory_space<semaphore_mem>>)
      } else {
      }
      %add3A_439 = arith.constant 3 : i32
      %add3A_440 = arith.addi %add3A_427, %add3A_439 : i32
      %lt3A_441 = arith.cmpi slt, %add3A_440, %select_n3A : i32
      %convert_element_type3A_442 = arith.extui %lt3A_441 : i1 to i32
      %cond3A_443 = arith.constant 0 : i32
      %cond3A_444 = arith.cmpi ne, %convert_element_type3A_442, %cond3A_443 : i32
      scf.if %cond3A_444 {
        %add3A_493 = arith.addi %select_n3A_21, %add3A_427 : i32
        %add3A_494 = arith.constant 3 : i32
        %add3A_495 = arith.addi %add3A_493, %add3A_494 : i32
        %dma_wait3A_496 = arith.constant 0 : i32
        %dma_wait3A_497 = arith.constant 0 : i32
        %dma_wait3A_498 = tpu.memref_slice %arg3[%add3A_495, %dma_wait3A_496, %dma_wait3A_497] : memref<5120x2x64xi32, #tpu.memory_space<hbm>> -> memref<1x2x64xi32, #tpu.memory_space<hbm>>
        %dma_wait3A_499 = tpu.memref_squeeze %dma_wait3A_498 : memref<1x2x64xi32, #tpu.memory_space<hbm>> -> memref<2x64xi32, #tpu.memory_space<hbm>>
        %dma_wait3A_500 = arith.constant 0 : i32
        %dma_wait3A_501 = arith.constant 0 : i32
        %dma_wait3A_502 = tpu.memref_slice %arg3[%add3A_495, %dma_wait3A_500, %dma_wait3A_501] : memref<5120x2x64xi32, #tpu.memory_space<hbm>> -> memref<1x2x64xi32, #tpu.memory_space<hbm>>
        %dma_wait3A_503 = tpu.memref_squeeze %dma_wait3A_502 : memref<1x2x64xi32, #tpu.memory_space<hbm>> -> memref<2x64xi32, #tpu.memory_space<hbm>>
        tpu.wait_dma2 semaphore(%arg22 : memref<!tpu.dma_semaphore, #tpu.memory_space<semaphore_mem>>) src(%dma_wait3A_503 : memref<2x64xi32, #tpu.memory_space<hbm>>) dst(%arg6 : memref<2x64xi32, #tpu.memory_space<vmem>>)
        %dma_start3A_504 = arith.constant 0 : i32
        %dma_start3A_505 = arith.constant 0 : i32
        %dma_start3A_506 = tpu.memref_slice %arg6[%dma_start3A_504, %dma_start3A_505] : memref<2x64xi32, #tpu.memory_space<vmem>> -> memref<1x64xi32, #tpu.memory_space<vmem>>
        %dma_start3A_507 = tpu.memref_squeeze %dma_start3A_506 : memref<1x64xi32, #tpu.memory_space<vmem>> -> memref<64xi32, #tpu.memory_space<vmem>>
        %dma_start3A_508 = arith.constant 0 : i32
        %dma_start3A_509 = arith.constant 0 : i32
        %dma_start3A_510 = tpu.memref_slice %arg2[%dma_start3A_508, %dma_start3A_509] : memref<10240x128xf32, #tpu.memory_space<hbm>> -> memref<10240x128xf32, #tpu.memory_space<hbm>>
        tpu.enqueue_indirect_dma source(%dma_start3A_510 : memref<10240x128xf32, #tpu.memory_space<hbm>>) target(%arg16 : memref<64x128xf32, #tpu.memory_space<vmem>>) offsets(%dma_start3A_507 : memref<64xi32, #tpu.memory_space<vmem>>) semaphore(%arg32 : memref<!tpu.dma_semaphore, #tpu.memory_space<semaphore_mem>>)
      } else {
      }
      %dma_wait3A_445 = arith.constant 0 : i32
      %dma_wait3A_446 = arith.constant 0 : i32
      %dma_wait3A_447 = tpu.memref_slice %arg13[%dma_wait3A_445, %dma_wait3A_446] : memref<2x64xi32, #tpu.memory_space<vmem>> -> memref<1x64xi32, #tpu.memory_space<vmem>>
      %dma_wait3A_448 = tpu.memref_squeeze %dma_wait3A_447 : memref<1x64xi32, #tpu.memory_space<vmem>> -> memref<64xi32, #tpu.memory_space<vmem>>
      %dma_wait3A_449 = arith.constant 0 : i32
      %dma_wait3A_450 = arith.constant 0 : i32
      %dma_wait3A_451 = tpu.memref_slice %arg2[%dma_wait3A_449, %dma_wait3A_450] : memref<10240x128xf32, #tpu.memory_space<hbm>> -> memref<10240x128xf32, #tpu.memory_space<hbm>>
      tpu.wait_indirect_dma semaphore(%arg34 : memref<!tpu.dma_semaphore, #tpu.memory_space<semaphore_mem>>) src(%dma_wait3A_451 : memref<10240x128xf32, #tpu.memory_space<hbm>>) dst(%arg18 : memref<64x128xf32, #tpu.memory_space<vmem>>)
      %dma_start3A_452 = arith.constant 1 : i32
      %dma_start3A_453 = arith.constant 0 : i32
      %dma_start3A_454 = tpu.memref_slice %arg13[%dma_start3A_452, %dma_start3A_453] : memref<2x64xi32, #tpu.memory_space<vmem>> -> memref<1x64xi32, #tpu.memory_space<vmem>>
      %dma_start3A_455 = tpu.memref_squeeze %dma_start3A_454 : memref<1x64xi32, #tpu.memory_space<vmem>> -> memref<64xi32, #tpu.memory_space<vmem>>
      %dma_start3A_456 = arith.constant 0 : i32
      %dma_start3A_457 = arith.constant 0 : i32
      %dma_start3A_458 = tpu.memref_slice %arg20[%dma_start3A_456, %dma_start3A_457] : memref<10240x128xf32, #tpu.memory_space<vmem_shared>> -> memref<10240x128xf32, #tpu.memory_space<vmem_shared>>
      tpu.enqueue_indirect_dma source(%arg18 : memref<64x128xf32, #tpu.memory_space<vmem>>) target(%dma_start3A_458 : memref<10240x128xf32, #tpu.memory_space<vmem_shared>>) offsets(%dma_start3A_455 : memref<64xi32, #tpu.memory_space<vmem>>) semaphore(%arg39 : memref<!tpu.dma_semaphore, #tpu.memory_space<semaphore_mem>>) {add = true}
      %add3A_459 = arith.constant 9 : i32
      %add3A_460 = arith.addi %mul3A_165, %add3A_459 : i32
      %ge3A_461 = arith.constant 2 : i32
      %ge3A_462 = arith.cmpi sge, %add3A_460, %ge3A_461 : i32
      %convert_element_type3A_463 = arith.extui %ge3A_462 : i1 to i32
      %cond3A_464 = arith.constant 0 : i32
      %cond3A_465 = arith.cmpi ne, %convert_element_type3A_463, %cond3A_464 : i32
      scf.if %cond3A_465 {
        %dma_wait3A_493 = arith.constant 1 : i32
        %dma_wait3A_494 = arith.constant 0 : i32
        %dma_wait3A_495 = tpu.memref_slice %arg12[%dma_wait3A_493, %dma_wait3A_494] : memref<2x64xi32, #tpu.memory_space<vmem>> -> memref<1x64xi32, #tpu.memory_space<vmem>>
        %dma_wait3A_496 = tpu.memref_squeeze %dma_wait3A_495 : memref<1x64xi32, #tpu.memory_space<vmem>> -> memref<64xi32, #tpu.memory_space<vmem>>
        %dma_wait3A_497 = arith.constant 0 : i32
        %dma_wait3A_498 = arith.constant 0 : i32
        %dma_wait3A_499 = tpu.memref_slice %arg20[%dma_wait3A_497, %dma_wait3A_498] : memref<10240x128xf32, #tpu.memory_space<vmem_shared>> -> memref<10240x128xf32, #tpu.memory_space<vmem_shared>>
        tpu.wait_indirect_dma semaphore(%arg38 : memref<!tpu.dma_semaphore, #tpu.memory_space<semaphore_mem>>) src(%arg17 : memref<64x128xf32, #tpu.memory_space<vmem>>) dst(%dma_wait3A_499 : memref<10240x128xf32, #tpu.memory_space<vmem_shared>>)
      } else {
      }
      %add3A_466 = arith.constant 4 : i32
      %add3A_467 = arith.addi %add3A_460, %add3A_466 : i32
      %lt3A_468 = arith.cmpi slt, %add3A_467, %select_n3A : i32
      %convert_element_type3A_469 = arith.extui %lt3A_468 : i1 to i32
      %cond3A_470 = arith.constant 0 : i32
      %cond3A_471 = arith.cmpi ne, %convert_element_type3A_469, %cond3A_470 : i32
      scf.if %cond3A_471 {
        %add3A_493 = arith.addi %select_n3A_21, %add3A_460 : i32
        %add3A_494 = arith.constant 4 : i32
        %add3A_495 = arith.addi %add3A_493, %add3A_494 : i32
        %dma_start3A_496 = arith.constant 0 : i32
        %dma_start3A_497 = arith.constant 0 : i32
        %dma_start3A_498 = tpu.memref_slice %arg3[%add3A_495, %dma_start3A_496, %dma_start3A_497] : memref<5120x2x64xi32, #tpu.memory_space<hbm>> -> memref<1x2x64xi32, #tpu.memory_space<hbm>>
        %dma_start3A_499 = tpu.memref_squeeze %dma_start3A_498 : memref<1x2x64xi32, #tpu.memory_space<hbm>> -> memref<2x64xi32, #tpu.memory_space<hbm>>
        %dma_start3A_500 = arith.constant 0 : i32
        %dma_start3A_501 = arith.constant 0 : i32
        %dma_start3A_502 = tpu.memref_slice %arg3[%add3A_495, %dma_start3A_500, %dma_start3A_501] : memref<5120x2x64xi32, #tpu.memory_space<hbm>> -> memref<1x2x64xi32, #tpu.memory_space<hbm>>
        %dma_start3A_503 = tpu.memref_squeeze %dma_start3A_502 : memref<1x2x64xi32, #tpu.memory_space<hbm>> -> memref<2x64xi32, #tpu.memory_space<hbm>>
        tpu.enqueue_dma source(%dma_start3A_503 : memref<2x64xi32, #tpu.memory_space<hbm>>) target(%arg8 : memref<2x64xi32, #tpu.memory_space<vmem>>) target_semaphore(%arg24 : memref<!tpu.dma_semaphore, #tpu.memory_space<semaphore_mem>>)
      } else {
      }
      %add3A_472 = arith.constant 3 : i32
      %add3A_473 = arith.addi %add3A_460, %add3A_472 : i32
      %lt3A_474 = arith.cmpi slt, %add3A_473, %select_n3A : i32
      %convert_element_type3A_475 = arith.extui %lt3A_474 : i1 to i32
      %cond3A_476 = arith.constant 0 : i32
      %cond3A_477 = arith.cmpi ne, %convert_element_type3A_475, %cond3A_476 : i32
      scf.if %cond3A_477 {
        %add3A_493 = arith.addi %select_n3A_21, %add3A_460 : i32
        %add3A_494 = arith.constant 3 : i32
        %add3A_495 = arith.addi %add3A_493, %add3A_494 : i32
        %dma_wait3A_496 = arith.constant 0 : i32
        %dma_wait3A_497 = arith.constant 0 : i32
        %dma_wait3A_498 = tpu.memref_slice %arg3[%add3A_495, %dma_wait3A_496, %dma_wait3A_497] : memref<5120x2x64xi32, #tpu.memory_space<hbm>> -> memref<1x2x64xi32, #tpu.memory_space<hbm>>
        %dma_wait3A_499 = tpu.memref_squeeze %dma_wait3A_498 : memref<1x2x64xi32, #tpu.memory_space<hbm>> -> memref<2x64xi32, #tpu.memory_space<hbm>>
        %dma_wait3A_500 = arith.constant 0 : i32
        %dma_wait3A_501 = arith.constant 0 : i32
        %dma_wait3A_502 = tpu.memref_slice %arg3[%add3A_495, %dma_wait3A_500, %dma_wait3A_501] : memref<5120x2x64xi32, #tpu.memory_space<hbm>> -> memref<1x2x64xi32, #tpu.memory_space<hbm>>
        %dma_wait3A_503 = tpu.memref_squeeze %dma_wait3A_502 : memref<1x2x64xi32, #tpu.memory_space<hbm>> -> memref<2x64xi32, #tpu.memory_space<hbm>>
        tpu.wait_dma2 semaphore(%arg23 : memref<!tpu.dma_semaphore, #tpu.memory_space<semaphore_mem>>) src(%dma_wait3A_503 : memref<2x64xi32, #tpu.memory_space<hbm>>) dst(%arg7 : memref<2x64xi32, #tpu.memory_space<vmem>>)
        %dma_start3A_504 = arith.constant 0 : i32
        %dma_start3A_505 = arith.constant 0 : i32
        %dma_start3A_506 = tpu.memref_slice %arg7[%dma_start3A_504, %dma_start3A_505] : memref<2x64xi32, #tpu.memory_space<vmem>> -> memref<1x64xi32, #tpu.memory_space<vmem>>
        %dma_start3A_507 = tpu.memref_squeeze %dma_start3A_506 : memref<1x64xi32, #tpu.memory_space<vmem>> -> memref<64xi32, #tpu.memory_space<vmem>>
        %dma_start3A_508 = arith.constant 0 : i32
        %dma_start3A_509 = arith.constant 0 : i32
        %dma_start3A_510 = tpu.memref_slice %arg2[%dma_start3A_508, %dma_start3A_509] : memref<10240x128xf32, #tpu.memory_space<hbm>> -> memref<10240x128xf32, #tpu.memory_space<hbm>>
        tpu.enqueue_indirect_dma source(%dma_start3A_510 : memref<10240x128xf32, #tpu.memory_space<hbm>>) target(%arg17 : memref<64x128xf32, #tpu.memory_space<vmem>>) offsets(%dma_start3A_507 : memref<64xi32, #tpu.memory_space<vmem>>) semaphore(%arg33 : memref<!tpu.dma_semaphore, #tpu.memory_space<semaphore_mem>>)
      } else {
      }
      %dma_wait3A_478 = arith.constant 0 : i32
      %dma_wait3A_479 = arith.constant 0 : i32
      %dma_wait3A_480 = tpu.memref_slice %arg14[%dma_wait3A_478, %dma_wait3A_479] : memref<2x64xi32, #tpu.memory_space<vmem>> -> memref<1x64xi32, #tpu.memory_space<vmem>>
      %dma_wait3A_481 = tpu.memref_squeeze %dma_wait3A_480 : memref<1x64xi32, #tpu.memory_space<vmem>> -> memref<64xi32, #tpu.memory_space<vmem>>
      %dma_wait3A_482 = arith.constant 0 : i32
      %dma_wait3A_483 = arith.constant 0 : i32
      %dma_wait3A_484 = tpu.memref_slice %arg2[%dma_wait3A_482, %dma_wait3A_483] : memref<10240x128xf32, #tpu.memory_space<hbm>> -> memref<10240x128xf32, #tpu.memory_space<hbm>>
      tpu.wait_indirect_dma semaphore(%arg35 : memref<!tpu.dma_semaphore, #tpu.memory_space<semaphore_mem>>) src(%dma_wait3A_484 : memref<10240x128xf32, #tpu.memory_space<hbm>>) dst(%arg19 : memref<64x128xf32, #tpu.memory_space<vmem>>)
      %dma_start3A_485 = arith.constant 1 : i32
      %dma_start3A_486 = arith.constant 0 : i32
      %dma_start3A_487 = tpu.memref_slice %arg14[%dma_start3A_485, %dma_start3A_486] : memref<2x64xi32, #tpu.memory_space<vmem>> -> memref<1x64xi32, #tpu.memory_space<vmem>>
      %dma_start3A_488 = tpu.memref_squeeze %dma_start3A_487 : memref<1x64xi32, #tpu.memory_space<vmem>> -> memref<64xi32, #tpu.memory_space<vmem>>
      %dma_start3A_489 = arith.constant 0 : i32
      %dma_start3A_490 = arith.constant 0 : i32
      %dma_start3A_491 = tpu.memref_slice %arg20[%dma_start3A_489, %dma_start3A_490] : memref<10240x128xf32, #tpu.memory_space<vmem_shared>> -> memref<10240x128xf32, #tpu.memory_space<vmem_shared>>
      tpu.enqueue_indirect_dma source(%arg19 : memref<64x128xf32, #tpu.memory_space<vmem>>) target(%dma_start3A_491 : memref<10240x128xf32, #tpu.memory_space<vmem_shared>>) offsets(%dma_start3A_488 : memref<64xi32, #tpu.memory_space<vmem>>) semaphore(%arg40 : memref<!tpu.dma_semaphore, #tpu.memory_space<semaphore_mem>>) {add = true}
      %while3A_492 = arith.constant 0 : i32
      scf.yield %while3A_492 : i32
    }
    %dma_wait3A_140 = arith.constant 1 : i32
    %dma_wait3A_141 = arith.constant 0 : i32
    %dma_wait3A_142 = tpu.memref_slice %arg13[%dma_wait3A_140, %dma_wait3A_141] : memref<2x64xi32, #tpu.memory_space<vmem>> -> memref<1x64xi32, #tpu.memory_space<vmem>>
    %dma_wait3A_143 = tpu.memref_squeeze %dma_wait3A_142 : memref<1x64xi32, #tpu.memory_space<vmem>> -> memref<64xi32, #tpu.memory_space<vmem>>
    %dma_wait3A_144 = arith.constant 0 : i32
    %dma_wait3A_145 = arith.constant 0 : i32
    %dma_wait3A_146 = tpu.memref_slice %arg20[%dma_wait3A_144, %dma_wait3A_145] : memref<10240x128xf32, #tpu.memory_space<vmem_shared>> -> memref<10240x128xf32, #tpu.memory_space<vmem_shared>>
    tpu.wait_indirect_dma semaphore(%arg39 : memref<!tpu.dma_semaphore, #tpu.memory_space<semaphore_mem>>) src(%arg18 : memref<64x128xf32, #tpu.memory_space<vmem>>) dst(%dma_wait3A_146 : memref<10240x128xf32, #tpu.memory_space<vmem_shared>>)
    %dma_wait3A_147 = arith.constant 1 : i32
    %dma_wait3A_148 = arith.constant 0 : i32
    %dma_wait3A_149 = tpu.memref_slice %arg14[%dma_wait3A_147, %dma_wait3A_148] : memref<2x64xi32, #tpu.memory_space<vmem>> -> memref<1x64xi32, #tpu.memory_space<vmem>>
    %dma_wait3A_150 = tpu.memref_squeeze %dma_wait3A_149 : memref<1x64xi32, #tpu.memory_space<vmem>> -> memref<64xi32, #tpu.memory_space<vmem>>
    %dma_wait3A_151 = arith.constant 0 : i32
    %dma_wait3A_152 = arith.constant 0 : i32
    %dma_wait3A_153 = tpu.memref_slice %arg20[%dma_wait3A_151, %dma_wait3A_152] : memref<10240x128xf32, #tpu.memory_space<vmem_shared>> -> memref<10240x128xf32, #tpu.memory_space<vmem_shared>>
    tpu.wait_indirect_dma semaphore(%arg40 : memref<!tpu.dma_semaphore, #tpu.memory_space<semaphore_mem>>) src(%arg19 : memref<64x128xf32, #tpu.memory_space<vmem>>) dst(%dma_wait3A_153 : memref<10240x128xf32, #tpu.memory_space<vmem_shared>>)
    %barrier3A_154 = arith.constant 0 : index
    tpu.barrier barrier_id(%barrier3A_154)
    %scan3A_155 = arith.constant 0 : i32
    %scan3A_156 = arith.constant 0 : i32
    %scan3A_157 = arith.constant 10 : i32
    %scan3A_158 = arith.addi %scan3A_156, %scan3A_157 : i32
    %scan3A_159 = arith.constant 1 : i32
    %scan3A_160 = scf.for %scan3A_162 = %scan3A_156 to %scan3A_158 step %scan3A_159 iter_args(%scan3A_163 = %scan3A_155) -> (i32)  : i32 {
      %mul3A_164 = arith.constant 640 : i32
      %mul3A_165 = arith.muli %arg1, %mul3A_164 : i32
      %mul3A_166 = arith.constant 64 : i32
      %mul3A_167 = arith.muli %scan3A_162, %mul3A_166 : i32
      %add3A_168 = arith.addi %mul3A_165, %mul3A_167 : i32
      %mul3A_169 = arith.constant 10240 : i32
      %mul3A_170 = arith.muli %arg0, %mul3A_169 : i32
      %mul3A_171 = arith.constant 640 : i32
      %mul3A_172 = arith.muli %arg1, %mul3A_171 : i32
      %add3A_173 = arith.addi %mul3A_170, %mul3A_172 : i32
      %mul3A_174 = arith.constant 64 : i32
      %mul3A_175 = arith.muli %scan3A_162, %mul3A_174 : i32
      %add3A_176 = arith.addi %add3A_173, %mul3A_175 : i32
      "tpu.region"() ({
        %run_scoped3A = tpu.sem_alloc : memref<!tpu.dma_semaphore, #tpu.memory_space<semaphore_mem>>
        %dma_start3A_178 = arith.constant 0 : i32
        %dma_start3A_179 = tpu.memref_slice %arg4[%add3A_176, %dma_start3A_178] : memref<20480x128xf32, #tpu.memory_space<hbm>> -> memref<64x128xf32, #tpu.memory_space<hbm>>
        %dma_start3A_180 = arith.constant 0 : i32
        %dma_start3A_181 = tpu.memref_slice %arg20[%add3A_168, %dma_start3A_180] : memref<10240x128xf32, #tpu.memory_space<vmem_shared>> -> memref<64x128xf32, #tpu.memory_space<vmem_shared>>
        tpu.enqueue_dma source(%dma_start3A_181 : memref<64x128xf32, #tpu.memory_space<vmem_shared>>) target(%dma_start3A_179 : memref<64x128xf32, #tpu.memory_space<hbm>>) target_semaphore(%run_scoped3A : memref<!tpu.dma_semaphore, #tpu.memory_space<semaphore_mem>>)
        %dma_wait3A_182 = arith.constant 0 : i32
        %dma_wait3A_183 = tpu.memref_slice %arg4[%add3A_176, %dma_wait3A_182] : memref<20480x128xf32, #tpu.memory_space<hbm>> -> memref<64x128xf32, #tpu.memory_space<hbm>>
        %dma_wait3A_184 = arith.constant 0 : i32
        %dma_wait3A_185 = tpu.memref_slice %arg20[%add3A_168, %dma_wait3A_184] : memref<10240x128xf32, #tpu.memory_space<vmem_shared>> -> memref<64x128xf32, #tpu.memory_space<vmem_shared>>
        tpu.wait_dma2 semaphore(%run_scoped3A : memref<!tpu.dma_semaphore, #tpu.memory_space<semaphore_mem>>) src(%dma_wait3A_185 : memref<64x128xf32, #tpu.memory_space<vmem_shared>>) dst(%dma_wait3A_183 : memref<64x128xf32, #tpu.memory_space<hbm>>)
        tpu.yield
      }) : () -> ()
      %scan3A_177 = arith.constant 0 : i32
      scf.yield %scan3A_177 : i32
    }
    %scan3A_161 = arith.constant 10 : i32
    return
  }
}

module attributes {stable_mosaic.version = 14 : i64} {
  func.func @_t1_body(%arg0: i32, %arg1: memref<1024x128xf32, #tpu.memory_space<vmem>>, %arg2: memref<1024x2xf32, #tpu.memory_space<vmem>>, %arg3: memref<1024x128xf32, #tpu.memory_space<vmem>>, %arg4: memref<1024x1xf32, #tpu.memory_space<vmem>>) attributes {dimension_semantics = [#tpu.dimension_semantics<arbitrary>], iteration_bounds = array<i64: 10>, scalar_prefetch = 0 : i64, scratch_operands = 0 : i64, tpu.core_type = #tpu.core_type<tc>, window_params = [{transform_indices = @transform_0, window_bounds = array<i64: 1024, 128>}, {transform_indices = @transform_1, window_bounds = array<i64: 1024, 2>}, {transform_indices = @transform_2, window_bounds = array<i64: 1024, 128>}, {transform_indices = @transform_3, window_bounds = array<i64: 1024, 1>}]} {
    %get3A = arith.constant 0 : index
    %get3A_0 = arith.constant 0 : index
    %get3A_1 = vector.load %arg2[%get3A, %get3A_0] : memref<1024x2xf32, #tpu.memory_space<vmem>>, vector<1024x2xf32>
    %reduce_sum3A = arith.constant dense<0.000000e+00> : vector<1024xf32>
    %reduce_sum3A_2 = vector.multi_reduction <add>, %get3A_1, %reduce_sum3A [1] : vector<1024x2xf32> to vector<1024xf32>
    %broadcast_in_dim3A = vector.shape_cast %reduce_sum3A_2 : vector<1024xf32> to vector<1024x1xf32>
    %add3A = arith.constant 1.000000e+00 : f32
    %add3A_3 = vector.broadcast %add3A : f32 to vector<1024x1xf32>
    %add3A_4 = arith.addf %broadcast_in_dim3A, %add3A_3 : vector<1024x1xf32>
    %rsqrt3A = math.rsqrt %add3A_4 : vector<1024x1xf32>
    %swap3A = arith.constant 0 : index
    %swap3A_5 = arith.constant 0 : index
    %swap3A_6 = vector.load %arg4[%swap3A, %swap3A_5] : memref<1024x1xf32, #tpu.memory_space<vmem>>, vector<1024x1xf32>
    tpu.vector_store %arg4[%swap3A, %swap3A_5], %rsqrt3A {strides = array<i32>} : memref<1024x1xf32, #tpu.memory_space<vmem>>, vector<1024x1xf32>,
    %get3A_7 = arith.constant 0 : index
    %get3A_8 = arith.constant 0 : index
    %get3A_9 = vector.load %arg1[%get3A_7, %get3A_8] : memref<1024x128xf32, #tpu.memory_space<vmem>>, vector<1024x128xf32>
    %mul3A = vector.broadcast %rsqrt3A : vector<1024x1xf32> to vector<1024x128xf32>
    %mul3A_10 = arith.mulf %get3A_9, %mul3A : vector<1024x128xf32>
    %swap3A_11 = arith.constant 0 : index
    %swap3A_12 = arith.constant 0 : index
    %swap3A_13 = vector.load %arg3[%swap3A_11, %swap3A_12] : memref<1024x128xf32, #tpu.memory_space<vmem>>, vector<1024x128xf32>
    tpu.vector_store %arg3[%swap3A_11, %swap3A_12], %mul3A_10 {strides = array<i32>} : memref<1024x128xf32, #tpu.memory_space<vmem>>, vector<1024x128xf32>,
    return
  }
  func.func @transform_0(%arg0: i32) -> (i32, i32) {
    %c0_i32 = arith.constant 0 : i32
    %c0_i32_0 = arith.constant 0 : i32
    return %arg0, %c0_i32 : i32, i32
  }
  func.func @transform_1(%arg0: i32) -> (i32, i32) {
    %c0_i32 = arith.constant 0 : i32
    %c0_i32_0 = arith.constant 0 : i32
    return %arg0, %c0_i32 : i32, i32
  }
  func.func @transform_2(%arg0: i32) -> (i32, i32) {
    %c0_i32 = arith.constant 0 : i32
    %c0_i32_0 = arith.constant 0 : i32
    return %arg0, %c0_i32 : i32, i32
  }
  func.func @transform_3(%arg0: i32) -> (i32, i32) {
    %c0_i32 = arith.constant 0 : i32
    %c0_i32_0 = arith.constant 0 : i32
    return %arg0, %c0_i32 : i32, i32
  }
}

module attributes {stable_mosaic.version = 14 : i64} {
  func.func @_t2_body(%arg0: i32, %arg1: memref<1024x128xf32, #tpu.memory_space<vmem>>, %arg2: memref<1024x128xf32, #tpu.memory_space<vmem>>, %arg3: memref<1024x128xf32, #tpu.memory_space<vmem>>, %arg4: memref<1024x1xf32, #tpu.memory_space<vmem>>, %arg5: memref<128x256xf32, #tpu.memory_space<vmem>>, %arg6: memref<1x256xf32, #tpu.memory_space<vmem>>, %arg7: memref<256x128xf32, #tpu.memory_space<vmem>>, %arg8: memref<1024x128xf32, #tpu.memory_space<vmem>>) attributes {dimension_semantics = [#tpu.dimension_semantics<arbitrary>], iteration_bounds = array<i64: 10>, scalar_prefetch = 0 : i64, scratch_operands = 0 : i64, tpu.core_type = #tpu.core_type<tc>, window_params = [{transform_indices = @transform_0, window_bounds = array<i64: 1024, 128>}, {transform_indices = @transform_1, window_bounds = array<i64: 1024, 128>}, {transform_indices = @transform_2, window_bounds = array<i64: 1024, 128>}, {transform_indices = @transform_3, window_bounds = array<i64: 1024, 1>}, {pipeline_mode = #tpu.pipeline_mode<synchronous>, transform_indices = @transform_4, window_bounds = array<i64: 128, 256>}, {pipeline_mode = #tpu.pipeline_mode<synchronous>, transform_indices = @transform_5, window_bounds = array<i64: 1, 256>}, {pipeline_mode = #tpu.pipeline_mode<synchronous>, transform_indices = @transform_6, window_bounds = array<i64: 256, 128>}, {transform_indices = @transform_7, window_bounds = array<i64: 1024, 128>}]} {
    %get3A = arith.constant 0 : index
    %get3A_0 = arith.constant 0 : index
    %get3A_1 = vector.load %arg1[%get3A, %get3A_0] : memref<1024x128xf32, #tpu.memory_space<vmem>>, vector<1024x128xf32>
    %get3A_2 = arith.constant 0 : index
    %get3A_3 = arith.constant 0 : index
    %get3A_4 = vector.load %arg2[%get3A_2, %get3A_3] : memref<1024x128xf32, #tpu.memory_space<vmem>>, vector<1024x128xf32>
    %add3A = arith.addf %get3A_1, %get3A_4 : vector<1024x128xf32>
    %get3A_5 = arith.constant 0 : index
    %get3A_6 = arith.constant 0 : index
    %get3A_7 = vector.load %arg3[%get3A_5, %get3A_6] : memref<1024x128xf32, #tpu.memory_space<vmem>>, vector<1024x128xf32>
    %add3A_8 = arith.addf %add3A, %get3A_7 : vector<1024x128xf32>
    %get3A_9 = arith.constant 0 : index
    %get3A_10 = arith.constant 0 : index
    %get3A_11 = vector.load %arg4[%get3A_9, %get3A_10] : memref<1024x1xf32, #tpu.memory_space<vmem>>, vector<1024x1xf32>
    %mul3A = vector.broadcast %get3A_11 : vector<1024x1xf32> to vector<1024x128xf32>
    %mul3A_12 = arith.mulf %add3A_8, %mul3A : vector<1024x128xf32>
    %get3A_13 = arith.constant 0 : index
    %get3A_14 = arith.constant 0 : index
    %get3A_15 = vector.load %arg5[%get3A_13, %get3A_14] : memref<128x256xf32, #tpu.memory_space<vmem>>, vector<128x256xf32>
    %dot_general3A = arith.constant dense<0.000000e+00> : vector<1024x256xf32>
    %dot_general3A_16 = tpu.matmul %mul3A_12, %get3A_15, %dot_general3A {dimension_numbers = #tpu.dot_dimension_numbers<[1], [0], [0], [1], [0, 0, 1, 1], [], []>, transpose_lhs_hint = false} : vector<1024x128xf32>, vector<128x256xf32>, vector<1024x256xf32> -> vector<1024x256xf32>
    %get3A_17 = arith.constant 0 : index
    %get3A_18 = arith.constant 0 : index
    %get3A_19 = vector.load %arg6[%get3A_17, %get3A_18] : memref<1x256xf32, #tpu.memory_space<vmem>>, vector<1x256xf32>
    %add3A_20 = vector.broadcast %get3A_19 : vector<1x256xf32> to vector<1024x256xf32>
    %add3A_21 = arith.addf %dot_general3A_16, %add3A_20 : vector<1024x256xf32>
    %max3A = arith.constant 0.000000e+00 : f32
    %max3A_22 = vector.broadcast %max3A : f32 to vector<1024x256xf32>
    %max3A_23 = arith.maximumf %add3A_21, %max3A_22 : vector<1024x256xf32>
    %get3A_24 = arith.constant 0 : index
    %get3A_25 = arith.constant 0 : index
    %get3A_26 = vector.load %arg7[%get3A_24, %get3A_25] : memref<256x128xf32, #tpu.memory_space<vmem>>, vector<256x128xf32>
    %dot_general3A_27 = arith.constant dense<0.000000e+00> : vector<1024x128xf32>
    %dot_general3A_28 = tpu.matmul %max3A_23, %get3A_26, %dot_general3A_27 {dimension_numbers = #tpu.dot_dimension_numbers<[1], [0], [0], [1], [0, 0, 1, 1], [], []>, transpose_lhs_hint = false} : vector<1024x256xf32>, vector<256x128xf32>, vector<1024x128xf32> -> vector<1024x128xf32>
    %get3A_29 = arith.constant 0 : index
    %get3A_30 = arith.constant 0 : index
    %get3A_31 = vector.load %arg4[%get3A_29, %get3A_30] : memref<1024x1xf32, #tpu.memory_space<vmem>>, vector<1024x1xf32>
    %mul3A_32 = vector.broadcast %get3A_31 : vector<1024x1xf32> to vector<1024x128xf32>
    %mul3A_33 = arith.mulf %dot_general3A_28, %mul3A_32 : vector<1024x128xf32>
    %swap3A = arith.constant 0 : index
    %swap3A_34 = arith.constant 0 : index
    %swap3A_35 = vector.load %arg8[%swap3A, %swap3A_34] : memref<1024x128xf32, #tpu.memory_space<vmem>>, vector<1024x128xf32>
    tpu.vector_store %arg8[%swap3A, %swap3A_34], %mul3A_33 {strides = array<i32>} : memref<1024x128xf32, #tpu.memory_space<vmem>>, vector<1024x128xf32>,
    return
  }
  func.func @transform_0(%arg0: i32) -> (i32, i32) {
    %c0_i32 = arith.constant 0 : i32
    %c0_i32_0 = arith.constant 0 : i32
    return %arg0, %c0_i32 : i32, i32
  }
  func.func @transform_1(%arg0: i32) -> (i32, i32) {
    %c0_i32 = arith.constant 0 : i32
    %c0_i32_0 = arith.constant 0 : i32
    return %arg0, %c0_i32 : i32, i32
  }
  func.func @transform_2(%arg0: i32) -> (i32, i32) {
    %c0_i32 = arith.constant 0 : i32
    %c0_i32_0 = arith.constant 0 : i32
    return %arg0, %c0_i32 : i32, i32
  }
  func.func @transform_3(%arg0: i32) -> (i32, i32) {
    %c0_i32 = arith.constant 0 : i32
    %c0_i32_0 = arith.constant 0 : i32
    return %arg0, %c0_i32 : i32, i32
  }
  func.func @transform_4(%arg0: i32) -> (i32, i32) {
    %c0_i32 = arith.constant 0 : i32
    %c0_i32_0 = arith.constant 0 : i32
    %c0_i32_1 = arith.constant 0 : i32
    return %c0_i32, %c0_i32_0 : i32, i32
  }
  func.func @transform_5(%arg0: i32) -> (i32, i32) {
    %c0_i32 = arith.constant 0 : i32
    %c0_i32_0 = arith.constant 0 : i32
    %c0_i32_1 = arith.constant 0 : i32
    return %c0_i32, %c0_i32_0 : i32, i32
  }
  func.func @transform_6(%arg0: i32) -> (i32, i32) {
    %c0_i32 = arith.constant 0 : i32
    %c0_i32_0 = arith.constant 0 : i32
    %c0_i32_1 = arith.constant 0 : i32
    return %c0_i32, %c0_i32_0 : i32, i32
  }
  func.func @transform_7(%arg0: i32) -> (i32, i32) {
    %c0_i32 = arith.constant 0 : i32
    %c0_i32_0 = arith.constant 0 : i32
    return %arg0, %c0_i32 : i32, i32
  }
}

module attributes {stable_mosaic.version = 14 : i64} {
  func.func @_t3_body(%arg0: i32, %arg1: memref<1024x128xf32, #tpu.memory_space<vmem>>, %arg2: memref<1024x128xf32, #tpu.memory_space<vmem>>, %arg3: memref<1024x128xf32, #tpu.memory_space<vmem>>, %arg4: memref<1024x1xf32, #tpu.memory_space<vmem>>, %arg5: memref<1x128xf32, #tpu.memory_space<vmem>>, %arg6: memref<1024x1xi32, #tpu.memory_space<vmem>>, %arg7: memref<64x128xf32, #tpu.memory_space<vmem>>, %arg8: memref<64x128xf32, #tpu.memory_space<vmem>>, %arg9: memref<64x128xf32, #tpu.memory_space<vmem>>) attributes {dimension_semantics = [#tpu.dimension_semantics<arbitrary>], iteration_bounds = array<i64: 10>, scalar_prefetch = 0 : i64, scratch_operands = 2 : i64, tpu.core_type = #tpu.core_type<tc>, window_params = [{transform_indices = @transform_0, window_bounds = array<i64: 1024, 128>}, {transform_indices = @transform_1, window_bounds = array<i64: 1024, 128>}, {transform_indices = @transform_2, window_bounds = array<i64: 1024, 128>}, {transform_indices = @transform_3, window_bounds = array<i64: 1024, 1>}, {pipeline_mode = #tpu.pipeline_mode<synchronous>, transform_indices = @transform_4, window_bounds = array<i64: 1, 128>}, {transform_indices = @transform_5, window_bounds = array<i64: 1024, 1>}, {pipeline_mode = #tpu.pipeline_mode<synchronous>, transform_indices = @transform_6, window_bounds = array<i64: 64, 128>}]} {
    %get3A = arith.constant 0 : index
    %get3A_0 = arith.constant 0 : index
    %get3A_1 = vector.load %arg1[%get3A, %get3A_0] : memref<1024x128xf32, #tpu.memory_space<vmem>>, vector<1024x128xf32>
    %get3A_2 = arith.constant 0 : index
    %get3A_3 = arith.constant 0 : index
    %get3A_4 = vector.load %arg2[%get3A_2, %get3A_3] : memref<1024x128xf32, #tpu.memory_space<vmem>>, vector<1024x128xf32>
    %add3A = arith.addf %get3A_1, %get3A_4 : vector<1024x128xf32>
    %get3A_5 = arith.constant 0 : index
    %get3A_6 = arith.constant 0 : index
    %get3A_7 = vector.load %arg3[%get3A_5, %get3A_6] : memref<1024x128xf32, #tpu.memory_space<vmem>>, vector<1024x128xf32>
    %add3A_8 = arith.addf %add3A, %get3A_7 : vector<1024x128xf32>
    %get3A_9 = arith.constant 0 : index
    %get3A_10 = arith.constant 0 : index
    %get3A_11 = vector.load %arg4[%get3A_9, %get3A_10] : memref<1024x1xf32, #tpu.memory_space<vmem>>, vector<1024x1xf32>
    %mul3A = vector.broadcast %get3A_11 : vector<1024x1xf32> to vector<1024x128xf32>
    %mul3A_12 = arith.mulf %add3A_8, %mul3A : vector<1024x128xf32>
    %get3A_13 = arith.constant 0 : index
    %get3A_14 = arith.constant 0 : index
    %get3A_15 = vector.load %arg5[%get3A_13, %get3A_14] : memref<1x128xf32, #tpu.memory_space<vmem>>, vector<1x128xf32>
    %add3A_16 = vector.broadcast %get3A_15 : vector<1x128xf32> to vector<1024x128xf32>
    %add3A_17 = arith.addf %mul3A_12, %add3A_16 : vector<1024x128xf32>
    %get3A_18 = arith.constant 0 : index
    %get3A_19 = arith.constant 0 : index
    %get3A_20 = vector.load %arg6[%get3A_18, %get3A_19] : memref<1024x1xi32, #tpu.memory_space<vmem>>, vector<1024x1xi32>
    %iota3A = tpu.iota {dimensions = array<i32: 1>} : vector<1024x64xi32>
    %eq3A = vector.broadcast %get3A_20 : vector<1024x1xi32> to vector<1024x64xi32>
    %eq3A_21 = arith.cmpi eq, %eq3A, %iota3A : vector<1024x64xi32>
    %convert_element_type3A = arith.extui %eq3A_21 : vector<1024x64xi1> to vector<1024x64xi32>
    %convert_element_type3A_22 = arith.sitofp %convert_element_type3A : vector<1024x64xi32> to vector<1024x64xf32>
    %dot_general3A = arith.constant dense<0.000000e+00> : vector<64x128xf32>
    %dot_general3A_23 = tpu.matmul %convert_element_type3A_22, %add3A_17, %dot_general3A {dimension_numbers = #tpu.dot_dimension_numbers<[0], [0], [1], [1], [0, 1, 1, 1], [], []>, transpose_lhs_hint = false} : vector<1024x64xf32>, vector<1024x128xf32>, vector<64x128xf32> -> vector<64x128xf32>
    %broadcast_in_dim3A = arith.constant 1.000000e+00 : f32
    %broadcast_in_dim3A_24 = vector.broadcast %broadcast_in_dim3A : f32 to vector<1024x128xf32>
    %dot_general3A_25 = arith.constant dense<0.000000e+00> : vector<64x128xf32>
    %dot_general3A_26 = tpu.matmul %convert_element_type3A_22, %broadcast_in_dim3A_24, %dot_general3A_25 {dimension_numbers = #tpu.dot_dimension_numbers<[0], [0], [1], [1], [0, 1, 1, 1], [], []>, transpose_lhs_hint = false} : vector<1024x64xf32>, vector<1024x128xf32>, vector<64x128xf32> -> vector<64x128xf32>
    %eq3A_27 = arith.constant 0 : i32
    %eq3A_28 = arith.cmpi eq, %arg0, %eq3A_27 : i32
    %convert_element_type3A_29 = arith.extui %eq3A_28 : i1 to i32
    %cond3A = arith.constant 0 : i32
    %cond3A_30 = arith.cmpi ne, %convert_element_type3A_29, %cond3A : i32
    scf.if %cond3A_30 {
      %broadcast_in_dim3A_49 = arith.constant 0.000000e+00 : f32
      %broadcast_in_dim3A_50 = vector.broadcast %broadcast_in_dim3A_49 : f32 to vector<64x128xf32>
      %swap3A_51 = arith.constant 0 : index
      %swap3A_52 = arith.constant 0 : index
      %swap3A_53 = vector.load %arg8[%swap3A_51, %swap3A_52] : memref<64x128xf32, #tpu.memory_space<vmem>>, vector<64x128xf32>
      tpu.vector_store %arg8[%swap3A_51, %swap3A_52], %broadcast_in_dim3A_50 {strides = array<i32>} : memref<64x128xf32, #tpu.memory_space<vmem>>, vector<64x128xf32>,
      %broadcast_in_dim3A_54 = arith.constant 0.000000e+00 : f32
      %broadcast_in_dim3A_55 = vector.broadcast %broadcast_in_dim3A_54 : f32 to vector<64x128xf32>
      %swap3A_56 = arith.constant 0 : index
      %swap3A_57 = arith.constant 0 : index
      %swap3A_58 = vector.load %arg9[%swap3A_56, %swap3A_57] : memref<64x128xf32, #tpu.memory_space<vmem>>, vector<64x128xf32>
      tpu.vector_store %arg9[%swap3A_56, %swap3A_57], %broadcast_in_dim3A_55 {strides = array<i32>} : memref<64x128xf32, #tpu.memory_space<vmem>>, vector<64x128xf32>,
    } else {
    }
    %get3A_31 = arith.constant 0 : index
    %get3A_32 = arith.constant 0 : index
    %get3A_33 = vector.load %arg8[%get3A_31, %get3A_32] : memref<64x128xf32, #tpu.memory_space<vmem>>, vector<64x128xf32>
    %add3A_34 = arith.addf %get3A_33, %dot_general3A_23 : vector<64x128xf32>
    %swap3A = arith.constant 0 : index
    %swap3A_35 = arith.constant 0 : index
    %swap3A_36 = vector.load %arg8[%swap3A, %swap3A_35] : memref<64x128xf32, #tpu.memory_space<vmem>>, vector<64x128xf32>
    tpu.vector_store %arg8[%swap3A, %swap3A_35], %add3A_34 {strides = array<i32>} : memref<64x128xf32, #tpu.memory_space<vmem>>, vector<64x128xf32>,
    %get3A_37 = arith.constant 0 : index
    %get3A_38 = arith.constant 0 : index
    %get3A_39 = vector.load %arg9[%get3A_37, %get3A_38] : memref<64x128xf32, #tpu.memory_space<vmem>>, vector<64x128xf32>
    %add3A_40 = arith.addf %get3A_39, %dot_general3A_26 : vector<64x128xf32>
    %swap3A_41 = arith.constant 0 : index
    %swap3A_42 = arith.constant 0 : index
    %swap3A_43 = vector.load %arg9[%swap3A_41, %swap3A_42] : memref<64x128xf32, #tpu.memory_space<vmem>>, vector<64x128xf32>
    tpu.vector_store %arg9[%swap3A_41, %swap3A_42], %add3A_40 {strides = array<i32>} : memref<64x128xf32, #tpu.memory_space<vmem>>, vector<64x128xf32>,
    %eq3A_44 = arith.constant 9 : i32
    %eq3A_45 = arith.cmpi eq, %arg0, %eq3A_44 : i32
    %convert_element_type3A_46 = arith.extui %eq3A_45 : i1 to i32
    %cond3A_47 = arith.constant 0 : i32
    %cond3A_48 = arith.cmpi ne, %convert_element_type3A_46, %cond3A_47 : i32
    scf.if %cond3A_48 {
      %get3A_49 = arith.constant 0 : index
      %get3A_50 = arith.constant 0 : index
      %get3A_51 = vector.load %arg8[%get3A_49, %get3A_50] : memref<64x128xf32, #tpu.memory_space<vmem>>, vector<64x128xf32>
      %get3A_52 = arith.constant 0 : index
      %get3A_53 = arith.constant 0 : index
      %get3A_54 = vector.load %arg9[%get3A_52, %get3A_53] : memref<64x128xf32, #tpu.memory_space<vmem>>, vector<64x128xf32>
      %max3A = arith.constant 1.000000e+00 : f32
      %max3A_55 = vector.broadcast %max3A : f32 to vector<64x128xf32>
      %max3A_56 = arith.maximumf %get3A_54, %max3A_55 : vector<64x128xf32>
      %div3A = arith.divf %get3A_51, %max3A_56 : vector<64x128xf32>
      %swap3A_57 = arith.constant 0 : index
      %swap3A_58 = arith.constant 0 : index
      %swap3A_59 = vector.load %arg7[%swap3A_57, %swap3A_58] : memref<64x128xf32, #tpu.memory_space<vmem>>, vector<64x128xf32>
      tpu.vector_store %arg7[%swap3A_57, %swap3A_58], %div3A {strides = array<i32>} : memref<64x128xf32, #tpu.memory_space<vmem>>, vector<64x128xf32>,
    } else {
    }
    return
  }
  func.func @transform_0(%arg0: i32) -> (i32, i32) {
    %c0_i32 = arith.constant 0 : i32
    %c0_i32_0 = arith.constant 0 : i32
    return %arg0, %c0_i32 : i32, i32
  }
  func.func @transform_1(%arg0: i32) -> (i32, i32) {
    %c0_i32 = arith.constant 0 : i32
    %c0_i32_0 = arith.constant 0 : i32
    return %arg0, %c0_i32 : i32, i32
  }
  func.func @transform_2(%arg0: i32) -> (i32, i32) {
    %c0_i32 = arith.constant 0 : i32
    %c0_i32_0 = arith.constant 0 : i32
    return %arg0, %c0_i32 : i32, i32
  }
  func.func @transform_3(%arg0: i32) -> (i32, i32) {
    %c0_i32 = arith.constant 0 : i32
    %c0_i32_0 = arith.constant 0 : i32
    return %arg0, %c0_i32 : i32, i32
  }
  func.func @transform_4(%arg0: i32) -> (i32, i32) {
    %c0_i32 = arith.constant 0 : i32
    %c0_i32_0 = arith.constant 0 : i32
    %c0_i32_1 = arith.constant 0 : i32
    return %c0_i32, %c0_i32_0 : i32, i32
  }
  func.func @transform_5(%arg0: i32) -> (i32, i32) {
    %c0_i32 = arith.constant 0 : i32
    %c0_i32_0 = arith.constant 0 : i32
    return %arg0, %c0_i32 : i32, i32
  }
  func.func @transform_6(%arg0: i32) -> (i32, i32) {
    %c0_i32 = arith.constant 0 : i32
    %c0_i32_0 = arith.constant 0 : i32
    %c0_i32_1 = arith.constant 0 : i32
    return %c0_i32, %c0_i32_0 : i32, i32
  }
}

</mosaic_0001>

<sc_bundles>
// kernel: kernel.11.cloned.1.call-start
scs
__scs_entry_jumppad:
0x0: {  	(pc) =	sbr.rel $0x88, $3  }
0x1: {  	(tag) =	ssettag $0x0;
	lr =	simm.s32 $0x1  }
0x2: {  	[smem:$0x3F99] =	sst lr;
	_ =	strace $0xD0000000  }
0x3: {  	_ = 	snop  }
0x4: {  	_ = 	snop  }
0x5: {  	_ = 	snop  }
0x6: {  	_ = 	snop  }
0x7: {  	_ = 	snop  }
__scs_overlays_trampoline_lowered:
0x8: {  	[smem:$0x3FA8] =	sst s0  }
0x9: {  	[smem:$0x3FA9] =	sst s1  }
0xa: {  	[smem:$0x3FAA] =	sst s2  }
0xb: {  	[smem:$0x3FAB] =	sst s3  }
0xc: {  	[smem:$0x3FAC] =	sst s4  }
0xd: {  	[smem:$0x3FAD] =	sst s5  }
0xe: {  	[smem:$0x3FAE] =	sst s6  }
0xf: {  	[smem:$0x3FAF] =	sst s7  }
0x10: {  	[smem:$0x3FB0] =	sst s8  }
0x11: {  	[smem:$0x3FB1] =	sst s9;
	s0 =	simm.s32 @!p0 $0x0  }
0x12: {  	s1 =	sld [smem:$0x3F97];
	s0 =	simm.s32 @p0 $0x1  }
0x13: {  	[smem:$0x3FB2] =	sst s0;
	s0 =	simm.s32 @!p1 $0x0  }
0x14: {  	s2 =	sld [smem:$0x3F96];
	s0 =	simm.s32 @p1 $0x1  }
0x15: {  	[smem:$0x3FB3] =	sst s0;
	s0 =	simm.s32 @!p2 $0x0  }
0x16: {  	s3 =	sld [smem:$0x3FDB];
	s0 =	simm.s32 @p2 $0x1  }
0x17: {  	s4 =	simm.s32 $0x1BF5;
	[smem:$0x3FB5] =	sst s0  }
0x18: {  	s0 =	sld [smem:$0x3F98];
	_ =	swait.ge [sflag:s4], $0x0  }
0x19: {  	s7 =	sld [smem:$0x3F99]  }
0x1a: {  	s8 =	sadd.s32 $0xFFFFE003, lr  }
0x1b: {  	s9 =	sadd.s32 $0xFFFFFEF7, lr;
	s5 =	simm.s32 $0xFFFFFFFF;
	p2 =	slt.u32 s8, $0xFFFFF086  }
0x1c: {  	p1 =	slt.u32 s9, $0xF7A;
	s5 =	simm.s32 @!p2 $0x0  }
0x1d: {  	s5 =	simm.s32 @p1 $0x1;
	p0 =	seq.s32 s7, s2  }
0x1e: {  	s7 =	smul.u32 @!p0 $0xF7A, s2;
	p2 =	seq.s32 @!p0 s5, $0x0  }
0x1f: {  	s9 =	smul.u32 $0xF7A, s1;
	s8 =	simm.s32 @!p0 $0x1BF5;
	p2 =	por !p2, p0  }
0x20: {  	[sflag:s8] =	ssyncset.s32 @!p0 $0xFFFFF086;
	s6 =	sadd.s32 @!p0 s3, s7;
	s7 =	simm.s32 @!p0 $0x108  }
0x21: {  	s3 =	sadd.s32 s3, s9;
	s6 =	sadd.s32 @!p0 $0x88, s6;
	s7 =	simm.s32 @p2 $0x1082  }
0x22: {  	[simem:s7], [sflag:s8] =	dma.local @!p0 [hbm:s6], $0xF7A  }
0x23: {  	s9 =	sor.u32 $0xD0000000, s2;
	s6 =	simm.s32 $0x108;
	_ =	swait.ge @!p0 [sflag:s8], $0x0  }
0x24: {  	s3 =	sadd.s32 $0x88, s3;
	s6 =	simm.s32 @!p1 $0x1082;
	[sflag:s4] =	ssyncset.s32 $0xFFFFF086  }
0x25: {  	[simem:s6], [sflag:s4] =	dma.local [hbm:s3], $0xF7A  }
0x26: {  	[smem:$0x3F99] =	sst s1;
	(tag) =	ssettag s2;
	_ =	strace s9  }
0x27: {  	s1 =	sld [smem:$0x3FA9]  }
0x28: {  	s2 =	sld [smem:$0x3FAA]  }
0x29: {  	s4 =	sld [smem:$0x3FAC]  }
0x2a: {  	p0 =	seq.s32 s5, $0x0;
	s5 =	sld [smem:$0x3FAD]  }
0x2b: {  	s6 =	sld [smem:$0x3FAE]  }
0x2c: {  	s7 =	sld [smem:$0x3FAF]  }
0x2d: {  	s3 =	simm.s32 $0x108;
	s8 =	sld [smem:$0x3FB0]  }
0x2e: {  	s3 =	simm.s32 @!p0 $0x1082;
	s9 =	sld [smem:$0x3FB1]  }
0x2f: {  	lr =	sadd.s32 s0, s3;
	s0 =	sld [smem:$0x3FA8]  }
0x30: {  	s3 =	sld [smem:$0x3FAB]  }
0x31: {  	[smem:$0x3FB4] =	sst s10  }
0x32: {  	s10 =	sld [smem:$0x3FB2];
	_ =	sdelay $0x3  }
0x33: {  	p0 =	seq.s32 s10, $0x1;
	s10 =	sld [smem:$0x3FB4];
	_ =	sdelay $0x3  }
0x34: {  	[smem:$0x3FB4] =	sst s10  }
0x35: {  	s10 =	sld [smem:$0x3FB3];
	_ =	sdelay $0x3  }
0x36: {  	p1 =	seq.s32 s10, $0x1;
	s10 =	sld [smem:$0x3FB4];
	_ =	sdelay $0x3  }
0x37: {  	[smem:$0x3FB4] =	sst s10  }
0x38: {  	s10 =	sld [smem:$0x3FB5]  }
0x39: {  	_ = 	snop;
	(pc) =	sbr.ind lr, $3  }
0x3a: {  	_ = 	snop  }
0x3b: {  	_ = 	snop  }
0x3c: {  	p2 =	seq.s32 s10, $0x1;
	s10 =	sld [smem:$0x3FB4]  }
0x3d: {  	_ =	shalt  }
0x3e: {  	_ =	shalt  }
0x3f: {  	_ =	shalt  }
0x40: {  	_ =	shalt  }
0x41: {  	_ =	shalt  }
0x42: {  	_ =	shalt  }
0x43: {  	_ =	shalt  }
0x44: {  	_ =	shalt  }
0x45: {  	_ =	shalt  }
0x46: {  	_ =	shalt  }
0x47: {  	_ =	shalt  }
0x48: {  	_ =	shalt  }
0x49: {  	_ =	shalt  }
0x4a: {  	_ =	shalt  }
0x4b: {  	_ =	shalt  }
0x4c: {  	_ =	shalt  }
0x4d: {  	_ =	shalt  }
0x4e: {  	_ =	shalt  }
0x4f: {  	_ =	shalt  }
0x50: {  	_ =	shalt  }
0x51: {  	_ =	shalt  }
0x52: {  	_ =	shalt  }
0x53: {  	_ =	shalt  }
0x54: {  	_ =	shalt  }
0x55: {  	_ =	shalt  }
0x56: {  	_ =	shalt  }
0x57: {  	_ =	shalt  }
0x58: {  	_ =	shalt  }
0x59: {  	_ =	shalt  }
0x5a: {  	_ =	shalt  }
0x5b: {  	_ =	shalt  }
0x5c: {  	_ =	shalt  }
0x5d: {  	_ =	shalt  }
0x5e: {  	_ =	shalt  }
0x5f: {  	_ =	shalt  }
0x60: {  	_ =	shalt  }
0x61: {  	_ =	shalt  }
0x62: {  	_ =	shalt  }
0x63: {  	_ =	shalt  }
0x64: {  	_ =	shalt  }
0x65: {  	_ =	shalt  }
0x66: {  	_ =	shalt  }
0x67: {  	_ =	shalt  }
0x68: {  	_ =	shalt  }
0x69: {  	_ =	shalt  }
0x6a: {  	_ =	shalt  }
0x6b: {  	_ =	shalt  }
0x6c: {  	_ =	shalt  }
0x6d: {  	_ =	shalt  }
0x6e: {  	_ =	shalt  }
0x6f: {  	_ =	shalt  }
0x70: {  	_ =	shalt  }
0x71: {  	_ =	shalt  }
0x72: {  	_ =	shalt  }
0x73: {  	_ =	shalt  }
0x74: {  	_ =	shalt  }
0x75: {  	_ =	shalt  }
0x76: {  	_ =	shalt  }
0x77: {  	_ =	shalt  }
0x78: {  	_ =	shalt  }
0x79: {  	_ =	shalt  }
0x7a: {  	_ =	shalt  }
0x7b: {  	_ =	shalt  }
0x7c: {  	_ =	shalt  }
0x7d: {  	_ =	shalt  }
0x7e: {  	_ =	shalt  }
0x7f: {  	_ =	shalt  }
0x80: {  	_ =	shalt  }
0x81: {  	_ =	shalt  }
0x82: {  	_ =	shalt  }
0x83: {  	_ =	shalt  }
0x84: {  	_ =	shalt  }
0x85: {  	_ =	shalt  }
0x86: {  	_ =	shalt  }
0x87: {  	_ =	shalt  }
.Lfunc_end0:
.L_simem_size_0:
called_computation.1_lowered:
.L_overlay_start_0:
0x88: {  	s2 =	sld [smem:$0x3FD9]  }
0x89: {  	s3 =	sld [smem:$0x3FFE];
	_ =	sdelay $0x1  }
0x8a: {  	s1 =	srdreg.scid  }
0x8b: {  	s0 =	sand.u32 $0x1, s1  }
0x8c: {  	s16 =	sshll.u32 s0, $0xA;
	s2 =	sadd.s32 s3, s2  }
0x8d: {  	s2 =	sadd.s32 s2, s16  }
0x8e: {  	[smem:$0x3FC0] =	sst s2  }
0x8f: {  	_ = 	snop  }
0x90: {  	(tm) =	ssettm $0x1  }
0x91: {  	s17 =	sld [smem:$0x3FFB];
	_ =	sdelay $0x3  }
0x92: {  	_ =	strace s17  }
0x93: {  	s2 =	sld [smem:$0x3FFC];
	_ =	sdelay $0x3  }
0x94: {  	_ =	strace s2  }
0x95: {  	s2 =	sld [smem:$0x3FFD];
	_ =	sdelay $0x3  }
0x96: {  	_ =	strace s2  }
0x97: {  	_ =	strace $0x8FFFFFFF  }
0x98: {  	s18 =	sld [smem:$0x3FDB];
	_ =	sdelay $0x1  }
0x99: {  	s19 =	simm.s32 $_scs_section_size  }
0x9a: {  	s4 =	simm.s32 $_size__tile_overlayer_lowered;
	s5 =	simm.s32 $_tile_overlayer_lowered  }
0x9b: {  	s22 =	simm.s32 $0x1BFF;
	s21 =	sshll.u32 s5, $0x1;
	s2 =	sadd.s32 s19, s18  }
0x9c: {  	s6 =	simm.s32 $0x0;
	s20 =	sshll.u32 s4, $0x1;
	s4 =	sadd.s32 s21, s2  }
0x9d: {  	[timem:s6], [sflag:s22] =	dma.local [hbm:s4], s20  }
0x9e: {  	_ =	swait.ge [sflag:s22], s20  }
0x9f: {  	s3 =	ssub.s32 $0x0, s20;
	[sflag:s22] =	ssyncset.done $0x0  }
0xa0: {  	[sflag:s22] =	ssyncadd.s32 s3;
	_ =	sdelay $0x1  }
0xa1: {  	s23 =	simm.s32 $0x1B8B  }
0xa2: {  	_ =	swait.ge [sflag:s23], $0x1  }
0xa3: {  	[sflag:s23] =	ssyncset.done $0x0  }
0xa4: {  	s25 =	simm.s32 $0x1B8E;
	s24 =	sld [smem:$0x3FFE];
	[sflag:s23] =	ssyncadd.s32 $0xFFFFFFFF  }
0xa5: {  	s26 =	simm.s32 $execute0_lowered;
	[smem:$0x3FD2] =	sst s25  }
0xa6: {  	s4 =	sshll.u32 s26, $0x1;
	_ =	strace $0x80000049;
	[dreg:$0x1] =	wrdreg $0xFFFFFFFF  }
0xa7: {  	s28 =	simm.s32 $_size_execute0_lowered;
	s2 =	sadd.s32 s2, s4;
	[dreg:$0x0] =	wrdreg $0x0  }
0xa8: {  	s4 =	sshll.u32 s28, $0x1;
	[dreg:$0x2] =	wrdreg s2  }
0xa9: {  	[dreg:$0x3] =	wrdreg s4  }
0xaa: {  	[dreg:$0x4] =	wrdreg $0xC0  }
0xab: {  	_ =	task [dreg:s6], $0x5FFFF  }
0xac: {  	[dreg:$0x1] =	wrdreg $0xFFFFFFFF  }
0xad: {  	[dreg:$0x0] =	wrdreg $0x60  }
0xae: {  	[dreg:$0x2] =	wrdreg s24  }
0xaf: {  	[dreg:$0x3] =	wrdreg $0xAA000  }
0xb0: {  	[dreg:$0x4] =	wrdreg $0x9  }
0xb1: {  	_ =	task.clear_ibuf [dreg:s6], $0x5FFFF;
	_ =	strace $0x90000049  }
0xb2: {  	s29 =	simm.s32 $0x9;
	_ =	strace $0x8000004B  }
0xb3: {  	_ =	swait.ge [sflag:s29], $0x1  }
0xb4: {  	[sflag:s29] =	ssyncadd.s32 $0xFFFFFFFF  }
0xb5: {  	_ =	strace $0x9000004B  }
0xb6: {  	_ =	sfence  }
0xb7: {  	s30 =	sld [smem:$0x0];
	_ =	sdelay $0x2  }
0xb8: {  	s31 =	sshll.u32 s1, $0xD;
	s1 =	sshrl.u32 s1, $0x2  }
0xb9: {  	s3 =	sand.u32 $0x4000, s31;
	s1 =	sadd.s32 s1, s30  }
0xba: {  	s0 =	sor.u32 s3, s0;
	s1 =	sshll.u32 s1, $0x11  }
0xbb: {  	s0 =	sor.u32 s1, s0  }
0xbc: {  	s0 =	sadd.s32 $0x8F2B, s0  }
0xbd: {  	[sflag:s0] =	ssyncadd.remote.s32 $0x1  }
0xbe: {  	_ =	sfence.sel $0xFFFF  }
0xbf: {  	[dreg:$0x0] =	wrdreg $0xFFFFFFFF;
	(pc) =	sbr.abs _section_cstart, $3  }
0xc0: {  	[dreg:$0x1] =	wrdreg $0xFFFFFFFF  }
0xc1: {  	_ =	task.clear_ibuf [dreg:s6], $0x2FFFF;
	_ =	strace $0x9FFFFFFF  }
0xc2: {  	(tm) =	ssettm $0x7FFFFFFF  }
0xc3: {  	_ =	shalt  }
tec
execute0_lowered:
.L_overlay_start_1:
0x0: {  	(tag) =	ssettag $0x1  }
0x1: {  	s0 =	rddreg [dreg:$0x0];
	s1 =	srdreg.scid  }
0x2: {  	s9 =	stileid.u32;
	s2 =	rddreg [dreg:$0x1]  }
0x3: {  	s3 =	simm.s32 $0x0;
	s20 =	simm.s32 $0x80;
	s21 =	simm.s32 $0x180  }
0x4: {  	s22 =	simm.s32 $0x280;
	s23 =	simm.s32 $0x380;
	[smem:$0x7FF] =	sst s3  }
0x5: {  	s4 =	smul.u32 $0x280, s9;
	_ =	strace $0x8000004A;
	[dreg:$0x8] =	wrdreg s20  }
0x6: {  	s1 =	sand.u32 $0x1, s1;
	s7 =	smul.u32 $0x14, s9;
	[dreg:$0x9] =	wrdreg s21  }
0x7: {  	s25 =	simm.s32 $0x480;
	s5 =	smul.u32 $0x2800, s1;
	[dreg:$0xa] =	wrdreg s22  }
0x8: {  	s8 =	ssub.s32 $0x2, s1;
	p0 =	seq.s32 s1, $0x0;
	[dreg:$0xb] =	wrdreg s23  }
0x9: {  	s1 =	sadd.s32 $0x12C0, s7;
	s11 =	sshrl.u32 s8, $0x1;
	s5 =	sadd.s32 s5, s4  }
0xa: {  	s4 =	sadd.s32 $0x2C000, s0;
	s7 =	ssub.s32 s8, s11;
	s6 =	sshll.u32 s5, $0x4  }
0xb: {  	s5 =	sadd.s32 $0x4000, s0;
	s0 =	sadd.s32 s6, s0;
	s6 =	smul.u32 $0x12C, s9  }
0xc: {  	[dreg:$0xc] =	wrdreg s25;
	s7 =	smax.u32 s7, $0x1;
	s9 =	smul.u32 $0x50000, s9  }
0xd: {  	[dreg:$0x17] =	wrdreg s7;
	s19 =	sadd.s32 $0x7C000, s0;
	s24 =	sadd.s32 $0x7C400, s0  }
0xe: {  	s26 =	sadd.s32 $0x7C800, s0;
	s1 =	smov.u32 @p0 s6;
	[dreg:$0x16] =	wrdreg s19  }
0xf: {  	s6 =	simm.s32 $0x12C;
	s9 =	sshrl.u32 s9, $0x2;
	[dreg:$0x19] =	wrdreg s24  }
0x10: {  	[dreg:$0x1a] =	wrdreg s26;
	s19 =	sadd.s32 $0x7E000, s0;
	s6 =	simm.s32 @!p0 $0x14  }
0x11: {  	s30 =	sadd.s32 s9, s2;
	s9 =	simm.s32 $0x580;
	[smem:$0x7F4] =	sst s19  }
0x12: {  	s14 =	sadd.s32 $0xFFFFFFF6, s6;
	[dreg:$0xd] =	wrdreg s9  }
0x13: {  	s15 =	sadd.s32 $0xFFFFFFF5, s6;
	[dreg:$0x3] =	wrdreg s14  }
0x14: {  	s12 =	sshll.u32 s1, $0x5;
	s16 =	sadd.s32 $0xFFFFFFF4, s6;
	[dreg:$0x4] =	wrdreg s15  }
0x15: {  	s11 =	sadd.s32 s5, s12;
	[dreg:$0x5] =	wrdreg s16  }
0x16: {  	s1 =	sshll.u32 s1, $0x8;
	s17 =	sadd.s32 $0xFFFFFFF3, s6;
	[dreg:$0x12] =	wrdreg s11  }
0x17: {  	s20 =	sadd.s32 $0xD00, s1;
	[dreg:$0x6] =	wrdreg s17  }
0x18: {  	s21 =	sadd.s32 $0x8000, s30;
	[smem:$0x7F6] =	sst s20  }
0x19: {  	s22 =	sadd.s32 $0xA000, s30;
	[smem:$0x7F7] =	sst s21  }
0x1a: {  	s23 =	sadd.s32 $0xC000, s30;
	[smem:$0x7F8] =	sst s22  }
0x1b: {  	s24 =	sadd.s32 $0xE000, s30;
	[smem:$0x7F9] =	sst s23  }
0x1c: {  	s7 =	simm.s32 $0xB;
	s25 =	sadd.s32 $0x10000, s30;
	[smem:$0x7FA] =	sst s24  }
0x1d: {  	s19 =	simm.s32 $0x13;
	s26 =	sadd.s32 $0x12000, s30;
	[smem:$0x7FB] =	sst s25  }
0x1e: {  	s10 =	smul.u32 $0x199A, s6;
	s29 =	sadd.s32 $0x4000, s30;
	[smem:$0x7FC] =	sst s26  }
0x1f: {  	s28 =	sadd.s32 $0x2000, s30;
	s31 =	sadd.s32 $0x6000, s30;
	[dreg:$0x18] =	wrdreg s29  }
0x20: {  	s9 =	simm.s32 $0xA00;
	s13 =	sadd.s32 $0x20, s11;
	[smem:$0x7FD] =	sst s31  }
0x21: {  	s12 =	sadd.s32 $0x40, s11;
	s11 =	sadd.s32 $0x60, s11;
	[dreg:$0x13] =	wrdreg s13  }
0x22: {  	s14 =	sadd.s32 $0x7D400, s0;
	s15 =	simm.s32 $0x880;
	[dreg:$0x14] =	wrdreg s12  }
0x23: {  	s16 =	sadd.s32 $0x7D800, s0;
	s17 =	simm.s32 $0x980;
	[dreg:$0x15] =	wrdreg s11  }
0x24: {  	s20 =	simm.s32 $0x4A00;
	s21 =	simm.s32 $0xC;
	[dreg:$0x1d] =	wrdreg s14  }
0x25: {  	s22 =	simm.s32 $0x10;
	s23 =	simm.s32 $0xD;
	[dreg:$0x1e] =	wrdreg s16  }
0x26: {  	s24 =	simm.s32 $0x11;
	s25 =	simm.s32 $0x12;
	[dreg:$0x10] =	wrdreg s15  }
0x27: {  	s10 =	sshrl.u32 s10, $0x10;
	s12 =	sadd.s32 $0x7D000, s0;
	[dreg:$0x11] =	wrdreg s17  }
0x28: {  	s11 =	simm.s32 $0x680;
	s13 =	simm.s32 $0x780;
	[dreg:$0x1c] =	wrdreg s12  }
0x29: {  	s16 =	simm.s32 $0x40;
	s17 =	simm.s32 $0x8A00;
	[dreg:$0xe] =	wrdreg s11  }
0x2a: {  	s14 =	simm.s32 $0x14;
	s18 =	ssub.s32 $0x0, s10;
	[dreg:$0xf] =	wrdreg s13  }
0x2b: {  	s10 =	sadd.s32 $0x7CC00, s0;
	s11 =	simm.s32 $0xE;
	[dreg:$0x7] =	wrdreg s18  }
0x2c: {  	s12 =	simm.s32 $0x6A00;
	[dreg:$0x1b] =	wrdreg s10;
	s18 =	sadd.s32 $0x7DC00, s0  }
0x2d: {  	s13 =	simm.s32 $0xF;
	s0 =	sadd.s32 $0x7E400, s0;
	[dreg:$0x1f] =	wrdreg s18  }
0x2e: {  	v0 =	vimm.f32 $0.0e+00;
	s10 =	simm.s32 $0x15;
	[smem:$0x7F5] =	sst s0;
	s18 =	simm.s32 $0x2A00  }
.LBB2_1:
0x2f: {  	s15 =	simm.s32 $0x0;
	s26 =	simm.s32 $0x200  }
.LBB2_2:
0x30: {  	p0 =	sne.s32 s26, $0x7E00;
	[tilespmem:s15+$0xA70] =	vst v0  }
0x31: {  	[tilespmem:s15+$0xA00] =	vst v0  }
0x32: {  	[tilespmem:s15+$0xA10] =	vst v0  }
.Ltmp0:
0x33: {  	[tilespmem:s15+$0xA20] =	vst v0;
	(pc) =	sbr.rel @p0 .LBB2_2-.Ltmp0, $4  }
0x34: {  	[tilespmem:s15+$0xA30] =	vst v0  }
0x35: {  	[tilespmem:s15+$0xA40] =	vst v0  }
0x36: {  	[tilespmem:s15+$0xA50] =	vst v0  }
0x37: {  	[tilespmem:s15+$0xA60] =	vst v0;
	s15 =	sshra.s32 s26, $0x2;
	s26 =	sadd.s32 $0x200, s26  }
0x38: {  	[tilespmem:s15+$0xA70] =	vst v0  }
0x39: {  	[tilespmem:s15+$0xA00] =	vst v0  }
0x3a: {  	[tilespmem:s15+$0xA10] =	vst v0  }
0x3b: {  	[tilespmem:s15+$0xA20] =	vst v0  }
0x3c: {  	[tilespmem:s15+$0xA30] =	vst v0  }
0x3d: {  	[tilespmem:s15+$0xA40] =	vst v0  }
0x3e: {  	[tilespmem:s15+$0xA50] =	vst v0  }
0x3f: {  	[tilespmem:s15+$0xA60] =	vst v0  }
0x40: {  	[spmem:s30] =	stream.linear.scatter [tilespmem:s9], [sflag:$0x15], $0x2000, $0x38;
	[tilespmem:$0x1EA00] =	vst v63  }
0x41: {  	_ =	swait.ge [sflag:s10], $0x2000  }
0x42: {  	[sflag:s10] =	ssyncset.done $0x0  }
0x43: {  	[sflag:s10] =	ssyncadd.s32 $0xFFFFE000  }
0x44: {  	[spmem:s28] =	stream.linear.scatter [tilespmem:s9], [sflag:$0x15], $0x2000, $0x38;
	[tilespmem:$0x1EA00] =	vst v63  }
0x45: {  	_ =	swait.ge [sflag:s10], $0x2000  }
0x46: {  	[sflag:s10] =	ssyncset.done $0x0  }
0x47: {  	[sflag:s10] =	ssyncadd.s32 $0xFFFFE000  }
0x48: {  	[spmem:s29] =	stream.linear.scatter [tilespmem:s9], [sflag:$0x15], $0x2000, $0x38;
	[tilespmem:$0x1EA00] =	vst v63  }
0x49: {  	_ =	swait.ge [sflag:s10], $0x2000  }
0x4a: {  	[sflag:s10] =	ssyncset.done $0x0  }
0x4b: {  	[sflag:s10] =	ssyncadd.s32 $0xFFFFE000  }
0x4c: {  	[spmem:s31] =	stream.linear.scatter [tilespmem:s9], [sflag:$0x15], $0x2000, $0x38;
	[tilespmem:$0x1EA00] =	vst v63  }
0x4d: {  	_ =	swait.ge [sflag:s10], $0x2000  }
0x4e: {  	s1 =	sld [smem:$0x7F7]  }
0x4f: {  	[sflag:s10] =	ssyncset.done $0x0  }
0x50: {  	[sflag:s10] =	ssyncadd.s32 $0xFFFFE000  }
0x51: {  	[spmem:s1] =	stream.linear.scatter [tilespmem:s9], [sflag:$0x15], $0x2000, $0x38;
	[tilespmem:$0x1EA00] =	vst v63  }
0x52: {  	_ =	swait.ge [sflag:s10], $0x2000  }
0x53: {  	s8 =	smov.u32 s30;
	s30 =	sld [smem:$0x7F8]  }
0x54: {  	[sflag:s10] =	ssyncset.done $0x0  }
0x55: {  	[sflag:s10] =	ssyncadd.s32 $0xFFFFE000  }
0x56: {  	[spmem:s30] =	stream.linear.scatter [tilespmem:s9], [sflag:$0x15], $0x2000, $0x38;
	[tilespmem:$0x1EA00] =	vst v63  }
0x57: {  	_ =	swait.ge [sflag:s10], $0x2000  }
0x58: {  	s31 =	sld [smem:$0x7F9]  }
0x59: {  	[sflag:s10] =	ssyncset.done $0x0  }
0x5a: {  	[sflag:s10] =	ssyncadd.s32 $0xFFFFE000  }
0x5b: {  	[spmem:s31] =	stream.linear.scatter [tilespmem:s9], [sflag:$0x15], $0x2000, $0x38;
	[tilespmem:$0x1EA00] =	vst v63  }
0x5c: {  	_ =	swait.ge [sflag:s10], $0x2000  }
0x5d: {  	s15 =	sld [smem:$0x7FA]  }
0x5e: {  	[sflag:s10] =	ssyncset.done $0x0  }
0x5f: {  	[sflag:s10] =	ssyncadd.s32 $0xFFFFE000  }
0x60: {  	[spmem:s15] =	stream.linear.scatter [tilespmem:s9], [sflag:$0x15], $0x2000, $0x38;
	[tilespmem:$0x1EA00] =	vst v63  }
0x61: {  	_ =	swait.ge [sflag:s10], $0x2000  }
0x62: {  	s26 =	sld [smem:$0x7FB]  }
0x63: {  	[sflag:s10] =	ssyncset.done $0x0  }
0x64: {  	[sflag:s10] =	ssyncadd.s32 $0xFFFFE000  }
0x65: {  	[spmem:s26] =	stream.linear.scatter [tilespmem:s9], [sflag:$0x15], $0x2000, $0x38;
	[tilespmem:$0x1EA00] =	vst v63  }
0x66: {  	_ =	swait.ge [sflag:s10], $0x2000  }
0x67: {  	s29 =	sld [smem:$0x7FC]  }
0x68: {  	[sflag:s10] =	ssyncset.done $0x0  }
0x69: {  	[sflag:s10] =	ssyncadd.s32 $0xFFFFE000  }
0x6a: {  	[spmem:s29] =	stream.linear.scatter [tilespmem:s9], [sflag:$0x15], $0x2000, $0x38;
	[tilespmem:$0x1EA00] =	vst v63  }
0x6b: {  	_ =	swait.ge [sflag:s10], $0x2000  }
0x6c: {  	[sflag:s10] =	ssyncset.done $0x0  }
0x6d: {  	[sflag:s10] =	ssyncadd.s32 $0xFFFFE000  }
0x6e: {  	[bflag:$0x0] =	sbarrier.arrive $0xFFFF  }
0x6f: {  	s15 =	simm.s32 $0x0;
	s30 =	rddreg [dreg:$0x12]  }
0x70: {  	[tilespmem:s15], [sflag:$0x1] =	stream.linear.gather [hbm4b:s30+s15], $0x100, $0x38;
	[tilespmem:$0x1EA00] =	vst v63  }
0x71: {  	s26 =	simm.s32 $0x100;
	s31 =	rddreg [dreg:$0x13]  }
0x72: {  	[tilespmem:s26], [sflag:$0x2] =	stream.linear.gather [hbm4b:s31+s15], $0x100, $0x38;
	[tilespmem:$0x1EA00] =	vst v63  }
0x73: {  	s0 =	smov.u32 s28;
	s28 =	simm.s32 $0x200;
	s29 =	rddreg [dreg:$0x14]  }
0x74: {  	[tilespmem:s28], [sflag:$0x3] =	stream.linear.gather [hbm4b:s29+s15], $0x100, $0x38;
	[tilespmem:$0x1EA00] =	vst v63  }
0x75: {  	s30 =	rddreg [dreg:$0x15];
	s31 =	simm.s32 $0x300;
	s29 =	simm.s32 $0x1  }
0x76: {  	[tilespmem:s31], [sflag:$0x4] =	stream.linear.gather [hbm4b:s30+s15], $0x100, $0x38;
	[tilespmem:$0x1EA00] =	vst v63  }
0x77: {  	_ =	swait.ge [sflag:s29], $0x100  }
0x78: {  	[sflag:s29] =	ssyncset.done $0x0  }
0x79: {  	s30 =	simm.s32 $0x2;
	[sflag:s29] =	ssyncadd.s32 $0xFFFFFF00  }
0x7a: {  	[tilespmem:s9], [sflag:$0xB] =	stream.indirect.gather [hbm4b:s4+s16], $0x80, s15, s16, $0xb8;
	[tilespmem:$0x1EA00] =	vst v63  }
0x7b: {  	_ =	swait.ge [sflag:s30], $0x100  }
0x7c: {  	[sflag:s30] =	ssyncset.done $0x0  }
0x7d: {  	s31 =	simm.s32 $0x3;
	[sflag:s30] =	ssyncadd.s32 $0xFFFFFF00  }
0x7e: {  	[tilespmem:s18], [sflag:$0xC] =	stream.indirect.gather [hbm4b:s4+s16], $0x80, s26, s16, $0xb8;
	[tilespmem:$0x1EA00] =	vst v63  }
0x7f: {  	_ =	swait.ge [sflag:s31], $0x100  }
0x80: {  	[sflag:s31] =	ssyncset.done $0x0  }
0x81: {  	[sflag:s31] =	ssyncadd.s32 $0xFFFFFF00  }
0x82: {  	[tilespmem:s20], [sflag:$0xD] =	stream.indirect.gather [hbm4b:s4+s16], $0x80, s28, s16, $0xb8;
	[tilespmem:$0x1EA00] =	vst v63  }
0x83: {  	s26 =	sld [smem:$0x7F6];
	s28 =	simm.s32 $0x0  }
.LBB2_4:
0x84: {  	p2 =	seq.s32 s28, $0x0  }
0x85: {  	s30 =	sadd.s32 $0x4, s15;
	s29 =	simm.s32 @!p2 $0x13  }
0x86: {  	p0 =	sge.u32 s30, s6;
	_ =	swait.ge @!p2 [sflag:s29], $0x2000  }
0x87: {  	s1 =	sadd.s32 $0x3, s15;
	s30 =	sadd.s32 @!p0 $0xFFFFF700, s26;
	[sflag:s29] =	ssyncset.done @!p2 $0x0  }
0x88: {  	p1 =	sge.u32 s1, s6;
	[sflag:s29] =	ssyncadd.s32 @!p2 $0xFFFFE000;
	s29 =	sshrl.u32 @!p0 s30, $0x3  }
0x89: {  	s31 =	simm.s32 @!p0 $0x400;
	s30 =	simm.s32 @!p0 $0x0;
	s29 =	sadd.s32 @!p0 s5, s29  }
0x8a: {  	[tilespmem:s31], [sflag:$0x5] =	stream.linear.gather @!p0 [hbm4b:s29+s30], $0x100, $0x38;
	[tilespmem:$0x1EA00] =	vst v63  }
0x8b: {  	s29 =	simm.s32 @!p1 $0x4  }
0x8c: {  	_ =	swait.ge @!p1 [sflag:s29], $0x100  }
0x8d: {  	s1 =	simm.s32 @!p1 $0x6A00;
	[sflag:s29] =	ssyncset.done @!p1 $0x0  }
0x8e: {  	s30 =	simm.s32 @!p1 $0x300;
	[sflag:s29] =	ssyncadd.s32 @!p1 $0xFFFFFF00;
	s29 =	simm.s32 @!p1 $0x40  }
0x8f: {  	[tilespmem:s1], [sflag:$0xE] =	stream.indirect.gather @!p1 [hbm4b:s4+s29], $0x80, s30, s29, $0xb8;
	[tilespmem:$0x1EA00] =	vst v63  }
0x90: {  	_ =	swait.ge [sflag:s7], $0x2000  }
0x91: {  	s1 =	simm.s32 @!p2 $0x14;
	[sflag:s7] =	ssyncset.done $0x0  }
0x92: {  	s30 =	sadd.s32 $0x5, s15;
	s29 =	rddreg [dreg:$0x8];
	[sflag:s7] =	ssyncadd.s32 $0xFFFFE000  }
0x93: {  	[spmem:s2] =	stream.indirect.scatter.add.f32 [tilespmem:s9], [sflag:$0x10], $0x80, s29, s16, $0xb8;
	[tilespmem:$0x1EA00] =	vst v63  }
0x94: {  	p1 =	sge.u32 s30, s6;
	_ =	swait.ge @!p2 [sflag:s1], $0x2000  }
0x95: {  	s29 =	sadd.s32 @!p1 $0xFFFFF800, s26;
	[sflag:s1] =	ssyncset.done @!p2 $0x0  }
0x96: {  	[sflag:s1] =	ssyncadd.s32 @!p2 $0xFFFFE000;
	s1 =	sshrl.u32 @!p1 s29, $0x3  }
0x97: {  	s30 =	simm.s32 @!p1 $0x500;
	s29 =	simm.s32 @!p1 $0x0;
	s1 =	sadd.s32 @!p1 s5, s1  }
0x98: {  	[tilespmem:s30], [sflag:$0x6] =	stream.linear.gather @!p1 [hbm4b:s1+s29], $0x100, $0x38;
	[tilespmem:$0x1EA00] =	vst v63  }
0x99: {  	s1 =	simm.s32 @!p0 $0x5  }
0x9a: {  	_ =	swait.ge @!p0 [sflag:s1], $0x100  }
0x9b: {  	[sflag:s1] =	ssyncset.done @!p0 $0x0  }
0x9c: {  	s29 =	simm.s32 @!p0 $0x8A00;
	[sflag:s1] =	ssyncadd.s32 @!p0 $0xFFFFFF00;
	s1 =	simm.s32 @!p0 $0x40  }
0x9d: {  	[tilespmem:s29], [sflag:$0xF] =	stream.indirect.gather @!p0 [hbm4b:s4+s1], $0x80, s31, s1, $0xb8;
	[tilespmem:$0x1EA00] =	vst v63  }
0x9e: {  	_ =	swait.ge [sflag:s21], $0x2000  }
0x9f: {  	s31 =	sadd.s32 $0x6, s15;
	[sflag:s21] =	ssyncset.done $0x0  }
0xa0: {  	p0 =	sge.u32 s31, s6;
	s29 =	rddreg [dreg:$0x9];
	[sflag:s21] =	ssyncadd.s32 $0xFFFFE000  }
0xa1: {  	[spmem:s2] =	stream.indirect.scatter.add.f32 [tilespmem:s18], [sflag:$0x11], $0x80, s29, s16, $0xb8;
	[tilespmem:$0x1EA00] =	vst v63  }
0xa2: {  	s1 =	sadd.s32 @!p0 $0xFFFFF900, s26;
	_ =	swait.ge [sflag:s22], $0x2000  }
0xa3: {  	s31 =	simm.s32 @!p0 $0x600;
	s1 =	sshrl.u32 @!p0 s1, $0x3;
	[sflag:s22] =	ssyncset.done $0x0  }
0xa4: {  	s1 =	sadd.s32 @!p0 s5, s1;
	s29 =	simm.s32 @!p0 $0x0;
	[sflag:s22] =	ssyncadd.s32 $0xFFFFE000  }
0xa5: {  	[tilespmem:s31], [sflag:$0x7] =	stream.linear.gather @!p0 [hbm4b:s1+s29], $0x100, $0x38;
	[tilespmem:$0x1EA00] =	vst v63  }
0xa6: {  	s1 =	simm.s32 @!p1 $0x6  }
0xa7: {  	_ =	swait.ge @!p1 [sflag:s1], $0x100  }
0xa8: {  	[sflag:s1] =	ssyncset.done @!p1 $0x0  }
0xa9: {  	s29 =	simm.s32 @!p1 $0xA00;
	[sflag:s1] =	ssyncadd.s32 @!p1 $0xFFFFFF00;
	s1 =	simm.s32 @!p1 $0x40  }
0xaa: {  	[tilespmem:s29], [sflag:$0xB] =	stream.indirect.gather @!p1 [hbm4b:s4+s1], $0x80, s30, s1, $0xb8;
	[tilespmem:$0x1EA00] =	vst v63  }
0xab: {  	_ =	swait.ge [sflag:s23], $0x2000  }
0xac: {  	s30 =	sadd.s32 $0x7, s15;
	[sflag:s23] =	ssyncset.done $0x0  }
0xad: {  	p1 =	sge.u32 s30, s6;
	s29 =	rddreg [dreg:$0xa];
	[sflag:s23] =	ssyncadd.s32 $0xFFFFE000  }
0xae: {  	[spmem:s2] =	stream.indirect.scatter.add.f32 [tilespmem:s20], [sflag:$0x12], $0x80, s29, s16, $0xb8;
	[tilespmem:$0x1EA00] =	vst v63  }
0xaf: {  	s1 =	sadd.s32 @!p1 $0xFFFFFA00, s26;
	_ =	swait.ge [sflag:s24], $0x2000  }
0xb0: {  	s30 =	simm.s32 @!p1 $0x700;
	s1 =	sshrl.u32 @!p1 s1, $0x3;
	[sflag:s24] =	ssyncset.done $0x0  }
0xb1: {  	s1 =	sadd.s32 @!p1 s5, s1;
	s29 =	simm.s32 @!p1 $0x0;
	[sflag:s24] =	ssyncadd.s32 $0xFFFFE000  }
0xb2: {  	[tilespmem:s30], [sflag:$0x8] =	stream.linear.gather @!p1 [hbm4b:s1+s29], $0x100, $0x38;
	[tilespmem:$0x1EA00] =	vst v63  }
0xb3: {  	s1 =	simm.s32 @!p0 $0x7  }
0xb4: {  	_ =	swait.ge @!p0 [sflag:s1], $0x100  }
0xb5: {  	[sflag:s1] =	ssyncset.done @!p0 $0x0  }
0xb6: {  	s29 =	simm.s32 @!p0 $0x2A00;
	[sflag:s1] =	ssyncadd.s32 @!p0 $0xFFFFFF00;
	s1 =	simm.s32 @!p0 $0x40  }
0xb7: {  	[tilespmem:s29], [sflag:$0xC] =	stream.indirect.gather @!p0 [hbm4b:s4+s1], $0x80, s31, s1, $0xb8;
	[tilespmem:$0x1EA00] =	vst v63  }
0xb8: {  	_ =	swait.ge [sflag:s11], $0x2000  }
0xb9: {  	s31 =	sadd.s32 $0x8, s15;
	[sflag:s11] =	ssyncset.done $0x0  }
0xba: {  	p0 =	sge.u32 s31, s6;
	s29 =	rddreg [dreg:$0xb];
	[sflag:s11] =	ssyncadd.s32 $0xFFFFE000  }
0xbb: {  	[spmem:s2] =	stream.indirect.scatter.add.f32 [tilespmem:s12], [sflag:$0x13], $0x80, s29, s16, $0xb8;
	[tilespmem:$0x1EA00] =	vst v63  }
0xbc: {  	s1 =	sadd.s32 @!p0 $0xFFFFFB00, s26;
	_ =	swait.ge [sflag:s25], $0x2000  }
0xbd: {  	s31 =	simm.s32 @!p0 $0x800;
	s1 =	sshrl.u32 @!p0 s1, $0x3;
	[sflag:s25] =	ssyncset.done $0x0  }
0xbe: {  	s1 =	sadd.s32 @!p0 s5, s1;
	s29 =	simm.s32 @!p0 $0x0;
	[sflag:s25] =	ssyncadd.s32 $0xFFFFE000  }
0xbf: {  	[tilespmem:s31], [sflag:$0x9] =	stream.linear.gather @!p0 [hbm4b:s1+s29], $0x100, $0x38;
	[tilespmem:$0x1EA00] =	vst v63  }
0xc0: {  	s1 =	simm.s32 @!p1 $0x8  }
0xc1: {  	_ =	swait.ge @!p1 [sflag:s1], $0x100  }
0xc2: {  	[sflag:s1] =	ssyncset.done @!p1 $0x0  }
0xc3: {  	s29 =	simm.s32 @!p1 $0x4A00;
	[sflag:s1] =	ssyncadd.s32 @!p1 $0xFFFFFF00;
	s1 =	simm.s32 @!p1 $0x40  }
0xc4: {  	[tilespmem:s29], [sflag:$0xD] =	stream.indirect.gather @!p1 [hbm4b:s4+s1], $0x80, s30, s1, $0xb8;
	[tilespmem:$0x1EA00] =	vst v63  }
0xc5: {  	_ =	swait.ge [sflag:s13], $0x2000  }
0xc6: {  	s30 =	sadd.s32 $0x9, s15;
	[sflag:s13] =	ssyncset.done $0x0  }
0xc7: {  	p1 =	sge.u32 s30, s6;
	s29 =	rddreg [dreg:$0xc];
	[sflag:s13] =	ssyncadd.s32 $0xFFFFE000  }
0xc8: {  	[spmem:s2] =	stream.indirect.scatter.add.f32 [tilespmem:s17], [sflag:$0x14], $0x80, s29, s16, $0xb8;
	[tilespmem:$0x1EA00] =	vst v63  }
0xc9: {  	s1 =	sadd.s32 @!p1 $0xFFFFFC00, s26;
	_ =	swait.ge [sflag:s19], $0x2000  }
0xca: {  	s30 =	simm.s32 @!p1 $0x900;
	s1 =	sshrl.u32 @!p1 s1, $0x3;
	[sflag:s19] =	ssyncset.done $0x0  }
0xcb: {  	s1 =	sadd.s32 @!p1 s5, s1;
	s29 =	simm.s32 @!p1 $0x0;
	[sflag:s19] =	ssyncadd.s32 $0xFFFFE000  }
0xcc: {  	[tilespmem:s30], [sflag:$0xA] =	stream.linear.gather @!p1 [hbm4b:s1+s29], $0x100, $0x38;
	[tilespmem:$0x1EA00] =	vst v63  }
0xcd: {  	s1 =	simm.s32 @!p0 $0x9  }
0xce: {  	_ =	swait.ge @!p0 [sflag:s1], $0x100  }
0xcf: {  	[sflag:s1] =	ssyncset.done @!p0 $0x0  }
0xd0: {  	s29 =	simm.s32 @!p0 $0x6A00;
	[sflag:s1] =	ssyncadd.s32 @!p0 $0xFFFFFF00;
	s1 =	simm.s32 @!p0 $0x40  }
0xd1: {  	[tilespmem:s29], [sflag:$0xE] =	stream.indirect.gather @!p0 [hbm4b:s4+s1], $0x80, s31, s1, $0xb8;
	[tilespmem:$0x1EA00] =	vst v63  }
0xd2: {  	_ =	swait.ge [sflag:s7], $0x2000  }
0xd3: {  	[sflag:s7] =	ssyncset.done $0x0  }
0xd4: {  	s31 =	rddreg [dreg:$0xd];
	[sflag:s7] =	ssyncadd.s32 $0xFFFFE000  }
0xd5: {  	[spmem:s2] =	stream.indirect.scatter.add.f32 [tilespmem:s9], [sflag:$0x10], $0x80, s31, s16, $0xb8;
	[tilespmem:$0x1EA00] =	vst v63  }
0xd6: {  	_ =	swait.ge [sflag:s14], $0x2000  }
0xd7: {  	s29 =	rddreg [dreg:$0x3]  }
0xd8: {  	p2 =	sge.u32 s15, s29  }
0xd9: {  	s1 =	sadd.s32 @!p2 $0xFFFFFD00, s26  }
0xda: {  	[sflag:s14] =	ssyncset.done $0x0;
	s1 =	sshrl.u32 @!p2 s1, $0x3  }
0xdb: {  	[sflag:s14] =	ssyncadd.s32 $0xFFFFE000;
	s29 =	simm.s32 @!p2 $0x0;
	s1 =	sadd.s32 @!p2 s5, s1  }
0xdc: {  	[tilespmem:s29], [sflag:$0x1] =	stream.linear.gather @!p2 [hbm4b:s1+s29], $0x100, $0x38;
	[tilespmem:$0x1EA00] =	vst v63  }
0xdd: {  	s1 =	simm.s32 @!p1 $0xA  }
0xde: {  	_ =	swait.ge @!p1 [sflag:s1], $0x100  }
0xdf: {  	[sflag:s1] =	ssyncset.done @!p1 $0x0  }
0xe0: {  	s31 =	simm.s32 @!p1 $0x8A00;
	[sflag:s1] =	ssyncadd.s32 @!p1 $0xFFFFFF00;
	s1 =	simm.s32 @!p1 $0x40  }
0xe1: {  	[tilespmem:s31], [sflag:$0xF] =	stream.indirect.gather @!p1 [hbm4b:s4+s1], $0x80, s30, s1, $0xb8;
	[tilespmem:$0x1EA00] =	vst v63  }
0xe2: {  	_ =	swait.ge [sflag:s21], $0x2000  }
0xe3: {  	[sflag:s21] =	ssyncset.done $0x0  }
0xe4: {  	s30 =	rddreg [dreg:$0xe];
	[sflag:s21] =	ssyncadd.s32 $0xFFFFE000  }
0xe5: {  	[spmem:s2] =	stream.indirect.scatter.add.f32 [tilespmem:s18], [sflag:$0x11], $0x80, s30, s16, $0xb8;
	[tilespmem:$0x1EA00] =	vst v63  }
0xe6: {  	_ =	swait.ge [sflag:s22], $0x2000  }
0xe7: {  	s31 =	rddreg [dreg:$0x4]  }
0xe8: {  	p0 =	sge.u32 s15, s31  }
0xe9: {  	[sflag:s22] =	ssyncset.done $0x0;
	s1 =	sadd.s32 @!p0 $0xFFFFFE00, s26  }
0xea: {  	[sflag:s22] =	ssyncadd.s32 $0xFFFFE000;
	s1 =	sshrl.u32 @!p0 s1, $0x3  }
0xeb: {  	s30 =	simm.s32 @!p0 $0x0;
	s31 =	simm.s32 @!p0 $0x100;
	s1 =	sadd.s32 @!p0 s5, s1  }
0xec: {  	[tilespmem:s31], [sflag:$0x2] =	stream.linear.gather @!p0 [hbm4b:s1+s30], $0x100, $0x38;
	[tilespmem:$0x1EA00] =	vst v63  }
0xed: {  	s1 =	simm.s32 @!p2 $0x1  }
0xee: {  	_ =	swait.ge @!p2 [sflag:s1], $0x100  }
0xef: {  	[sflag:s1] =	ssyncset.done @!p2 $0x0  }
0xf0: {  	s30 =	simm.s32 @!p2 $0xA00;
	[sflag:s1] =	ssyncadd.s32 @!p2 $0xFFFFFF00;
	s1 =	simm.s32 @!p2 $0x40  }
0xf1: {  	[tilespmem:s30], [sflag:$0xB] =	stream.indirect.gather @!p2 [hbm4b:s4+s1], $0x80, s29, s1, $0xb8;
	[tilespmem:$0x1EA00] =	vst v63  }
0xf2: {  	_ =	swait.ge [sflag:s23], $0x2000  }
0xf3: {  	[sflag:s23] =	ssyncset.done $0x0  }
0xf4: {  	s29 =	rddreg [dreg:$0xf];
	[sflag:s23] =	ssyncadd.s32 $0xFFFFE000  }
0xf5: {  	[spmem:s2] =	stream.indirect.scatter.add.f32 [tilespmem:s20], [sflag:$0x12], $0x80, s29, s16, $0xb8;
	[tilespmem:$0x1EA00] =	vst v63  }
0xf6: {  	_ =	swait.ge [sflag:s24], $0x2000  }
0xf7: {  	s30 =	rddreg [dreg:$0x5]  }
0xf8: {  	p1 =	sge.u32 s15, s30  }
0xf9: {  	[sflag:s24] =	ssyncset.done $0x0;
	s1 =	sadd.s32 @!p1 $0xFFFFFF00, s26  }
0xfa: {  	[sflag:s24] =	ssyncadd.s32 $0xFFFFE000;
	s1 =	sshrl.u32 @!p1 s1, $0x3  }
0xfb: {  	s29 =	simm.s32 @!p1 $0x0;
	s30 =	simm.s32 @!p1 $0x200;
	s1 =	sadd.s32 @!p1 s5, s1  }
0xfc: {  	[tilespmem:s30], [sflag:$0x3] =	stream.linear.gather @!p1 [hbm4b:s1+s29], $0x100, $0x38;
	[tilespmem:$0x1EA00] =	vst v63  }
0xfd: {  	s1 =	simm.s32 @!p0 $0x2  }
0xfe: {  	_ =	swait.ge @!p0 [sflag:s1], $0x100  }
0xff: {  	[sflag:s1] =	ssyncset.done @!p0 $0x0  }
0x100: {  	s29 =	simm.s32 @!p0 $0x2A00;
	[sflag:s1] =	ssyncadd.s32 @!p0 $0xFFFFFF00;
	s1 =	simm.s32 @!p0 $0x40  }
0x101: {  	[tilespmem:s29], [sflag:$0xC] =	stream.indirect.gather @!p0 [hbm4b:s4+s1], $0x80, s31, s1, $0xb8;
	[tilespmem:$0x1EA00] =	vst v63  }
0x102: {  	_ =	swait.ge [sflag:s11], $0x2000  }
0x103: {  	[sflag:s11] =	ssyncset.done $0x0  }
0x104: {  	s31 =	rddreg [dreg:$0x10];
	[sflag:s11] =	ssyncadd.s32 $0xFFFFE000  }
0x105: {  	[spmem:s2] =	stream.indirect.scatter.add.f32 [tilespmem:s12], [sflag:$0x13], $0x80, s31, s16, $0xb8;
	[tilespmem:$0x1EA00] =	vst v63  }
0x106: {  	_ =	swait.ge [sflag:s25], $0x2000  }
0x107: {  	s29 =	rddreg [dreg:$0x6]  }
0x108: {  	[sflag:s25] =	ssyncset.done $0x0;
	p0 =	sge.u32 s15, s29  }
0x109: {  	[sflag:s25] =	ssyncadd.s32 $0xFFFFE000;
	s1 =	sshrl.u32 @!p0 s26, $0x3  }
0x10a: {  	s29 =	simm.s32 @!p0 $0x0;
	s31 =	simm.s32 @!p0 $0x300;
	s1 =	sadd.s32 @!p0 s5, s1  }
0x10b: {  	[tilespmem:s31], [sflag:$0x4] =	stream.linear.gather @!p0 [hbm4b:s1+s29], $0x100, $0x38;
	[tilespmem:$0x1EA00] =	vst v63  }
0x10c: {  	s1 =	simm.s32 @!p1 $0x3  }
0x10d: {  	_ =	swait.ge @!p1 [sflag:s1], $0x100  }
0x10e: {  	[sflag:s1] =	ssyncset.done @!p1 $0x0  }
0x10f: {  	s29 =	simm.s32 @!p1 $0x4A00;
	[sflag:s1] =	ssyncadd.s32 @!p1 $0xFFFFFF00;
	s1 =	simm.s32 @!p1 $0x40  }
0x110: {  	[tilespmem:s29], [sflag:$0xD] =	stream.indirect.gather @!p1 [hbm4b:s4+s1], $0x80, s30, s1, $0xb8;
	[tilespmem:$0x1EA00] =	vst v63  }
0x111: {  	_ =	swait.ge [sflag:s13], $0x2000  }
0x112: {  	s28 =	sadd.s32 $0xFFFFFFFF, s28;
	s31 =	rddreg [dreg:$0x7]  }
0x113: {  	p0 =	sne.s32 s31, s28  }
.Ltmp1:
0x114: {  	_ = 	snop;
	(pc) =	sbr.rel @p0 .LBB2_4-.Ltmp1, $4  }
0x115: {  	_ = 	snop  }
0x116: {  	s15 =	sadd.s32 $0xA, s15;
	[sflag:s13] =	ssyncset.done $0x0  }
0x117: {  	s26 =	sadd.s32 $0xA00, s26;
	s30 =	rddreg [dreg:$0x11];
	[sflag:s13] =	ssyncadd.s32 $0xFFFFE000  }
0x118: {  	[spmem:s2] =	stream.indirect.scatter.add.f32 [tilespmem:s17], [sflag:$0x14], $0x80, s30, s16, $0xb8;
	[tilespmem:$0x1EA00] =	vst v63  }
0x119: {  	_ =	swait.ge [sflag:s19], $0x2000  }
0x11a: {  	[sflag:s19] =	ssyncset.done $0x0  }
0x11b: {  	[sflag:s19] =	ssyncadd.s32 $0xFFFFE000  }
0x11c: {  	_ =	swait.ge [sflag:s14], $0x2000  }
0x11d: {  	[sflag:s14] =	ssyncset.done $0x0  }
0x11e: {  	s1 =	stileid.u32;
	[sflag:s14] =	ssyncadd.s32 $0xFFFFE000  }
0x11f: {  	s1 =	sshll.u32 s1, $0x6;
	[bflag:$0x0] =	sbarrier.arrive $0xFFFF  }
0x120: {  	s15 =	sshrl.u32 s8, $0x3;
	s1 =	sor.u32 $0x1C15, s1;
	s26 =	rddreg [dreg:$0x16]  }
0x121: {  	[hbm:s26], [sflag:s1] =	dma.local [spmem:s15], $0x400  }
0x122: {  	_ =	swait.ge [sflag:s10], $0x400  }
0x123: {  	s30 =	smov.u32 s8;
	[sflag:s10] =	ssyncset.done $0x0  }
0x124: {  	s8 =	sshrl.u32 s0, $0x3;
	s26 =	rddreg [dreg:$0x19];
	[sflag:s10] =	ssyncadd.s32 $0xFFFFFC00  }
0x125: {  	[hbm:s26], [sflag:s1] =	dma.local [spmem:s8], $0x400  }
0x126: {  	_ =	swait.ge [sflag:s10], $0x400  }
0x127: {  	[sflag:s10] =	ssyncset.done $0x0;
	s29 =	rddreg [dreg:$0x18]  }
0x128: {  	s26 =	rddreg [dreg:$0x1a];
	[sflag:s10] =	ssyncadd.s32 $0xFFFFFC00;
	s8 =	sshrl.u32 s29, $0x3  }
0x129: {  	[hbm:s26], [sflag:s1] =	dma.local [spmem:s8], $0x400  }
0x12a: {  	_ =	swait.ge [sflag:s10], $0x400  }
0x12b: {  	s31 =	sld [smem:$0x7FD];
	_ =	sdelay $0x1  }
0x12c: {  	s28 =	smov.u32 s0;
	[sflag:s10] =	ssyncset.done $0x0  }
0x12d: {  	s8 =	rddreg [dreg:$0x1b];
	[sflag:s10] =	ssyncadd.s32 $0xFFFFFC00;
	s0 =	sshrl.u32 s31, $0x3  }
0x12e: {  	[hbm:s8], [sflag:s1] =	dma.local [spmem:s0], $0x400  }
0x12f: {  	_ =	swait.ge [sflag:s10], $0x400  }
0x130: {  	s26 =	sld [smem:$0x7F7];
	_ =	sdelay $0x1  }
0x131: {  	[sflag:s10] =	ssyncset.done $0x0  }
0x132: {  	s8 =	rddreg [dreg:$0x1c];
	[sflag:s10] =	ssyncadd.s32 $0xFFFFFC00;
	s0 =	sshrl.u32 s26, $0x3  }
0x133: {  	[hbm:s8], [sflag:s1] =	dma.local [spmem:s0], $0x400  }
0x134: {  	_ =	swait.ge [sflag:s10], $0x400  }
0x135: {  	s26 =	sld [smem:$0x7F8];
	_ =	sdelay $0x1  }
0x136: {  	[sflag:s10] =	ssyncset.done $0x0  }
0x137: {  	s8 =	rddreg [dreg:$0x1d];
	[sflag:s10] =	ssyncadd.s32 $0xFFFFFC00;
	s0 =	sshrl.u32 s26, $0x3  }
0x138: {  	[hbm:s8], [sflag:s1] =	dma.local [spmem:s0], $0x400  }
0x139: {  	_ =	swait.ge [sflag:s10], $0x400  }
0x13a: {  	s26 =	sld [smem:$0x7F9];
	_ =	sdelay $0x1  }
0x13b: {  	[sflag:s10] =	ssyncset.done $0x0  }
0x13c: {  	s8 =	rddreg [dreg:$0x1e];
	[sflag:s10] =	ssyncadd.s32 $0xFFFFFC00;
	s0 =	sshrl.u32 s26, $0x3  }
0x13d: {  	[hbm:s8], [sflag:s1] =	dma.local [spmem:s0], $0x400  }
0x13e: {  	_ =	swait.ge [sflag:s10], $0x400  }
0x13f: {  	s26 =	sld [smem:$0x7FA];
	_ =	sdelay $0x1  }
0x140: {  	[sflag:s10] =	ssyncset.done $0x0  }
0x141: {  	s8 =	rddreg [dreg:$0x1f];
	[sflag:s10] =	ssyncadd.s32 $0xFFFFFC00;
	s0 =	sshrl.u32 s26, $0x3  }
0x142: {  	[hbm:s8], [sflag:s1] =	dma.local [spmem:s0], $0x400  }
0x143: {  	_ =	swait.ge [sflag:s10], $0x400  }
0x144: {  	s26 =	sld [smem:$0x7FB]  }
0x145: {  	s8 =	sld [smem:$0x7F4]  }
0x146: {  	[sflag:s10] =	ssyncset.done $0x0  }
0x147: {  	[sflag:s10] =	ssyncadd.s32 $0xFFFFFC00;
	s0 =	sshrl.u32 s26, $0x3  }
0x148: {  	[hbm:s8], [sflag:s1] =	dma.local [spmem:s0], $0x400  }
0x149: {  	_ =	swait.ge [sflag:s10], $0x400  }
0x14a: {  	s26 =	sld [smem:$0x7FC]  }
0x14b: {  	s8 =	sld [smem:$0x7F5]  }
0x14c: {  	[sflag:s10] =	ssyncset.done $0x0  }
0x14d: {  	[sflag:s10] =	ssyncadd.s32 $0xFFFFFC00;
	s0 =	sshrl.u32 s26, $0x3  }
0x14e: {  	[hbm:s8], [sflag:s1] =	dma.local [spmem:s0], $0x400  }
0x14f: {  	_ =	swait.ge [sflag:s10], $0x400  }
0x150: {  	s3 =	sadd.s32 $0x1, s3;
	s26 =	rddreg [dreg:$0x17]  }
0x151: {  	p0 =	sne.s32 s3, s26  }
.Ltmp2:
0x152: {  	_ = 	snop;
	(pc) =	sbr.rel @p0 .LBB2_1-.Ltmp2, $3  }
0x153: {  	_ =	sdelay $0x1  }
0x154: {  	[sflag:s10] =	ssyncset.done $0x0  }
0x155: {  	[sflag:s10] =	ssyncadd.s32 $0xFFFFFC00  }
0x156: {  	_ =	sfence.sel $0x180000  }
0x157: {  	[bflag:$0x0] =	sbarrier.arrive $0xFFFF  }
0x158: {  	_ =	strace $0x9000004A  }
0x159: {  	s0 =	stileid.u32;
	[bflag:$0x2] =	sbarrier.arrive $0xFFFF  }
0x15a: {  	p0 =	sne.s32 s0, $0x0;
	s0 =	rddreg [dreg:$0x2]  }
0x15b: {  	s0 =	sadd.s32 @!p0 $0x100000, s0  }
0x15c: {  	[sflag:s0] =	ssyncadd.tile.s32 @!p0 $0x1;
	_ =	shalt  }
.Lfunc_end2:
_tile_overlayer_lowered:
.L_overlay_start_2:
0x15d: {  	(tag) =	ssettag $0x2  }
0x15e: {  	s0 =	rddreg [dreg:$0x0];
	s2 =	stileid.u32  }
0x15f: {  	s1 =	rddreg [dreg:$0x1];
	p0 =	sne.s32 s2, $0x0  }
0x160: {  	s3 =	rddreg [dreg:$0x2];
	[bflag:$0x3] =	sbarrier.arrive $0xFFFF;
	s2 =	simm.s32 @!p0 $0x1C15  }
0x161: {  	[timem:s3], [sflag:s2] =	dma.local @!p0 [hbm:s0], s1  }
0x162: {  	s0 =	simm.s32 @!p0 $0x15  }
0x163: {  	_ =	swait.ge @!p0 [sflag:s0], s1  }
0x164: {  	s1 =	ssub.s32 @!p0 $0x0, s1;
	[sflag:s0] =	ssyncset.done @!p0 $0x0  }
0x165: {  	[sflag:s0] =	ssyncadd.s32 @!p0 s1  }
0x166: {  	[bflag:$0x3] =	sbarrier.arrive $0xFFFF  }
0x167: {  	_ =	shalt  }

// kernel: kernel.14.cloned.1.call-start
scs
__scs_entry_jumppad:
0x0: {  	(pc) =	sbr.rel $0x88, $3  }
0x1: {  	(tag) =	ssettag $0x0;
	lr =	simm.s32 $0x1  }
0x2: {  	[smem:$0x3F99] =	sst lr;
	_ =	strace $0xD0000000  }
0x3: {  	_ = 	snop  }
0x4: {  	_ = 	snop  }
0x5: {  	_ = 	snop  }
0x6: {  	_ = 	snop  }
0x7: {  	_ = 	snop  }
__scs_overlays_trampoline_lowered:
0x8: {  	[smem:$0x3FA8] =	sst s0  }
0x9: {  	[smem:$0x3FA9] =	sst s1  }
0xa: {  	[smem:$0x3FAA] =	sst s2  }
0xb: {  	[smem:$0x3FAB] =	sst s3  }
0xc: {  	[smem:$0x3FAC] =	sst s4  }
0xd: {  	[smem:$0x3FAD] =	sst s5  }
0xe: {  	[smem:$0x3FAE] =	sst s6  }
0xf: {  	[smem:$0x3FAF] =	sst s7  }
0x10: {  	[smem:$0x3FB0] =	sst s8  }
0x11: {  	[smem:$0x3FB1] =	sst s9;
	s0 =	simm.s32 @!p0 $0x0  }
0x12: {  	s1 =	sld [smem:$0x3F97];
	s0 =	simm.s32 @p0 $0x1  }
0x13: {  	[smem:$0x3FB2] =	sst s0;
	s0 =	simm.s32 @!p1 $0x0  }
0x14: {  	s2 =	sld [smem:$0x3F96];
	s0 =	simm.s32 @p1 $0x1  }
0x15: {  	[smem:$0x3FB3] =	sst s0;
	s0 =	simm.s32 @!p2 $0x0  }
0x16: {  	s3 =	sld [smem:$0x3FDB];
	s0 =	simm.s32 @p2 $0x1  }
0x17: {  	s4 =	simm.s32 $0x1BF5;
	[smem:$0x3FB5] =	sst s0  }
0x18: {  	s0 =	sld [smem:$0x3F98];
	_ =	swait.ge [sflag:s4], $0x0  }
0x19: {  	s7 =	sld [smem:$0x3F99]  }
0x1a: {  	s8 =	sadd.s32 $0xFFFFE003, lr  }
0x1b: {  	s9 =	sadd.s32 $0xFFFFFEF7, lr;
	s5 =	simm.s32 $0xFFFFFFFF;
	p2 =	slt.u32 s8, $0xFFFFF086  }
0x1c: {  	p1 =	slt.u32 s9, $0xF7A;
	s5 =	simm.s32 @!p2 $0x0  }
0x1d: {  	s5 =	simm.s32 @p1 $0x1;
	p0 =	seq.s32 s7, s2  }
0x1e: {  	s7 =	smul.u32 @!p0 $0xF7A, s2;
	p2 =	seq.s32 @!p0 s5, $0x0  }
0x1f: {  	s9 =	smul.u32 $0xF7A, s1;
	s8 =	simm.s32 @!p0 $0x1BF5;
	p2 =	por !p2, p0  }
0x20: {  	[sflag:s8] =	ssyncset.s32 @!p0 $0xFFFFF086;
	s6 =	sadd.s32 @!p0 s3, s7;
	s7 =	simm.s32 @!p0 $0x108  }
0x21: {  	s3 =	sadd.s32 s3, s9;
	s6 =	sadd.s32 @!p0 $0x88, s6;
	s7 =	simm.s32 @p2 $0x1082  }
0x22: {  	[simem:s7], [sflag:s8] =	dma.local @!p0 [hbm:s6], $0xF7A  }
0x23: {  	s9 =	sor.u32 $0xD0000000, s2;
	s6 =	simm.s32 $0x108;
	_ =	swait.ge @!p0 [sflag:s8], $0x0  }
0x24: {  	s3 =	sadd.s32 $0x88, s3;
	s6 =	simm.s32 @!p1 $0x1082;
	[sflag:s4] =	ssyncset.s32 $0xFFFFF086  }
0x25: {  	[simem:s6], [sflag:s4] =	dma.local [hbm:s3], $0xF7A  }
0x26: {  	[smem:$0x3F99] =	sst s1;
	(tag) =	ssettag s2;
	_ =	strace s9  }
0x27: {  	s1 =	sld [smem:$0x3FA9]  }
0x28: {  	s2 =	sld [smem:$0x3FAA]  }
0x29: {  	s4 =	sld [smem:$0x3FAC]  }
0x2a: {  	p0 =	seq.s32 s5, $0x0;
	s5 =	sld [smem:$0x3FAD]  }
0x2b: {  	s6 =	sld [smem:$0x3FAE]  }
0x2c: {  	s7 =	sld [smem:$0x3FAF]  }
0x2d: {  	s3 =	simm.s32 $0x108;
	s8 =	sld [smem:$0x3FB0]  }
0x2e: {  	s3 =	simm.s32 @!p0 $0x1082;
	s9 =	sld [smem:$0x3FB1]  }
0x2f: {  	lr =	sadd.s32 s0, s3;
	s0 =	sld [smem:$0x3FA8]  }
0x30: {  	s3 =	sld [smem:$0x3FAB]  }
0x31: {  	[smem:$0x3FB4] =	sst s10  }
0x32: {  	s10 =	sld [smem:$0x3FB2];
	_ =	sdelay $0x3  }
0x33: {  	p0 =	seq.s32 s10, $0x1;
	s10 =	sld [smem:$0x3FB4];
	_ =	sdelay $0x3  }
0x34: {  	[smem:$0x3FB4] =	sst s10  }
0x35: {  	s10 =	sld [smem:$0x3FB3];
	_ =	sdelay $0x3  }
0x36: {  	p1 =	seq.s32 s10, $0x1;
	s10 =	sld [smem:$0x3FB4];
	_ =	sdelay $0x3  }
0x37: {  	[smem:$0x3FB4] =	sst s10  }
0x38: {  	s10 =	sld [smem:$0x3FB5]  }
0x39: {  	_ = 	snop;
	(pc) =	sbr.ind lr, $3  }
0x3a: {  	_ = 	snop  }
0x3b: {  	_ = 	snop  }
0x3c: {  	p2 =	seq.s32 s10, $0x1;
	s10 =	sld [smem:$0x3FB4]  }
0x3d: {  	_ =	shalt  }
0x3e: {  	_ =	shalt  }
0x3f: {  	_ =	shalt  }
0x40: {  	_ =	shalt  }
0x41: {  	_ =	shalt  }
0x42: {  	_ =	shalt  }
0x43: {  	_ =	shalt  }
0x44: {  	_ =	shalt  }
0x45: {  	_ =	shalt  }
0x46: {  	_ =	shalt  }
0x47: {  	_ =	shalt  }
0x48: {  	_ =	shalt  }
0x49: {  	_ =	shalt  }
0x4a: {  	_ =	shalt  }
0x4b: {  	_ =	shalt  }
0x4c: {  	_ =	shalt  }
0x4d: {  	_ =	shalt  }
0x4e: {  	_ =	shalt  }
0x4f: {  	_ =	shalt  }
0x50: {  	_ =	shalt  }
0x51: {  	_ =	shalt  }
0x52: {  	_ =	shalt  }
0x53: {  	_ =	shalt  }
0x54: {  	_ =	shalt  }
0x55: {  	_ =	shalt  }
0x56: {  	_ =	shalt  }
0x57: {  	_ =	shalt  }
0x58: {  	_ =	shalt  }
0x59: {  	_ =	shalt  }
0x5a: {  	_ =	shalt  }
0x5b: {  	_ =	shalt  }
0x5c: {  	_ =	shalt  }
0x5d: {  	_ =	shalt  }
0x5e: {  	_ =	shalt  }
0x5f: {  	_ =	shalt  }
0x60: {  	_ =	shalt  }
0x61: {  	_ =	shalt  }
0x62: {  	_ =	shalt  }
0x63: {  	_ =	shalt  }
0x64: {  	_ =	shalt  }
0x65: {  	_ =	shalt  }
0x66: {  	_ =	shalt  }
0x67: {  	_ =	shalt  }
0x68: {  	_ =	shalt  }
0x69: {  	_ =	shalt  }
0x6a: {  	_ =	shalt  }
0x6b: {  	_ =	shalt  }
0x6c: {  	_ =	shalt  }
0x6d: {  	_ =	shalt  }
0x6e: {  	_ =	shalt  }
0x6f: {  	_ =	shalt  }
0x70: {  	_ =	shalt  }
0x71: {  	_ =	shalt  }
0x72: {  	_ =	shalt  }
0x73: {  	_ =	shalt  }
0x74: {  	_ =	shalt  }
0x75: {  	_ =	shalt  }
0x76: {  	_ =	shalt  }
0x77: {  	_ =	shalt  }
0x78: {  	_ =	shalt  }
0x79: {  	_ =	shalt  }
0x7a: {  	_ =	shalt  }
0x7b: {  	_ =	shalt  }
0x7c: {  	_ =	shalt  }
0x7d: {  	_ =	shalt  }
0x7e: {  	_ =	shalt  }
0x7f: {  	_ =	shalt  }
0x80: {  	_ =	shalt  }
0x81: {  	_ =	shalt  }
0x82: {  	_ =	shalt  }
0x83: {  	_ =	shalt  }
0x84: {  	_ =	shalt  }
0x85: {  	_ =	shalt  }
0x86: {  	_ =	shalt  }
0x87: {  	_ =	shalt  }
.Lfunc_end0:
.L_simem_size_0:
called_computation.2_lowered:
.L_overlay_start_0:
0x88: {  	s2 =	sld [smem:$0x3FD9]  }
0x89: {  	s3 =	sld [smem:$0x3FFE];
	_ =	sdelay $0x1  }
0x8a: {  	s1 =	srdreg.scid  }
0x8b: {  	s0 =	sand.u32 $0x1, s1  }
0x8c: {  	s16 =	sshll.u32 s0, $0xA;
	s2 =	sadd.s32 s3, s2  }
0x8d: {  	s2 =	sadd.s32 s2, s16  }
0x8e: {  	[smem:$0x3FC0] =	sst s2  }
0x8f: {  	_ = 	snop  }
0x90: {  	(tm) =	ssettm $0x1  }
0x91: {  	s17 =	sld [smem:$0x3FFB];
	_ =	sdelay $0x3  }
0x92: {  	_ =	strace s17  }
0x93: {  	s2 =	sld [smem:$0x3FFC];
	_ =	sdelay $0x3  }
0x94: {  	_ =	strace s2  }
0x95: {  	s2 =	sld [smem:$0x3FFD];
	_ =	sdelay $0x3  }
0x96: {  	_ =	strace s2  }
0x97: {  	_ =	strace $0x8FFFFFFF  }
0x98: {  	s18 =	sld [smem:$0x3FDB];
	_ =	sdelay $0x1  }
0x99: {  	s19 =	simm.s32 $_scs_section_size  }
0x9a: {  	s4 =	simm.s32 $_size__tile_overlayer_lowered;
	s5 =	simm.s32 $_tile_overlayer_lowered  }
0x9b: {  	s22 =	simm.s32 $0x1BFF;
	s21 =	sshll.u32 s5, $0x1;
	s2 =	sadd.s32 s19, s18  }
0x9c: {  	s6 =	simm.s32 $0x0;
	s20 =	sshll.u32 s4, $0x1;
	s4 =	sadd.s32 s21, s2  }
0x9d: {  	[timem:s6], [sflag:s22] =	dma.local [hbm:s4], s20  }
0x9e: {  	_ =	swait.ge [sflag:s22], s20  }
0x9f: {  	s3 =	ssub.s32 $0x0, s20;
	[sflag:s22] =	ssyncset.done $0x0  }
0xa0: {  	[sflag:s22] =	ssyncadd.s32 s3;
	_ =	sdelay $0x1  }
0xa1: {  	s23 =	simm.s32 $0x1B8B  }
0xa2: {  	_ =	swait.ge [sflag:s23], $0x1  }
0xa3: {  	[sflag:s23] =	ssyncset.done $0x0  }
0xa4: {  	s25 =	simm.s32 $0x1B8E;
	s24 =	sld [smem:$0x3FFE];
	[sflag:s23] =	ssyncadd.s32 $0xFFFFFFFF  }
0xa5: {  	s26 =	simm.s32 $execute0_lowered;
	[smem:$0x3FD2] =	sst s25  }
0xa6: {  	s4 =	sshll.u32 s26, $0x1;
	_ =	strace $0x8000004C;
	[dreg:$0x1] =	wrdreg $0xFFFFFFFF  }
0xa7: {  	s28 =	simm.s32 $_size_execute0_lowered;
	s2 =	sadd.s32 s2, s4;
	[dreg:$0x0] =	wrdreg $0x0  }
0xa8: {  	s4 =	sshll.u32 s28, $0x1;
	[dreg:$0x2] =	wrdreg s2  }
0xa9: {  	[dreg:$0x3] =	wrdreg s4  }
0xaa: {  	[dreg:$0x4] =	wrdreg $0xC0  }
0xab: {  	_ =	task [dreg:s6], $0x5FFFF  }
0xac: {  	[dreg:$0x1] =	wrdreg $0xFFFFFFFF  }
0xad: {  	[dreg:$0x0] =	wrdreg $0x60  }
0xae: {  	[dreg:$0x2] =	wrdreg s24  }
0xaf: {  	[dreg:$0x3] =	wrdreg $0xAA000  }
0xb0: {  	[dreg:$0x4] =	wrdreg $0x9  }
0xb1: {  	_ =	task.clear_ibuf [dreg:s6], $0x5FFFF;
	_ =	strace $0x9000004C  }
0xb2: {  	s29 =	simm.s32 $0x9;
	_ =	strace $0x8000004E  }
0xb3: {  	_ =	swait.ge [sflag:s29], $0x1  }
0xb4: {  	[sflag:s29] =	ssyncadd.s32 $0xFFFFFFFF  }
0xb5: {  	_ =	strace $0x9000004E  }
0xb6: {  	_ =	sfence  }
0xb7: {  	s30 =	sld [smem:$0x0];
	_ =	sdelay $0x2  }
0xb8: {  	s31 =	sshll.u32 s1, $0xD;
	s1 =	sshrl.u32 s1, $0x2  }
0xb9: {  	s3 =	sand.u32 $0x4000, s31;
	s1 =	sadd.s32 s1, s30  }
0xba: {  	s0 =	sor.u32 s3, s0;
	s1 =	sshll.u32 s1, $0x11  }
0xbb: {  	s0 =	sor.u32 s1, s0  }
0xbc: {  	s0 =	sadd.s32 $0x8F2B, s0  }
0xbd: {  	[sflag:s0] =	ssyncadd.remote.s32 $0x1  }
0xbe: {  	_ =	sfence.sel $0xFFFF  }
0xbf: {  	[dreg:$0x0] =	wrdreg $0xFFFFFFFF;
	(pc) =	sbr.abs _section_cstart, $3  }
0xc0: {  	[dreg:$0x1] =	wrdreg $0xFFFFFFFF  }
0xc1: {  	_ =	task.clear_ibuf [dreg:s6], $0x2FFFF;
	_ =	strace $0x9FFFFFFF  }
0xc2: {  	(tm) =	ssettm $0x7FFFFFFF  }
0xc3: {  	_ =	shalt  }
tec
execute0_lowered:
.L_overlay_start_1:
0x0: {  	(tag) =	ssettag $0x1  }
0x1: {  	s0 =	rddreg [dreg:$0x0];
	s1 =	srdreg.scid  }
0x2: {  	s9 =	stileid.u32;
	s2 =	rddreg [dreg:$0x1]  }
0x3: {  	s3 =	simm.s32 $0x0;
	s20 =	simm.s32 $0x80;
	s21 =	simm.s32 $0x180  }
0x4: {  	s22 =	simm.s32 $0x280;
	s23 =	simm.s32 $0x380;
	[smem:$0x7FF] =	sst s3  }
0x5: {  	s4 =	smul.u32 $0x280, s9;
	_ =	strace $0x8000004D;
	[dreg:$0x8] =	wrdreg s20  }
0x6: {  	s1 =	sand.u32 $0x1, s1;
	s7 =	smul.u32 $0x14, s9;
	[dreg:$0x9] =	wrdreg s21  }
0x7: {  	s25 =	simm.s32 $0x480;
	s5 =	smul.u32 $0x2800, s1;
	[dreg:$0xa] =	wrdreg s22  }
0x8: {  	s8 =	ssub.s32 $0x2, s1;
	p0 =	seq.s32 s1, $0x0;
	[dreg:$0xb] =	wrdreg s23  }
0x9: {  	s1 =	sadd.s32 $0x12C0, s7;
	s11 =	sshrl.u32 s8, $0x1;
	s5 =	sadd.s32 s5, s4  }
0xa: {  	s4 =	sadd.s32 $0x2C000, s0;
	s7 =	ssub.s32 s8, s11;
	s6 =	sshll.u32 s5, $0x4  }
0xb: {  	s5 =	sadd.s32 $0x4000, s0;
	s0 =	sadd.s32 s6, s0;
	s6 =	smul.u32 $0x12C, s9  }
0xc: {  	[dreg:$0xc] =	wrdreg s25;
	s7 =	smax.u32 s7, $0x1;
	s9 =	smul.u32 $0x50000, s9  }
0xd: {  	[dreg:$0x17] =	wrdreg s7;
	s19 =	sadd.s32 $0x7C000, s0;
	s24 =	sadd.s32 $0x7C400, s0  }
0xe: {  	s26 =	sadd.s32 $0x7C800, s0;
	s1 =	smov.u32 @p0 s6;
	[dreg:$0x16] =	wrdreg s19  }
0xf: {  	s6 =	simm.s32 $0x12C;
	s9 =	sshrl.u32 s9, $0x2;
	[dreg:$0x19] =	wrdreg s24  }
0x10: {  	[dreg:$0x1a] =	wrdreg s26;
	s19 =	sadd.s32 $0x7E000, s0;
	s6 =	simm.s32 @!p0 $0x14  }
0x11: {  	s30 =	sadd.s32 s9, s2;
	s9 =	simm.s32 $0x580;
	[smem:$0x7F4] =	sst s19  }
0x12: {  	s14 =	sadd.s32 $0xFFFFFFF6, s6;
	[dreg:$0xd] =	wrdreg s9  }
0x13: {  	s15 =	sadd.s32 $0xFFFFFFF5, s6;
	[dreg:$0x3] =	wrdreg s14  }
0x14: {  	s12 =	sshll.u32 s1, $0x5;
	s16 =	sadd.s32 $0xFFFFFFF4, s6;
	[dreg:$0x4] =	wrdreg s15  }
0x15: {  	s11 =	sadd.s32 s5, s12;
	[dreg:$0x5] =	wrdreg s16  }
0x16: {  	s1 =	sshll.u32 s1, $0x8;
	s17 =	sadd.s32 $0xFFFFFFF3, s6;
	[dreg:$0x12] =	wrdreg s11  }
0x17: {  	s20 =	sadd.s32 $0xD00, s1;
	[dreg:$0x6] =	wrdreg s17  }
0x18: {  	s21 =	sadd.s32 $0x8000, s30;
	[smem:$0x7F6] =	sst s20  }
0x19: {  	s22 =	sadd.s32 $0xA000, s30;
	[smem:$0x7F7] =	sst s21  }
0x1a: {  	s23 =	sadd.s32 $0xC000, s30;
	[smem:$0x7F8] =	sst s22  }
0x1b: {  	s24 =	sadd.s32 $0xE000, s30;
	[smem:$0x7F9] =	sst s23  }
0x1c: {  	s7 =	simm.s32 $0xB;
	s25 =	sadd.s32 $0x10000, s30;
	[smem:$0x7FA] =	sst s24  }
0x1d: {  	s19 =	simm.s32 $0x13;
	s26 =	sadd.s32 $0x12000, s30;
	[smem:$0x7FB] =	sst s25  }
0x1e: {  	s10 =	smul.u32 $0x199A, s6;
	s29 =	sadd.s32 $0x4000, s30;
	[smem:$0x7FC] =	sst s26  }
0x1f: {  	s28 =	sadd.s32 $0x2000, s30;
	s31 =	sadd.s32 $0x6000, s30;
	[dreg:$0x18] =	wrdreg s29  }
0x20: {  	s9 =	simm.s32 $0xA00;
	s13 =	sadd.s32 $0x20, s11;
	[smem:$0x7FD] =	sst s31  }
0x21: {  	s12 =	sadd.s32 $0x40, s11;
	s11 =	sadd.s32 $0x60, s11;
	[dreg:$0x13] =	wrdreg s13  }
0x22: {  	s14 =	sadd.s32 $0x7D400, s0;
	s15 =	simm.s32 $0x880;
	[dreg:$0x14] =	wrdreg s12  }
0x23: {  	s16 =	sadd.s32 $0x7D800, s0;
	s17 =	simm.s32 $0x980;
	[dreg:$0x15] =	wrdreg s11  }
0x24: {  	s20 =	simm.s32 $0x4A00;
	s21 =	simm.s32 $0xC;
	[dreg:$0x1d] =	wrdreg s14  }
0x25: {  	s22 =	simm.s32 $0x10;
	s23 =	simm.s32 $0xD;
	[dreg:$0x1e] =	wrdreg s16  }
0x26: {  	s24 =	simm.s32 $0x11;
	s25 =	simm.s32 $0x12;
	[dreg:$0x10] =	wrdreg s15  }
0x27: {  	s10 =	sshrl.u32 s10, $0x10;
	s12 =	sadd.s32 $0x7D000, s0;
	[dreg:$0x11] =	wrdreg s17  }
0x28: {  	s11 =	simm.s32 $0x680;
	s13 =	simm.s32 $0x780;
	[dreg:$0x1c] =	wrdreg s12  }
0x29: {  	s16 =	simm.s32 $0x40;
	s17 =	simm.s32 $0x8A00;
	[dreg:$0xe] =	wrdreg s11  }
0x2a: {  	s14 =	simm.s32 $0x14;
	s18 =	ssub.s32 $0x0, s10;
	[dreg:$0xf] =	wrdreg s13  }
0x2b: {  	s10 =	sadd.s32 $0x7CC00, s0;
	s11 =	simm.s32 $0xE;
	[dreg:$0x7] =	wrdreg s18  }
0x2c: {  	s12 =	simm.s32 $0x6A00;
	[dreg:$0x1b] =	wrdreg s10;
	s18 =	sadd.s32 $0x7DC00, s0  }
0x2d: {  	s13 =	simm.s32 $0xF;
	s0 =	sadd.s32 $0x7E400, s0;
	[dreg:$0x1f] =	wrdreg s18  }
0x2e: {  	v0 =	vimm.f32 $0.0e+00;
	s10 =	simm.s32 $0x15;
	[smem:$0x7F5] =	sst s0;
	s18 =	simm.s32 $0x2A00  }
.LBB2_1:
0x2f: {  	s15 =	simm.s32 $0x0;
	s26 =	simm.s32 $0x200  }
.LBB2_2:
0x30: {  	p0 =	sne.s32 s26, $0x7E00;
	[tilespmem:s15+$0xA70] =	vst v0  }
0x31: {  	[tilespmem:s15+$0xA00] =	vst v0  }
0x32: {  	[tilespmem:s15+$0xA10] =	vst v0  }
.Ltmp0:
0x33: {  	[tilespmem:s15+$0xA20] =	vst v0;
	(pc) =	sbr.rel @p0 .LBB2_2-.Ltmp0, $4  }
0x34: {  	[tilespmem:s15+$0xA30] =	vst v0  }
0x35: {  	[tilespmem:s15+$0xA40] =	vst v0  }
0x36: {  	[tilespmem:s15+$0xA50] =	vst v0  }
0x37: {  	[tilespmem:s15+$0xA60] =	vst v0;
	s15 =	sshra.s32 s26, $0x2;
	s26 =	sadd.s32 $0x200, s26  }
0x38: {  	[tilespmem:s15+$0xA70] =	vst v0  }
0x39: {  	[tilespmem:s15+$0xA00] =	vst v0  }
0x3a: {  	[tilespmem:s15+$0xA10] =	vst v0  }
0x3b: {  	[tilespmem:s15+$0xA20] =	vst v0  }
0x3c: {  	[tilespmem:s15+$0xA30] =	vst v0  }
0x3d: {  	[tilespmem:s15+$0xA40] =	vst v0  }
0x3e: {  	[tilespmem:s15+$0xA50] =	vst v0  }
0x3f: {  	[tilespmem:s15+$0xA60] =	vst v0  }
0x40: {  	[spmem:s30] =	stream.linear.scatter [tilespmem:s9], [sflag:$0x15], $0x2000, $0x38;
	[tilespmem:$0x1EA00] =	vst v63  }
0x41: {  	_ =	swait.ge [sflag:s10], $0x2000  }
0x42: {  	[sflag:s10] =	ssyncset.done $0x0  }
0x43: {  	[sflag:s10] =	ssyncadd.s32 $0xFFFFE000  }
0x44: {  	[spmem:s28] =	stream.linear.scatter [tilespmem:s9], [sflag:$0x15], $0x2000, $0x38;
	[tilespmem:$0x1EA00] =	vst v63  }
0x45: {  	_ =	swait.ge [sflag:s10], $0x2000  }
0x46: {  	[sflag:s10] =	ssyncset.done $0x0  }
0x47: {  	[sflag:s10] =	ssyncadd.s32 $0xFFFFE000  }
0x48: {  	[spmem:s29] =	stream.linear.scatter [tilespmem:s9], [sflag:$0x15], $0x2000, $0x38;
	[tilespmem:$0x1EA00] =	vst v63  }
0x49: {  	_ =	swait.ge [sflag:s10], $0x2000  }
0x4a: {  	[sflag:s10] =	ssyncset.done $0x0  }
0x4b: {  	[sflag:s10] =	ssyncadd.s32 $0xFFFFE000  }
0x4c: {  	[spmem:s31] =	stream.linear.scatter [tilespmem:s9], [sflag:$0x15], $0x2000, $0x38;
	[tilespmem:$0x1EA00] =	vst v63  }
0x4d: {  	_ =	swait.ge [sflag:s10], $0x2000  }
0x4e: {  	s1 =	sld [smem:$0x7F7]  }
0x4f: {  	[sflag:s10] =	ssyncset.done $0x0  }
0x50: {  	[sflag:s10] =	ssyncadd.s32 $0xFFFFE000  }
0x51: {  	[spmem:s1] =	stream.linear.scatter [tilespmem:s9], [sflag:$0x15], $0x2000, $0x38;
	[tilespmem:$0x1EA00] =	vst v63  }
0x52: {  	_ =	swait.ge [sflag:s10], $0x2000  }
0x53: {  	s8 =	smov.u32 s30;
	s30 =	sld [smem:$0x7F8]  }
0x54: {  	[sflag:s10] =	ssyncset.done $0x0  }
0x55: {  	[sflag:s10] =	ssyncadd.s32 $0xFFFFE000  }
0x56: {  	[spmem:s30] =	stream.linear.scatter [tilespmem:s9], [sflag:$0x15], $0x2000, $0x38;
	[tilespmem:$0x1EA00] =	vst v63  }
0x57: {  	_ =	swait.ge [sflag:s10], $0x2000  }
0x58: {  	s31 =	sld [smem:$0x7F9]  }
0x59: {  	[sflag:s10] =	ssyncset.done $0x0  }
0x5a: {  	[sflag:s10] =	ssyncadd.s32 $0xFFFFE000  }
0x5b: {  	[spmem:s31] =	stream.linear.scatter [tilespmem:s9], [sflag:$0x15], $0x2000, $0x38;
	[tilespmem:$0x1EA00] =	vst v63  }
0x5c: {  	_ =	swait.ge [sflag:s10], $0x2000  }
0x5d: {  	s15 =	sld [smem:$0x7FA]  }
0x5e: {  	[sflag:s10] =	ssyncset.done $0x0  }
0x5f: {  	[sflag:s10] =	ssyncadd.s32 $0xFFFFE000  }
0x60: {  	[spmem:s15] =	stream.linear.scatter [tilespmem:s9], [sflag:$0x15], $0x2000, $0x38;
	[tilespmem:$0x1EA00] =	vst v63  }
0x61: {  	_ =	swait.ge [sflag:s10], $0x2000  }
0x62: {  	s26 =	sld [smem:$0x7FB]  }
0x63: {  	[sflag:s10] =	ssyncset.done $0x0  }
0x64: {  	[sflag:s10] =	ssyncadd.s32 $0xFFFFE000  }
0x65: {  	[spmem:s26] =	stream.linear.scatter [tilespmem:s9], [sflag:$0x15], $0x2000, $0x38;
	[tilespmem:$0x1EA00] =	vst v63  }
0x66: {  	_ =	swait.ge [sflag:s10], $0x2000  }
0x67: {  	s29 =	sld [smem:$0x7FC]  }
0x68: {  	[sflag:s10] =	ssyncset.done $0x0  }
0x69: {  	[sflag:s10] =	ssyncadd.s32 $0xFFFFE000  }
0x6a: {  	[spmem:s29] =	stream.linear.scatter [tilespmem:s9], [sflag:$0x15], $0x2000, $0x38;
	[tilespmem:$0x1EA00] =	vst v63  }
0x6b: {  	_ =	swait.ge [sflag:s10], $0x2000  }
0x6c: {  	[sflag:s10] =	ssyncset.done $0x0  }
0x6d: {  	[sflag:s10] =	ssyncadd.s32 $0xFFFFE000  }
0x6e: {  	[bflag:$0x0] =	sbarrier.arrive $0xFFFF  }
0x6f: {  	s15 =	simm.s32 $0x0;
	s30 =	rddreg [dreg:$0x12]  }
0x70: {  	[tilespmem:s15], [sflag:$0x1] =	stream.linear.gather [hbm4b:s30+s15], $0x100, $0x38;
	[tilespmem:$0x1EA00] =	vst v63  }
0x71: {  	s26 =	simm.s32 $0x100;
	s31 =	rddreg [dreg:$0x13]  }
0x72: {  	[tilespmem:s26], [sflag:$0x2] =	stream.linear.gather [hbm4b:s31+s15], $0x100, $0x38;
	[tilespmem:$0x1EA00] =	vst v63  }
0x73: {  	s0 =	smov.u32 s28;
	s28 =	simm.s32 $0x200;
	s29 =	rddreg [dreg:$0x14]  }
0x74: {  	[tilespmem:s28], [sflag:$0x3] =	stream.linear.gather [hbm4b:s29+s15], $0x100, $0x38;
	[tilespmem:$0x1EA00] =	vst v63  }
0x75: {  	s30 =	rddreg [dreg:$0x15];
	s31 =	simm.s32 $0x300;
	s29 =	simm.s32 $0x1  }
0x76: {  	[tilespmem:s31], [sflag:$0x4] =	stream.linear.gather [hbm4b:s30+s15], $0x100, $0x38;
	[tilespmem:$0x1EA00] =	vst v63  }
0x77: {  	_ =	swait.ge [sflag:s29], $0x100  }
0x78: {  	[sflag:s29] =	ssyncset.done $0x0  }
0x79: {  	s30 =	simm.s32 $0x2;
	[sflag:s29] =	ssyncadd.s32 $0xFFFFFF00  }
0x7a: {  	[tilespmem:s9], [sflag:$0xB] =	stream.indirect.gather [hbm4b:s4+s16], $0x80, s15, s16, $0xb8;
	[tilespmem:$0x1EA00] =	vst v63  }
0x7b: {  	_ =	swait.ge [sflag:s30], $0x100  }
0x7c: {  	[sflag:s30] =	ssyncset.done $0x0  }
0x7d: {  	s31 =	simm.s32 $0x3;
	[sflag:s30] =	ssyncadd.s32 $0xFFFFFF00  }
0x7e: {  	[tilespmem:s18], [sflag:$0xC] =	stream.indirect.gather [hbm4b:s4+s16], $0x80, s26, s16, $0xb8;
	[tilespmem:$0x1EA00] =	vst v63  }
0x7f: {  	_ =	swait.ge [sflag:s31], $0x100  }
0x80: {  	[sflag:s31] =	ssyncset.done $0x0  }
0x81: {  	[sflag:s31] =	ssyncadd.s32 $0xFFFFFF00  }
0x82: {  	[tilespmem:s20], [sflag:$0xD] =	stream.indirect.gather [hbm4b:s4+s16], $0x80, s28, s16, $0xb8;
	[tilespmem:$0x1EA00] =	vst v63  }
0x83: {  	s26 =	sld [smem:$0x7F6];
	s28 =	simm.s32 $0x0  }
.LBB2_4:
0x84: {  	p2 =	seq.s32 s28, $0x0  }
0x85: {  	s30 =	sadd.s32 $0x4, s15;
	s29 =	simm.s32 @!p2 $0x13  }
0x86: {  	p0 =	sge.u32 s30, s6;
	_ =	swait.ge @!p2 [sflag:s29], $0x2000  }
0x87: {  	s1 =	sadd.s32 $0x3, s15;
	s30 =	sadd.s32 @!p0 $0xFFFFF700, s26;
	[sflag:s29] =	ssyncset.done @!p2 $0x0  }
0x88: {  	p1 =	sge.u32 s1, s6;
	[sflag:s29] =	ssyncadd.s32 @!p2 $0xFFFFE000;
	s29 =	sshrl.u32 @!p0 s30, $0x3  }
0x89: {  	s31 =	simm.s32 @!p0 $0x400;
	s30 =	simm.s32 @!p0 $0x0;
	s29 =	sadd.s32 @!p0 s5, s29  }
0x8a: {  	[tilespmem:s31], [sflag:$0x5] =	stream.linear.gather @!p0 [hbm4b:s29+s30], $0x100, $0x38;
	[tilespmem:$0x1EA00] =	vst v63  }
0x8b: {  	s29 =	simm.s32 @!p1 $0x4  }
0x8c: {  	_ =	swait.ge @!p1 [sflag:s29], $0x100  }
0x8d: {  	s1 =	simm.s32 @!p1 $0x6A00;
	[sflag:s29] =	ssyncset.done @!p1 $0x0  }
0x8e: {  	s30 =	simm.s32 @!p1 $0x300;
	[sflag:s29] =	ssyncadd.s32 @!p1 $0xFFFFFF00;
	s29 =	simm.s32 @!p1 $0x40  }
0x8f: {  	[tilespmem:s1], [sflag:$0xE] =	stream.indirect.gather @!p1 [hbm4b:s4+s29], $0x80, s30, s29, $0xb8;
	[tilespmem:$0x1EA00] =	vst v63  }
0x90: {  	_ =	swait.ge [sflag:s7], $0x2000  }
0x91: {  	s1 =	simm.s32 @!p2 $0x14;
	[sflag:s7] =	ssyncset.done $0x0  }
0x92: {  	s30 =	sadd.s32 $0x5, s15;
	s29 =	rddreg [dreg:$0x8];
	[sflag:s7] =	ssyncadd.s32 $0xFFFFE000  }
0x93: {  	[spmem:s2] =	stream.indirect.scatter.add.f32 [tilespmem:s9], [sflag:$0x10], $0x80, s29, s16, $0xb8;
	[tilespmem:$0x1EA00] =	vst v63  }
0x94: {  	p1 =	sge.u32 s30, s6;
	_ =	swait.ge @!p2 [sflag:s1], $0x2000  }
0x95: {  	s29 =	sadd.s32 @!p1 $0xFFFFF800, s26;
	[sflag:s1] =	ssyncset.done @!p2 $0x0  }
0x96: {  	[sflag:s1] =	ssyncadd.s32 @!p2 $0xFFFFE000;
	s1 =	sshrl.u32 @!p1 s29, $0x3  }
0x97: {  	s30 =	simm.s32 @!p1 $0x500;
	s29 =	simm.s32 @!p1 $0x0;
	s1 =	sadd.s32 @!p1 s5, s1  }
0x98: {  	[tilespmem:s30], [sflag:$0x6] =	stream.linear.gather @!p1 [hbm4b:s1+s29], $0x100, $0x38;
	[tilespmem:$0x1EA00] =	vst v63  }
0x99: {  	s1 =	simm.s32 @!p0 $0x5  }
0x9a: {  	_ =	swait.ge @!p0 [sflag:s1], $0x100  }
0x9b: {  	[sflag:s1] =	ssyncset.done @!p0 $0x0  }
0x9c: {  	s29 =	simm.s32 @!p0 $0x8A00;
	[sflag:s1] =	ssyncadd.s32 @!p0 $0xFFFFFF00;
	s1 =	simm.s32 @!p0 $0x40  }
0x9d: {  	[tilespmem:s29], [sflag:$0xF] =	stream.indirect.gather @!p0 [hbm4b:s4+s1], $0x80, s31, s1, $0xb8;
	[tilespmem:$0x1EA00] =	vst v63  }
0x9e: {  	_ =	swait.ge [sflag:s21], $0x2000  }
0x9f: {  	s31 =	sadd.s32 $0x6, s15;
	[sflag:s21] =	ssyncset.done $0x0  }
0xa0: {  	p0 =	sge.u32 s31, s6;
	s29 =	rddreg [dreg:$0x9];
	[sflag:s21] =	ssyncadd.s32 $0xFFFFE000  }
0xa1: {  	[spmem:s2] =	stream.indirect.scatter.add.f32 [tilespmem:s18], [sflag:$0x11], $0x80, s29, s16, $0xb8;
	[tilespmem:$0x1EA00] =	vst v63  }
0xa2: {  	s1 =	sadd.s32 @!p0 $0xFFFFF900, s26;
	_ =	swait.ge [sflag:s22], $0x2000  }
0xa3: {  	s31 =	simm.s32 @!p0 $0x600;
	s1 =	sshrl.u32 @!p0 s1, $0x3;
	[sflag:s22] =	ssyncset.done $0x0  }
0xa4: {  	s1 =	sadd.s32 @!p0 s5, s1;
	s29 =	simm.s32 @!p0 $0x0;
	[sflag:s22] =	ssyncadd.s32 $0xFFFFE000  }
0xa5: {  	[tilespmem:s31], [sflag:$0x7] =	stream.linear.gather @!p0 [hbm4b:s1+s29], $0x100, $0x38;
	[tilespmem:$0x1EA00] =	vst v63  }
0xa6: {  	s1 =	simm.s32 @!p1 $0x6  }
0xa7: {  	_ =	swait.ge @!p1 [sflag:s1], $0x100  }
0xa8: {  	[sflag:s1] =	ssyncset.done @!p1 $0x0  }
0xa9: {  	s29 =	simm.s32 @!p1 $0xA00;
	[sflag:s1] =	ssyncadd.s32 @!p1 $0xFFFFFF00;
	s1 =	simm.s32 @!p1 $0x40  }
0xaa: {  	[tilespmem:s29], [sflag:$0xB] =	stream.indirect.gather @!p1 [hbm4b:s4+s1], $0x80, s30, s1, $0xb8;
	[tilespmem:$0x1EA00] =	vst v63  }
0xab: {  	_ =	swait.ge [sflag:s23], $0x2000  }
0xac: {  	s30 =	sadd.s32 $0x7, s15;
	[sflag:s23] =	ssyncset.done $0x0  }
0xad: {  	p1 =	sge.u32 s30, s6;
	s29 =	rddreg [dreg:$0xa];
	[sflag:s23] =	ssyncadd.s32 $0xFFFFE000  }
0xae: {  	[spmem:s2] =	stream.indirect.scatter.add.f32 [tilespmem:s20], [sflag:$0x12], $0x80, s29, s16, $0xb8;
	[tilespmem:$0x1EA00] =	vst v63  }
0xaf: {  	s1 =	sadd.s32 @!p1 $0xFFFFFA00, s26;
	_ =	swait.ge [sflag:s24], $0x2000  }
0xb0: {  	s30 =	simm.s32 @!p1 $0x700;
	s1 =	sshrl.u32 @!p1 s1, $0x3;
	[sflag:s24] =	ssyncset.done $0x0  }
0xb1: {  	s1 =	sadd.s32 @!p1 s5, s1;
	s29 =	simm.s32 @!p1 $0x0;
	[sflag:s24] =	ssyncadd.s32 $0xFFFFE000  }
0xb2: {  	[tilespmem:s30], [sflag:$0x8] =	stream.linear.gather @!p1 [hbm4b:s1+s29], $0x100, $0x38;
	[tilespmem:$0x1EA00] =	vst v63  }
0xb3: {  	s1 =	simm.s32 @!p0 $0x7  }
0xb4: {  	_ =	swait.ge @!p0 [sflag:s1], $0x100  }
0xb5: {  	[sflag:s1] =	ssyncset.done @!p0 $0x0  }
0xb6: {  	s29 =	simm.s32 @!p0 $0x2A00;
	[sflag:s1] =	ssyncadd.s32 @!p0 $0xFFFFFF00;
	s1 =	simm.s32 @!p0 $0x40  }
0xb7: {  	[tilespmem:s29], [sflag:$0xC] =	stream.indirect.gather @!p0 [hbm4b:s4+s1], $0x80, s31, s1, $0xb8;
	[tilespmem:$0x1EA00] =	vst v63  }
0xb8: {  	_ =	swait.ge [sflag:s11], $0x2000  }
0xb9: {  	s31 =	sadd.s32 $0x8, s15;
	[sflag:s11] =	ssyncset.done $0x0  }
0xba: {  	p0 =	sge.u32 s31, s6;
	s29 =	rddreg [dreg:$0xb];
	[sflag:s11] =	ssyncadd.s32 $0xFFFFE000  }
0xbb: {  	[spmem:s2] =	stream.indirect.scatter.add.f32 [tilespmem:s12], [sflag:$0x13], $0x80, s29, s16, $0xb8;
	[tilespmem:$0x1EA00] =	vst v63  }
0xbc: {  	s1 =	sadd.s32 @!p0 $0xFFFFFB00, s26;
	_ =	swait.ge [sflag:s25], $0x2000  }
0xbd: {  	s31 =	simm.s32 @!p0 $0x800;
	s1 =	sshrl.u32 @!p0 s1, $0x3;
	[sflag:s25] =	ssyncset.done $0x0  }
0xbe: {  	s1 =	sadd.s32 @!p0 s5, s1;
	s29 =	simm.s32 @!p0 $0x0;
	[sflag:s25] =	ssyncadd.s32 $0xFFFFE000  }
0xbf: {  	[tilespmem:s31], [sflag:$0x9] =	stream.linear.gather @!p0 [hbm4b:s1+s29], $0x100, $0x38;
	[tilespmem:$0x1EA00] =	vst v63  }
0xc0: {  	s1 =	simm.s32 @!p1 $0x8  }
0xc1: {  	_ =	swait.ge @!p1 [sflag:s1], $0x100  }
0xc2: {  	[sflag:s1] =	ssyncset.done @!p1 $0x0  }
0xc3: {  	s29 =	simm.s32 @!p1 $0x4A00;
	[sflag:s1] =	ssyncadd.s32 @!p1 $0xFFFFFF00;
	s1 =	simm.s32 @!p1 $0x40  }
0xc4: {  	[tilespmem:s29], [sflag:$0xD] =	stream.indirect.gather @!p1 [hbm4b:s4+s1], $0x80, s30, s1, $0xb8;
	[tilespmem:$0x1EA00] =	vst v63  }
0xc5: {  	_ =	swait.ge [sflag:s13], $0x2000  }
0xc6: {  	s30 =	sadd.s32 $0x9, s15;
	[sflag:s13] =	ssyncset.done $0x0  }
0xc7: {  	p1 =	sge.u32 s30, s6;
	s29 =	rddreg [dreg:$0xc];
	[sflag:s13] =	ssyncadd.s32 $0xFFFFE000  }
0xc8: {  	[spmem:s2] =	stream.indirect.scatter.add.f32 [tilespmem:s17], [sflag:$0x14], $0x80, s29, s16, $0xb8;
	[tilespmem:$0x1EA00] =	vst v63  }
0xc9: {  	s1 =	sadd.s32 @!p1 $0xFFFFFC00, s26;
	_ =	swait.ge [sflag:s19], $0x2000  }
0xca: {  	s30 =	simm.s32 @!p1 $0x900;
	s1 =	sshrl.u32 @!p1 s1, $0x3;
	[sflag:s19] =	ssyncset.done $0x0  }
0xcb: {  	s1 =	sadd.s32 @!p1 s5, s1;
	s29 =	simm.s32 @!p1 $0x0;
	[sflag:s19] =	ssyncadd.s32 $0xFFFFE000  }
0xcc: {  	[tilespmem:s30], [sflag:$0xA] =	stream.linear.gather @!p1 [hbm4b:s1+s29], $0x100, $0x38;
	[tilespmem:$0x1EA00] =	vst v63  }
0xcd: {  	s1 =	simm.s32 @!p0 $0x9  }
0xce: {  	_ =	swait.ge @!p0 [sflag:s1], $0x100  }
0xcf: {  	[sflag:s1] =	ssyncset.done @!p0 $0x0  }
0xd0: {  	s29 =	simm.s32 @!p0 $0x6A00;
	[sflag:s1] =	ssyncadd.s32 @!p0 $0xFFFFFF00;
	s1 =	simm.s32 @!p0 $0x40  }
0xd1: {  	[tilespmem:s29], [sflag:$0xE] =	stream.indirect.gather @!p0 [hbm4b:s4+s1], $0x80, s31, s1, $0xb8;
	[tilespmem:$0x1EA00] =	vst v63  }
0xd2: {  	_ =	swait.ge [sflag:s7], $0x2000  }
0xd3: {  	[sflag:s7] =	ssyncset.done $0x0  }
0xd4: {  	s31 =	rddreg [dreg:$0xd];
	[sflag:s7] =	ssyncadd.s32 $0xFFFFE000  }
0xd5: {  	[spmem:s2] =	stream.indirect.scatter.add.f32 [tilespmem:s9], [sflag:$0x10], $0x80, s31, s16, $0xb8;
	[tilespmem:$0x1EA00] =	vst v63  }
0xd6: {  	_ =	swait.ge [sflag:s14], $0x2000  }
0xd7: {  	s29 =	rddreg [dreg:$0x3]  }
0xd8: {  	p2 =	sge.u32 s15, s29  }
0xd9: {  	s1 =	sadd.s32 @!p2 $0xFFFFFD00, s26  }
0xda: {  	[sflag:s14] =	ssyncset.done $0x0;
	s1 =	sshrl.u32 @!p2 s1, $0x3  }
0xdb: {  	[sflag:s14] =	ssyncadd.s32 $0xFFFFE000;
	s29 =	simm.s32 @!p2 $0x0;
	s1 =	sadd.s32 @!p2 s5, s1  }
0xdc: {  	[tilespmem:s29], [sflag:$0x1] =	stream.linear.gather @!p2 [hbm4b:s1+s29], $0x100, $0x38;
	[tilespmem:$0x1EA00] =	vst v63  }
0xdd: {  	s1 =	simm.s32 @!p1 $0xA  }
0xde: {  	_ =	swait.ge @!p1 [sflag:s1], $0x100  }
0xdf: {  	[sflag:s1] =	ssyncset.done @!p1 $0x0  }
0xe0: {  	s31 =	simm.s32 @!p1 $0x8A00;
	[sflag:s1] =	ssyncadd.s32 @!p1 $0xFFFFFF00;
	s1 =	simm.s32 @!p1 $0x40  }
0xe1: {  	[tilespmem:s31], [sflag:$0xF] =	stream.indirect.gather @!p1 [hbm4b:s4+s1], $0x80, s30, s1, $0xb8;
	[tilespmem:$0x1EA00] =	vst v63  }
0xe2: {  	_ =	swait.ge [sflag:s21], $0x2000  }
0xe3: {  	[sflag:s21] =	ssyncset.done $0x0  }
0xe4: {  	s30 =	rddreg [dreg:$0xe];
	[sflag:s21] =	ssyncadd.s32 $0xFFFFE000  }
0xe5: {  	[spmem:s2] =	stream.indirect.scatter.add.f32 [tilespmem:s18], [sflag:$0x11], $0x80, s30, s16, $0xb8;
	[tilespmem:$0x1EA00] =	vst v63  }
0xe6: {  	_ =	swait.ge [sflag:s22], $0x2000  }
0xe7: {  	s31 =	rddreg [dreg:$0x4]  }
0xe8: {  	p0 =	sge.u32 s15, s31  }
0xe9: {  	[sflag:s22] =	ssyncset.done $0x0;
	s1 =	sadd.s32 @!p0 $0xFFFFFE00, s26  }
0xea: {  	[sflag:s22] =	ssyncadd.s32 $0xFFFFE000;
	s1 =	sshrl.u32 @!p0 s1, $0x3  }
0xeb: {  	s30 =	simm.s32 @!p0 $0x0;
	s31 =	simm.s32 @!p0 $0x100;
	s1 =	sadd.s32 @!p0 s5, s1  }
0xec: {  	[tilespmem:s31], [sflag:$0x2] =	stream.linear.gather @!p0 [hbm4b:s1+s30], $0x100, $0x38;
	[tilespmem:$0x1EA00] =	vst v63  }
0xed: {  	s1 =	simm.s32 @!p2 $0x1  }
0xee: {  	_ =	swait.ge @!p2 [sflag:s1], $0x100  }
0xef: {  	[sflag:s1] =	ssyncset.done @!p2 $0x0  }
0xf0: {  	s30 =	simm.s32 @!p2 $0xA00;
	[sflag:s1] =	ssyncadd.s32 @!p2 $0xFFFFFF00;
	s1 =	simm.s32 @!p2 $0x40  }
0xf1: {  	[tilespmem:s30], [sflag:$0xB] =	stream.indirect.gather @!p2 [hbm4b:s4+s1], $0x80, s29, s1, $0xb8;
	[tilespmem:$0x1EA00] =	vst v63  }
0xf2: {  	_ =	swait.ge [sflag:s23], $0x2000  }
0xf3: {  	[sflag:s23] =	ssyncset.done $0x0  }
0xf4: {  	s29 =	rddreg [dreg:$0xf];
	[sflag:s23] =	ssyncadd.s32 $0xFFFFE000  }
0xf5: {  	[spmem:s2] =	stream.indirect.scatter.add.f32 [tilespmem:s20], [sflag:$0x12], $0x80, s29, s16, $0xb8;
	[tilespmem:$0x1EA00] =	vst v63  }
0xf6: {  	_ =	swait.ge [sflag:s24], $0x2000  }
0xf7: {  	s30 =	rddreg [dreg:$0x5]  }
0xf8: {  	p1 =	sge.u32 s15, s30  }
0xf9: {  	[sflag:s24] =	ssyncset.done $0x0;
	s1 =	sadd.s32 @!p1 $0xFFFFFF00, s26  }
0xfa: {  	[sflag:s24] =	ssyncadd.s32 $0xFFFFE000;
	s1 =	sshrl.u32 @!p1 s1, $0x3  }
0xfb: {  	s29 =	simm.s32 @!p1 $0x0;
	s30 =	simm.s32 @!p1 $0x200;
	s1 =	sadd.s32 @!p1 s5, s1  }
0xfc: {  	[tilespmem:s30], [sflag:$0x3] =	stream.linear.gather @!p1 [hbm4b:s1+s29], $0x100, $0x38;
	[tilespmem:$0x1EA00] =	vst v63  }
0xfd: {  	s1 =	simm.s32 @!p0 $0x2  }
0xfe: {  	_ =	swait.ge @!p0 [sflag:s1], $0x100  }
0xff: {  	[sflag:s1] =	ssyncset.done @!p0 $0x0  }
0x100: {  	s29 =	simm.s32 @!p0 $0x2A00;
	[sflag:s1] =	ssyncadd.s32 @!p0 $0xFFFFFF00;
	s1 =	simm.s32 @!p0 $0x40  }
0x101: {  	[tilespmem:s29], [sflag:$0xC] =	stream.indirect.gather @!p0 [hbm4b:s4+s1], $0x80, s31, s1, $0xb8;
	[tilespmem:$0x1EA00] =	vst v63  }
0x102: {  	_ =	swait.ge [sflag:s11], $0x2000  }
0x103: {  	[sflag:s11] =	ssyncset.done $0x0  }
0x104: {  	s31 =	rddreg [dreg:$0x10];
	[sflag:s11] =	ssyncadd.s32 $0xFFFFE000  }
0x105: {  	[spmem:s2] =	stream.indirect.scatter.add.f32 [tilespmem:s12], [sflag:$0x13], $0x80, s31, s16, $0xb8;
	[tilespmem:$0x1EA00] =	vst v63  }
0x106: {  	_ =	swait.ge [sflag:s25], $0x2000  }
0x107: {  	s29 =	rddreg [dreg:$0x6]  }
0x108: {  	[sflag:s25] =	ssyncset.done $0x0;
	p0 =	sge.u32 s15, s29  }
0x109: {  	[sflag:s25] =	ssyncadd.s32 $0xFFFFE000;
	s1 =	sshrl.u32 @!p0 s26, $0x3  }
0x10a: {  	s29 =	simm.s32 @!p0 $0x0;
	s31 =	simm.s32 @!p0 $0x300;
	s1 =	sadd.s32 @!p0 s5, s1  }
0x10b: {  	[tilespmem:s31], [sflag:$0x4] =	stream.linear.gather @!p0 [hbm4b:s1+s29], $0x100, $0x38;
	[tilespmem:$0x1EA00] =	vst v63  }
0x10c: {  	s1 =	simm.s32 @!p1 $0x3  }
0x10d: {  	_ =	swait.ge @!p1 [sflag:s1], $0x100  }
0x10e: {  	[sflag:s1] =	ssyncset.done @!p1 $0x0  }
0x10f: {  	s29 =	simm.s32 @!p1 $0x4A00;
	[sflag:s1] =	ssyncadd.s32 @!p1 $0xFFFFFF00;
	s1 =	simm.s32 @!p1 $0x40  }
0x110: {  	[tilespmem:s29], [sflag:$0xD] =	stream.indirect.gather @!p1 [hbm4b:s4+s1], $0x80, s30, s1, $0xb8;
	[tilespmem:$0x1EA00] =	vst v63  }
0x111: {  	_ =	swait.ge [sflag:s13], $0x2000  }
0x112: {  	s28 =	sadd.s32 $0xFFFFFFFF, s28;
	s31 =	rddreg [dreg:$0x7]  }
0x113: {  	p0 =	sne.s32 s31, s28  }
.Ltmp1:
0x114: {  	_ = 	snop;
	(pc) =	sbr.rel @p0 .LBB2_4-.Ltmp1, $4  }
0x115: {  	_ = 	snop  }
0x116: {  	s15 =	sadd.s32 $0xA, s15;
	[sflag:s13] =	ssyncset.done $0x0  }
0x117: {  	s26 =	sadd.s32 $0xA00, s26;
	s30 =	rddreg [dreg:$0x11];
	[sflag:s13] =	ssyncadd.s32 $0xFFFFE000  }
0x118: {  	[spmem:s2] =	stream.indirect.scatter.add.f32 [tilespmem:s17], [sflag:$0x14], $0x80, s30, s16, $0xb8;
	[tilespmem:$0x1EA00] =	vst v63  }
0x119: {  	_ =	swait.ge [sflag:s19], $0x2000  }
0x11a: {  	[sflag:s19] =	ssyncset.done $0x0  }
0x11b: {  	[sflag:s19] =	ssyncadd.s32 $0xFFFFE000  }
0x11c: {  	_ =	swait.ge [sflag:s14], $0x2000  }
0x11d: {  	[sflag:s14] =	ssyncset.done $0x0  }
0x11e: {  	s1 =	stileid.u32;
	[sflag:s14] =	ssyncadd.s32 $0xFFFFE000  }
0x11f: {  	s1 =	sshll.u32 s1, $0x6;
	[bflag:$0x0] =	sbarrier.arrive $0xFFFF  }
0x120: {  	s15 =	sshrl.u32 s8, $0x3;
	s1 =	sor.u32 $0x1C15, s1;
	s26 =	rddreg [dreg:$0x16]  }
0x121: {  	[hbm:s26], [sflag:s1] =	dma.local [spmem:s15], $0x400  }
0x122: {  	_ =	swait.ge [sflag:s10], $0x400  }
0x123: {  	s30 =	smov.u32 s8;
	[sflag:s10] =	ssyncset.done $0x0  }
0x124: {  	s8 =	sshrl.u32 s0, $0x3;
	s26 =	rddreg [dreg:$0x19];
	[sflag:s10] =	ssyncadd.s32 $0xFFFFFC00  }
0x125: {  	[hbm:s26], [sflag:s1] =	dma.local [spmem:s8], $0x400  }
0x126: {  	_ =	swait.ge [sflag:s10], $0x400  }
0x127: {  	[sflag:s10] =	ssyncset.done $0x0;
	s29 =	rddreg [dreg:$0x18]  }
0x128: {  	s26 =	rddreg [dreg:$0x1a];
	[sflag:s10] =	ssyncadd.s32 $0xFFFFFC00;
	s8 =	sshrl.u32 s29, $0x3  }
0x129: {  	[hbm:s26], [sflag:s1] =	dma.local [spmem:s8], $0x400  }
0x12a: {  	_ =	swait.ge [sflag:s10], $0x400  }
0x12b: {  	s31 =	sld [smem:$0x7FD];
	_ =	sdelay $0x1  }
0x12c: {  	s28 =	smov.u32 s0;
	[sflag:s10] =	ssyncset.done $0x0  }
0x12d: {  	s8 =	rddreg [dreg:$0x1b];
	[sflag:s10] =	ssyncadd.s32 $0xFFFFFC00;
	s0 =	sshrl.u32 s31, $0x3  }
0x12e: {  	[hbm:s8], [sflag:s1] =	dma.local [spmem:s0], $0x400  }
0x12f: {  	_ =	swait.ge [sflag:s10], $0x400  }
0x130: {  	s26 =	sld [smem:$0x7F7];
	_ =	sdelay $0x1  }
0x131: {  	[sflag:s10] =	ssyncset.done $0x0  }
0x132: {  	s8 =	rddreg [dreg:$0x1c];
	[sflag:s10] =	ssyncadd.s32 $0xFFFFFC00;
	s0 =	sshrl.u32 s26, $0x3  }
0x133: {  	[hbm:s8], [sflag:s1] =	dma.local [spmem:s0], $0x400  }
0x134: {  	_ =	swait.ge [sflag:s10], $0x400  }
0x135: {  	s26 =	sld [smem:$0x7F8];
	_ =	sdelay $0x1  }
0x136: {  	[sflag:s10] =	ssyncset.done $0x0  }
0x137: {  	s8 =	rddreg [dreg:$0x1d];
	[sflag:s10] =	ssyncadd.s32 $0xFFFFFC00;
	s0 =	sshrl.u32 s26, $0x3  }
0x138: {  	[hbm:s8], [sflag:s1] =	dma.local [spmem:s0], $0x400  }
0x139: {  	_ =	swait.ge [sflag:s10], $0x400  }
0x13a: {  	s26 =	sld [smem:$0x7F9];
	_ =	sdelay $0x1  }
0x13b: {  	[sflag:s10] =	ssyncset.done $0x0  }
0x13c: {  	s8 =	rddreg [dreg:$0x1e];
	[sflag:s10] =	ssyncadd.s32 $0xFFFFFC00;
	s0 =	sshrl.u32 s26, $0x3  }
0x13d: {  	[hbm:s8], [sflag:s1] =	dma.local [spmem:s0], $0x400  }
0x13e: {  	_ =	swait.ge [sflag:s10], $0x400  }
0x13f: {  	s26 =	sld [smem:$0x7FA];
	_ =	sdelay $0x1  }
0x140: {  	[sflag:s10] =	ssyncset.done $0x0  }
0x141: {  	s8 =	rddreg [dreg:$0x1f];
	[sflag:s10] =	ssyncadd.s32 $0xFFFFFC00;
	s0 =	sshrl.u32 s26, $0x3  }
0x142: {  	[hbm:s8], [sflag:s1] =	dma.local [spmem:s0], $0x400  }
0x143: {  	_ =	swait.ge [sflag:s10], $0x400  }
0x144: {  	s26 =	sld [smem:$0x7FB]  }
0x145: {  	s8 =	sld [smem:$0x7F4]  }
0x146: {  	[sflag:s10] =	ssyncset.done $0x0  }
0x147: {  	[sflag:s10] =	ssyncadd.s32 $0xFFFFFC00;
	s0 =	sshrl.u32 s26, $0x3  }
0x148: {  	[hbm:s8], [sflag:s1] =	dma.local [spmem:s0], $0x400  }
0x149: {  	_ =	swait.ge [sflag:s10], $0x400  }
0x14a: {  	s26 =	sld [smem:$0x7FC]  }
0x14b: {  	s8 =	sld [smem:$0x7F5]  }
0x14c: {  	[sflag:s10] =	ssyncset.done $0x0  }
0x14d: {  	[sflag:s10] =	ssyncadd.s32 $0xFFFFFC00;
	s0 =	sshrl.u32 s26, $0x3  }
0x14e: {  	[hbm:s8], [sflag:s1] =	dma.local [spmem:s0], $0x400  }
0x14f: {  	_ =	swait.ge [sflag:s10], $0x400  }
0x150: {  	s3 =	sadd.s32 $0x1, s3;
	s26 =	rddreg [dreg:$0x17]  }
0x151: {  	p0 =	sne.s32 s3, s26  }
.Ltmp2:
0x152: {  	_ = 	snop;
	(pc) =	sbr.rel @p0 .LBB2_1-.Ltmp2, $3  }
0x153: {  	_ =	sdelay $0x1  }
0x154: {  	[sflag:s10] =	ssyncset.done $0x0  }
0x155: {  	[sflag:s10] =	ssyncadd.s32 $0xFFFFFC00  }
0x156: {  	_ =	sfence.sel $0x180000  }
0x157: {  	[bflag:$0x0] =	sbarrier.arrive $0xFFFF  }
0x158: {  	_ =	strace $0x9000004D  }
0x159: {  	s0 =	stileid.u32;
	[bflag:$0x2] =	sbarrier.arrive $0xFFFF  }
0x15a: {  	p0 =	sne.s32 s0, $0x0;
	s0 =	rddreg [dreg:$0x2]  }
0x15b: {  	s0 =	sadd.s32 @!p0 $0x100000, s0  }
0x15c: {  	[sflag:s0] =	ssyncadd.tile.s32 @!p0 $0x1;
	_ =	shalt  }
.Lfunc_end2:
_tile_overlayer_lowered:
.L_overlay_start_2:
0x15d: {  	(tag) =	ssettag $0x2  }
0x15e: {  	s0 =	rddreg [dreg:$0x0];
	s2 =	stileid.u32  }
0x15f: {  	s1 =	rddreg [dreg:$0x1];
	p0 =	sne.s32 s2, $0x0  }
0x160: {  	s3 =	rddreg [dreg:$0x2];
	[bflag:$0x3] =	sbarrier.arrive $0xFFFF;
	s2 =	simm.s32 @!p0 $0x1C15  }
0x161: {  	[timem:s3], [sflag:s2] =	dma.local @!p0 [hbm:s0], s1  }
0x162: {  	s0 =	simm.s32 @!p0 $0x15  }
0x163: {  	_ =	swait.ge @!p0 [sflag:s0], s1  }
0x164: {  	s1 =	ssub.s32 @!p0 $0x0, s1;
	[sflag:s0] =	ssyncset.done @!p0 $0x0  }
0x165: {  	[sflag:s0] =	ssyncadd.s32 @!p0 s1  }
0x166: {  	[bflag:$0x3] =	sbarrier.arrive $0xFFFF  }
0x167: {  	_ =	shalt  }

// kernel: kernel.8.cloned.1.call-start
scs
__scs_entry_jumppad:
0x0: {  	(pc) =	sbr.rel $0x88, $3  }
0x1: {  	(tag) =	ssettag $0x0;
	lr =	simm.s32 $0x1  }
0x2: {  	[smem:$0x3F99] =	sst lr;
	_ =	strace $0xD0000000  }
0x3: {  	_ = 	snop  }
0x4: {  	_ = 	snop  }
0x5: {  	_ = 	snop  }
0x6: {  	_ = 	snop  }
0x7: {  	_ = 	snop  }
__scs_overlays_trampoline_lowered:
0x8: {  	[smem:$0x3FA8] =	sst s0  }
0x9: {  	[smem:$0x3FA9] =	sst s1  }
0xa: {  	[smem:$0x3FAA] =	sst s2  }
0xb: {  	[smem:$0x3FAB] =	sst s3  }
0xc: {  	[smem:$0x3FAC] =	sst s4  }
0xd: {  	[smem:$0x3FAD] =	sst s5  }
0xe: {  	[smem:$0x3FAE] =	sst s6  }
0xf: {  	[smem:$0x3FAF] =	sst s7  }
0x10: {  	[smem:$0x3FB0] =	sst s8  }
0x11: {  	[smem:$0x3FB1] =	sst s9;
	s0 =	simm.s32 @!p0 $0x0  }
0x12: {  	s1 =	sld [smem:$0x3F97];
	s0 =	simm.s32 @p0 $0x1  }
0x13: {  	[smem:$0x3FB2] =	sst s0;
	s0 =	simm.s32 @!p1 $0x0  }
0x14: {  	s2 =	sld [smem:$0x3F96];
	s0 =	simm.s32 @p1 $0x1  }
0x15: {  	[smem:$0x3FB3] =	sst s0;
	s0 =	simm.s32 @!p2 $0x0  }
0x16: {  	s3 =	sld [smem:$0x3FDB];
	s0 =	simm.s32 @p2 $0x1  }
0x17: {  	s4 =	simm.s32 $0x1BF5;
	[smem:$0x3FB5] =	sst s0  }
0x18: {  	s0 =	sld [smem:$0x3F98];
	_ =	swait.ge [sflag:s4], $0x0  }
0x19: {  	s7 =	sld [smem:$0x3F99]  }
0x1a: {  	s8 =	sadd.s32 $0xFFFFE003, lr  }
0x1b: {  	s9 =	sadd.s32 $0xFFFFFEF7, lr;
	s5 =	simm.s32 $0xFFFFFFFF;
	p2 =	slt.u32 s8, $0xFFFFF086  }
0x1c: {  	p1 =	slt.u32 s9, $0xF7A;
	s5 =	simm.s32 @!p2 $0x0  }
0x1d: {  	s5 =	simm.s32 @p1 $0x1;
	p0 =	seq.s32 s7, s2  }
0x1e: {  	s7 =	smul.u32 @!p0 $0xF7A, s2;
	p2 =	seq.s32 @!p0 s5, $0x0  }
0x1f: {  	s9 =	smul.u32 $0xF7A, s1;
	s8 =	simm.s32 @!p0 $0x1BF5;
	p2 =	por !p2, p0  }
0x20: {  	[sflag:s8] =	ssyncset.s32 @!p0 $0xFFFFF086;
	s6 =	sadd.s32 @!p0 s3, s7;
	s7 =	simm.s32 @!p0 $0x108  }
0x21: {  	s3 =	sadd.s32 s3, s9;
	s6 =	sadd.s32 @!p0 $0x88, s6;
	s7 =	simm.s32 @p2 $0x1082  }
0x22: {  	[simem:s7], [sflag:s8] =	dma.local @!p0 [hbm:s6], $0xF7A  }
0x23: {  	s9 =	sor.u32 $0xD0000000, s2;
	s6 =	simm.s32 $0x108;
	_ =	swait.ge @!p0 [sflag:s8], $0x0  }
0x24: {  	s3 =	sadd.s32 $0x88, s3;
	s6 =	simm.s32 @!p1 $0x1082;
	[sflag:s4] =	ssyncset.s32 $0xFFFFF086  }
0x25: {  	[simem:s6], [sflag:s4] =	dma.local [hbm:s3], $0xF7A  }
0x26: {  	[smem:$0x3F99] =	sst s1;
	(tag) =	ssettag s2;
	_ =	strace s9  }
0x27: {  	s1 =	sld [smem:$0x3FA9]  }
0x28: {  	s2 =	sld [smem:$0x3FAA]  }
0x29: {  	s4 =	sld [smem:$0x3FAC]  }
0x2a: {  	p0 =	seq.s32 s5, $0x0;
	s5 =	sld [smem:$0x3FAD]  }
0x2b: {  	s6 =	sld [smem:$0x3FAE]  }
0x2c: {  	s7 =	sld [smem:$0x3FAF]  }
0x2d: {  	s3 =	simm.s32 $0x108;
	s8 =	sld [smem:$0x3FB0]  }
0x2e: {  	s3 =	simm.s32 @!p0 $0x1082;
	s9 =	sld [smem:$0x3FB1]  }
0x2f: {  	lr =	sadd.s32 s0, s3;
	s0 =	sld [smem:$0x3FA8]  }
0x30: {  	s3 =	sld [smem:$0x3FAB]  }
0x31: {  	[smem:$0x3FB4] =	sst s10  }
0x32: {  	s10 =	sld [smem:$0x3FB2];
	_ =	sdelay $0x3  }
0x33: {  	p0 =	seq.s32 s10, $0x1;
	s10 =	sld [smem:$0x3FB4];
	_ =	sdelay $0x3  }
0x34: {  	[smem:$0x3FB4] =	sst s10  }
0x35: {  	s10 =	sld [smem:$0x3FB3];
	_ =	sdelay $0x3  }
0x36: {  	p1 =	seq.s32 s10, $0x1;
	s10 =	sld [smem:$0x3FB4];
	_ =	sdelay $0x3  }
0x37: {  	[smem:$0x3FB4] =	sst s10  }
0x38: {  	s10 =	sld [smem:$0x3FB5]  }
0x39: {  	_ = 	snop;
	(pc) =	sbr.ind lr, $3  }
0x3a: {  	_ = 	snop  }
0x3b: {  	_ = 	snop  }
0x3c: {  	p2 =	seq.s32 s10, $0x1;
	s10 =	sld [smem:$0x3FB4]  }
0x3d: {  	_ =	shalt  }
0x3e: {  	_ =	shalt  }
0x3f: {  	_ =	shalt  }
0x40: {  	_ =	shalt  }
0x41: {  	_ =	shalt  }
0x42: {  	_ =	shalt  }
0x43: {  	_ =	shalt  }
0x44: {  	_ =	shalt  }
0x45: {  	_ =	shalt  }
0x46: {  	_ =	shalt  }
0x47: {  	_ =	shalt  }
0x48: {  	_ =	shalt  }
0x49: {  	_ =	shalt  }
0x4a: {  	_ =	shalt  }
0x4b: {  	_ =	shalt  }
0x4c: {  	_ =	shalt  }
0x4d: {  	_ =	shalt  }
0x4e: {  	_ =	shalt  }
0x4f: {  	_ =	shalt  }
0x50: {  	_ =	shalt  }
0x51: {  	_ =	shalt  }
0x52: {  	_ =	shalt  }
0x53: {  	_ =	shalt  }
0x54: {  	_ =	shalt  }
0x55: {  	_ =	shalt  }
0x56: {  	_ =	shalt  }
0x57: {  	_ =	shalt  }
0x58: {  	_ =	shalt  }
0x59: {  	_ =	shalt  }
0x5a: {  	_ =	shalt  }
0x5b: {  	_ =	shalt  }
0x5c: {  	_ =	shalt  }
0x5d: {  	_ =	shalt  }
0x5e: {  	_ =	shalt  }
0x5f: {  	_ =	shalt  }
0x60: {  	_ =	shalt  }
0x61: {  	_ =	shalt  }
0x62: {  	_ =	shalt  }
0x63: {  	_ =	shalt  }
0x64: {  	_ =	shalt  }
0x65: {  	_ =	shalt  }
0x66: {  	_ =	shalt  }
0x67: {  	_ =	shalt  }
0x68: {  	_ =	shalt  }
0x69: {  	_ =	shalt  }
0x6a: {  	_ =	shalt  }
0x6b: {  	_ =	shalt  }
0x6c: {  	_ =	shalt  }
0x6d: {  	_ =	shalt  }
0x6e: {  	_ =	shalt  }
0x6f: {  	_ =	shalt  }
0x70: {  	_ =	shalt  }
0x71: {  	_ =	shalt  }
0x72: {  	_ =	shalt  }
0x73: {  	_ =	shalt  }
0x74: {  	_ =	shalt  }
0x75: {  	_ =	shalt  }
0x76: {  	_ =	shalt  }
0x77: {  	_ =	shalt  }
0x78: {  	_ =	shalt  }
0x79: {  	_ =	shalt  }
0x7a: {  	_ =	shalt  }
0x7b: {  	_ =	shalt  }
0x7c: {  	_ =	shalt  }
0x7d: {  	_ =	shalt  }
0x7e: {  	_ =	shalt  }
0x7f: {  	_ =	shalt  }
0x80: {  	_ =	shalt  }
0x81: {  	_ =	shalt  }
0x82: {  	_ =	shalt  }
0x83: {  	_ =	shalt  }
0x84: {  	_ =	shalt  }
0x85: {  	_ =	shalt  }
0x86: {  	_ =	shalt  }
0x87: {  	_ =	shalt  }
.Lfunc_end0:
.L_simem_size_0:
called_computation_lowered:
.L_overlay_start_0:
0x88: {  	s2 =	sld [smem:$0x3FD9]  }
0x89: {  	s3 =	sld [smem:$0x3FFE];
	_ =	sdelay $0x1  }
0x8a: {  	s1 =	srdreg.scid  }
0x8b: {  	s0 =	sand.u32 $0x1, s1  }
0x8c: {  	s17 =	sshll.u32 s0, $0xA;
	s2 =	sadd.s32 s3, s2  }
0x8d: {  	s2 =	sadd.s32 s2, s17  }
0x8e: {  	[smem:$0x3FC0] =	sst s2  }
0x8f: {  	_ = 	snop  }
0x90: {  	s2 =	sld [smem:$0x3FC6];
	(tm) =	ssettm $0x1  }
0x91: {  	s18 =	sld [smem:$0x3FFB];
	_ =	sdelay $0x3  }
0x92: {  	_ =	strace s18  }
0x93: {  	s3 =	sld [smem:$0x3FFC];
	_ =	sdelay $0x3  }
0x94: {  	_ =	strace s3  }
0x95: {  	s3 =	sld [smem:$0x3FFD];
	_ =	sdelay $0x3  }
0x96: {  	_ =	strace s3  }
0x97: {  	_ =	strace $0x8FFFFFFF  }
0x98: {  	s19 =	sld [smem:$0x3FDB];
	_ =	sdelay $0x1  }
0x99: {  	s4 =	simm.s32 $_scs_section_size  }
0x9a: {  	s5 =	simm.s32 $_size__tile_overlayer_lowered;
	s6 =	simm.s32 $_tile_overlayer_lowered  }
0x9b: {  	s22 =	simm.s32 $0x1BFF;
	s21 =	sshll.u32 s6, $0x1;
	s3 =	sadd.s32 s4, s19  }
0x9c: {  	s7 =	simm.s32 $0x0;
	s20 =	sshll.u32 s5, $0x1;
	s5 =	sadd.s32 s21, s3  }
0x9d: {  	[timem:s7], [sflag:s22] =	dma.local [hbm:s5], s20  }
0x9e: {  	_ =	swait.ge [sflag:s22], s20  }
0x9f: {  	s4 =	ssub.s32 $0x0, s20;
	[sflag:s22] =	ssyncset.done $0x0  }
0xa0: {  	[sflag:s22] =	ssyncadd.s32 s4;
	_ =	sdelay $0x1  }
0xa1: {  	s23 =	simm.s32 $0x1B8B  }
0xa2: {  	_ =	swait.ge [sflag:s23], $0x1  }
0xa3: {  	[sflag:s23] =	ssyncset.done $0x0  }
0xa4: {  	s25 =	simm.s32 $0x1B8E;
	s24 =	sld [smem:$0x3FFE];
	[sflag:s23] =	ssyncadd.s32 $0xFFFFFFFF  }
0xa5: {  	s26 =	simm.s32 $execute0_lowered;
	[smem:$0x3FD2] =	sst s25  }
0xa6: {  	s5 =	sshll.u32 s26, $0x1;
	_ =	strace $0x80000046;
	[dreg:$0x1] =	wrdreg $0xFFFFFFFF  }
0xa7: {  	s28 =	simm.s32 $_size_execute0_lowered;
	s3 =	sadd.s32 s3, s5;
	[dreg:$0x0] =	wrdreg $0x0  }
0xa8: {  	s5 =	sshll.u32 s28, $0x1;
	[dreg:$0x2] =	wrdreg s3  }
0xa9: {  	[dreg:$0x3] =	wrdreg s5  }
0xaa: {  	[dreg:$0x4] =	wrdreg $0xC0  }
0xab: {  	_ =	task [dreg:s7], $0x5FFFF  }
0xac: {  	[dreg:$0x1] =	wrdreg $0xFFFFFFFF  }
0xad: {  	[dreg:$0x0] =	wrdreg $0x60  }
0xae: {  	[dreg:$0x2] =	wrdreg s2  }
0xaf: {  	[dreg:$0x3] =	wrdreg s24  }
0xb0: {  	[dreg:$0x4] =	wrdreg $0x2C800  }
0xb1: {  	[dreg:$0x5] =	wrdreg $0x9  }
0xb2: {  	_ =	task.clear_ibuf [dreg:s7], $0x6FFFF;
	_ =	strace $0x90000046  }
0xb3: {  	s29 =	simm.s32 $0x9;
	_ =	strace $0x80000048  }
0xb4: {  	_ =	swait.ge [sflag:s29], $0x1  }
0xb5: {  	[sflag:s29] =	ssyncadd.s32 $0xFFFFFFFF  }
0xb6: {  	_ =	strace $0x90000048  }
0xb7: {  	_ =	sfence  }
0xb8: {  	s30 =	sld [smem:$0x0];
	_ =	sdelay $0x2  }
0xb9: {  	s31 =	sshll.u32 s1, $0xD;
	s1 =	sshrl.u32 s1, $0x2  }
0xba: {  	s3 =	sand.u32 $0x4000, s31;
	s1 =	sadd.s32 s1, s30  }
0xbb: {  	s0 =	sor.u32 s3, s0;
	s1 =	sshll.u32 s1, $0x11  }
0xbc: {  	s0 =	sor.u32 s1, s0  }
0xbd: {  	s0 =	sadd.s32 $0x8F2B, s0  }
0xbe: {  	[sflag:s0] =	ssyncadd.remote.s32 $0x1  }
0xbf: {  	_ =	sfence.sel $0xFFFF  }
0xc0: {  	[dreg:$0x0] =	wrdreg $0xFFFFFFFF;
	(pc) =	sbr.abs _section_cstart, $3  }
0xc1: {  	[dreg:$0x1] =	wrdreg $0xFFFFFFFF  }
0xc2: {  	_ =	task.clear_ibuf [dreg:s7], $0x2FFFF;
	_ =	strace $0x9FFFFFFF  }
0xc3: {  	(tm) =	ssettm $0x7FFFFFFF  }
tec
execute0_lowered:
.L_overlay_start_1:
0x0: {  	(tag) =	ssettag $0x1  }
0x1: {  	s1 =	rddreg [dreg:$0x0]  }
0x2: {  	s0 =	rddreg [dreg:$0x1]  }
0x3: {  	s3 =	rddreg [dreg:$0x2];
	s4 =	simm.s32 $0x0;
	s2 =	srdreg.scid  }
0x4: {  	s18 =	stileid.u32;
	s28 =	simm.s32 $0x2900;
	s29 =	simm.s32 $0x2  }
0x5: {  	s30 =	simm.s32 $0x40;
	s31 =	simm.s32 $0x2980;
	[smem:$0x7FF] =	sst s4  }
0x6: {  	s2 =	sand.u32 $0x1, s2;
	s5 =	smul.u32 $0x280, s18;
	s7 =	sadd.s32 $0x3A00, s0  }
0x7: {  	s20 =	sadd.s32 $0x4000, s0;
	s16 =	sadd.s32 $0x2CA00, s0;
	s26 =	smul.u32 $0x1400, s18  }
0x8: {  	_ =	strace $0x80000047;
	s6 =	smul.u32 $0x2800, s2;
	s8 =	sshll.u32 s2, $0x4  }
0x9: {  	s9 =	ssub.s32 $0x2, s2;
	s2 =	smul.u32 $0x14000, s2;
	s8 =	sor.u32 s18, s8  }
0xa: {  	s12 =	sshrl.u32 s9, $0x1;
	s6 =	sadd.s32 s5, s6;
	s10 =	smul.u32 $0x1400, s8  }
0xb: {  	s13 =	smul.u32 $0x140, s8;
	s5 =	sadd.s32 s5, s3;
	s6 =	sshrl.u32 s6, $0x3  }
0xc: {  	s2 =	sadd.s32 s2, s20;
	s0 =	sadd.s32 s6, s0;
	s6 =	ssub.s32 s9, s12  }
0xd: {  	s19 =	sadd.s32 s10, s20;
	s15 =	sshrl.u32 s13, $0x3;
	s17 =	sadd.s32 $0x50, s13  }
0xe: {  	s10 =	sadd.s32 s16, s10;
	s22 =	sadd.s32 $0xA0, s13;
	s20 =	sadd.s32 s26, s2  }
0xf: {  	s26 =	simm.s32 $0x2880;
	s2 =	simm.s32 $0x3;
	s14 =	sadd.s32 $0x10, s19  }
0x10: {  	s0 =	sadd.s32 $0x2C000, s0;
	s6 =	smax.u32 s6, $0x1;
	[dreg:$0x4] =	wrdreg s14  }
0x11: {  	s21 =	sshrl.u32 s17, $0x3;
	s23 =	sshrl.u32 s22, $0x3;
	[dreg:$0x5] =	wrdreg s0  }
0x12: {  	s18 =	sadd.s32 $0x50, s19;
	[dreg:$0x6] =	wrdreg s6;
	s0 =	sadd.s32 s7, s15  }
0x13: {  	s11 =	sadd.s32 s7, s21;
	s21 =	simm.s32 $0x5;
	s6 =	simm.s32 $0x0  }
0x14: {  	[dreg:$0x7] =	wrdreg s0;
	s0 =	sshll.u32 s17, $0x4;
	s17 =	sadd.s32 $0xF0, s13  }
0x15: {  	s13 =	sadd.s32 s7, s23;
	s23 =	simm.s32 $0x50;
	s12 =	sadd.s32 s16, s0  }
0x16: {  	s0 =	sshll.u32 s22, $0x4;
	s24 =	sshrl.u32 s17, $0x3;
	s25 =	sshll.u32 s17, $0x4  }
0x17: {  	s17 =	sadd.s32 $0x30, s19;
	s19 =	sadd.s32 $0x13F0, s19;
	s22 =	simm.s32 $0x6  }
0x18: {  	s14 =	sadd.s32 s16, s0;
	s15 =	sadd.s32 s7, s24;
	s16 =	sadd.s32 s16, s25  }
0x19: {  	v0 =	vimm.f32 $0.0e+00;
	v1 =	vimm.f32 $1.000000000e+00;
	s24 =	simm.s32 $0x80;
	s25 =	simm.s32 $0x1;
	s0 =	simm.s32 $0x4  }
.LBB2_1:
0x1a: {  	[tilespmem:$0x2A00] =	vst v0  }
0x1b: {  	[tilespmem:$0x2A10] =	vst v0  }
0x1c: {  	[tilespmem:$0x2A20] =	vst v0  }
0x1d: {  	[tilespmem:$0x2A30] =	vst v0  }
0x1e: {  	[tilespmem:$0x2A40] =	vst v0  }
0x1f: {  	[tilespmem:$0x2A50] =	vst v0  }
0x20: {  	[tilespmem:$0x2A60] =	vst v0  }
0x21: {  	[tilespmem:$0x2A70] =	vst v0  }
0x22: {  	[tilespmem:$0x2A80] =	vst v0  }
0x23: {  	[tilespmem:$0x2A90] =	vst v0  }
0x24: {  	[tilespmem:$0x2AA0] =	vst v0  }
0x25: {  	[tilespmem:$0x2AB0] =	vst v0  }
0x26: {  	[tilespmem:$0x2AC0] =	vst v0  }
0x27: {  	[tilespmem:$0x2AD0] =	vst v0  }
0x28: {  	[tilespmem:$0x2AE0] =	vst v0  }
0x29: {  	[tilespmem:$0x2AF0] =	vst v0  }
0x2a: {  	[tilespmem:$0x2B00] =	vst v0  }
0x2b: {  	[tilespmem:$0x2B10] =	vst v0  }
0x2c: {  	[tilespmem:$0x2B20] =	vst v0  }
0x2d: {  	[tilespmem:$0x2B30] =	vst v0  }
0x2e: {  	[tilespmem:$0x2B40] =	vst v0  }
0x2f: {  	[tilespmem:$0x2B50] =	vst v0  }
0x30: {  	[tilespmem:$0x2B60] =	vst v0  }
0x31: {  	[tilespmem:$0x2B70] =	vst v0  }
0x32: {  	[tilespmem:$0x2B80] =	vst v0  }
0x33: {  	[tilespmem:$0x2B90] =	vst v0  }
0x34: {  	[tilespmem:$0x2BA0] =	vst v0  }
0x35: {  	[tilespmem:$0x2BB0] =	vst v0  }
0x36: {  	[tilespmem:$0x2BC0] =	vst v0  }
0x37: {  	[tilespmem:$0x2BD0] =	vst v0  }
0x38: {  	[tilespmem:$0x2BE0] =	vst v0  }
0x39: {  	[tilespmem:$0x2BF0] =	vst v0  }
0x3a: {  	[tilespmem:$0x2C00] =	vst v0  }
0x3b: {  	[tilespmem:$0x2C10] =	vst v0  }
0x3c: {  	[tilespmem:$0x2C20] =	vst v0  }
0x3d: {  	[tilespmem:$0x2C30] =	vst v0  }
0x3e: {  	[tilespmem:$0x2C40] =	vst v0  }
0x3f: {  	[tilespmem:$0x2C50] =	vst v0  }
0x40: {  	[tilespmem:$0x2C60] =	vst v0  }
0x41: {  	[tilespmem:$0x2C70] =	vst v0  }
0x42: {  	[tilespmem:$0x2980] =	vst v1  }
0x43: {  	[tilespmem:$0x2990] =	vst v1  }
0x44: {  	[tilespmem:$0x29A0] =	vst v1  }
0x45: {  	[tilespmem:$0x29B0] =	vst v1;
	s7 =	simm.s32 $0x2A00  }
0x46: {  	[spmem:s5] =	stream.linear.scatter [tilespmem:s7], [sflag:$0x6], $0x280, $0x38;
	[tilespmem:$0x2F00] =	vst v63  }
0x47: {  	_ =	swait.ge [sflag:s22], $0x280  }
0x48: {  	[sflag:s22] =	ssyncset.done $0x0  }
0x49: {  	[sflag:s22] =	ssyncadd.s32 $0xFFFFFD80  }
0x4a: {  	[bflag:$0x0] =	sbarrier.arrive $0xFFFF  }
0x4b: {  	s9 =	rddreg [dreg:$0x7]  }
0x4c: {  	[tilespmem:s4], [sflag:$0x6] =	stream.linear.gather [hbm4b:s9+s4], $0x50, $0x38;
	[tilespmem:$0x2F00] =	vst v63  }
0x4d: {  	_ =	swait.ge [sflag:s22], $0x50  }
0x4e: {  	[sflag:s22] =	ssyncset.done $0x0  }
0x4f: {  	[sflag:s22] =	ssyncadd.s32 $0xFFFFFFB0  }
0x50: {  	[tilespmem:s24], [sflag:$0x1] =	stream.indirect.gather [hbm4b:s1+s23], $0x80, s4, s23, $0xb8;
	[tilespmem:$0x2F00] =	vst v63  }
0x51: {  	_ =	swait.ge [sflag:s25], $0x2800  }
0x52: {  	[sflag:s25] =	ssyncset.done $0x0  }
0x53: {  	[sflag:s25] =	ssyncadd.s32 $0xFFFFD800  }
0x54: {  	[hbm4b:s10+s4] =	stream.linear.scatter [tilespmem:s24], [sflag:$0x6], $0x2800, $0x38;
	[tilespmem:$0x2F00] =	vst v63  }
0x55: {  	_ =	swait.ge [sflag:s22], $0x2800  }
0x56: {  	[sflag:s22] =	ssyncset.done $0x0  }
0x57: {  	[sflag:s22] =	ssyncadd.s32 $0xFFFFD800  }
0x58: {  	[tilespmem:s4], [sflag:$0x6] =	stream.linear.gather [hbm4b:s11+s4], $0x50, $0x38;
	[tilespmem:$0x2F00] =	vst v63  }
0x59: {  	_ =	swait.ge [sflag:s22], $0x50  }
0x5a: {  	[sflag:s22] =	ssyncset.done $0x0  }
0x5b: {  	[sflag:s22] =	ssyncadd.s32 $0xFFFFFFB0  }
0x5c: {  	[tilespmem:s24], [sflag:$0x1] =	stream.indirect.gather [hbm4b:s1+s23], $0x80, s4, s23, $0xb8;
	[tilespmem:$0x2F00] =	vst v63  }
0x5d: {  	_ =	swait.ge [sflag:s25], $0x2800  }
0x5e: {  	[sflag:s25] =	ssyncset.done $0x0  }
0x5f: {  	[sflag:s25] =	ssyncadd.s32 $0xFFFFD800  }
0x60: {  	[hbm4b:s12+s4] =	stream.linear.scatter [tilespmem:s24], [sflag:$0x6], $0x2800, $0x38;
	[tilespmem:$0x2F00] =	vst v63  }
0x61: {  	_ =	swait.ge [sflag:s22], $0x2800  }
0x62: {  	[sflag:s22] =	ssyncset.done $0x0  }
0x63: {  	[sflag:s22] =	ssyncadd.s32 $0xFFFFD800  }
0x64: {  	[tilespmem:s4], [sflag:$0x6] =	stream.linear.gather [hbm4b:s13+s4], $0x50, $0x38;
	[tilespmem:$0x2F00] =	vst v63  }
0x65: {  	_ =	swait.ge [sflag:s22], $0x50  }
0x66: {  	[sflag:s22] =	ssyncset.done $0x0  }
0x67: {  	[sflag:s22] =	ssyncadd.s32 $0xFFFFFFB0  }
0x68: {  	[tilespmem:s24], [sflag:$0x1] =	stream.indirect.gather [hbm4b:s1+s23], $0x80, s4, s23, $0xb8;
	[tilespmem:$0x2F00] =	vst v63  }
0x69: {  	_ =	swait.ge [sflag:s25], $0x2800  }
0x6a: {  	[sflag:s25] =	ssyncset.done $0x0  }
0x6b: {  	[sflag:s25] =	ssyncadd.s32 $0xFFFFD800  }
0x6c: {  	[hbm4b:s14+s4] =	stream.linear.scatter [tilespmem:s24], [sflag:$0x6], $0x2800, $0x38;
	[tilespmem:$0x2F00] =	vst v63  }
0x6d: {  	_ =	swait.ge [sflag:s22], $0x2800  }
0x6e: {  	[sflag:s22] =	ssyncset.done $0x0  }
0x6f: {  	[sflag:s22] =	ssyncadd.s32 $0xFFFFD800  }
0x70: {  	[tilespmem:s4], [sflag:$0x6] =	stream.linear.gather [hbm4b:s15+s4], $0x50, $0x38;
	[tilespmem:$0x2F00] =	vst v63  }
0x71: {  	_ =	swait.ge [sflag:s22], $0x50  }
0x72: {  	[sflag:s22] =	ssyncset.done $0x0  }
0x73: {  	[sflag:s22] =	ssyncadd.s32 $0xFFFFFFB0  }
0x74: {  	[tilespmem:s24], [sflag:$0x1] =	stream.indirect.gather [hbm4b:s1+s23], $0x80, s4, s23, $0xb8;
	[tilespmem:$0x2F00] =	vst v63  }
0x75: {  	_ =	swait.ge [sflag:s25], $0x2800  }
0x76: {  	[sflag:s25] =	ssyncset.done $0x0  }
0x77: {  	[sflag:s25] =	ssyncadd.s32 $0xFFFFD800  }
0x78: {  	[hbm4b:s16+s4] =	stream.linear.scatter [tilespmem:s24], [sflag:$0x6], $0x2800, $0x38;
	[tilespmem:$0x2F00] =	vst v63  }
0x79: {  	_ =	swait.ge [sflag:s22], $0x2800  }
0x7a: {  	[sflag:s22] =	ssyncset.done $0x0  }
0x7b: {  	s8 =	rddreg [dreg:$0x4];
	[sflag:s22] =	ssyncadd.s32 $0xFFFFD800  }
0x7c: {  	[tilespmem:s26], [sflag:$0x2] =	stream.linear.gather [hbm4b:s8+s4], $0x80, $0x38;
	[tilespmem:$0x2F00] =	vst v63  }
0x7d: {  	_ = 	snop  }
0x7e: {  	[tilespmem:s28], [sflag:$0x3] =	stream.linear.gather [hbm4b:s17+s4], $0x80, $0x38;
	[tilespmem:$0x2F00] =	vst v63  }
0x7f: {  	_ =	swait.ge [sflag:s29], $0x80  }
0x80: {  	[sflag:s29] =	ssyncset.done $0x0  }
0x81: {  	[sflag:s29] =	ssyncadd.s32 $0xFFFFFF80  }
0x82: {  	[spmem:s3] =	stream.indirect.scatter.add.f32 [tilespmem:s31], [sflag:$0x4], $0x1, s26, s30, $0xb8;
	[tilespmem:$0x2F00] =	vst v63  }
0x83: {  	_ =	swait.ge [sflag:s0], $0x40  }
0x84: {  	[sflag:s0] =	ssyncset.done $0x0  }
0x85: {  	[sflag:s0] =	ssyncadd.s32 $0xFFFFFFC0  }
0x86: {  	[tilespmem:s26], [sflag:$0x2] =	stream.linear.gather [hbm4b:s18+s4], $0x80, $0x38;
	[tilespmem:$0x2F00] =	vst v63  }
0x87: {  	_ =	swait.ge [sflag:s2], $0x80  }
0x88: {  	[sflag:s2] =	ssyncset.done $0x0  }
0x89: {  	[sflag:s2] =	ssyncadd.s32 $0xFFFFFF80  }
0x8a: {  	[spmem:s3] =	stream.indirect.scatter.add.f32 [tilespmem:s31], [sflag:$0x5], $0x1, s28, s30, $0xb8;
	[tilespmem:$0x2F00] =	vst v63  }
0x8b: {  	_ =	swait.ge [sflag:s21], $0x40  }
0x8c: {  	s9 =	sadd.s32 $0xFFFFEC80, s20;
	[sflag:s21] =	ssyncset.done $0x0  }
0x8d: {  	s8 =	sadd.s32 $0x13F0, s9;
	[sflag:s21] =	ssyncadd.s32 $0xFFFFFFC0  }
0x8e: {  	[tilespmem:s28], [sflag:$0x3] =	stream.linear.gather [hbm4b:s8+s4], $0x80, $0x38;
	[tilespmem:$0x2F00] =	vst v63  }
0x8f: {  	_ =	swait.ge [sflag:s29], $0x80  }
0x90: {  	[sflag:s29] =	ssyncset.done $0x0  }
0x91: {  	[sflag:s29] =	ssyncadd.s32 $0xFFFFFF80  }
0x92: {  	[spmem:s3] =	stream.indirect.scatter.add.f32 [tilespmem:s31], [sflag:$0x4], $0x1, s26, s30, $0xb8;
	[tilespmem:$0x2F00] =	vst v63  }
0x93: {  	_ =	swait.ge [sflag:s0], $0x40  }
0x94: {  	[sflag:s0] =	ssyncset.done $0x0  }
0x95: {  	s7 =	sadd.s32 $0x1410, s9;
	[sflag:s0] =	ssyncadd.s32 $0xFFFFFFC0  }
0x96: {  	[tilespmem:s26], [sflag:$0x2] =	stream.linear.gather [hbm4b:s7+s4], $0x80, $0x38;
	[tilespmem:$0x2F00] =	vst v63  }
0x97: {  	_ =	swait.ge [sflag:s2], $0x80  }
0x98: {  	[sflag:s2] =	ssyncset.done $0x0  }
0x99: {  	s7 =	simm.s32 $0xFFFFECC0;
	[sflag:s2] =	ssyncadd.s32 $0xFFFFFF80  }
.LBB2_2:
0x9a: {  	[spmem:s3] =	stream.indirect.scatter.add.f32 [tilespmem:s31], [sflag:$0x5], $0x1, s28, s30, $0xb8;
	[tilespmem:$0x2F00] =	vst v63  }
0x9b: {  	s8 =	smov.u32 s7  }
0x9c: {  	p0 =	sne.s32 s7, $0xFFFFFFC0;
	s7 =	sadd.s32 $0x40, s7;
	_ =	swait.ge [sflag:s21], $0x40  }
0x9d: {  	s8 =	sadd.s32 s8, s20;
	[sflag:s21] =	ssyncset.done $0x0  }
0x9e: {  	s9 =	sadd.s32 $0x13F0, s8;
	[sflag:s21] =	ssyncadd.s32 $0xFFFFFFC0  }
0x9f: {  	[tilespmem:s28], [sflag:$0x3] =	stream.linear.gather [hbm4b:s9+s4], $0x80, $0x38;
	[tilespmem:$0x2F00] =	vst v63  }
0xa0: {  	_ =	swait.ge [sflag:s29], $0x80  }
0xa1: {  	[sflag:s29] =	ssyncset.done $0x0  }
0xa2: {  	[sflag:s29] =	ssyncadd.s32 $0xFFFFFF80  }
0xa3: {  	[spmem:s3] =	stream.indirect.scatter.add.f32 [tilespmem:s31], [sflag:$0x4], $0x1, s26, s30, $0xb8;
	[tilespmem:$0x2F00] =	vst v63  }
0xa4: {  	_ =	swait.ge [sflag:s0], $0x40  }
0xa5: {  	[sflag:s0] =	ssyncset.done $0x0  }
.Ltmp0:
0xa6: {  	s8 =	sadd.s32 $0x1410, s8;
	[sflag:s0] =	ssyncadd.s32 $0xFFFFFFC0;
	(pc) =	sbr.rel @p0 .LBB2_2-.Ltmp0, $4  }
0xa7: {  	[tilespmem:s26], [sflag:$0x2] =	stream.linear.gather [hbm4b:s8+s4], $0x80, $0x38;
	[tilespmem:$0x2F00] =	vst v63  }
0xa8: {  	_ =	swait.ge [sflag:s2], $0x80  }
0xa9: {  	[sflag:s2] =	ssyncset.done $0x0  }
0xaa: {  	[sflag:s2] =	ssyncadd.s32 $0xFFFFFF80  }
0xab: {  	[spmem:s3] =	stream.indirect.scatter.add.f32 [tilespmem:s31], [sflag:$0x5], $0x1, s28, s30, $0xb8;
	[tilespmem:$0x2F00] =	vst v63  }
0xac: {  	_ =	swait.ge [sflag:s21], $0x40  }
0xad: {  	[sflag:s21] =	ssyncset.done $0x0  }
0xae: {  	[sflag:s21] =	ssyncadd.s32 $0xFFFFFFC0  }
0xaf: {  	[tilespmem:s28], [sflag:$0x3] =	stream.linear.gather [hbm4b:s19+s4], $0x80, $0x38;
	[tilespmem:$0x2F00] =	vst v63  }
0xb0: {  	_ =	swait.ge [sflag:s29], $0x80  }
0xb1: {  	[sflag:s29] =	ssyncset.done $0x0  }
0xb2: {  	[sflag:s29] =	ssyncadd.s32 $0xFFFFFF80  }
0xb3: {  	[spmem:s3] =	stream.indirect.scatter.add.f32 [tilespmem:s31], [sflag:$0x4], $0x1, s26, s30, $0xb8;
	[tilespmem:$0x2F00] =	vst v63  }
0xb4: {  	_ =	swait.ge [sflag:s0], $0x40  }
0xb5: {  	[sflag:s0] =	ssyncset.done $0x0  }
0xb6: {  	[sflag:s0] =	ssyncadd.s32 $0xFFFFFFC0  }
0xb7: {  	_ =	swait.ge [sflag:s2], $0x80  }
0xb8: {  	[sflag:s2] =	ssyncset.done $0x0  }
0xb9: {  	[sflag:s2] =	ssyncadd.s32 $0xFFFFFF80  }
0xba: {  	[spmem:s3] =	stream.indirect.scatter.add.f32 [tilespmem:s31], [sflag:$0x5], $0x1, s28, s30, $0xb8;
	[tilespmem:$0x2F00] =	vst v63  }
0xbb: {  	_ =	swait.ge [sflag:s21], $0x40  }
0xbc: {  	[sflag:s21] =	ssyncset.done $0x0  }
0xbd: {  	s7 =	stileid.u32;
	[sflag:s21] =	ssyncadd.s32 $0xFFFFFFC0  }
0xbe: {  	s7 =	sshll.u32 s7, $0x6;
	[bflag:$0x0] =	sbarrier.arrive $0xFFFF  }
0xbf: {  	s8 =	sshrl.u32 s5, $0x3;
	s7 =	sor.u32 $0x1C06, s7;
	s9 =	rddreg [dreg:$0x5]  }
0xc0: {  	[hbm:s9], [sflag:s7] =	dma.local [spmem:s8], $0x50  }
0xc1: {  	_ =	swait.ge [sflag:s22], $0x50  }
0xc2: {  	s6 =	sadd.s32 $0x1, s6;
	s9 =	rddreg [dreg:$0x6]  }
0xc3: {  	p0 =	sne.s32 s6, s9  }
.Ltmp1:
0xc4: {  	_ = 	snop;
	(pc) =	sbr.rel @p0 .LBB2_1-.Ltmp1, $3  }
0xc5: {  	_ =	sdelay $0x1  }
0xc6: {  	[sflag:s22] =	ssyncset.done $0x0  }
0xc7: {  	[sflag:s22] =	ssyncadd.s32 $0xFFFFFFB0  }
0xc8: {  	_ =	sfence.sel $0x180000  }
0xc9: {  	[bflag:$0x0] =	sbarrier.arrive $0xFFFF  }
0xca: {  	_ =	strace $0x90000047  }
0xcb: {  	s0 =	stileid.u32;
	[bflag:$0x2] =	sbarrier.arrive $0xFFFF  }
0xcc: {  	p0 =	sne.s32 s0, $0x0;
	s0 =	rddreg [dreg:$0x3]  }
0xcd: {  	s0 =	sadd.s32 @!p0 $0x100000, s0  }
0xce: {  	[sflag:s0] =	ssyncadd.tile.s32 @!p0 $0x1;
	_ =	shalt  }
.Lfunc_end2:
_tile_overlayer_lowered:
.L_overlay_start_2:
0xcf: {  	(tag) =	ssettag $0x2  }
0xd0: {  	s0 =	rddreg [dreg:$0x0];
	s2 =	stileid.u32  }
0xd1: {  	s1 =	rddreg [dreg:$0x1];
	p0 =	sne.s32 s2, $0x0  }
0xd2: {  	s3 =	rddreg [dreg:$0x2];
	[bflag:$0x3] =	sbarrier.arrive $0xFFFF;
	s2 =	simm.s32 @!p0 $0x1C06  }
0xd3: {  	[timem:s3], [sflag:s2] =	dma.local @!p0 [hbm:s0], s1  }
0xd4: {  	s0 =	simm.s32 @!p0 $0x6  }
0xd5: {  	_ =	swait.ge @!p0 [sflag:s0], s1  }
0xd6: {  	s1 =	ssub.s32 @!p0 $0x0, s1;
	[sflag:s0] =	ssyncset.done @!p0 $0x0  }
0xd7: {  	[sflag:s0] =	ssyncadd.s32 @!p0 s1  }
0xd8: {  	[bflag:$0x3] =	sbarrier.arrive $0xFFFF  }
0xd9: {  	_ =	shalt  }

</sc_bundles>
